<compile_context>
chip_gen: v7x
topology: tpu7x:2x2x1
jax: 0.10.2.dev20260603
libtpu: 0.0.44.dev20260713+nightly
codegen_flags: <defaults>
</compile_context>

<pallas_src>
import functools

import jax
import jax.numpy as jnp
from jax import lax
from jax.experimental import pallas as pl
from jax.experimental.pallas import tpu as pltpu
from jax.experimental.pallas import tpu_sc as plsc

N_NODES = 10000
N_EDGES = 320000
D_FEAT = 128
H1 = 50
H2 = 20

NC = 2
NS = 16
NW = NC * NS
EPW = N_EDGES // NW
EPT = N_EDGES // NS
_NPAD = 10240
NPT = _NPAD // NS
ZR = 128


def _make_degrees():
  mesh = plsc.VectorSubcoreMesh(core_axis_name="c", subcore_axis_name="s")
  w = 1000
  nwin = EPW // w

  @functools.partial(
      pl.kernel,
      mesh=mesh,
      out_type=jax.ShapeDtypeStruct((NC, 2, _NPAD), jnp.float32),
      scratch_types=[
          pltpu.VMEM((w,), jnp.int32),
          pltpu.VMEM((w,), jnp.int32),
          pltpu.VMEM((w,), jnp.float32),
          pltpu.VMEM((NPT,), jnp.float32),
          pltpu.VMEM_SHARED((_NPAD,), jnp.float32),
          pltpu.VMEM_SHARED((_NPAD,), jnp.float32),
      ],
  )
  def degrees(row_hbm, col_hbm, ew_hbm, out_hbm, ridx_v, cidx_v, ew_v, zb_v,
              acc_o, acc_i):
    c = lax.axis_index("c")
    s = lax.axis_index("s")
    wid = s * NC + c

    zero16 = jnp.zeros((16,), jnp.float32)
    for j in range(NPT // 16):
      zb_v[pl.ds(j * 16, 16)] = zero16
    pltpu.sync_copy(zb_v, acc_o.at[pl.ds(s * NPT, NPT)])
    pltpu.sync_copy(zb_v, acc_i.at[pl.ds(s * NPT, NPT)])
    plsc.subcore_barrier()

    def win(wi, carry):
      base = wid * EPW + wi * w
      pltpu.sync_copy(row_hbm.at[pl.ds(base, w)], ridx_v)
      pltpu.sync_copy(col_hbm.at[pl.ds(base, w)], cidx_v)
      pltpu.sync_copy(ew_hbm.at[pl.ds(base, w)], ew_v)
      pltpu.sync_copy(ew_v, acc_o.at[ridx_v], add=True)
      pltpu.sync_copy(ew_v, acc_i.at[cidx_v], add=True)
      return carry

    lax.fori_loop(0, nwin, win, 0)
    plsc.subcore_barrier()
    pltpu.sync_copy(acc_o.at[pl.ds(s * NPT, NPT)],
                    out_hbm.at[c, 0, pl.ds(s * NPT, NPT)])
    pltpu.sync_copy(acc_i.at[pl.ds(s * NPT, NPT)],
                    out_hbm.at[c, 1, pl.ds(s * NPT, NPT)])

  return degrees


def _make_diffuse(dp, w):
  mesh = plsc.VectorSubcoreMesh(core_axis_name="c", subcore_axis_name="s")
  nwin = EPT // w
  assert w % 16 == 0 and EPT % w == 0

  @functools.partial(
      pl.kernel,
      mesh=mesh,
      compiler_params=pltpu.CompilerParams(use_tc_tiling_on_sc=False),
      out_type=jax.ShapeDtypeStruct((NC, _NPAD, dp), jnp.float32),
      scratch_types=[
          pltpu.VMEM((w,), jnp.int32),
          pltpu.VMEM((w,), jnp.int32),
          pltpu.VMEM((w,), jnp.float32),
          pltpu.VMEM((w, dp), jnp.float32),
          pltpu.VMEM_SHARED((_NPAD, dp), jnp.float32),
          pltpu.SemaphoreType.DMA,
      ],
  )
  def diffuse(u2_hbm, ei_hbm, ew_hbm, out_hbm,
              sidx_v, didx_v, ew_v, rows_v, acc_sh, sem):
    c = lax.axis_index("c")
    s = lax.axis_index("s")

    zero16 = jnp.zeros((16,), jnp.float32)

    def zrow(r, carry):
      for j in range(dp // 16):
        rows_v[r, pl.ds(j * 16, 16)] = zero16
      return carry

    lax.fori_loop(0, ZR, zrow, 0)
    for j in range(NPT // ZR):
      pltpu.sync_copy(rows_v.at[pl.ds(0, ZR)],
                      acc_sh.at[pl.ds(s * NPT + j * ZR, ZR)])
    plsc.subcore_barrier()

    def win(wi, carry):
      base = s * EPT + wi * w
      pltpu.sync_copy(ei_hbm.at[c, pl.ds(base, w)], sidx_v)
      pltpu.sync_copy(ei_hbm.at[1 - c, pl.ds(base, w)], didx_v)
      pltpu.sync_copy(ew_hbm.at[pl.ds(base, w)], ew_v)
      pltpu.async_copy(u2_hbm.at[c].at[sidx_v], rows_v, sem).wait()

      def blk16(i, bcarry):
        e0 = i * 16
        ewv = ew_v[pl.ds(e0, 16)]
        for k in range(16):
          ew16 = jnp.full((16,), ewv[k], jnp.float32)
          for j in range(dp // 16):
            rows_v[e0 + k, pl.ds(j * 16, 16)] = (
                rows_v[e0 + k, pl.ds(j * 16, 16)] * ew16)
        return bcarry

      lax.fori_loop(0, w // 16, blk16, 0)
      pltpu.sync_copy(rows_v, acc_sh.at[didx_v], add=True)
      return carry

    lax.fori_loop(0, nwin, win, 0)
    plsc.subcore_barrier()
    pltpu.sync_copy(acc_sh.at[pl.ds(s * NPT, NPT)],
                    out_hbm.at[c, pl.ds(s * NPT, NPT)])

  return diffuse


_degrees_call = _make_degrees()
_diffuse_112 = _make_diffuse(112, 400)
_diffuse_48 = _make_diffuse(48, 400)


_BLK = 640
_GRID = _NPAD // _BLK


def _inv_deg(deg_ref):
  d = deg_ref[...]
  do = d[:, 0] + d[:, 2]
  di = d[:, 1] + d[:, 3]
  invo = jnp.where(do == 0.0, 1.0, 1.0 / do)
  invi = jnp.where(di == 0.0, 1.0, 1.0 / di)
  return invo, invi


def _prep1_body(deg_ref, x_ref, w_ref, u2_ref, h0_ref):
  invo, invi = _inv_deg(deg_ref)
  p = jnp.dot(x_ref[...], w_ref[...], preferred_element_type=jnp.float32)
  u2_ref[0] = p[:, 0:112] * invo[:, None]
  u2_ref[1] = p[:, 112:224] * invi[:, None]
  h0_ref[...] = p[:, 224:336]


def _prep1(degp, x, wcat):
  return pl.pallas_call(
      _prep1_body,
      grid=(_GRID,),
      in_specs=[
          pl.BlockSpec((_BLK, 4), lambda i: (i, 0)),
          pl.BlockSpec((_BLK, D_FEAT), lambda i: (i, 0)),
          pl.BlockSpec((D_FEAT, 336), lambda i: (0, 0)),
      ],
      out_specs=[
          pl.BlockSpec((NC, _BLK, 112), lambda i: (0, i, 0)),
          pl.BlockSpec((_BLK, 112), lambda i: (i, 0)),
      ],
      out_shape=[
          jax.ShapeDtypeStruct((NC, _NPAD, 112), jnp.float32),
          jax.ShapeDtypeStruct((_NPAD, 112), jnp.float32),
      ],
  )(degp, x, wcat)


def _comb1_body(deg_ref, d_ref, h0_ref, bias_ref, w2_ref, u2_ref, h02_ref):
  invo, invi = _inv_deg(deg_ref)
  ssum = d_ref[0] + d_ref[1] + h0_ref[...] + bias_ref[...]
  hz = ssum[:, 0:H1]
  hh = ssum[:, H1:2 * H1]
  h1 = jnp.maximum(jnp.tanh(hh) / (1.0 + jnp.exp(hz)), 0.0)
  p2 = jnp.dot(h1, w2_ref[...], preferred_element_type=jnp.float32)
  u2_ref[0] = p2[:, 0:48] * invo[:, None]
  u2_ref[1] = p2[:, 48:96] * invi[:, None]
  h02_ref[...] = p2[:, 96:144]


def _comb1(degp, d1, h0, bias, w2cat):
  return pl.pallas_call(
      _comb1_body,
      grid=(_GRID,),
      in_specs=[
          pl.BlockSpec((_BLK, 4), lambda i: (i, 0)),
          pl.BlockSpec((NC, _BLK, 112), lambda i: (0, i, 0)),
          pl.BlockSpec((_BLK, 112), lambda i: (i, 0)),
          pl.BlockSpec((1, 112), lambda i: (0, 0)),
          pl.BlockSpec((H1, 144), lambda i: (0, 0)),
      ],
      out_specs=[
          pl.BlockSpec((NC, _BLK, 48), lambda i: (0, i, 0)),
          pl.BlockSpec((_BLK, 48), lambda i: (i, 0)),
      ],
      out_shape=[
          jax.ShapeDtypeStruct((NC, _NPAD, 48), jnp.float32),
          jax.ShapeDtypeStruct((_NPAD, 48), jnp.float32),
      ],
  )(degp, d1, h0, bias, w2cat)


def _comb2_body(d_ref, h0_ref, bias_ref, lw_ref, lb_ref, out_ref):
  ssum = d_ref[0] + d_ref[1] + h0_ref[...] + bias_ref[...]
  hz = ssum[:, 0:H2]
  hh = ssum[:, H2:2 * H2]
  h2 = jnp.maximum(jnp.tanh(hh) / (1.0 + jnp.exp(hz)), 0.0)
  out_ref[...] = (jnp.dot(h2, lw_ref[...], preferred_element_type=jnp.float32)
                  + lb_ref[...])


def _comb2(d2, h02, bias, lin_w, lin_b):
  return pl.pallas_call(
      _comb2_body,
      grid=(_GRID,),
      in_specs=[
          pl.BlockSpec((NC, _BLK, 48), lambda i: (0, i, 0)),
          pl.BlockSpec((_BLK, 48), lambda i: (i, 0)),
          pl.BlockSpec((1, 48), lambda i: (0, 0)),
          pl.BlockSpec((H2, 1), lambda i: (0, 0)),
          pl.BlockSpec((1, 1), lambda i: (0, 0)),
      ],
      out_specs=pl.BlockSpec((_BLK, 1), lambda i: (i, 0)),
      out_shape=jax.ShapeDtypeStruct((_NPAD, 1), jnp.float32),
  )(d2, h02, bias, lin_w, lin_b)


def _pad_cols(a, to):
  return jnp.pad(a, ((0, 0), (0, to - a.shape[1])))


def kernel(x, edge_index, edge_weight, W1z, b1z, W1r, b1r, W1h, b1h,
           W2z, b2z, W2r, b2r, W2h, b2h, lin_W, lin_b):
  row = edge_index[0]
  col = edge_index[1]

  w1z = W1z[:, :, :D_FEAT, :]
  w1h = W1h[:, :, :D_FEAT, :]
  wcat1 = jnp.concatenate([
      _pad_cols(jnp.concatenate([w1z[0, 1], w1h[0, 1]], axis=1), 112),
      _pad_cols(jnp.concatenate([w1z[1, 1], w1h[1, 1]], axis=1), 112),
      _pad_cols(jnp.concatenate([w1z[0, 0] + w1z[1, 0],
                                 w1h[0, 0] + w1h[1, 0]], axis=1), 112),
  ], axis=1)
  bias1 = _pad_cols(jnp.concatenate([b1z, b1h])[None, :], 112)

  w2z = W2z[:, :, :H1, :]
  w2h = W2h[:, :, :H1, :]
  w2cat = jnp.concatenate([
      _pad_cols(jnp.concatenate([w2z[0, 1], w2h[0, 1]], axis=1), 48),
      _pad_cols(jnp.concatenate([w2z[1, 1], w2h[1, 1]], axis=1), 48),
      _pad_cols(jnp.concatenate([w2z[0, 0] + w2z[1, 0],
                                 w2h[0, 0] + w2h[1, 0]], axis=1), 48),
  ], axis=1)
  bias2 = _pad_cols(jnp.concatenate([b2z, b2h])[None, :], 48)

  degp = _degrees_call(row, col, edge_weight)
  degp = degp.reshape(NC * 2, _NPAD).T

  x_pad = jnp.pad(x, ((0, _NPAD - N_NODES), (0, 0)))
  u1, h01 = _prep1(degp, x_pad, wcat1)
  d1 = _diffuse_112(u1, edge_index, edge_weight)
  u2, h02 = _comb1(degp, d1, h01, bias1, w2cat)
  d2 = _diffuse_48(u2, edge_index, edge_weight)
  out = _comb2(d2, h02, bias2, lin_W, lin_b[None, :])
  return out[:N_NODES]

# --- scband reference (transcript-rebuilt; emitter-appended) ---
"""Pipeline reference for scband-dcrnn-model-8581344657589 (READ-ONLY COPY).

The authoritative reference and input builder live on the scoring server;
editing this copy changes nothing except your own understanding.
"""

import jax, jax.numpy as jnp
import numpy as np

N_NODES = 10000
N_EDGES = 320000
D_FEAT = 128
H1 = 50
H2 = 20
K = 2


def _dconv(X, row, col, ew, W, b):
    # Diffusion convolution (DConv from torch_geometric_temporal):
    # forward diffusion D_out^{-1} A and backward diffusion D_in^{-1} A^T,
    # Chebyshev-style recurrence over K hops. W: [2, K, C_in, C_out].
    n = X.shape[0]
    deg_out = jax.ops.segment_sum(ew, row, num_segments=n)
    deg_in = jax.ops.segment_sum(ew, col, num_segments=n)
    norm_out = ew / jnp.where(deg_out[row] == 0, 1.0, deg_out[row])
    norm_in = ew / jnp.where(deg_in[col] == 0, 1.0, deg_in[col])
    H = X @ W[0, 0] + X @ W[1, 0]
    prev_o = X
    prev_i = X
    cur_o = jax.ops.segment_sum(norm_out[:, None] * X[row], col, num_segments=n)
    cur_i = jax.ops.segment_sum(norm_in[:, None] * X[col], row, num_segments=n)
    H = H + cur_o @ W[0, 1] + cur_i @ W[1, 1]
    for k in range(2, W.shape[1]):
        nxt_o = 2.0 * jax.ops.segment_sum(norm_out[:, None] * cur_o[row], col, num_segments=n) - prev_o
        nxt_i = 2.0 * jax.ops.segment_sum(norm_in[:, None] * cur_i[col], row, num_segments=n) - prev_i
        H = H + nxt_o @ W[0, k] + nxt_i @ W[1, k]
        prev_o, cur_o = cur_o, nxt_o
        prev_i, cur_i = cur_i, nxt_i
    return H + b


def _dcrnn_cell(X, row, col, ew, Wz, bz, Wr, br, Wh, bh):
    # GRU cell with diffusion convolutions; initial hidden state H=0 (H=None in torch).
    H = jnp.zeros((X.shape[0], Wz.shape[-1]), X.dtype)
    XH = jnp.concatenate([X, H], axis=1)
    Z = jax.nn.sigmoid(_dconv(XH, row, col, ew, Wz, bz))
    R = jax.nn.sigmoid(_dconv(XH, row, col, ew, Wr, br))
    XRH = jnp.concatenate([X, R * H], axis=1)
    Ht = jnp.tanh(_dconv(XRH, row, col, ew, Wh, bh))
    return Z * H + (1.0 - Z) * Ht


def setup_inputs(seed: int = 0):
    key = jax.random.key(seed)
    ks = jax.random.split(key, 16)

    def g(k, shape, scale=0.1):
        return jax.random.normal(k, shape, dtype=jnp.float32) * scale

    inp = {}
    inp["x"] = jax.random.normal(ks[0], (N_NODES, D_FEAT), dtype=jnp.float32)
    inp["edge_index"] = jax.random.randint(ks[1], (2, N_EDGES), 0, N_NODES, dtype=jnp.int32)
    inp["edge_weight"] = jax.random.uniform(ks[2], (N_EDGES,), dtype=jnp.float32, minval=0.01, maxval=1.0)
    inp["W1z"] = g(ks[3], (2, K, D_FEAT + H1, H1)); inp["b1z"] = jnp.zeros((H1,), jnp.float32)
    inp["W1r"] = g(ks[4], (2, K, D_FEAT + H1, H1)); inp["b1r"] = jnp.zeros((H1,), jnp.float32)
    inp["W1h"] = g(ks[5], (2, K, D_FEAT + H1, H1)); inp["b1h"] = jnp.zeros((H1,), jnp.float32)
    inp["W2z"] = g(ks[6], (2, K, H1 + H2, H2)); inp["b2z"] = jnp.zeros((H2,), jnp.float32)
    inp["W2r"] = g(ks[7], (2, K, H1 + H2, H2)); inp["b2r"] = jnp.zeros((H2,), jnp.float32)
    inp["W2h"] = g(ks[8], (2, K, H1 + H2, H2)); inp["b2h"] = jnp.zeros((H2,), jnp.float32)
    inp["lin_W"] = g(ks[9], (H2, 1)); inp["lin_b"] = jnp.zeros((1,), jnp.float32)
    return inp


def reference(x, edge_index, edge_weight, W1z, b1z, W1r, b1r, W1h, b1h, W2z, b2z, W2r, b2r, W2h, b2h, lin_W, lin_b):
    row = edge_index[0]
    col = edge_index[1]
    h = _dcrnn_cell(x, row, col, edge_weight, W1z, b1z, W1r, b1r, W1h, b1h)
    h = jax.nn.relu(h)
    # F.dropout in eval mode is identity (deterministic reference)
    h = _dcrnn_cell(h, row, col, edge_weight, W2z, b2z, W2r, b2r, W2h, b2h)
    h = jax.nn.relu(h)
    return h @ lin_W + lin_b

if __name__ == "__main__":
    import jax
    _d = setup_inputs()
    print(jax.jit(kernel)(*tuple(_d.values())))

</pallas_src>

<mosaic_0001>
#map = affine_map<(d0, d1) -> (0, 0, 0)>
#map1 = affine_map<(d0, d1) -> (0, 0)>
#map2 = affine_map<(d0, d1) -> (0)>
module attributes {stable_mosaic.version = 14 : i64} {
  func.func @diffuse(%arg0: i32, %arg1: i32, %arg2: memref<2x10240x48xf32, #tpu.memory_space<hbm>>, %arg3: memref<2x320000xi32, #tpu.memory_space<hbm>>, %arg4: memref<320000xf32, #tpu.memory_space<hbm>>, %arg5: memref<2x10240x48xf32, #tpu.memory_space<hbm>>, %arg6: memref<400xi32, #tpu.memory_space<vmem>>, %arg7: memref<400xi32, #tpu.memory_space<vmem>>, %arg8: memref<400xf32, #tpu.memory_space<vmem>>, %arg9: memref<400x48xf32, #tpu.memory_space<vmem>>, %arg10: memref<10240x48xf32, #tpu.memory_space<vmem_shared>>, %arg11: memref<!tpu.dma_semaphore, #tpu.memory_space<semaphore_mem>>) attributes {dimension_semantics = [#tpu.dimension_semantics<core_parallel>, #tpu.dimension_semantics<subcore_parallel>], iteration_bounds = array<i64: 2, 16>, scalar_prefetch = 0 : i64, scratch_operands = 6 : i64, tpu.core_type = #tpu.core_type<sc_vector_subcore>, window_params = [{transform_indices = #map}, {transform_indices = #map1}, {transform_indices = #map2}, {transform_indices = #map}]} {
    %broadcast_in_dim3A = arith.constant 0.000000e+00 : f32
    %broadcast_in_dim3A_0 = vector.broadcast %broadcast_in_dim3A : f32 to vector<16xf32>
    %scan3A = arith.constant 0 : i32
    %scan3A_1 = arith.constant 0 : i32
    %scan3A_2 = arith.constant 128 : i32
    %scan3A_3 = arith.addi %scan3A_1, %scan3A_2 : i32
    %scan3A_4 = arith.constant 1 : i32
    scf.for %scan3A_35 = %scan3A_1 to %scan3A_3 step %scan3A_4  : i32 {
      %swap3A = arith.index_cast %scan3A_35 : i32 to index
      %swap3A_36 = arith.constant 0 : index
      %swap3A_37 = tpu.vector_load %arg9[%swap3A, %swap3A_36] {strides = array<i32>} : memref<400x48xf32, #tpu.memory_space<vmem>>, vector<1x16xf32>,
      %swap3A_38 = vector.shape_cast %swap3A_37 : vector<1x16xf32> to vector<16xf32>
      %swap3A_39 = vector.shape_cast %broadcast_in_dim3A_0 : vector<16xf32> to vector<1x16xf32>
      tpu.vector_store %arg9[%swap3A, %swap3A_36], %swap3A_39 {strides = array<i32>} : memref<400x48xf32, #tpu.memory_space<vmem>>, vector<1x16xf32>,
      %swap3A_40 = arith.index_cast %scan3A_35 : i32 to index
      %swap3A_41 = arith.constant 16 : index
      %swap3A_42 = tpu.vector_load %arg9[%swap3A_40, %swap3A_41] {strides = array<i32>} : memref<400x48xf32, #tpu.memory_space<vmem>>, vector<1x16xf32>,
      %swap3A_43 = vector.shape_cast %swap3A_42 : vector<1x16xf32> to vector<16xf32>
      %swap3A_44 = vector.shape_cast %broadcast_in_dim3A_0 : vector<16xf32> to vector<1x16xf32>
      tpu.vector_store %arg9[%swap3A_40, %swap3A_41], %swap3A_44 {strides = array<i32>} : memref<400x48xf32, #tpu.memory_space<vmem>>, vector<1x16xf32>,
      %swap3A_45 = arith.index_cast %scan3A_35 : i32 to index
      %swap3A_46 = arith.constant 32 : index
      %swap3A_47 = tpu.vector_load %arg9[%swap3A_45, %swap3A_46] {strides = array<i32>} : memref<400x48xf32, #tpu.memory_space<vmem>>, vector<1x16xf32>,
      %swap3A_48 = vector.shape_cast %swap3A_47 : vector<1x16xf32> to vector<16xf32>
      %swap3A_49 = vector.shape_cast %broadcast_in_dim3A_0 : vector<16xf32> to vector<1x16xf32>
      tpu.vector_store %arg9[%swap3A_45, %swap3A_46], %swap3A_49 {strides = array<i32>} : memref<400x48xf32, #tpu.memory_space<vmem>>, vector<1x16xf32>,
    }
    %scan3A_5 = arith.constant 128 : i32
    %mul3A = arith.constant 640 : i32
    %mul3A_6 = arith.muli %arg1, %mul3A : i32
    %add3A = arith.constant 0 : i32
    %add3A_7 = arith.addi %mul3A_6, %add3A : i32
    "tpu.region"() ({
      %run_scoped3A = tpu.sem_alloc : memref<!tpu.dma_semaphore, #tpu.memory_space<semaphore_mem>>
      %dma_start3A = arith.constant 0 : i32
      %dma_start3A_35 = arith.constant 0 : i32
      %dma_start3A_36 = tpu.memref_slice %arg9[%dma_start3A, %dma_start3A_35] : memref<400x48xf32, #tpu.memory_space<vmem>> -> memref<128x48xf32, #tpu.memory_space<vmem>>
      %dma_start3A_37 = arith.constant 0 : i32
      %dma_start3A_38 = tpu.memref_slice %arg10[%add3A_7, %dma_start3A_37] : memref<10240x48xf32, #tpu.memory_space<vmem_shared>> -> memref<128x48xf32, #tpu.memory_space<vmem_shared>>
      %dma_start3A_39 = arith.constant 0 : i32
      %dma_start3A_40 = tpu.memref_slice %arg10[%add3A_7, %dma_start3A_39] : memref<10240x48xf32, #tpu.memory_space<vmem_shared>> -> memref<128x48xf32, #tpu.memory_space<vmem_shared>>
      %dma_start3A_41 = arith.constant 0 : i32
      %dma_start3A_42 = arith.constant 0 : i32
      %dma_start3A_43 = tpu.memref_slice %arg9[%dma_start3A_41, %dma_start3A_42] : memref<400x48xf32, #tpu.memory_space<vmem>> -> memref<128x48xf32, #tpu.memory_space<vmem>>
      tpu.enqueue_dma source(%dma_start3A_43 : memref<128x48xf32, #tpu.memory_space<vmem>>) target(%dma_start3A_40 : memref<128x48xf32, #tpu.memory_space<vmem_shared>>) target_semaphore(%run_scoped3A : memref<!tpu.dma_semaphore, #tpu.memory_space<semaphore_mem>>)
      %dma_wait3A = arith.constant 0 : i32
      %dma_wait3A_44 = arith.constant 0 : i32
      %dma_wait3A_45 = tpu.memref_slice %arg9[%dma_wait3A, %dma_wait3A_44] : memref<400x48xf32, #tpu.memory_space<vmem>> -> memref<128x48xf32, #tpu.memory_space<vmem>>
      %dma_wait3A_46 = arith.constant 0 : i32
      %dma_wait3A_47 = tpu.memref_slice %arg10[%add3A_7, %dma_wait3A_46] : memref<10240x48xf32, #tpu.memory_space<vmem_shared>> -> memref<128x48xf32, #tpu.memory_space<vmem_shared>>
      %dma_wait3A_48 = arith.constant 0 : i32
      %dma_wait3A_49 = tpu.memref_slice %arg10[%add3A_7, %dma_wait3A_48] : memref<10240x48xf32, #tpu.memory_space<vmem_shared>> -> memref<128x48xf32, #tpu.memory_space<vmem_shared>>
      %dma_wait3A_50 = arith.constant 0 : i32
      %dma_wait3A_51 = arith.constant 0 : i32
      %dma_wait3A_52 = tpu.memref_slice %arg9[%dma_wait3A_50, %dma_wait3A_51] : memref<400x48xf32, #tpu.memory_space<vmem>> -> memref<128x48xf32, #tpu.memory_space<vmem>>
      tpu.wait_dma2 semaphore(%run_scoped3A : memref<!tpu.dma_semaphore, #tpu.memory_space<semaphore_mem>>) src(%dma_wait3A_52 : memref<128x48xf32, #tpu.memory_space<vmem>>) dst(%dma_wait3A_49 : memref<128x48xf32, #tpu.memory_space<vmem_shared>>)
      tpu.yield
    }) : () -> ()
    %mul3A_8 = arith.constant 640 : i32
    %mul3A_9 = arith.muli %arg1, %mul3A_8 : i32
    %add3A_10 = arith.constant 128 : i32
    %add3A_11 = arith.addi %mul3A_9, %add3A_10 : i32
    "tpu.region"() ({
      %run_scoped3A = tpu.sem_alloc : memref<!tpu.dma_semaphore, #tpu.memory_space<semaphore_mem>>
      %dma_start3A = arith.constant 0 : i32
      %dma_start3A_35 = arith.constant 0 : i32
      %dma_start3A_36 = tpu.memref_slice %arg9[%dma_start3A, %dma_start3A_35] : memref<400x48xf32, #tpu.memory_space<vmem>> -> memref<128x48xf32, #tpu.memory_space<vmem>>
      %dma_start3A_37 = arith.constant 0 : i32
      %dma_start3A_38 = tpu.memref_slice %arg10[%add3A_11, %dma_start3A_37] : memref<10240x48xf32, #tpu.memory_space<vmem_shared>> -> memref<128x48xf32, #tpu.memory_space<vmem_shared>>
      %dma_start3A_39 = arith.constant 0 : i32
      %dma_start3A_40 = tpu.memref_slice %arg10[%add3A_11, %dma_start3A_39] : memref<10240x48xf32, #tpu.memory_space<vmem_shared>> -> memref<128x48xf32, #tpu.memory_space<vmem_shared>>
      %dma_start3A_41 = arith.constant 0 : i32
      %dma_start3A_42 = arith.constant 0 : i32
      %dma_start3A_43 = tpu.memref_slice %arg9[%dma_start3A_41, %dma_start3A_42] : memref<400x48xf32, #tpu.memory_space<vmem>> -> memref<128x48xf32, #tpu.memory_space<vmem>>
      tpu.enqueue_dma source(%dma_start3A_43 : memref<128x48xf32, #tpu.memory_space<vmem>>) target(%dma_start3A_40 : memref<128x48xf32, #tpu.memory_space<vmem_shared>>) target_semaphore(%run_scoped3A : memref<!tpu.dma_semaphore, #tpu.memory_space<semaphore_mem>>)
      %dma_wait3A = arith.constant 0 : i32
      %dma_wait3A_44 = arith.constant 0 : i32
      %dma_wait3A_45 = tpu.memref_slice %arg9[%dma_wait3A, %dma_wait3A_44] : memref<400x48xf32, #tpu.memory_space<vmem>> -> memref<128x48xf32, #tpu.memory_space<vmem>>
      %dma_wait3A_46 = arith.constant 0 : i32
      %dma_wait3A_47 = tpu.memref_slice %arg10[%add3A_11, %dma_wait3A_46] : memref<10240x48xf32, #tpu.memory_space<vmem_shared>> -> memref<128x48xf32, #tpu.memory_space<vmem_shared>>
      %dma_wait3A_48 = arith.constant 0 : i32
      %dma_wait3A_49 = tpu.memref_slice %arg10[%add3A_11, %dma_wait3A_48] : memref<10240x48xf32, #tpu.memory_space<vmem_shared>> -> memref<128x48xf32, #tpu.memory_space<vmem_shared>>
      %dma_wait3A_50 = arith.constant 0 : i32
      %dma_wait3A_51 = arith.constant 0 : i32
      %dma_wait3A_52 = tpu.memref_slice %arg9[%dma_wait3A_50, %dma_wait3A_51] : memref<400x48xf32, #tpu.memory_space<vmem>> -> memref<128x48xf32, #tpu.memory_space<vmem>>
      tpu.wait_dma2 semaphore(%run_scoped3A : memref<!tpu.dma_semaphore, #tpu.memory_space<semaphore_mem>>) src(%dma_wait3A_52 : memref<128x48xf32, #tpu.memory_space<vmem>>) dst(%dma_wait3A_49 : memref<128x48xf32, #tpu.memory_space<vmem_shared>>)
      tpu.yield
    }) : () -> ()
    %mul3A_12 = arith.constant 640 : i32
    %mul3A_13 = arith.muli %arg1, %mul3A_12 : i32
    %add3A_14 = arith.constant 256 : i32
    %add3A_15 = arith.addi %mul3A_13, %add3A_14 : i32
    "tpu.region"() ({
      %run_scoped3A = tpu.sem_alloc : memref<!tpu.dma_semaphore, #tpu.memory_space<semaphore_mem>>
      %dma_start3A = arith.constant 0 : i32
      %dma_start3A_35 = arith.constant 0 : i32
      %dma_start3A_36 = tpu.memref_slice %arg9[%dma_start3A, %dma_start3A_35] : memref<400x48xf32, #tpu.memory_space<vmem>> -> memref<128x48xf32, #tpu.memory_space<vmem>>
      %dma_start3A_37 = arith.constant 0 : i32
      %dma_start3A_38 = tpu.memref_slice %arg10[%add3A_15, %dma_start3A_37] : memref<10240x48xf32, #tpu.memory_space<vmem_shared>> -> memref<128x48xf32, #tpu.memory_space<vmem_shared>>
      %dma_start3A_39 = arith.constant 0 : i32
      %dma_start3A_40 = tpu.memref_slice %arg10[%add3A_15, %dma_start3A_39] : memref<10240x48xf32, #tpu.memory_space<vmem_shared>> -> memref<128x48xf32, #tpu.memory_space<vmem_shared>>
      %dma_start3A_41 = arith.constant 0 : i32
      %dma_start3A_42 = arith.constant 0 : i32
      %dma_start3A_43 = tpu.memref_slice %arg9[%dma_start3A_41, %dma_start3A_42] : memref<400x48xf32, #tpu.memory_space<vmem>> -> memref<128x48xf32, #tpu.memory_space<vmem>>
      tpu.enqueue_dma source(%dma_start3A_43 : memref<128x48xf32, #tpu.memory_space<vmem>>) target(%dma_start3A_40 : memref<128x48xf32, #tpu.memory_space<vmem_shared>>) target_semaphore(%run_scoped3A : memref<!tpu.dma_semaphore, #tpu.memory_space<semaphore_mem>>)
      %dma_wait3A = arith.constant 0 : i32
      %dma_wait3A_44 = arith.constant 0 : i32
      %dma_wait3A_45 = tpu.memref_slice %arg9[%dma_wait3A, %dma_wait3A_44] : memref<400x48xf32, #tpu.memory_space<vmem>> -> memref<128x48xf32, #tpu.memory_space<vmem>>
      %dma_wait3A_46 = arith.constant 0 : i32
      %dma_wait3A_47 = tpu.memref_slice %arg10[%add3A_15, %dma_wait3A_46] : memref<10240x48xf32, #tpu.memory_space<vmem_shared>> -> memref<128x48xf32, #tpu.memory_space<vmem_shared>>
      %dma_wait3A_48 = arith.constant 0 : i32
      %dma_wait3A_49 = tpu.memref_slice %arg10[%add3A_15, %dma_wait3A_48] : memref<10240x48xf32, #tpu.memory_space<vmem_shared>> -> memref<128x48xf32, #tpu.memory_space<vmem_shared>>
      %dma_wait3A_50 = arith.constant 0 : i32
      %dma_wait3A_51 = arith.constant 0 : i32
      %dma_wait3A_52 = tpu.memref_slice %arg9[%dma_wait3A_50, %dma_wait3A_51] : memref<400x48xf32, #tpu.memory_space<vmem>> -> memref<128x48xf32, #tpu.memory_space<vmem>>
      tpu.wait_dma2 semaphore(%run_scoped3A : memref<!tpu.dma_semaphore, #tpu.memory_space<semaphore_mem>>) src(%dma_wait3A_52 : memref<128x48xf32, #tpu.memory_space<vmem>>) dst(%dma_wait3A_49 : memref<128x48xf32, #tpu.memory_space<vmem_shared>>)
      tpu.yield
    }) : () -> ()
    %mul3A_16 = arith.constant 640 : i32
    %mul3A_17 = arith.muli %arg1, %mul3A_16 : i32
    %add3A_18 = arith.constant 384 : i32
    %add3A_19 = arith.addi %mul3A_17, %add3A_18 : i32
    "tpu.region"() ({
      %run_scoped3A = tpu.sem_alloc : memref<!tpu.dma_semaphore, #tpu.memory_space<semaphore_mem>>
      %dma_start3A = arith.constant 0 : i32
      %dma_start3A_35 = arith.constant 0 : i32
      %dma_start3A_36 = tpu.memref_slice %arg9[%dma_start3A, %dma_start3A_35] : memref<400x48xf32, #tpu.memory_space<vmem>> -> memref<128x48xf32, #tpu.memory_space<vmem>>
      %dma_start3A_37 = arith.constant 0 : i32
      %dma_start3A_38 = tpu.memref_slice %arg10[%add3A_19, %dma_start3A_37] : memref<10240x48xf32, #tpu.memory_space<vmem_shared>> -> memref<128x48xf32, #tpu.memory_space<vmem_shared>>
      %dma_start3A_39 = arith.constant 0 : i32
      %dma_start3A_40 = tpu.memref_slice %arg10[%add3A_19, %dma_start3A_39] : memref<10240x48xf32, #tpu.memory_space<vmem_shared>> -> memref<128x48xf32, #tpu.memory_space<vmem_shared>>
      %dma_start3A_41 = arith.constant 0 : i32
      %dma_start3A_42 = arith.constant 0 : i32
      %dma_start3A_43 = tpu.memref_slice %arg9[%dma_start3A_41, %dma_start3A_42] : memref<400x48xf32, #tpu.memory_space<vmem>> -> memref<128x48xf32, #tpu.memory_space<vmem>>
      tpu.enqueue_dma source(%dma_start3A_43 : memref<128x48xf32, #tpu.memory_space<vmem>>) target(%dma_start3A_40 : memref<128x48xf32, #tpu.memory_space<vmem_shared>>) target_semaphore(%run_scoped3A : memref<!tpu.dma_semaphore, #tpu.memory_space<semaphore_mem>>)
      %dma_wait3A = arith.constant 0 : i32
      %dma_wait3A_44 = arith.constant 0 : i32
      %dma_wait3A_45 = tpu.memref_slice %arg9[%dma_wait3A, %dma_wait3A_44] : memref<400x48xf32, #tpu.memory_space<vmem>> -> memref<128x48xf32, #tpu.memory_space<vmem>>
      %dma_wait3A_46 = arith.constant 0 : i32
      %dma_wait3A_47 = tpu.memref_slice %arg10[%add3A_19, %dma_wait3A_46] : memref<10240x48xf32, #tpu.memory_space<vmem_shared>> -> memref<128x48xf32, #tpu.memory_space<vmem_shared>>
      %dma_wait3A_48 = arith.constant 0 : i32
      %dma_wait3A_49 = tpu.memref_slice %arg10[%add3A_19, %dma_wait3A_48] : memref<10240x48xf32, #tpu.memory_space<vmem_shared>> -> memref<128x48xf32, #tpu.memory_space<vmem_shared>>
      %dma_wait3A_50 = arith.constant 0 : i32
      %dma_wait3A_51 = arith.constant 0 : i32
      %dma_wait3A_52 = tpu.memref_slice %arg9[%dma_wait3A_50, %dma_wait3A_51] : memref<400x48xf32, #tpu.memory_space<vmem>> -> memref<128x48xf32, #tpu.memory_space<vmem>>
      tpu.wait_dma2 semaphore(%run_scoped3A : memref<!tpu.dma_semaphore, #tpu.memory_space<semaphore_mem>>) src(%dma_wait3A_52 : memref<128x48xf32, #tpu.memory_space<vmem>>) dst(%dma_wait3A_49 : memref<128x48xf32, #tpu.memory_space<vmem_shared>>)
      tpu.yield
    }) : () -> ()
    %mul3A_20 = arith.constant 640 : i32
    %mul3A_21 = arith.muli %arg1, %mul3A_20 : i32
    %add3A_22 = arith.constant 512 : i32
    %add3A_23 = arith.addi %mul3A_21, %add3A_22 : i32
    "tpu.region"() ({
      %run_scoped3A = tpu.sem_alloc : memref<!tpu.dma_semaphore, #tpu.memory_space<semaphore_mem>>
      %dma_start3A = arith.constant 0 : i32
      %dma_start3A_35 = arith.constant 0 : i32
      %dma_start3A_36 = tpu.memref_slice %arg9[%dma_start3A, %dma_start3A_35] : memref<400x48xf32, #tpu.memory_space<vmem>> -> memref<128x48xf32, #tpu.memory_space<vmem>>
      %dma_start3A_37 = arith.constant 0 : i32
      %dma_start3A_38 = tpu.memref_slice %arg10[%add3A_23, %dma_start3A_37] : memref<10240x48xf32, #tpu.memory_space<vmem_shared>> -> memref<128x48xf32, #tpu.memory_space<vmem_shared>>
      %dma_start3A_39 = arith.constant 0 : i32
      %dma_start3A_40 = tpu.memref_slice %arg10[%add3A_23, %dma_start3A_39] : memref<10240x48xf32, #tpu.memory_space<vmem_shared>> -> memref<128x48xf32, #tpu.memory_space<vmem_shared>>
      %dma_start3A_41 = arith.constant 0 : i32
      %dma_start3A_42 = arith.constant 0 : i32
      %dma_start3A_43 = tpu.memref_slice %arg9[%dma_start3A_41, %dma_start3A_42] : memref<400x48xf32, #tpu.memory_space<vmem>> -> memref<128x48xf32, #tpu.memory_space<vmem>>
      tpu.enqueue_dma source(%dma_start3A_43 : memref<128x48xf32, #tpu.memory_space<vmem>>) target(%dma_start3A_40 : memref<128x48xf32, #tpu.memory_space<vmem_shared>>) target_semaphore(%run_scoped3A : memref<!tpu.dma_semaphore, #tpu.memory_space<semaphore_mem>>)
      %dma_wait3A = arith.constant 0 : i32
      %dma_wait3A_44 = arith.constant 0 : i32
      %dma_wait3A_45 = tpu.memref_slice %arg9[%dma_wait3A, %dma_wait3A_44] : memref<400x48xf32, #tpu.memory_space<vmem>> -> memref<128x48xf32, #tpu.memory_space<vmem>>
      %dma_wait3A_46 = arith.constant 0 : i32
      %dma_wait3A_47 = tpu.memref_slice %arg10[%add3A_23, %dma_wait3A_46] : memref<10240x48xf32, #tpu.memory_space<vmem_shared>> -> memref<128x48xf32, #tpu.memory_space<vmem_shared>>
      %dma_wait3A_48 = arith.constant 0 : i32
      %dma_wait3A_49 = tpu.memref_slice %arg10[%add3A_23, %dma_wait3A_48] : memref<10240x48xf32, #tpu.memory_space<vmem_shared>> -> memref<128x48xf32, #tpu.memory_space<vmem_shared>>
      %dma_wait3A_50 = arith.constant 0 : i32
      %dma_wait3A_51 = arith.constant 0 : i32
      %dma_wait3A_52 = tpu.memref_slice %arg9[%dma_wait3A_50, %dma_wait3A_51] : memref<400x48xf32, #tpu.memory_space<vmem>> -> memref<128x48xf32, #tpu.memory_space<vmem>>
      tpu.wait_dma2 semaphore(%run_scoped3A : memref<!tpu.dma_semaphore, #tpu.memory_space<semaphore_mem>>) src(%dma_wait3A_52 : memref<128x48xf32, #tpu.memory_space<vmem>>) dst(%dma_wait3A_49 : memref<128x48xf32, #tpu.memory_space<vmem_shared>>)
      tpu.yield
    }) : () -> ()
    %barrier3A = arith.constant 0 : index
    tpu.barrier barrier_id(%barrier3A)
    %scan3A_24 = arith.constant 0 : i32
    %scan3A_25 = arith.constant 0 : i32
    %scan3A_26 = arith.constant 50 : i32
    %scan3A_27 = arith.addi %scan3A_25, %scan3A_26 : i32
    %scan3A_28 = arith.constant 1 : i32
    scf.for %scan3A_35 = %scan3A_25 to %scan3A_27 step %scan3A_28  : i32 {
      %mul3A_36 = arith.constant 20000 : i32
      %mul3A_37 = arith.muli %arg1, %mul3A_36 : i32
      %mul3A_38 = arith.constant 400 : i32
      %mul3A_39 = arith.muli %scan3A_35, %mul3A_38 : i32
      %add3A_40 = arith.addi %mul3A_37, %mul3A_39 : i32
      "tpu.region"() ({
        %run_scoped3A = tpu.sem_alloc : memref<!tpu.dma_semaphore, #tpu.memory_space<semaphore_mem>>
        %dma_start3A_60 = tpu.memref_slice %arg3[%arg0, %add3A_40] : memref<2x320000xi32, #tpu.memory_space<hbm>> -> memref<1x400xi32, #tpu.memory_space<hbm>>
        %dma_start3A_61 = tpu.memref_squeeze %dma_start3A_60 : memref<1x400xi32, #tpu.memory_space<hbm>> -> memref<400xi32, #tpu.memory_space<hbm>>
        %dma_start3A_62 = tpu.memref_slice %arg3[%arg0, %add3A_40] : memref<2x320000xi32, #tpu.memory_space<hbm>> -> memref<1x400xi32, #tpu.memory_space<hbm>>
        %dma_start3A_63 = tpu.memref_squeeze %dma_start3A_62 : memref<1x400xi32, #tpu.memory_space<hbm>> -> memref<400xi32, #tpu.memory_space<hbm>>
        tpu.enqueue_dma source(%dma_start3A_63 : memref<400xi32, #tpu.memory_space<hbm>>) target(%arg6 : memref<400xi32, #tpu.memory_space<vmem>>) target_semaphore(%run_scoped3A : memref<!tpu.dma_semaphore, #tpu.memory_space<semaphore_mem>>)
        %dma_wait3A_64 = tpu.memref_slice %arg3[%arg0, %add3A_40] : memref<2x320000xi32, #tpu.memory_space<hbm>> -> memref<1x400xi32, #tpu.memory_space<hbm>>
        %dma_wait3A_65 = tpu.memref_squeeze %dma_wait3A_64 : memref<1x400xi32, #tpu.memory_space<hbm>> -> memref<400xi32, #tpu.memory_space<hbm>>
        %dma_wait3A_66 = tpu.memref_slice %arg3[%arg0, %add3A_40] : memref<2x320000xi32, #tpu.memory_space<hbm>> -> memref<1x400xi32, #tpu.memory_space<hbm>>
        %dma_wait3A_67 = tpu.memref_squeeze %dma_wait3A_66 : memref<1x400xi32, #tpu.memory_space<hbm>> -> memref<400xi32, #tpu.memory_space<hbm>>
        tpu.wait_dma2 semaphore(%run_scoped3A : memref<!tpu.dma_semaphore, #tpu.memory_space<semaphore_mem>>) src(%dma_wait3A_67 : memref<400xi32, #tpu.memory_space<hbm>>) dst(%arg6 : memref<400xi32, #tpu.memory_space<vmem>>)
        tpu.yield
      }) : () -> ()
      %sub3A = arith.constant 1 : i32
      %sub3A_41 = arith.subi %sub3A, %arg0 : i32
      "tpu.region"() ({
        %run_scoped3A = tpu.sem_alloc : memref<!tpu.dma_semaphore, #tpu.memory_space<semaphore_mem>>
        %dma_start3A_60 = tpu.memref_slice %arg3[%sub3A_41, %add3A_40] : memref<2x320000xi32, #tpu.memory_space<hbm>> -> memref<1x400xi32, #tpu.memory_space<hbm>>
        %dma_start3A_61 = tpu.memref_squeeze %dma_start3A_60 : memref<1x400xi32, #tpu.memory_space<hbm>> -> memref<400xi32, #tpu.memory_space<hbm>>
        %dma_start3A_62 = tpu.memref_slice %arg3[%sub3A_41, %add3A_40] : memref<2x320000xi32, #tpu.memory_space<hbm>> -> memref<1x400xi32, #tpu.memory_space<hbm>>
        %dma_start3A_63 = tpu.memref_squeeze %dma_start3A_62 : memref<1x400xi32, #tpu.memory_space<hbm>> -> memref<400xi32, #tpu.memory_space<hbm>>
        tpu.enqueue_dma source(%dma_start3A_63 : memref<400xi32, #tpu.memory_space<hbm>>) target(%arg7 : memref<400xi32, #tpu.memory_space<vmem>>) target_semaphore(%run_scoped3A : memref<!tpu.dma_semaphore, #tpu.memory_space<semaphore_mem>>)
        %dma_wait3A_64 = tpu.memref_slice %arg3[%sub3A_41, %add3A_40] : memref<2x320000xi32, #tpu.memory_space<hbm>> -> memref<1x400xi32, #tpu.memory_space<hbm>>
        %dma_wait3A_65 = tpu.memref_squeeze %dma_wait3A_64 : memref<1x400xi32, #tpu.memory_space<hbm>> -> memref<400xi32, #tpu.memory_space<hbm>>
        %dma_wait3A_66 = tpu.memref_slice %arg3[%sub3A_41, %add3A_40] : memref<2x320000xi32, #tpu.memory_space<hbm>> -> memref<1x400xi32, #tpu.memory_space<hbm>>
        %dma_wait3A_67 = tpu.memref_squeeze %dma_wait3A_66 : memref<1x400xi32, #tpu.memory_space<hbm>> -> memref<400xi32, #tpu.memory_space<hbm>>
        tpu.wait_dma2 semaphore(%run_scoped3A : memref<!tpu.dma_semaphore, #tpu.memory_space<semaphore_mem>>) src(%dma_wait3A_67 : memref<400xi32, #tpu.memory_space<hbm>>) dst(%arg7 : memref<400xi32, #tpu.memory_space<vmem>>)
        tpu.yield
      }) : () -> ()
      "tpu.region"() ({
        %run_scoped3A = tpu.sem_alloc : memref<!tpu.dma_semaphore, #tpu.memory_space<semaphore_mem>>
        %dma_start3A_60 = tpu.memref_slice %arg4[%add3A_40] : memref<320000xf32, #tpu.memory_space<hbm>> -> memref<400xf32, #tpu.memory_space<hbm>>
        %dma_start3A_61 = tpu.memref_slice %arg4[%add3A_40] : memref<320000xf32, #tpu.memory_space<hbm>> -> memref<400xf32, #tpu.memory_space<hbm>>
        tpu.enqueue_dma source(%dma_start3A_61 : memref<400xf32, #tpu.memory_space<hbm>>) target(%arg8 : memref<400xf32, #tpu.memory_space<vmem>>) target_semaphore(%run_scoped3A : memref<!tpu.dma_semaphore, #tpu.memory_space<semaphore_mem>>)
        %dma_wait3A_62 = tpu.memref_slice %arg4[%add3A_40] : memref<320000xf32, #tpu.memory_space<hbm>> -> memref<400xf32, #tpu.memory_space<hbm>>
        %dma_wait3A_63 = tpu.memref_slice %arg4[%add3A_40] : memref<320000xf32, #tpu.memory_space<hbm>> -> memref<400xf32, #tpu.memory_space<hbm>>
        tpu.wait_dma2 semaphore(%run_scoped3A : memref<!tpu.dma_semaphore, #tpu.memory_space<semaphore_mem>>) src(%dma_wait3A_63 : memref<400xf32, #tpu.memory_space<hbm>>) dst(%arg8 : memref<400xf32, #tpu.memory_space<vmem>>)
        tpu.yield
      }) : () -> ()
      %dma_start3A = arith.constant 0 : i32
      %dma_start3A_42 = arith.constant 0 : i32
      %dma_start3A_43 = tpu.memref_slice %arg2[%arg0, %dma_start3A, %dma_start3A_42] : memref<2x10240x48xf32, #tpu.memory_space<hbm>> -> memref<1x10240x48xf32, #tpu.memory_space<hbm>>
      %dma_start3A_44 = tpu.memref_squeeze %dma_start3A_43 : memref<1x10240x48xf32, #tpu.memory_space<hbm>> -> memref<10240x48xf32, #tpu.memory_space<hbm>>
      %dma_start3A_45 = arith.constant 0 : i32
      %dma_start3A_46 = arith.constant 0 : i32
      %dma_start3A_47 = tpu.memref_slice %dma_start3A_44[%dma_start3A_45, %dma_start3A_46] : memref<10240x48xf32, #tpu.memory_space<hbm>> -> memref<10240x48xf32, #tpu.memory_space<hbm>>
      tpu.enqueue_indirect_dma source(%dma_start3A_47 : memref<10240x48xf32, #tpu.memory_space<hbm>>) target(%arg9 : memref<400x48xf32, #tpu.memory_space<vmem>>) offsets(%arg6 : memref<400xi32, #tpu.memory_space<vmem>>) semaphore(%arg11 : memref<!tpu.dma_semaphore, #tpu.memory_space<semaphore_mem>>)
      %dma_wait3A = arith.constant 0 : i32
      %dma_wait3A_48 = arith.constant 0 : i32
      %dma_wait3A_49 = tpu.memref_slice %arg2[%arg0, %dma_wait3A, %dma_wait3A_48] : memref<2x10240x48xf32, #tpu.memory_space<hbm>> -> memref<1x10240x48xf32, #tpu.memory_space<hbm>>
      %dma_wait3A_50 = tpu.memref_squeeze %dma_wait3A_49 : memref<1x10240x48xf32, #tpu.memory_space<hbm>> -> memref<10240x48xf32, #tpu.memory_space<hbm>>
      %dma_wait3A_51 = arith.constant 0 : i32
      %dma_wait3A_52 = arith.constant 0 : i32
      %dma_wait3A_53 = tpu.memref_slice %dma_wait3A_50[%dma_wait3A_51, %dma_wait3A_52] : memref<10240x48xf32, #tpu.memory_space<hbm>> -> memref<10240x48xf32, #tpu.memory_space<hbm>>
      tpu.wait_indirect_dma semaphore(%arg11 : memref<!tpu.dma_semaphore, #tpu.memory_space<semaphore_mem>>) src(%dma_wait3A_53 : memref<10240x48xf32, #tpu.memory_space<hbm>>) dst(%arg9 : memref<400x48xf32, #tpu.memory_space<vmem>>)
      %scan3A_54 = arith.constant 0 : i32
      %scan3A_55 = arith.constant 0 : i32
      %scan3A_56 = arith.constant 25 : i32
      %scan3A_57 = arith.addi %scan3A_55, %scan3A_56 : i32
      %scan3A_58 = arith.constant 1 : i32
      scf.for %scan3A_60 = %scan3A_55 to %scan3A_57 step %scan3A_58  : i32 {
        %mul3A_61 = arith.constant 16 : i32
        %mul3A_62 = arith.muli %scan3A_60, %mul3A_61 : i32
        %get3A = arith.index_cast %mul3A_62 : i32 to index
        %get3A_63 = tpu.vector_load %arg8[%get3A] {strides = array<i32>} : memref<400xf32, #tpu.memory_space<vmem>>, vector<16xf32>,
        %get3A_64 = vector.shape_cast %get3A_63 : vector<16xf32> to vector<16xf32>
        %slice3A = vector.extract_strided_slice %get3A_64 {offsets = [0], sizes = [1], strides = [1]} : vector<16xf32> to vector<1xf32>
        %squeeze3A = vector.extract %slice3A[0] : f32 from vector<1xf32>
        %broadcast_in_dim3A_65 = vector.broadcast %squeeze3A : f32 to vector<16xf32>
        %add3A_66 = arith.constant 0 : i32
        %add3A_67 = arith.addi %mul3A_62, %add3A_66 : i32
        %get3A_68 = arith.index_cast %add3A_67 : i32 to index
        %get3A_69 = arith.constant 0 : index
        %get3A_70 = tpu.vector_load %arg9[%get3A_68, %get3A_69] {strides = array<i32>} : memref<400x48xf32, #tpu.memory_space<vmem>>, vector<1x16xf32>,
        %get3A_71 = vector.shape_cast %get3A_70 : vector<1x16xf32> to vector<16xf32>
        %mul3A_72 = arith.mulf %get3A_71, %broadcast_in_dim3A_65 : vector<16xf32>
        %add3A_73 = arith.constant 0 : i32
        %add3A_74 = arith.addi %mul3A_62, %add3A_73 : i32
        %swap3A = arith.index_cast %add3A_74 : i32 to index
        %swap3A_75 = arith.constant 0 : index
        %swap3A_76 = tpu.vector_load %arg9[%swap3A, %swap3A_75] {strides = array<i32>} : memref<400x48xf32, #tpu.memory_space<vmem>>, vector<1x16xf32>,
        %swap3A_77 = vector.shape_cast %swap3A_76 : vector<1x16xf32> to vector<16xf32>
        %swap3A_78 = vector.shape_cast %mul3A_72 : vector<16xf32> to vector<1x16xf32>
        tpu.vector_store %arg9[%swap3A, %swap3A_75], %swap3A_78 {strides = array<i32>} : memref<400x48xf32, #tpu.memory_space<vmem>>, vector<1x16xf32>,
        %add3A_79 = arith.constant 0 : i32
        %add3A_80 = arith.addi %mul3A_62, %add3A_79 : i32
        %get3A_81 = arith.index_cast %add3A_80 : i32 to index
        %get3A_82 = arith.constant 16 : index
        %get3A_83 = tpu.vector_load %arg9[%get3A_81, %get3A_82] {strides = array<i32>} : memref<400x48xf32, #tpu.memory_space<vmem>>, vector<1x16xf32>,
        %get3A_84 = vector.shape_cast %get3A_83 : vector<1x16xf32> to vector<16xf32>
        %mul3A_85 = arith.mulf %get3A_84, %broadcast_in_dim3A_65 : vector<16xf32>
        %add3A_86 = arith.constant 0 : i32
        %add3A_87 = arith.addi %mul3A_62, %add3A_86 : i32
        %swap3A_88 = arith.index_cast %add3A_87 : i32 to index
        %swap3A_89 = arith.constant 16 : index
        %swap3A_90 = tpu.vector_load %arg9[%swap3A_88, %swap3A_89] {strides = array<i32>} : memref<400x48xf32, #tpu.memory_space<vmem>>, vector<1x16xf32>,
        %swap3A_91 = vector.shape_cast %swap3A_90 : vector<1x16xf32> to vector<16xf32>
        %swap3A_92 = vector.shape_cast %mul3A_85 : vector<16xf32> to vector<1x16xf32>
        tpu.vector_store %arg9[%swap3A_88, %swap3A_89], %swap3A_92 {strides = array<i32>} : memref<400x48xf32, #tpu.memory_space<vmem>>, vector<1x16xf32>,
        %add3A_93 = arith.constant 0 : i32
        %add3A_94 = arith.addi %mul3A_62, %add3A_93 : i32
        %get3A_95 = arith.index_cast %add3A_94 : i32 to index
        %get3A_96 = arith.constant 32 : index
        %get3A_97 = tpu.vector_load %arg9[%get3A_95, %get3A_96] {strides = array<i32>} : memref<400x48xf32, #tpu.memory_space<vmem>>, vector<1x16xf32>,
        %get3A_98 = vector.shape_cast %get3A_97 : vector<1x16xf32> to vector<16xf32>
        %mul3A_99 = arith.mulf %get3A_98, %broadcast_in_dim3A_65 : vector<16xf32>
        %add3A_100 = arith.constant 0 : i32
        %add3A_101 = arith.addi %mul3A_62, %add3A_100 : i32
        %swap3A_102 = arith.index_cast %add3A_101 : i32 to index
        %swap3A_103 = arith.constant 32 : index
        %swap3A_104 = tpu.vector_load %arg9[%swap3A_102, %swap3A_103] {strides = array<i32>} : memref<400x48xf32, #tpu.memory_space<vmem>>, vector<1x16xf32>,
        %swap3A_105 = vector.shape_cast %swap3A_104 : vector<1x16xf32> to vector<16xf32>
        %swap3A_106 = vector.shape_cast %mul3A_99 : vector<16xf32> to vector<1x16xf32>
        tpu.vector_store %arg9[%swap3A_102, %swap3A_103], %swap3A_106 {strides = array<i32>} : memref<400x48xf32, #tpu.memory_space<vmem>>, vector<1x16xf32>,
        %slice3A_107 = vector.extract_strided_slice %get3A_64 {offsets = [1], sizes = [1], strides = [1]} : vector<16xf32> to vector<1xf32>
        %squeeze3A_108 = vector.extract %slice3A_107[0] : f32 from vector<1xf32>
        %broadcast_in_dim3A_109 = vector.broadcast %squeeze3A_108 : f32 to vector<16xf32>
        %add3A_110 = arith.constant 1 : i32
        %add3A_111 = arith.addi %mul3A_62, %add3A_110 : i32
        %get3A_112 = arith.index_cast %add3A_111 : i32 to index
        %get3A_113 = arith.constant 0 : index
        %get3A_114 = tpu.vector_load %arg9[%get3A_112, %get3A_113] {strides = array<i32>} : memref<400x48xf32, #tpu.memory_space<vmem>>, vector<1x16xf32>,
        %get3A_115 = vector.shape_cast %get3A_114 : vector<1x16xf32> to vector<16xf32>
        %mul3A_116 = arith.mulf %get3A_115, %broadcast_in_dim3A_109 : vector<16xf32>
        %add3A_117 = arith.constant 1 : i32
        %add3A_118 = arith.addi %mul3A_62, %add3A_117 : i32
        %swap3A_119 = arith.index_cast %add3A_118 : i32 to index
        %swap3A_120 = arith.constant 0 : index
        %swap3A_121 = tpu.vector_load %arg9[%swap3A_119, %swap3A_120] {strides = array<i32>} : memref<400x48xf32, #tpu.memory_space<vmem>>, vector<1x16xf32>,
        %swap3A_122 = vector.shape_cast %swap3A_121 : vector<1x16xf32> to vector<16xf32>
        %swap3A_123 = vector.shape_cast %mul3A_116 : vector<16xf32> to vector<1x16xf32>
        tpu.vector_store %arg9[%swap3A_119, %swap3A_120], %swap3A_123 {strides = array<i32>} : memref<400x48xf32, #tpu.memory_space<vmem>>, vector<1x16xf32>,
        %add3A_124 = arith.constant 1 : i32
        %add3A_125 = arith.addi %mul3A_62, %add3A_124 : i32
        %get3A_126 = arith.index_cast %add3A_125 : i32 to index
        %get3A_127 = arith.constant 16 : index
        %get3A_128 = tpu.vector_load %arg9[%get3A_126, %get3A_127] {strides = array<i32>} : memref<400x48xf32, #tpu.memory_space<vmem>>, vector<1x16xf32>,
        %get3A_129 = vector.shape_cast %get3A_128 : vector<1x16xf32> to vector<16xf32>
        %mul3A_130 = arith.mulf %get3A_129, %broadcast_in_dim3A_109 : vector<16xf32>
        %add3A_131 = arith.constant 1 : i32
        %add3A_132 = arith.addi %mul3A_62, %add3A_131 : i32
        %swap3A_133 = arith.index_cast %add3A_132 : i32 to index
        %swap3A_134 = arith.constant 16 : index
        %swap3A_135 = tpu.vector_load %arg9[%swap3A_133, %swap3A_134] {strides = array<i32>} : memref<400x48xf32, #tpu.memory_space<vmem>>, vector<1x16xf32>,
        %swap3A_136 = vector.shape_cast %swap3A_135 : vector<1x16xf32> to vector<16xf32>
        %swap3A_137 = vector.shape_cast %mul3A_130 : vector<16xf32> to vector<1x16xf32>
        tpu.vector_store %arg9[%swap3A_133, %swap3A_134], %swap3A_137 {strides = array<i32>} : memref<400x48xf32, #tpu.memory_space<vmem>>, vector<1x16xf32>,
        %add3A_138 = arith.constant 1 : i32
        %add3A_139 = arith.addi %mul3A_62, %add3A_138 : i32
        %get3A_140 = arith.index_cast %add3A_139 : i32 to index
        %get3A_141 = arith.constant 32 : index
        %get3A_142 = tpu.vector_load %arg9[%get3A_140, %get3A_141] {strides = array<i32>} : memref<400x48xf32, #tpu.memory_space<vmem>>, vector<1x16xf32>,
        %get3A_143 = vector.shape_cast %get3A_142 : vector<1x16xf32> to vector<16xf32>
        %mul3A_144 = arith.mulf %get3A_143, %broadcast_in_dim3A_109 : vector<16xf32>
        %add3A_145 = arith.constant 1 : i32
        %add3A_146 = arith.addi %mul3A_62, %add3A_145 : i32
        %swap3A_147 = arith.index_cast %add3A_146 : i32 to index
        %swap3A_148 = arith.constant 32 : index
        %swap3A_149 = tpu.vector_load %arg9[%swap3A_147, %swap3A_148] {strides = array<i32>} : memref<400x48xf32, #tpu.memory_space<vmem>>, vector<1x16xf32>,
        %swap3A_150 = vector.shape_cast %swap3A_149 : vector<1x16xf32> to vector<16xf32>
        %swap3A_151 = vector.shape_cast %mul3A_144 : vector<16xf32> to vector<1x16xf32>
        tpu.vector_store %arg9[%swap3A_147, %swap3A_148], %swap3A_151 {strides = array<i32>} : memref<400x48xf32, #tpu.memory_space<vmem>>, vector<1x16xf32>,
        %slice3A_152 = vector.extract_strided_slice %get3A_64 {offsets = [2], sizes = [1], strides = [1]} : vector<16xf32> to vector<1xf32>
        %squeeze3A_153 = vector.extract %slice3A_152[0] : f32 from vector<1xf32>
        %broadcast_in_dim3A_154 = vector.broadcast %squeeze3A_153 : f32 to vector<16xf32>
        %add3A_155 = arith.constant 2 : i32
        %add3A_156 = arith.addi %mul3A_62, %add3A_155 : i32
        %get3A_157 = arith.index_cast %add3A_156 : i32 to index
        %get3A_158 = arith.constant 0 : index
        %get3A_159 = tpu.vector_load %arg9[%get3A_157, %get3A_158] {strides = array<i32>} : memref<400x48xf32, #tpu.memory_space<vmem>>, vector<1x16xf32>,
        %get3A_160 = vector.shape_cast %get3A_159 : vector<1x16xf32> to vector<16xf32>
        %mul3A_161 = arith.mulf %get3A_160, %broadcast_in_dim3A_154 : vector<16xf32>
        %add3A_162 = arith.constant 2 : i32
        %add3A_163 = arith.addi %mul3A_62, %add3A_162 : i32
        %swap3A_164 = arith.index_cast %add3A_163 : i32 to index
        %swap3A_165 = arith.constant 0 : index
        %swap3A_166 = tpu.vector_load %arg9[%swap3A_164, %swap3A_165] {strides = array<i32>} : memref<400x48xf32, #tpu.memory_space<vmem>>, vector<1x16xf32>,
        %swap3A_167 = vector.shape_cast %swap3A_166 : vector<1x16xf32> to vector<16xf32>
        %swap3A_168 = vector.shape_cast %mul3A_161 : vector<16xf32> to vector<1x16xf32>
        tpu.vector_store %arg9[%swap3A_164, %swap3A_165], %swap3A_168 {strides = array<i32>} : memref<400x48xf32, #tpu.memory_space<vmem>>, vector<1x16xf32>,
        %add3A_169 = arith.constant 2 : i32
        %add3A_170 = arith.addi %mul3A_62, %add3A_169 : i32
        %get3A_171 = arith.index_cast %add3A_170 : i32 to index
        %get3A_172 = arith.constant 16 : index
        %get3A_173 = tpu.vector_load %arg9[%get3A_171, %get3A_172] {strides = array<i32>} : memref<400x48xf32, #tpu.memory_space<vmem>>, vector<1x16xf32>,
        %get3A_174 = vector.shape_cast %get3A_173 : vector<1x16xf32> to vector<16xf32>
        %mul3A_175 = arith.mulf %get3A_174, %broadcast_in_dim3A_154 : vector<16xf32>
        %add3A_176 = arith.constant 2 : i32
        %add3A_177 = arith.addi %mul3A_62, %add3A_176 : i32
        %swap3A_178 = arith.index_cast %add3A_177 : i32 to index
        %swap3A_179 = arith.constant 16 : index
        %swap3A_180 = tpu.vector_load %arg9[%swap3A_178, %swap3A_179] {strides = array<i32>} : memref<400x48xf32, #tpu.memory_space<vmem>>, vector<1x16xf32>,
        %swap3A_181 = vector.shape_cast %swap3A_180 : vector<1x16xf32> to vector<16xf32>
        %swap3A_182 = vector.shape_cast %mul3A_175 : vector<16xf32> to vector<1x16xf32>
        tpu.vector_store %arg9[%swap3A_178, %swap3A_179], %swap3A_182 {strides = array<i32>} : memref<400x48xf32, #tpu.memory_space<vmem>>, vector<1x16xf32>,
        %add3A_183 = arith.constant 2 : i32
        %add3A_184 = arith.addi %mul3A_62, %add3A_183 : i32
        %get3A_185 = arith.index_cast %add3A_184 : i32 to index
        %get3A_186 = arith.constant 32 : index
        %get3A_187 = tpu.vector_load %arg9[%get3A_185, %get3A_186] {strides = array<i32>} : memref<400x48xf32, #tpu.memory_space<vmem>>, vector<1x16xf32>,
        %get3A_188 = vector.shape_cast %get3A_187 : vector<1x16xf32> to vector<16xf32>
        %mul3A_189 = arith.mulf %get3A_188, %broadcast_in_dim3A_154 : vector<16xf32>
        %add3A_190 = arith.constant 2 : i32
        %add3A_191 = arith.addi %mul3A_62, %add3A_190 : i32
        %swap3A_192 = arith.index_cast %add3A_191 : i32 to index
        %swap3A_193 = arith.constant 32 : index
        %swap3A_194 = tpu.vector_load %arg9[%swap3A_192, %swap3A_193] {strides = array<i32>} : memref<400x48xf32, #tpu.memory_space<vmem>>, vector<1x16xf32>,
        %swap3A_195 = vector.shape_cast %swap3A_194 : vector<1x16xf32> to vector<16xf32>
        %swap3A_196 = vector.shape_cast %mul3A_189 : vector<16xf32> to vector<1x16xf32>
        tpu.vector_store %arg9[%swap3A_192, %swap3A_193], %swap3A_196 {strides = array<i32>} : memref<400x48xf32, #tpu.memory_space<vmem>>, vector<1x16xf32>,
        %slice3A_197 = vector.extract_strided_slice %get3A_64 {offsets = [3], sizes = [1], strides = [1]} : vector<16xf32> to vector<1xf32>
        %squeeze3A_198 = vector.extract %slice3A_197[0] : f32 from vector<1xf32>
        %broadcast_in_dim3A_199 = vector.broadcast %squeeze3A_198 : f32 to vector<16xf32>
        %add3A_200 = arith.constant 3 : i32
        %add3A_201 = arith.addi %mul3A_62, %add3A_200 : i32
        %get3A_202 = arith.index_cast %add3A_201 : i32 to index
        %get3A_203 = arith.constant 0 : index
        %get3A_204 = tpu.vector_load %arg9[%get3A_202, %get3A_203] {strides = array<i32>} : memref<400x48xf32, #tpu.memory_space<vmem>>, vector<1x16xf32>,
        %get3A_205 = vector.shape_cast %get3A_204 : vector<1x16xf32> to vector<16xf32>
        %mul3A_206 = arith.mulf %get3A_205, %broadcast_in_dim3A_199 : vector<16xf32>
        %add3A_207 = arith.constant 3 : i32
        %add3A_208 = arith.addi %mul3A_62, %add3A_207 : i32
        %swap3A_209 = arith.index_cast %add3A_208 : i32 to index
        %swap3A_210 = arith.constant 0 : index
        %swap3A_211 = tpu.vector_load %arg9[%swap3A_209, %swap3A_210] {strides = array<i32>} : memref<400x48xf32, #tpu.memory_space<vmem>>, vector<1x16xf32>,
        %swap3A_212 = vector.shape_cast %swap3A_211 : vector<1x16xf32> to vector<16xf32>
        %swap3A_213 = vector.shape_cast %mul3A_206 : vector<16xf32> to vector<1x16xf32>
        tpu.vector_store %arg9[%swap3A_209, %swap3A_210], %swap3A_213 {strides = array<i32>} : memref<400x48xf32, #tpu.memory_space<vmem>>, vector<1x16xf32>,
        %add3A_214 = arith.constant 3 : i32
        %add3A_215 = arith.addi %mul3A_62, %add3A_214 : i32
        %get3A_216 = arith.index_cast %add3A_215 : i32 to index
        %get3A_217 = arith.constant 16 : index
        %get3A_218 = tpu.vector_load %arg9[%get3A_216, %get3A_217] {strides = array<i32>} : memref<400x48xf32, #tpu.memory_space<vmem>>, vector<1x16xf32>,
        %get3A_219 = vector.shape_cast %get3A_218 : vector<1x16xf32> to vector<16xf32>
        %mul3A_220 = arith.mulf %get3A_219, %broadcast_in_dim3A_199 : vector<16xf32>
        %add3A_221 = arith.constant 3 : i32
        %add3A_222 = arith.addi %mul3A_62, %add3A_221 : i32
        %swap3A_223 = arith.index_cast %add3A_222 : i32 to index
        %swap3A_224 = arith.constant 16 : index
        %swap3A_225 = tpu.vector_load %arg9[%swap3A_223, %swap3A_224] {strides = array<i32>} : memref<400x48xf32, #tpu.memory_space<vmem>>, vector<1x16xf32>,
        %swap3A_226 = vector.shape_cast %swap3A_225 : vector<1x16xf32> to vector<16xf32>
        %swap3A_227 = vector.shape_cast %mul3A_220 : vector<16xf32> to vector<1x16xf32>
        tpu.vector_store %arg9[%swap3A_223, %swap3A_224], %swap3A_227 {strides = array<i32>} : memref<400x48xf32, #tpu.memory_space<vmem>>, vector<1x16xf32>,
        %add3A_228 = arith.constant 3 : i32
        %add3A_229 = arith.addi %mul3A_62, %add3A_228 : i32
        %get3A_230 = arith.index_cast %add3A_229 : i32 to index
        %get3A_231 = arith.constant 32 : index
        %get3A_232 = tpu.vector_load %arg9[%get3A_230, %get3A_231] {strides = array<i32>} : memref<400x48xf32, #tpu.memory_space<vmem>>, vector<1x16xf32>,
        %get3A_233 = vector.shape_cast %get3A_232 : vector<1x16xf32> to vector<16xf32>
        %mul3A_234 = arith.mulf %get3A_233, %broadcast_in_dim3A_199 : vector<16xf32>
        %add3A_235 = arith.constant 3 : i32
        %add3A_236 = arith.addi %mul3A_62, %add3A_235 : i32
        %swap3A_237 = arith.index_cast %add3A_236 : i32 to index
        %swap3A_238 = arith.constant 32 : index
        %swap3A_239 = tpu.vector_load %arg9[%swap3A_237, %swap3A_238] {strides = array<i32>} : memref<400x48xf32, #tpu.memory_space<vmem>>, vector<1x16xf32>,
        %swap3A_240 = vector.shape_cast %swap3A_239 : vector<1x16xf32> to vector<16xf32>
        %swap3A_241 = vector.shape_cast %mul3A_234 : vector<16xf32> to vector<1x16xf32>
        tpu.vector_store %arg9[%swap3A_237, %swap3A_238], %swap3A_241 {strides = array<i32>} : memref<400x48xf32, #tpu.memory_space<vmem>>, vector<1x16xf32>,
        %slice3A_242 = vector.extract_strided_slice %get3A_64 {offsets = [4], sizes = [1], strides = [1]} : vector<16xf32> to vector<1xf32>
        %squeeze3A_243 = vector.extract %slice3A_242[0] : f32 from vector<1xf32>
        %broadcast_in_dim3A_244 = vector.broadcast %squeeze3A_243 : f32 to vector<16xf32>
        %add3A_245 = arith.constant 4 : i32
        %add3A_246 = arith.addi %mul3A_62, %add3A_245 : i32
        %get3A_247 = arith.index_cast %add3A_246 : i32 to index
        %get3A_248 = arith.constant 0 : index
        %get3A_249 = tpu.vector_load %arg9[%get3A_247, %get3A_248] {strides = array<i32>} : memref<400x48xf32, #tpu.memory_space<vmem>>, vector<1x16xf32>,
        %get3A_250 = vector.shape_cast %get3A_249 : vector<1x16xf32> to vector<16xf32>
        %mul3A_251 = arith.mulf %get3A_250, %broadcast_in_dim3A_244 : vector<16xf32>
        %add3A_252 = arith.constant 4 : i32
        %add3A_253 = arith.addi %mul3A_62, %add3A_252 : i32
        %swap3A_254 = arith.index_cast %add3A_253 : i32 to index
        %swap3A_255 = arith.constant 0 : index
        %swap3A_256 = tpu.vector_load %arg9[%swap3A_254, %swap3A_255] {strides = array<i32>} : memref<400x48xf32, #tpu.memory_space<vmem>>, vector<1x16xf32>,
        %swap3A_257 = vector.shape_cast %swap3A_256 : vector<1x16xf32> to vector<16xf32>
        %swap3A_258 = vector.shape_cast %mul3A_251 : vector<16xf32> to vector<1x16xf32>
        tpu.vector_store %arg9[%swap3A_254, %swap3A_255], %swap3A_258 {strides = array<i32>} : memref<400x48xf32, #tpu.memory_space<vmem>>, vector<1x16xf32>,
        %add3A_259 = arith.constant 4 : i32
        %add3A_260 = arith.addi %mul3A_62, %add3A_259 : i32
        %get3A_261 = arith.index_cast %add3A_260 : i32 to index
        %get3A_262 = arith.constant 16 : index
        %get3A_263 = tpu.vector_load %arg9[%get3A_261, %get3A_262] {strides = array<i32>} : memref<400x48xf32, #tpu.memory_space<vmem>>, vector<1x16xf32>,
        %get3A_264 = vector.shape_cast %get3A_263 : vector<1x16xf32> to vector<16xf32>
        %mul3A_265 = arith.mulf %get3A_264, %broadcast_in_dim3A_244 : vector<16xf32>
        %add3A_266 = arith.constant 4 : i32
        %add3A_267 = arith.addi %mul3A_62, %add3A_266 : i32
        %swap3A_268 = arith.index_cast %add3A_267 : i32 to index
        %swap3A_269 = arith.constant 16 : index
        %swap3A_270 = tpu.vector_load %arg9[%swap3A_268, %swap3A_269] {strides = array<i32>} : memref<400x48xf32, #tpu.memory_space<vmem>>, vector<1x16xf32>,
        %swap3A_271 = vector.shape_cast %swap3A_270 : vector<1x16xf32> to vector<16xf32>
        %swap3A_272 = vector.shape_cast %mul3A_265 : vector<16xf32> to vector<1x16xf32>
        tpu.vector_store %arg9[%swap3A_268, %swap3A_269], %swap3A_272 {strides = array<i32>} : memref<400x48xf32, #tpu.memory_space<vmem>>, vector<1x16xf32>,
        %add3A_273 = arith.constant 4 : i32
        %add3A_274 = arith.addi %mul3A_62, %add3A_273 : i32
        %get3A_275 = arith.index_cast %add3A_274 : i32 to index
        %get3A_276 = arith.constant 32 : index
        %get3A_277 = tpu.vector_load %arg9[%get3A_275, %get3A_276] {strides = array<i32>} : memref<400x48xf32, #tpu.memory_space<vmem>>, vector<1x16xf32>,
        %get3A_278 = vector.shape_cast %get3A_277 : vector<1x16xf32> to vector<16xf32>
        %mul3A_279 = arith.mulf %get3A_278, %broadcast_in_dim3A_244 : vector<16xf32>
        %add3A_280 = arith.constant 4 : i32
        %add3A_281 = arith.addi %mul3A_62, %add3A_280 : i32
        %swap3A_282 = arith.index_cast %add3A_281 : i32 to index
        %swap3A_283 = arith.constant 32 : index
        %swap3A_284 = tpu.vector_load %arg9[%swap3A_282, %swap3A_283] {strides = array<i32>} : memref<400x48xf32, #tpu.memory_space<vmem>>, vector<1x16xf32>,
        %swap3A_285 = vector.shape_cast %swap3A_284 : vector<1x16xf32> to vector<16xf32>
        %swap3A_286 = vector.shape_cast %mul3A_279 : vector<16xf32> to vector<1x16xf32>
        tpu.vector_store %arg9[%swap3A_282, %swap3A_283], %swap3A_286 {strides = array<i32>} : memref<400x48xf32, #tpu.memory_space<vmem>>, vector<1x16xf32>,
        %slice3A_287 = vector.extract_strided_slice %get3A_64 {offsets = [5], sizes = [1], strides = [1]} : vector<16xf32> to vector<1xf32>
        %squeeze3A_288 = vector.extract %slice3A_287[0] : f32 from vector<1xf32>
        %broadcast_in_dim3A_289 = vector.broadcast %squeeze3A_288 : f32 to vector<16xf32>
        %add3A_290 = arith.constant 5 : i32
        %add3A_291 = arith.addi %mul3A_62, %add3A_290 : i32
        %get3A_292 = arith.index_cast %add3A_291 : i32 to index
        %get3A_293 = arith.constant 0 : index
        %get3A_294 = tpu.vector_load %arg9[%get3A_292, %get3A_293] {strides = array<i32>} : memref<400x48xf32, #tpu.memory_space<vmem>>, vector<1x16xf32>,
        %get3A_295 = vector.shape_cast %get3A_294 : vector<1x16xf32> to vector<16xf32>
        %mul3A_296 = arith.mulf %get3A_295, %broadcast_in_dim3A_289 : vector<16xf32>
        %add3A_297 = arith.constant 5 : i32
        %add3A_298 = arith.addi %mul3A_62, %add3A_297 : i32
        %swap3A_299 = arith.index_cast %add3A_298 : i32 to index
        %swap3A_300 = arith.constant 0 : index
        %swap3A_301 = tpu.vector_load %arg9[%swap3A_299, %swap3A_300] {strides = array<i32>} : memref<400x48xf32, #tpu.memory_space<vmem>>, vector<1x16xf32>,
        %swap3A_302 = vector.shape_cast %swap3A_301 : vector<1x16xf32> to vector<16xf32>
        %swap3A_303 = vector.shape_cast %mul3A_296 : vector<16xf32> to vector<1x16xf32>
        tpu.vector_store %arg9[%swap3A_299, %swap3A_300], %swap3A_303 {strides = array<i32>} : memref<400x48xf32, #tpu.memory_space<vmem>>, vector<1x16xf32>,
        %add3A_304 = arith.constant 5 : i32
        %add3A_305 = arith.addi %mul3A_62, %add3A_304 : i32
        %get3A_306 = arith.index_cast %add3A_305 : i32 to index
        %get3A_307 = arith.constant 16 : index
        %get3A_308 = tpu.vector_load %arg9[%get3A_306, %get3A_307] {strides = array<i32>} : memref<400x48xf32, #tpu.memory_space<vmem>>, vector<1x16xf32>,
        %get3A_309 = vector.shape_cast %get3A_308 : vector<1x16xf32> to vector<16xf32>
        %mul3A_310 = arith.mulf %get3A_309, %broadcast_in_dim3A_289 : vector<16xf32>
        %add3A_311 = arith.constant 5 : i32
        %add3A_312 = arith.addi %mul3A_62, %add3A_311 : i32
        %swap3A_313 = arith.index_cast %add3A_312 : i32 to index
        %swap3A_314 = arith.constant 16 : index
        %swap3A_315 = tpu.vector_load %arg9[%swap3A_313, %swap3A_314] {strides = array<i32>} : memref<400x48xf32, #tpu.memory_space<vmem>>, vector<1x16xf32>,
        %swap3A_316 = vector.shape_cast %swap3A_315 : vector<1x16xf32> to vector<16xf32>
        %swap3A_317 = vector.shape_cast %mul3A_310 : vector<16xf32> to vector<1x16xf32>
        tpu.vector_store %arg9[%swap3A_313, %swap3A_314], %swap3A_317 {strides = array<i32>} : memref<400x48xf32, #tpu.memory_space<vmem>>, vector<1x16xf32>,
        %add3A_318 = arith.constant 5 : i32
        %add3A_319 = arith.addi %mul3A_62, %add3A_318 : i32
        %get3A_320 = arith.index_cast %add3A_319 : i32 to index
        %get3A_321 = arith.constant 32 : index
        %get3A_322 = tpu.vector_load %arg9[%get3A_320, %get3A_321] {strides = array<i32>} : memref<400x48xf32, #tpu.memory_space<vmem>>, vector<1x16xf32>,
        %get3A_323 = vector.shape_cast %get3A_322 : vector<1x16xf32> to vector<16xf32>
        %mul3A_324 = arith.mulf %get3A_323, %broadcast_in_dim3A_289 : vector<16xf32>
        %add3A_325 = arith.constant 5 : i32
        %add3A_326 = arith.addi %mul3A_62, %add3A_325 : i32
        %swap3A_327 = arith.index_cast %add3A_326 : i32 to index
        %swap3A_328 = arith.constant 32 : index
        %swap3A_329 = tpu.vector_load %arg9[%swap3A_327, %swap3A_328] {strides = array<i32>} : memref<400x48xf32, #tpu.memory_space<vmem>>, vector<1x16xf32>,
        %swap3A_330 = vector.shape_cast %swap3A_329 : vector<1x16xf32> to vector<16xf32>
        %swap3A_331 = vector.shape_cast %mul3A_324 : vector<16xf32> to vector<1x16xf32>
        tpu.vector_store %arg9[%swap3A_327, %swap3A_328], %swap3A_331 {strides = array<i32>} : memref<400x48xf32, #tpu.memory_space<vmem>>, vector<1x16xf32>,
        %slice3A_332 = vector.extract_strided_slice %get3A_64 {offsets = [6], sizes = [1], strides = [1]} : vector<16xf32> to vector<1xf32>
        %squeeze3A_333 = vector.extract %slice3A_332[0] : f32 from vector<1xf32>
        %broadcast_in_dim3A_334 = vector.broadcast %squeeze3A_333 : f32 to vector<16xf32>
        %add3A_335 = arith.constant 6 : i32
        %add3A_336 = arith.addi %mul3A_62, %add3A_335 : i32
        %get3A_337 = arith.index_cast %add3A_336 : i32 to index
        %get3A_338 = arith.constant 0 : index
        %get3A_339 = tpu.vector_load %arg9[%get3A_337, %get3A_338] {strides = array<i32>} : memref<400x48xf32, #tpu.memory_space<vmem>>, vector<1x16xf32>,
        %get3A_340 = vector.shape_cast %get3A_339 : vector<1x16xf32> to vector<16xf32>
        %mul3A_341 = arith.mulf %get3A_340, %broadcast_in_dim3A_334 : vector<16xf32>
        %add3A_342 = arith.constant 6 : i32
        %add3A_343 = arith.addi %mul3A_62, %add3A_342 : i32
        %swap3A_344 = arith.index_cast %add3A_343 : i32 to index
        %swap3A_345 = arith.constant 0 : index
        %swap3A_346 = tpu.vector_load %arg9[%swap3A_344, %swap3A_345] {strides = array<i32>} : memref<400x48xf32, #tpu.memory_space<vmem>>, vector<1x16xf32>,
        %swap3A_347 = vector.shape_cast %swap3A_346 : vector<1x16xf32> to vector<16xf32>
        %swap3A_348 = vector.shape_cast %mul3A_341 : vector<16xf32> to vector<1x16xf32>
        tpu.vector_store %arg9[%swap3A_344, %swap3A_345], %swap3A_348 {strides = array<i32>} : memref<400x48xf32, #tpu.memory_space<vmem>>, vector<1x16xf32>,
        %add3A_349 = arith.constant 6 : i32
        %add3A_350 = arith.addi %mul3A_62, %add3A_349 : i32
        %get3A_351 = arith.index_cast %add3A_350 : i32 to index
        %get3A_352 = arith.constant 16 : index
        %get3A_353 = tpu.vector_load %arg9[%get3A_351, %get3A_352] {strides = array<i32>} : memref<400x48xf32, #tpu.memory_space<vmem>>, vector<1x16xf32>,
        %get3A_354 = vector.shape_cast %get3A_353 : vector<1x16xf32> to vector<16xf32>
        %mul3A_355 = arith.mulf %get3A_354, %broadcast_in_dim3A_334 : vector<16xf32>
        %add3A_356 = arith.constant 6 : i32
        %add3A_357 = arith.addi %mul3A_62, %add3A_356 : i32
        %swap3A_358 = arith.index_cast %add3A_357 : i32 to index
        %swap3A_359 = arith.constant 16 : index
        %swap3A_360 = tpu.vector_load %arg9[%swap3A_358, %swap3A_359] {strides = array<i32>} : memref<400x48xf32, #tpu.memory_space<vmem>>, vector<1x16xf32>,
        %swap3A_361 = vector.shape_cast %swap3A_360 : vector<1x16xf32> to vector<16xf32>
        %swap3A_362 = vector.shape_cast %mul3A_355 : vector<16xf32> to vector<1x16xf32>
        tpu.vector_store %arg9[%swap3A_358, %swap3A_359], %swap3A_362 {strides = array<i32>} : memref<400x48xf32, #tpu.memory_space<vmem>>, vector<1x16xf32>,
        %add3A_363 = arith.constant 6 : i32
        %add3A_364 = arith.addi %mul3A_62, %add3A_363 : i32
        %get3A_365 = arith.index_cast %add3A_364 : i32 to index
        %get3A_366 = arith.constant 32 : index
        %get3A_367 = tpu.vector_load %arg9[%get3A_365, %get3A_366] {strides = array<i32>} : memref<400x48xf32, #tpu.memory_space<vmem>>, vector<1x16xf32>,
        %get3A_368 = vector.shape_cast %get3A_367 : vector<1x16xf32> to vector<16xf32>
        %mul3A_369 = arith.mulf %get3A_368, %broadcast_in_dim3A_334 : vector<16xf32>
        %add3A_370 = arith.constant 6 : i32
        %add3A_371 = arith.addi %mul3A_62, %add3A_370 : i32
        %swap3A_372 = arith.index_cast %add3A_371 : i32 to index
        %swap3A_373 = arith.constant 32 : index
        %swap3A_374 = tpu.vector_load %arg9[%swap3A_372, %swap3A_373] {strides = array<i32>} : memref<400x48xf32, #tpu.memory_space<vmem>>, vector<1x16xf32>,
        %swap3A_375 = vector.shape_cast %swap3A_374 : vector<1x16xf32> to vector<16xf32>
        %swap3A_376 = vector.shape_cast %mul3A_369 : vector<16xf32> to vector<1x16xf32>
        tpu.vector_store %arg9[%swap3A_372, %swap3A_373], %swap3A_376 {strides = array<i32>} : memref<400x48xf32, #tpu.memory_space<vmem>>, vector<1x16xf32>,
        %slice3A_377 = vector.extract_strided_slice %get3A_64 {offsets = [7], sizes = [1], strides = [1]} : vector<16xf32> to vector<1xf32>
        %squeeze3A_378 = vector.extract %slice3A_377[0] : f32 from vector<1xf32>
        %broadcast_in_dim3A_379 = vector.broadcast %squeeze3A_378 : f32 to vector<16xf32>
        %add3A_380 = arith.constant 7 : i32
        %add3A_381 = arith.addi %mul3A_62, %add3A_380 : i32
        %get3A_382 = arith.index_cast %add3A_381 : i32 to index
        %get3A_383 = arith.constant 0 : index
        %get3A_384 = tpu.vector_load %arg9[%get3A_382, %get3A_383] {strides = array<i32>} : memref<400x48xf32, #tpu.memory_space<vmem>>, vector<1x16xf32>,
        %get3A_385 = vector.shape_cast %get3A_384 : vector<1x16xf32> to vector<16xf32>
        %mul3A_386 = arith.mulf %get3A_385, %broadcast_in_dim3A_379 : vector<16xf32>
        %add3A_387 = arith.constant 7 : i32
        %add3A_388 = arith.addi %mul3A_62, %add3A_387 : i32
        %swap3A_389 = arith.index_cast %add3A_388 : i32 to index
        %swap3A_390 = arith.constant 0 : index
        %swap3A_391 = tpu.vector_load %arg9[%swap3A_389, %swap3A_390] {strides = array<i32>} : memref<400x48xf32, #tpu.memory_space<vmem>>, vector<1x16xf32>,
        %swap3A_392 = vector.shape_cast %swap3A_391 : vector<1x16xf32> to vector<16xf32>
        %swap3A_393 = vector.shape_cast %mul3A_386 : vector<16xf32> to vector<1x16xf32>
        tpu.vector_store %arg9[%swap3A_389, %swap3A_390], %swap3A_393 {strides = array<i32>} : memref<400x48xf32, #tpu.memory_space<vmem>>, vector<1x16xf32>,
        %add3A_394 = arith.constant 7 : i32
        %add3A_395 = arith.addi %mul3A_62, %add3A_394 : i32
        %get3A_396 = arith.index_cast %add3A_395 : i32 to index
        %get3A_397 = arith.constant 16 : index
        %get3A_398 = tpu.vector_load %arg9[%get3A_396, %get3A_397] {strides = array<i32>} : memref<400x48xf32, #tpu.memory_space<vmem>>, vector<1x16xf32>,
        %get3A_399 = vector.shape_cast %get3A_398 : vector<1x16xf32> to vector<16xf32>
        %mul3A_400 = arith.mulf %get3A_399, %broadcast_in_dim3A_379 : vector<16xf32>
        %add3A_401 = arith.constant 7 : i32
        %add3A_402 = arith.addi %mul3A_62, %add3A_401 : i32
        %swap3A_403 = arith.index_cast %add3A_402 : i32 to index
        %swap3A_404 = arith.constant 16 : index
        %swap3A_405 = tpu.vector_load %arg9[%swap3A_403, %swap3A_404] {strides = array<i32>} : memref<400x48xf32, #tpu.memory_space<vmem>>, vector<1x16xf32>,
        %swap3A_406 = vector.shape_cast %swap3A_405 : vector<1x16xf32> to vector<16xf32>
        %swap3A_407 = vector.shape_cast %mul3A_400 : vector<16xf32> to vector<1x16xf32>
        tpu.vector_store %arg9[%swap3A_403, %swap3A_404], %swap3A_407 {strides = array<i32>} : memref<400x48xf32, #tpu.memory_space<vmem>>, vector<1x16xf32>,
        %add3A_408 = arith.constant 7 : i32
        %add3A_409 = arith.addi %mul3A_62, %add3A_408 : i32
        %get3A_410 = arith.index_cast %add3A_409 : i32 to index
        %get3A_411 = arith.constant 32 : index
        %get3A_412 = tpu.vector_load %arg9[%get3A_410, %get3A_411] {strides = array<i32>} : memref<400x48xf32, #tpu.memory_space<vmem>>, vector<1x16xf32>,
        %get3A_413 = vector.shape_cast %get3A_412 : vector<1x16xf32> to vector<16xf32>
        %mul3A_414 = arith.mulf %get3A_413, %broadcast_in_dim3A_379 : vector<16xf32>
        %add3A_415 = arith.constant 7 : i32
        %add3A_416 = arith.addi %mul3A_62, %add3A_415 : i32
        %swap3A_417 = arith.index_cast %add3A_416 : i32 to index
        %swap3A_418 = arith.constant 32 : index
        %swap3A_419 = tpu.vector_load %arg9[%swap3A_417, %swap3A_418] {strides = array<i32>} : memref<400x48xf32, #tpu.memory_space<vmem>>, vector<1x16xf32>,
        %swap3A_420 = vector.shape_cast %swap3A_419 : vector<1x16xf32> to vector<16xf32>
        %swap3A_421 = vector.shape_cast %mul3A_414 : vector<16xf32> to vector<1x16xf32>
        tpu.vector_store %arg9[%swap3A_417, %swap3A_418], %swap3A_421 {strides = array<i32>} : memref<400x48xf32, #tpu.memory_space<vmem>>, vector<1x16xf32>,
        %slice3A_422 = vector.extract_strided_slice %get3A_64 {offsets = [8], sizes = [1], strides = [1]} : vector<16xf32> to vector<1xf32>
        %squeeze3A_423 = vector.extract %slice3A_422[0] : f32 from vector<1xf32>
        %broadcast_in_dim3A_424 = vector.broadcast %squeeze3A_423 : f32 to vector<16xf32>
        %add3A_425 = arith.constant 8 : i32
        %add3A_426 = arith.addi %mul3A_62, %add3A_425 : i32
        %get3A_427 = arith.index_cast %add3A_426 : i32 to index
        %get3A_428 = arith.constant 0 : index
        %get3A_429 = tpu.vector_load %arg9[%get3A_427, %get3A_428] {strides = array<i32>} : memref<400x48xf32, #tpu.memory_space<vmem>>, vector<1x16xf32>,
        %get3A_430 = vector.shape_cast %get3A_429 : vector<1x16xf32> to vector<16xf32>
        %mul3A_431 = arith.mulf %get3A_430, %broadcast_in_dim3A_424 : vector<16xf32>
        %add3A_432 = arith.constant 8 : i32
        %add3A_433 = arith.addi %mul3A_62, %add3A_432 : i32
        %swap3A_434 = arith.index_cast %add3A_433 : i32 to index
        %swap3A_435 = arith.constant 0 : index
        %swap3A_436 = tpu.vector_load %arg9[%swap3A_434, %swap3A_435] {strides = array<i32>} : memref<400x48xf32, #tpu.memory_space<vmem>>, vector<1x16xf32>,
        %swap3A_437 = vector.shape_cast %swap3A_436 : vector<1x16xf32> to vector<16xf32>
        %swap3A_438 = vector.shape_cast %mul3A_431 : vector<16xf32> to vector<1x16xf32>
        tpu.vector_store %arg9[%swap3A_434, %swap3A_435], %swap3A_438 {strides = array<i32>} : memref<400x48xf32, #tpu.memory_space<vmem>>, vector<1x16xf32>,
        %add3A_439 = arith.constant 8 : i32
        %add3A_440 = arith.addi %mul3A_62, %add3A_439 : i32
        %get3A_441 = arith.index_cast %add3A_440 : i32 to index
        %get3A_442 = arith.constant 16 : index
        %get3A_443 = tpu.vector_load %arg9[%get3A_441, %get3A_442] {strides = array<i32>} : memref<400x48xf32, #tpu.memory_space<vmem>>, vector<1x16xf32>,
        %get3A_444 = vector.shape_cast %get3A_443 : vector<1x16xf32> to vector<16xf32>
        %mul3A_445 = arith.mulf %get3A_444, %broadcast_in_dim3A_424 : vector<16xf32>
        %add3A_446 = arith.constant 8 : i32
        %add3A_447 = arith.addi %mul3A_62, %add3A_446 : i32
        %swap3A_448 = arith.index_cast %add3A_447 : i32 to index
        %swap3A_449 = arith.constant 16 : index
        %swap3A_450 = tpu.vector_load %arg9[%swap3A_448, %swap3A_449] {strides = array<i32>} : memref<400x48xf32, #tpu.memory_space<vmem>>, vector<1x16xf32>,
        %swap3A_451 = vector.shape_cast %swap3A_450 : vector<1x16xf32> to vector<16xf32>
        %swap3A_452 = vector.shape_cast %mul3A_445 : vector<16xf32> to vector<1x16xf32>
        tpu.vector_store %arg9[%swap3A_448, %swap3A_449], %swap3A_452 {strides = array<i32>} : memref<400x48xf32, #tpu.memory_space<vmem>>, vector<1x16xf32>,
        %add3A_453 = arith.constant 8 : i32
        %add3A_454 = arith.addi %mul3A_62, %add3A_453 : i32
        %get3A_455 = arith.index_cast %add3A_454 : i32 to index
        %get3A_456 = arith.constant 32 : index
        %get3A_457 = tpu.vector_load %arg9[%get3A_455, %get3A_456] {strides = array<i32>} : memref<400x48xf32, #tpu.memory_space<vmem>>, vector<1x16xf32>,
        %get3A_458 = vector.shape_cast %get3A_457 : vector<1x16xf32> to vector<16xf32>
        %mul3A_459 = arith.mulf %get3A_458, %broadcast_in_dim3A_424 : vector<16xf32>
        %add3A_460 = arith.constant 8 : i32
        %add3A_461 = arith.addi %mul3A_62, %add3A_460 : i32
        %swap3A_462 = arith.index_cast %add3A_461 : i32 to index
        %swap3A_463 = arith.constant 32 : index
        %swap3A_464 = tpu.vector_load %arg9[%swap3A_462, %swap3A_463] {strides = array<i32>} : memref<400x48xf32, #tpu.memory_space<vmem>>, vector<1x16xf32>,
        %swap3A_465 = vector.shape_cast %swap3A_464 : vector<1x16xf32> to vector<16xf32>
        %swap3A_466 = vector.shape_cast %mul3A_459 : vector<16xf32> to vector<1x16xf32>
        tpu.vector_store %arg9[%swap3A_462, %swap3A_463], %swap3A_466 {strides = array<i32>} : memref<400x48xf32, #tpu.memory_space<vmem>>, vector<1x16xf32>,
        %slice3A_467 = vector.extract_strided_slice %get3A_64 {offsets = [9], sizes = [1], strides = [1]} : vector<16xf32> to vector<1xf32>
        %squeeze3A_468 = vector.extract %slice3A_467[0] : f32 from vector<1xf32>
        %broadcast_in_dim3A_469 = vector.broadcast %squeeze3A_468 : f32 to vector<16xf32>
        %add3A_470 = arith.constant 9 : i32
        %add3A_471 = arith.addi %mul3A_62, %add3A_470 : i32
        %get3A_472 = arith.index_cast %add3A_471 : i32 to index
        %get3A_473 = arith.constant 0 : index
        %get3A_474 = tpu.vector_load %arg9[%get3A_472, %get3A_473] {strides = array<i32>} : memref<400x48xf32, #tpu.memory_space<vmem>>, vector<1x16xf32>,
        %get3A_475 = vector.shape_cast %get3A_474 : vector<1x16xf32> to vector<16xf32>
        %mul3A_476 = arith.mulf %get3A_475, %broadcast_in_dim3A_469 : vector<16xf32>
        %add3A_477 = arith.constant 9 : i32
        %add3A_478 = arith.addi %mul3A_62, %add3A_477 : i32
        %swap3A_479 = arith.index_cast %add3A_478 : i32 to index
        %swap3A_480 = arith.constant 0 : index
        %swap3A_481 = tpu.vector_load %arg9[%swap3A_479, %swap3A_480] {strides = array<i32>} : memref<400x48xf32, #tpu.memory_space<vmem>>, vector<1x16xf32>,
        %swap3A_482 = vector.shape_cast %swap3A_481 : vector<1x16xf32> to vector<16xf32>
        %swap3A_483 = vector.shape_cast %mul3A_476 : vector<16xf32> to vector<1x16xf32>
        tpu.vector_store %arg9[%swap3A_479, %swap3A_480], %swap3A_483 {strides = array<i32>} : memref<400x48xf32, #tpu.memory_space<vmem>>, vector<1x16xf32>,
        %add3A_484 = arith.constant 9 : i32
        %add3A_485 = arith.addi %mul3A_62, %add3A_484 : i32
        %get3A_486 = arith.index_cast %add3A_485 : i32 to index
        %get3A_487 = arith.constant 16 : index
        %get3A_488 = tpu.vector_load %arg9[%get3A_486, %get3A_487] {strides = array<i32>} : memref<400x48xf32, #tpu.memory_space<vmem>>, vector<1x16xf32>,
        %get3A_489 = vector.shape_cast %get3A_488 : vector<1x16xf32> to vector<16xf32>
        %mul3A_490 = arith.mulf %get3A_489, %broadcast_in_dim3A_469 : vector<16xf32>
        %add3A_491 = arith.constant 9 : i32
        %add3A_492 = arith.addi %mul3A_62, %add3A_491 : i32
        %swap3A_493 = arith.index_cast %add3A_492 : i32 to index
        %swap3A_494 = arith.constant 16 : index
        %swap3A_495 = tpu.vector_load %arg9[%swap3A_493, %swap3A_494] {strides = array<i32>} : memref<400x48xf32, #tpu.memory_space<vmem>>, vector<1x16xf32>,
        %swap3A_496 = vector.shape_cast %swap3A_495 : vector<1x16xf32> to vector<16xf32>
        %swap3A_497 = vector.shape_cast %mul3A_490 : vector<16xf32> to vector<1x16xf32>
        tpu.vector_store %arg9[%swap3A_493, %swap3A_494], %swap3A_497 {strides = array<i32>} : memref<400x48xf32, #tpu.memory_space<vmem>>, vector<1x16xf32>,
        %add3A_498 = arith.constant 9 : i32
        %add3A_499 = arith.addi %mul3A_62, %add3A_498 : i32
        %get3A_500 = arith.index_cast %add3A_499 : i32 to index
        %get3A_501 = arith.constant 32 : index
        %get3A_502 = tpu.vector_load %arg9[%get3A_500, %get3A_501] {strides = array<i32>} : memref<400x48xf32, #tpu.memory_space<vmem>>, vector<1x16xf32>,
        %get3A_503 = vector.shape_cast %get3A_502 : vector<1x16xf32> to vector<16xf32>
        %mul3A_504 = arith.mulf %get3A_503, %broadcast_in_dim3A_469 : vector<16xf32>
        %add3A_505 = arith.constant 9 : i32
        %add3A_506 = arith.addi %mul3A_62, %add3A_505 : i32
        %swap3A_507 = arith.index_cast %add3A_506 : i32 to index
        %swap3A_508 = arith.constant 32 : index
        %swap3A_509 = tpu.vector_load %arg9[%swap3A_507, %swap3A_508] {strides = array<i32>} : memref<400x48xf32, #tpu.memory_space<vmem>>, vector<1x16xf32>,
        %swap3A_510 = vector.shape_cast %swap3A_509 : vector<1x16xf32> to vector<16xf32>
        %swap3A_511 = vector.shape_cast %mul3A_504 : vector<16xf32> to vector<1x16xf32>
        tpu.vector_store %arg9[%swap3A_507, %swap3A_508], %swap3A_511 {strides = array<i32>} : memref<400x48xf32, #tpu.memory_space<vmem>>, vector<1x16xf32>,
        %slice3A_512 = vector.extract_strided_slice %get3A_64 {offsets = [10], sizes = [1], strides = [1]} : vector<16xf32> to vector<1xf32>
        %squeeze3A_513 = vector.extract %slice3A_512[0] : f32 from vector<1xf32>
        %broadcast_in_dim3A_514 = vector.broadcast %squeeze3A_513 : f32 to vector<16xf32>
        %add3A_515 = arith.constant 10 : i32
        %add3A_516 = arith.addi %mul3A_62, %add3A_515 : i32
        %get3A_517 = arith.index_cast %add3A_516 : i32 to index
        %get3A_518 = arith.constant 0 : index
        %get3A_519 = tpu.vector_load %arg9[%get3A_517, %get3A_518] {strides = array<i32>} : memref<400x48xf32, #tpu.memory_space<vmem>>, vector<1x16xf32>,
        %get3A_520 = vector.shape_cast %get3A_519 : vector<1x16xf32> to vector<16xf32>
        %mul3A_521 = arith.mulf %get3A_520, %broadcast_in_dim3A_514 : vector<16xf32>
        %add3A_522 = arith.constant 10 : i32
        %add3A_523 = arith.addi %mul3A_62, %add3A_522 : i32
        %swap3A_524 = arith.index_cast %add3A_523 : i32 to index
        %swap3A_525 = arith.constant 0 : index
        %swap3A_526 = tpu.vector_load %arg9[%swap3A_524, %swap3A_525] {strides = array<i32>} : memref<400x48xf32, #tpu.memory_space<vmem>>, vector<1x16xf32>,
        %swap3A_527 = vector.shape_cast %swap3A_526 : vector<1x16xf32> to vector<16xf32>
        %swap3A_528 = vector.shape_cast %mul3A_521 : vector<16xf32> to vector<1x16xf32>
        tpu.vector_store %arg9[%swap3A_524, %swap3A_525], %swap3A_528 {strides = array<i32>} : memref<400x48xf32, #tpu.memory_space<vmem>>, vector<1x16xf32>,
        %add3A_529 = arith.constant 10 : i32
        %add3A_530 = arith.addi %mul3A_62, %add3A_529 : i32
        %get3A_531 = arith.index_cast %add3A_530 : i32 to index
        %get3A_532 = arith.constant 16 : index
        %get3A_533 = tpu.vector_load %arg9[%get3A_531, %get3A_532] {strides = array<i32>} : memref<400x48xf32, #tpu.memory_space<vmem>>, vector<1x16xf32>,
        %get3A_534 = vector.shape_cast %get3A_533 : vector<1x16xf32> to vector<16xf32>
        %mul3A_535 = arith.mulf %get3A_534, %broadcast_in_dim3A_514 : vector<16xf32>
        %add3A_536 = arith.constant 10 : i32
        %add3A_537 = arith.addi %mul3A_62, %add3A_536 : i32
        %swap3A_538 = arith.index_cast %add3A_537 : i32 to index
        %swap3A_539 = arith.constant 16 : index
        %swap3A_540 = tpu.vector_load %arg9[%swap3A_538, %swap3A_539] {strides = array<i32>} : memref<400x48xf32, #tpu.memory_space<vmem>>, vector<1x16xf32>,
        %swap3A_541 = vector.shape_cast %swap3A_540 : vector<1x16xf32> to vector<16xf32>
        %swap3A_542 = vector.shape_cast %mul3A_535 : vector<16xf32> to vector<1x16xf32>
        tpu.vector_store %arg9[%swap3A_538, %swap3A_539], %swap3A_542 {strides = array<i32>} : memref<400x48xf32, #tpu.memory_space<vmem>>, vector<1x16xf32>,
        %add3A_543 = arith.constant 10 : i32
        %add3A_544 = arith.addi %mul3A_62, %add3A_543 : i32
        %get3A_545 = arith.index_cast %add3A_544 : i32 to index
        %get3A_546 = arith.constant 32 : index
        %get3A_547 = tpu.vector_load %arg9[%get3A_545, %get3A_546] {strides = array<i32>} : memref<400x48xf32, #tpu.memory_space<vmem>>, vector<1x16xf32>,
        %get3A_548 = vector.shape_cast %get3A_547 : vector<1x16xf32> to vector<16xf32>
        %mul3A_549 = arith.mulf %get3A_548, %broadcast_in_dim3A_514 : vector<16xf32>
        %add3A_550 = arith.constant 10 : i32
        %add3A_551 = arith.addi %mul3A_62, %add3A_550 : i32
        %swap3A_552 = arith.index_cast %add3A_551 : i32 to index
        %swap3A_553 = arith.constant 32 : index
        %swap3A_554 = tpu.vector_load %arg9[%swap3A_552, %swap3A_553] {strides = array<i32>} : memref<400x48xf32, #tpu.memory_space<vmem>>, vector<1x16xf32>,
        %swap3A_555 = vector.shape_cast %swap3A_554 : vector<1x16xf32> to vector<16xf32>
        %swap3A_556 = vector.shape_cast %mul3A_549 : vector<16xf32> to vector<1x16xf32>
        tpu.vector_store %arg9[%swap3A_552, %swap3A_553], %swap3A_556 {strides = array<i32>} : memref<400x48xf32, #tpu.memory_space<vmem>>, vector<1x16xf32>,
        %slice3A_557 = vector.extract_strided_slice %get3A_64 {offsets = [11], sizes = [1], strides = [1]} : vector<16xf32> to vector<1xf32>
        %squeeze3A_558 = vector.extract %slice3A_557[0] : f32 from vector<1xf32>
        %broadcast_in_dim3A_559 = vector.broadcast %squeeze3A_558 : f32 to vector<16xf32>
        %add3A_560 = arith.constant 11 : i32
        %add3A_561 = arith.addi %mul3A_62, %add3A_560 : i32
        %get3A_562 = arith.index_cast %add3A_561 : i32 to index
        %get3A_563 = arith.constant 0 : index
        %get3A_564 = tpu.vector_load %arg9[%get3A_562, %get3A_563] {strides = array<i32>} : memref<400x48xf32, #tpu.memory_space<vmem>>, vector<1x16xf32>,
        %get3A_565 = vector.shape_cast %get3A_564 : vector<1x16xf32> to vector<16xf32>
        %mul3A_566 = arith.mulf %get3A_565, %broadcast_in_dim3A_559 : vector<16xf32>
        %add3A_567 = arith.constant 11 : i32
        %add3A_568 = arith.addi %mul3A_62, %add3A_567 : i32
        %swap3A_569 = arith.index_cast %add3A_568 : i32 to index
        %swap3A_570 = arith.constant 0 : index
        %swap3A_571 = tpu.vector_load %arg9[%swap3A_569, %swap3A_570] {strides = array<i32>} : memref<400x48xf32, #tpu.memory_space<vmem>>, vector<1x16xf32>,
        %swap3A_572 = vector.shape_cast %swap3A_571 : vector<1x16xf32> to vector<16xf32>
        %swap3A_573 = vector.shape_cast %mul3A_566 : vector<16xf32> to vector<1x16xf32>
        tpu.vector_store %arg9[%swap3A_569, %swap3A_570], %swap3A_573 {strides = array<i32>} : memref<400x48xf32, #tpu.memory_space<vmem>>, vector<1x16xf32>,
        %add3A_574 = arith.constant 11 : i32
        %add3A_575 = arith.addi %mul3A_62, %add3A_574 : i32
        %get3A_576 = arith.index_cast %add3A_575 : i32 to index
        %get3A_577 = arith.constant 16 : index
        %get3A_578 = tpu.vector_load %arg9[%get3A_576, %get3A_577] {strides = array<i32>} : memref<400x48xf32, #tpu.memory_space<vmem>>, vector<1x16xf32>,
        %get3A_579 = vector.shape_cast %get3A_578 : vector<1x16xf32> to vector<16xf32>
        %mul3A_580 = arith.mulf %get3A_579, %broadcast_in_dim3A_559 : vector<16xf32>
        %add3A_581 = arith.constant 11 : i32
        %add3A_582 = arith.addi %mul3A_62, %add3A_581 : i32
        %swap3A_583 = arith.index_cast %add3A_582 : i32 to index
        %swap3A_584 = arith.constant 16 : index
        %swap3A_585 = tpu.vector_load %arg9[%swap3A_583, %swap3A_584] {strides = array<i32>} : memref<400x48xf32, #tpu.memory_space<vmem>>, vector<1x16xf32>,
        %swap3A_586 = vector.shape_cast %swap3A_585 : vector<1x16xf32> to vector<16xf32>
        %swap3A_587 = vector.shape_cast %mul3A_580 : vector<16xf32> to vector<1x16xf32>
        tpu.vector_store %arg9[%swap3A_583, %swap3A_584], %swap3A_587 {strides = array<i32>} : memref<400x48xf32, #tpu.memory_space<vmem>>, vector<1x16xf32>,
        %add3A_588 = arith.constant 11 : i32
        %add3A_589 = arith.addi %mul3A_62, %add3A_588 : i32
        %get3A_590 = arith.index_cast %add3A_589 : i32 to index
        %get3A_591 = arith.constant 32 : index
        %get3A_592 = tpu.vector_load %arg9[%get3A_590, %get3A_591] {strides = array<i32>} : memref<400x48xf32, #tpu.memory_space<vmem>>, vector<1x16xf32>,
        %get3A_593 = vector.shape_cast %get3A_592 : vector<1x16xf32> to vector<16xf32>
        %mul3A_594 = arith.mulf %get3A_593, %broadcast_in_dim3A_559 : vector<16xf32>
        %add3A_595 = arith.constant 11 : i32
        %add3A_596 = arith.addi %mul3A_62, %add3A_595 : i32
        %swap3A_597 = arith.index_cast %add3A_596 : i32 to index
        %swap3A_598 = arith.constant 32 : index
        %swap3A_599 = tpu.vector_load %arg9[%swap3A_597, %swap3A_598] {strides = array<i32>} : memref<400x48xf32, #tpu.memory_space<vmem>>, vector<1x16xf32>,
        %swap3A_600 = vector.shape_cast %swap3A_599 : vector<1x16xf32> to vector<16xf32>
        %swap3A_601 = vector.shape_cast %mul3A_594 : vector<16xf32> to vector<1x16xf32>
        tpu.vector_store %arg9[%swap3A_597, %swap3A_598], %swap3A_601 {strides = array<i32>} : memref<400x48xf32, #tpu.memory_space<vmem>>, vector<1x16xf32>,
        %slice3A_602 = vector.extract_strided_slice %get3A_64 {offsets = [12], sizes = [1], strides = [1]} : vector<16xf32> to vector<1xf32>
        %squeeze3A_603 = vector.extract %slice3A_602[0] : f32 from vector<1xf32>
        %broadcast_in_dim3A_604 = vector.broadcast %squeeze3A_603 : f32 to vector<16xf32>
        %add3A_605 = arith.constant 12 : i32
        %add3A_606 = arith.addi %mul3A_62, %add3A_605 : i32
        %get3A_607 = arith.index_cast %add3A_606 : i32 to index
        %get3A_608 = arith.constant 0 : index
        %get3A_609 = tpu.vector_load %arg9[%get3A_607, %get3A_608] {strides = array<i32>} : memref<400x48xf32, #tpu.memory_space<vmem>>, vector<1x16xf32>,
        %get3A_610 = vector.shape_cast %get3A_609 : vector<1x16xf32> to vector<16xf32>
        %mul3A_611 = arith.mulf %get3A_610, %broadcast_in_dim3A_604 : vector<16xf32>
        %add3A_612 = arith.constant 12 : i32
        %add3A_613 = arith.addi %mul3A_62, %add3A_612 : i32
        %swap3A_614 = arith.index_cast %add3A_613 : i32 to index
        %swap3A_615 = arith.constant 0 : index
        %swap3A_616 = tpu.vector_load %arg9[%swap3A_614, %swap3A_615] {strides = array<i32>} : memref<400x48xf32, #tpu.memory_space<vmem>>, vector<1x16xf32>,
        %swap3A_617 = vector.shape_cast %swap3A_616 : vector<1x16xf32> to vector<16xf32>
        %swap3A_618 = vector.shape_cast %mul3A_611 : vector<16xf32> to vector<1x16xf32>
        tpu.vector_store %arg9[%swap3A_614, %swap3A_615], %swap3A_618 {strides = array<i32>} : memref<400x48xf32, #tpu.memory_space<vmem>>, vector<1x16xf32>,
        %add3A_619 = arith.constant 12 : i32
        %add3A_620 = arith.addi %mul3A_62, %add3A_619 : i32
        %get3A_621 = arith.index_cast %add3A_620 : i32 to index
        %get3A_622 = arith.constant 16 : index
        %get3A_623 = tpu.vector_load %arg9[%get3A_621, %get3A_622] {strides = array<i32>} : memref<400x48xf32, #tpu.memory_space<vmem>>, vector<1x16xf32>,
        %get3A_624 = vector.shape_cast %get3A_623 : vector<1x16xf32> to vector<16xf32>
        %mul3A_625 = arith.mulf %get3A_624, %broadcast_in_dim3A_604 : vector<16xf32>
        %add3A_626 = arith.constant 12 : i32
        %add3A_627 = arith.addi %mul3A_62, %add3A_626 : i32
        %swap3A_628 = arith.index_cast %add3A_627 : i32 to index
        %swap3A_629 = arith.constant 16 : index
        %swap3A_630 = tpu.vector_load %arg9[%swap3A_628, %swap3A_629] {strides = array<i32>} : memref<400x48xf32, #tpu.memory_space<vmem>>, vector<1x16xf32>,
        %swap3A_631 = vector.shape_cast %swap3A_630 : vector<1x16xf32> to vector<16xf32>
        %swap3A_632 = vector.shape_cast %mul3A_625 : vector<16xf32> to vector<1x16xf32>
        tpu.vector_store %arg9[%swap3A_628, %swap3A_629], %swap3A_632 {strides = array<i32>} : memref<400x48xf32, #tpu.memory_space<vmem>>, vector<1x16xf32>,
        %add3A_633 = arith.constant 12 : i32
        %add3A_634 = arith.addi %mul3A_62, %add3A_633 : i32
        %get3A_635 = arith.index_cast %add3A_634 : i32 to index
        %get3A_636 = arith.constant 32 : index
        %get3A_637 = tpu.vector_load %arg9[%get3A_635, %get3A_636] {strides = array<i32>} : memref<400x48xf32, #tpu.memory_space<vmem>>, vector<1x16xf32>,
        %get3A_638 = vector.shape_cast %get3A_637 : vector<1x16xf32> to vector<16xf32>
        %mul3A_639 = arith.mulf %get3A_638, %broadcast_in_dim3A_604 : vector<16xf32>
        %add3A_640 = arith.constant 12 : i32
        %add3A_641 = arith.addi %mul3A_62, %add3A_640 : i32
        %swap3A_642 = arith.index_cast %add3A_641 : i32 to index
        %swap3A_643 = arith.constant 32 : index
        %swap3A_644 = tpu.vector_load %arg9[%swap3A_642, %swap3A_643] {strides = array<i32>} : memref<400x48xf32, #tpu.memory_space<vmem>>, vector<1x16xf32>,
        %swap3A_645 = vector.shape_cast %swap3A_644 : vector<1x16xf32> to vector<16xf32>
        %swap3A_646 = vector.shape_cast %mul3A_639 : vector<16xf32> to vector<1x16xf32>
        tpu.vector_store %arg9[%swap3A_642, %swap3A_643], %swap3A_646 {strides = array<i32>} : memref<400x48xf32, #tpu.memory_space<vmem>>, vector<1x16xf32>,
        %slice3A_647 = vector.extract_strided_slice %get3A_64 {offsets = [13], sizes = [1], strides = [1]} : vector<16xf32> to vector<1xf32>
        %squeeze3A_648 = vector.extract %slice3A_647[0] : f32 from vector<1xf32>
        %broadcast_in_dim3A_649 = vector.broadcast %squeeze3A_648 : f32 to vector<16xf32>
        %add3A_650 = arith.constant 13 : i32
        %add3A_651 = arith.addi %mul3A_62, %add3A_650 : i32
        %get3A_652 = arith.index_cast %add3A_651 : i32 to index
        %get3A_653 = arith.constant 0 : index
        %get3A_654 = tpu.vector_load %arg9[%get3A_652, %get3A_653] {strides = array<i32>} : memref<400x48xf32, #tpu.memory_space<vmem>>, vector<1x16xf32>,
        %get3A_655 = vector.shape_cast %get3A_654 : vector<1x16xf32> to vector<16xf32>
        %mul3A_656 = arith.mulf %get3A_655, %broadcast_in_dim3A_649 : vector<16xf32>
        %add3A_657 = arith.constant 13 : i32
        %add3A_658 = arith.addi %mul3A_62, %add3A_657 : i32
        %swap3A_659 = arith.index_cast %add3A_658 : i32 to index
        %swap3A_660 = arith.constant 0 : index
        %swap3A_661 = tpu.vector_load %arg9[%swap3A_659, %swap3A_660] {strides = array<i32>} : memref<400x48xf32, #tpu.memory_space<vmem>>, vector<1x16xf32>,
        %swap3A_662 = vector.shape_cast %swap3A_661 : vector<1x16xf32> to vector<16xf32>
        %swap3A_663 = vector.shape_cast %mul3A_656 : vector<16xf32> to vector<1x16xf32>
        tpu.vector_store %arg9[%swap3A_659, %swap3A_660], %swap3A_663 {strides = array<i32>} : memref<400x48xf32, #tpu.memory_space<vmem>>, vector<1x16xf32>,
        %add3A_664 = arith.constant 13 : i32
        %add3A_665 = arith.addi %mul3A_62, %add3A_664 : i32
        %get3A_666 = arith.index_cast %add3A_665 : i32 to index
        %get3A_667 = arith.constant 16 : index
        %get3A_668 = tpu.vector_load %arg9[%get3A_666, %get3A_667] {strides = array<i32>} : memref<400x48xf32, #tpu.memory_space<vmem>>, vector<1x16xf32>,
        %get3A_669 = vector.shape_cast %get3A_668 : vector<1x16xf32> to vector<16xf32>
        %mul3A_670 = arith.mulf %get3A_669, %broadcast_in_dim3A_649 : vector<16xf32>
        %add3A_671 = arith.constant 13 : i32
        %add3A_672 = arith.addi %mul3A_62, %add3A_671 : i32
        %swap3A_673 = arith.index_cast %add3A_672 : i32 to index
        %swap3A_674 = arith.constant 16 : index
        %swap3A_675 = tpu.vector_load %arg9[%swap3A_673, %swap3A_674] {strides = array<i32>} : memref<400x48xf32, #tpu.memory_space<vmem>>, vector<1x16xf32>,
        %swap3A_676 = vector.shape_cast %swap3A_675 : vector<1x16xf32> to vector<16xf32>
        %swap3A_677 = vector.shape_cast %mul3A_670 : vector<16xf32> to vector<1x16xf32>
        tpu.vector_store %arg9[%swap3A_673, %swap3A_674], %swap3A_677 {strides = array<i32>} : memref<400x48xf32, #tpu.memory_space<vmem>>, vector<1x16xf32>,
        %add3A_678 = arith.constant 13 : i32
        %add3A_679 = arith.addi %mul3A_62, %add3A_678 : i32
        %get3A_680 = arith.index_cast %add3A_679 : i32 to index
        %get3A_681 = arith.constant 32 : index
        %get3A_682 = tpu.vector_load %arg9[%get3A_680, %get3A_681] {strides = array<i32>} : memref<400x48xf32, #tpu.memory_space<vmem>>, vector<1x16xf32>,
        %get3A_683 = vector.shape_cast %get3A_682 : vector<1x16xf32> to vector<16xf32>
        %mul3A_684 = arith.mulf %get3A_683, %broadcast_in_dim3A_649 : vector<16xf32>
        %add3A_685 = arith.constant 13 : i32
        %add3A_686 = arith.addi %mul3A_62, %add3A_685 : i32
        %swap3A_687 = arith.index_cast %add3A_686 : i32 to index
        %swap3A_688 = arith.constant 32 : index
        %swap3A_689 = tpu.vector_load %arg9[%swap3A_687, %swap3A_688] {strides = array<i32>} : memref<400x48xf32, #tpu.memory_space<vmem>>, vector<1x16xf32>,
        %swap3A_690 = vector.shape_cast %swap3A_689 : vector<1x16xf32> to vector<16xf32>
        %swap3A_691 = vector.shape_cast %mul3A_684 : vector<16xf32> to vector<1x16xf32>
        tpu.vector_store %arg9[%swap3A_687, %swap3A_688], %swap3A_691 {strides = array<i32>} : memref<400x48xf32, #tpu.memory_space<vmem>>, vector<1x16xf32>,
        %slice3A_692 = vector.extract_strided_slice %get3A_64 {offsets = [14], sizes = [1], strides = [1]} : vector<16xf32> to vector<1xf32>
        %squeeze3A_693 = vector.extract %slice3A_692[0] : f32 from vector<1xf32>
        %broadcast_in_dim3A_694 = vector.broadcast %squeeze3A_693 : f32 to vector<16xf32>
        %add3A_695 = arith.constant 14 : i32
        %add3A_696 = arith.addi %mul3A_62, %add3A_695 : i32
        %get3A_697 = arith.index_cast %add3A_696 : i32 to index
        %get3A_698 = arith.constant 0 : index
        %get3A_699 = tpu.vector_load %arg9[%get3A_697, %get3A_698] {strides = array<i32>} : memref<400x48xf32, #tpu.memory_space<vmem>>, vector<1x16xf32>,
        %get3A_700 = vector.shape_cast %get3A_699 : vector<1x16xf32> to vector<16xf32>
        %mul3A_701 = arith.mulf %get3A_700, %broadcast_in_dim3A_694 : vector<16xf32>
        %add3A_702 = arith.constant 14 : i32
        %add3A_703 = arith.addi %mul3A_62, %add3A_702 : i32
        %swap3A_704 = arith.index_cast %add3A_703 : i32 to index
        %swap3A_705 = arith.constant 0 : index
        %swap3A_706 = tpu.vector_load %arg9[%swap3A_704, %swap3A_705] {strides = array<i32>} : memref<400x48xf32, #tpu.memory_space<vmem>>, vector<1x16xf32>,
        %swap3A_707 = vector.shape_cast %swap3A_706 : vector<1x16xf32> to vector<16xf32>
        %swap3A_708 = vector.shape_cast %mul3A_701 : vector<16xf32> to vector<1x16xf32>
        tpu.vector_store %arg9[%swap3A_704, %swap3A_705], %swap3A_708 {strides = array<i32>} : memref<400x48xf32, #tpu.memory_space<vmem>>, vector<1x16xf32>,
        %add3A_709 = arith.constant 14 : i32
        %add3A_710 = arith.addi %mul3A_62, %add3A_709 : i32
        %get3A_711 = arith.index_cast %add3A_710 : i32 to index
        %get3A_712 = arith.constant 16 : index
        %get3A_713 = tpu.vector_load %arg9[%get3A_711, %get3A_712] {strides = array<i32>} : memref<400x48xf32, #tpu.memory_space<vmem>>, vector<1x16xf32>,
        %get3A_714 = vector.shape_cast %get3A_713 : vector<1x16xf32> to vector<16xf32>
        %mul3A_715 = arith.mulf %get3A_714, %broadcast_in_dim3A_694 : vector<16xf32>
        %add3A_716 = arith.constant 14 : i32
        %add3A_717 = arith.addi %mul3A_62, %add3A_716 : i32
        %swap3A_718 = arith.index_cast %add3A_717 : i32 to index
        %swap3A_719 = arith.constant 16 : index
        %swap3A_720 = tpu.vector_load %arg9[%swap3A_718, %swap3A_719] {strides = array<i32>} : memref<400x48xf32, #tpu.memory_space<vmem>>, vector<1x16xf32>,
        %swap3A_721 = vector.shape_cast %swap3A_720 : vector<1x16xf32> to vector<16xf32>
        %swap3A_722 = vector.shape_cast %mul3A_715 : vector<16xf32> to vector<1x16xf32>
        tpu.vector_store %arg9[%swap3A_718, %swap3A_719], %swap3A_722 {strides = array<i32>} : memref<400x48xf32, #tpu.memory_space<vmem>>, vector<1x16xf32>,
        %add3A_723 = arith.constant 14 : i32
        %add3A_724 = arith.addi %mul3A_62, %add3A_723 : i32
        %get3A_725 = arith.index_cast %add3A_724 : i32 to index
        %get3A_726 = arith.constant 32 : index
        %get3A_727 = tpu.vector_load %arg9[%get3A_725, %get3A_726] {strides = array<i32>} : memref<400x48xf32, #tpu.memory_space<vmem>>, vector<1x16xf32>,
        %get3A_728 = vector.shape_cast %get3A_727 : vector<1x16xf32> to vector<16xf32>
        %mul3A_729 = arith.mulf %get3A_728, %broadcast_in_dim3A_694 : vector<16xf32>
        %add3A_730 = arith.constant 14 : i32
        %add3A_731 = arith.addi %mul3A_62, %add3A_730 : i32
        %swap3A_732 = arith.index_cast %add3A_731 : i32 to index
        %swap3A_733 = arith.constant 32 : index
        %swap3A_734 = tpu.vector_load %arg9[%swap3A_732, %swap3A_733] {strides = array<i32>} : memref<400x48xf32, #tpu.memory_space<vmem>>, vector<1x16xf32>,
        %swap3A_735 = vector.shape_cast %swap3A_734 : vector<1x16xf32> to vector<16xf32>
        %swap3A_736 = vector.shape_cast %mul3A_729 : vector<16xf32> to vector<1x16xf32>
        tpu.vector_store %arg9[%swap3A_732, %swap3A_733], %swap3A_736 {strides = array<i32>} : memref<400x48xf32, #tpu.memory_space<vmem>>, vector<1x16xf32>,
        %slice3A_737 = vector.extract_strided_slice %get3A_64 {offsets = [15], sizes = [1], strides = [1]} : vector<16xf32> to vector<1xf32>
        %squeeze3A_738 = vector.extract %slice3A_737[0] : f32 from vector<1xf32>
        %broadcast_in_dim3A_739 = vector.broadcast %squeeze3A_738 : f32 to vector<16xf32>
        %add3A_740 = arith.constant 15 : i32
        %add3A_741 = arith.addi %mul3A_62, %add3A_740 : i32
        %get3A_742 = arith.index_cast %add3A_741 : i32 to index
        %get3A_743 = arith.constant 0 : index
        %get3A_744 = tpu.vector_load %arg9[%get3A_742, %get3A_743] {strides = array<i32>} : memref<400x48xf32, #tpu.memory_space<vmem>>, vector<1x16xf32>,
        %get3A_745 = vector.shape_cast %get3A_744 : vector<1x16xf32> to vector<16xf32>
        %mul3A_746 = arith.mulf %get3A_745, %broadcast_in_dim3A_739 : vector<16xf32>
        %add3A_747 = arith.constant 15 : i32
        %add3A_748 = arith.addi %mul3A_62, %add3A_747 : i32
        %swap3A_749 = arith.index_cast %add3A_748 : i32 to index
        %swap3A_750 = arith.constant 0 : index
        %swap3A_751 = tpu.vector_load %arg9[%swap3A_749, %swap3A_750] {strides = array<i32>} : memref<400x48xf32, #tpu.memory_space<vmem>>, vector<1x16xf32>,
        %swap3A_752 = vector.shape_cast %swap3A_751 : vector<1x16xf32> to vector<16xf32>
        %swap3A_753 = vector.shape_cast %mul3A_746 : vector<16xf32> to vector<1x16xf32>
        tpu.vector_store %arg9[%swap3A_749, %swap3A_750], %swap3A_753 {strides = array<i32>} : memref<400x48xf32, #tpu.memory_space<vmem>>, vector<1x16xf32>,
        %add3A_754 = arith.constant 15 : i32
        %add3A_755 = arith.addi %mul3A_62, %add3A_754 : i32
        %get3A_756 = arith.index_cast %add3A_755 : i32 to index
        %get3A_757 = arith.constant 16 : index
        %get3A_758 = tpu.vector_load %arg9[%get3A_756, %get3A_757] {strides = array<i32>} : memref<400x48xf32, #tpu.memory_space<vmem>>, vector<1x16xf32>,
        %get3A_759 = vector.shape_cast %get3A_758 : vector<1x16xf32> to vector<16xf32>
        %mul3A_760 = arith.mulf %get3A_759, %broadcast_in_dim3A_739 : vector<16xf32>
        %add3A_761 = arith.constant 15 : i32
        %add3A_762 = arith.addi %mul3A_62, %add3A_761 : i32
        %swap3A_763 = arith.index_cast %add3A_762 : i32 to index
        %swap3A_764 = arith.constant 16 : index
        %swap3A_765 = tpu.vector_load %arg9[%swap3A_763, %swap3A_764] {strides = array<i32>} : memref<400x48xf32, #tpu.memory_space<vmem>>, vector<1x16xf32>,
        %swap3A_766 = vector.shape_cast %swap3A_765 : vector<1x16xf32> to vector<16xf32>
        %swap3A_767 = vector.shape_cast %mul3A_760 : vector<16xf32> to vector<1x16xf32>
        tpu.vector_store %arg9[%swap3A_763, %swap3A_764], %swap3A_767 {strides = array<i32>} : memref<400x48xf32, #tpu.memory_space<vmem>>, vector<1x16xf32>,
        %add3A_768 = arith.constant 15 : i32
        %add3A_769 = arith.addi %mul3A_62, %add3A_768 : i32
        %get3A_770 = arith.index_cast %add3A_769 : i32 to index
        %get3A_771 = arith.constant 32 : index
        %get3A_772 = tpu.vector_load %arg9[%get3A_770, %get3A_771] {strides = array<i32>} : memref<400x48xf32, #tpu.memory_space<vmem>>, vector<1x16xf32>,
        %get3A_773 = vector.shape_cast %get3A_772 : vector<1x16xf32> to vector<16xf32>
        %mul3A_774 = arith.mulf %get3A_773, %broadcast_in_dim3A_739 : vector<16xf32>
        %add3A_775 = arith.constant 15 : i32
        %add3A_776 = arith.addi %mul3A_62, %add3A_775 : i32
        %swap3A_777 = arith.index_cast %add3A_776 : i32 to index
        %swap3A_778 = arith.constant 32 : index
        %swap3A_779 = tpu.vector_load %arg9[%swap3A_777, %swap3A_778] {strides = array<i32>} : memref<400x48xf32, #tpu.memory_space<vmem>>, vector<1x16xf32>,
        %swap3A_780 = vector.shape_cast %swap3A_779 : vector<1x16xf32> to vector<16xf32>
        %swap3A_781 = vector.shape_cast %mul3A_774 : vector<16xf32> to vector<1x16xf32>
        tpu.vector_store %arg9[%swap3A_777, %swap3A_778], %swap3A_781 {strides = array<i32>} : memref<400x48xf32, #tpu.memory_space<vmem>>, vector<1x16xf32>,
      }
      %scan3A_59 = arith.constant 25 : i32
      "tpu.region"() ({
        %run_scoped3A = tpu.sem_alloc : memref<!tpu.dma_semaphore, #tpu.memory_space<semaphore_mem>>
        %dma_start3A_60 = arith.constant 0 : i32
        %dma_start3A_61 = arith.constant 0 : i32
        %dma_start3A_62 = tpu.memref_slice %arg10[%dma_start3A_60, %dma_start3A_61] : memref<10240x48xf32, #tpu.memory_space<vmem_shared>> -> memref<10240x48xf32, #tpu.memory_space<vmem_shared>>
        tpu.enqueue_indirect_dma source(%arg9 : memref<400x48xf32, #tpu.memory_space<vmem>>) target(%dma_start3A_62 : memref<10240x48xf32, #tpu.memory_space<vmem_shared>>) offsets(%arg7 : memref<400xi32, #tpu.memory_space<vmem>>) semaphore(%run_scoped3A : memref<!tpu.dma_semaphore, #tpu.memory_space<semaphore_mem>>) {add = true}
        %dma_wait3A_63 = arith.constant 0 : i32
        %dma_wait3A_64 = arith.constant 0 : i32
        %dma_wait3A_65 = tpu.memref_slice %arg10[%dma_wait3A_63, %dma_wait3A_64] : memref<10240x48xf32, #tpu.memory_space<vmem_shared>> -> memref<10240x48xf32, #tpu.memory_space<vmem_shared>>
        tpu.wait_indirect_dma semaphore(%run_scoped3A : memref<!tpu.dma_semaphore, #tpu.memory_space<semaphore_mem>>) src(%arg9 : memref<400x48xf32, #tpu.memory_space<vmem>>) dst(%dma_wait3A_65 : memref<10240x48xf32, #tpu.memory_space<vmem_shared>>)
        tpu.yield
      }) : () -> ()
    }
    %scan3A_29 = arith.constant 50 : i32
    %barrier3A_30 = arith.constant 0 : index
    tpu.barrier barrier_id(%barrier3A_30)
    %mul3A_31 = arith.constant 640 : i32
    %mul3A_32 = arith.muli %arg1, %mul3A_31 : i32
    %mul3A_33 = arith.constant 640 : i32
    %mul3A_34 = arith.muli %arg1, %mul3A_33 : i32
    "tpu.region"() ({
      %run_scoped3A = tpu.sem_alloc : memref<!tpu.dma_semaphore, #tpu.memory_space<semaphore_mem>>
      %dma_start3A = arith.constant 0 : i32
      %dma_start3A_35 = tpu.memref_slice %arg5[%arg0, %mul3A_34, %dma_start3A] : memref<2x10240x48xf32, #tpu.memory_space<hbm>> -> memref<1x640x48xf32, #tpu.memory_space<hbm>>
      %dma_start3A_36 = tpu.memref_squeeze %dma_start3A_35 : memref<1x640x48xf32, #tpu.memory_space<hbm>> -> memref<640x48xf32, #tpu.memory_space<hbm>>
      %dma_start3A_37 = arith.constant 0 : i32
      %dma_start3A_38 = tpu.memref_slice %arg10[%mul3A_32, %dma_start3A_37] : memref<10240x48xf32, #tpu.memory_space<vmem_shared>> -> memref<640x48xf32, #tpu.memory_space<vmem_shared>>
      tpu.enqueue_dma source(%dma_start3A_38 : memref<640x48xf32, #tpu.memory_space<vmem_shared>>) target(%dma_start3A_36 : memref<640x48xf32, #tpu.memory_space<hbm>>) target_semaphore(%run_scoped3A : memref<!tpu.dma_semaphore, #tpu.memory_space<semaphore_mem>>)
      %dma_wait3A = arith.constant 0 : i32
      %dma_wait3A_39 = tpu.memref_slice %arg5[%arg0, %mul3A_34, %dma_wait3A] : memref<2x10240x48xf32, #tpu.memory_space<hbm>> -> memref<1x640x48xf32, #tpu.memory_space<hbm>>
      %dma_wait3A_40 = tpu.memref_squeeze %dma_wait3A_39 : memref<1x640x48xf32, #tpu.memory_space<hbm>> -> memref<640x48xf32, #tpu.memory_space<hbm>>
      %dma_wait3A_41 = arith.constant 0 : i32
      %dma_wait3A_42 = tpu.memref_slice %arg10[%mul3A_32, %dma_wait3A_41] : memref<10240x48xf32, #tpu.memory_space<vmem_shared>> -> memref<640x48xf32, #tpu.memory_space<vmem_shared>>
      tpu.wait_dma2 semaphore(%run_scoped3A : memref<!tpu.dma_semaphore, #tpu.memory_space<semaphore_mem>>) src(%dma_wait3A_42 : memref<640x48xf32, #tpu.memory_space<vmem_shared>>) dst(%dma_wait3A_40 : memref<640x48xf32, #tpu.memory_space<hbm>>)
      tpu.yield
    }) : () -> ()
    return
  }
}

#map = affine_map<(d0, d1) -> (0)>
#map1 = affine_map<(d0, d1) -> (0, 0, 0)>
module attributes {stable_mosaic.version = 14 : i64} {
  func.func @degrees(%arg0: i32, %arg1: i32, %arg2: memref<320000xi32, #tpu.memory_space<hbm>>, %arg3: memref<320000xi32, #tpu.memory_space<hbm>>, %arg4: memref<320000xf32, #tpu.memory_space<hbm>>, %arg5: memref<2x2x10240xf32, #tpu.memory_space<hbm>>, %arg6: memref<1000xi32, #tpu.memory_space<vmem>>, %arg7: memref<1000xi32, #tpu.memory_space<vmem>>, %arg8: memref<1000xf32, #tpu.memory_space<vmem>>, %arg9: memref<640xf32, #tpu.memory_space<vmem>>, %arg10: memref<10240xf32, #tpu.memory_space<vmem_shared>>, %arg11: memref<10240xf32, #tpu.memory_space<vmem_shared>>) attributes {dimension_semantics = [#tpu.dimension_semantics<core_parallel>, #tpu.dimension_semantics<subcore_parallel>], iteration_bounds = array<i64: 2, 16>, scalar_prefetch = 0 : i64, scratch_operands = 6 : i64, tpu.core_type = #tpu.core_type<sc_vector_subcore>, window_params = [{transform_indices = #map}, {transform_indices = #map}, {transform_indices = #map}, {transform_indices = #map1}]} {
    %mul3A = arith.constant 2 : i32
    %mul3A_0 = arith.muli %arg1, %mul3A : i32
    %add3A = arith.addi %mul3A_0, %arg0 : i32
    %broadcast_in_dim3A = arith.constant 0.000000e+00 : f32
    %broadcast_in_dim3A_1 = vector.broadcast %broadcast_in_dim3A : f32 to vector<16xf32>
    %swap3A = arith.constant 0 : index
    %swap3A_2 = tpu.vector_load %arg9[%swap3A] {strides = array<i32>} : memref<640xf32, #tpu.memory_space<vmem>>, vector<16xf32>,
    %swap3A_3 = vector.shape_cast %swap3A_2 : vector<16xf32> to vector<16xf32>
    %swap3A_4 = vector.shape_cast %broadcast_in_dim3A_1 : vector<16xf32> to vector<16xf32>
    tpu.vector_store %arg9[%swap3A], %swap3A_4 {strides = array<i32>} : memref<640xf32, #tpu.memory_space<vmem>>, vector<16xf32>,
    %swap3A_5 = arith.constant 16 : index
    %swap3A_6 = tpu.vector_load %arg9[%swap3A_5] {strides = array<i32>} : memref<640xf32, #tpu.memory_space<vmem>>, vector<16xf32>,
    %swap3A_7 = vector.shape_cast %swap3A_6 : vector<16xf32> to vector<16xf32>
    %swap3A_8 = vector.shape_cast %broadcast_in_dim3A_1 : vector<16xf32> to vector<16xf32>
    tpu.vector_store %arg9[%swap3A_5], %swap3A_8 {strides = array<i32>} : memref<640xf32, #tpu.memory_space<vmem>>, vector<16xf32>,
    %swap3A_9 = arith.constant 32 : index
    %swap3A_10 = tpu.vector_load %arg9[%swap3A_9] {strides = array<i32>} : memref<640xf32, #tpu.memory_space<vmem>>, vector<16xf32>,
    %swap3A_11 = vector.shape_cast %swap3A_10 : vector<16xf32> to vector<16xf32>
    %swap3A_12 = vector.shape_cast %broadcast_in_dim3A_1 : vector<16xf32> to vector<16xf32>
    tpu.vector_store %arg9[%swap3A_9], %swap3A_12 {strides = array<i32>} : memref<640xf32, #tpu.memory_space<vmem>>, vector<16xf32>,
    %swap3A_13 = arith.constant 48 : index
    %swap3A_14 = tpu.vector_load %arg9[%swap3A_13] {strides = array<i32>} : memref<640xf32, #tpu.memory_space<vmem>>, vector<16xf32>,
    %swap3A_15 = vector.shape_cast %swap3A_14 : vector<16xf32> to vector<16xf32>
    %swap3A_16 = vector.shape_cast %broadcast_in_dim3A_1 : vector<16xf32> to vector<16xf32>
    tpu.vector_store %arg9[%swap3A_13], %swap3A_16 {strides = array<i32>} : memref<640xf32, #tpu.memory_space<vmem>>, vector<16xf32>,
    %swap3A_17 = arith.constant 64 : index
    %swap3A_18 = tpu.vector_load %arg9[%swap3A_17] {strides = array<i32>} : memref<640xf32, #tpu.memory_space<vmem>>, vector<16xf32>,
    %swap3A_19 = vector.shape_cast %swap3A_18 : vector<16xf32> to vector<16xf32>
    %swap3A_20 = vector.shape_cast %broadcast_in_dim3A_1 : vector<16xf32> to vector<16xf32>
    tpu.vector_store %arg9[%swap3A_17], %swap3A_20 {strides = array<i32>} : memref<640xf32, #tpu.memory_space<vmem>>, vector<16xf32>,
    %swap3A_21 = arith.constant 80 : index
    %swap3A_22 = tpu.vector_load %arg9[%swap3A_21] {strides = array<i32>} : memref<640xf32, #tpu.memory_space<vmem>>, vector<16xf32>,
    %swap3A_23 = vector.shape_cast %swap3A_22 : vector<16xf32> to vector<16xf32>
    %swap3A_24 = vector.shape_cast %broadcast_in_dim3A_1 : vector<16xf32> to vector<16xf32>
    tpu.vector_store %arg9[%swap3A_21], %swap3A_24 {strides = array<i32>} : memref<640xf32, #tpu.memory_space<vmem>>, vector<16xf32>,
    %swap3A_25 = arith.constant 96 : index
    %swap3A_26 = tpu.vector_load %arg9[%swap3A_25] {strides = array<i32>} : memref<640xf32, #tpu.memory_space<vmem>>, vector<16xf32>,
    %swap3A_27 = vector.shape_cast %swap3A_26 : vector<16xf32> to vector<16xf32>
    %swap3A_28 = vector.shape_cast %broadcast_in_dim3A_1 : vector<16xf32> to vector<16xf32>
    tpu.vector_store %arg9[%swap3A_25], %swap3A_28 {strides = array<i32>} : memref<640xf32, #tpu.memory_space<vmem>>, vector<16xf32>,
    %swap3A_29 = arith.constant 112 : index
    %swap3A_30 = tpu.vector_load %arg9[%swap3A_29] {strides = array<i32>} : memref<640xf32, #tpu.memory_space<vmem>>, vector<16xf32>,
    %swap3A_31 = vector.shape_cast %swap3A_30 : vector<16xf32> to vector<16xf32>
    %swap3A_32 = vector.shape_cast %broadcast_in_dim3A_1 : vector<16xf32> to vector<16xf32>
    tpu.vector_store %arg9[%swap3A_29], %swap3A_32 {strides = array<i32>} : memref<640xf32, #tpu.memory_space<vmem>>, vector<16xf32>,
    %swap3A_33 = arith.constant 128 : index
    %swap3A_34 = tpu.vector_load %arg9[%swap3A_33] {strides = array<i32>} : memref<640xf32, #tpu.memory_space<vmem>>, vector<16xf32>,
    %swap3A_35 = vector.shape_cast %swap3A_34 : vector<16xf32> to vector<16xf32>
    %swap3A_36 = vector.shape_cast %broadcast_in_dim3A_1 : vector<16xf32> to vector<16xf32>
    tpu.vector_store %arg9[%swap3A_33], %swap3A_36 {strides = array<i32>} : memref<640xf32, #tpu.memory_space<vmem>>, vector<16xf32>,
    %swap3A_37 = arith.constant 144 : index
    %swap3A_38 = tpu.vector_load %arg9[%swap3A_37] {strides = array<i32>} : memref<640xf32, #tpu.memory_space<vmem>>, vector<16xf32>,
    %swap3A_39 = vector.shape_cast %swap3A_38 : vector<16xf32> to vector<16xf32>
    %swap3A_40 = vector.shape_cast %broadcast_in_dim3A_1 : vector<16xf32> to vector<16xf32>
    tpu.vector_store %arg9[%swap3A_37], %swap3A_40 {strides = array<i32>} : memref<640xf32, #tpu.memory_space<vmem>>, vector<16xf32>,
    %swap3A_41 = arith.constant 160 : index
    %swap3A_42 = tpu.vector_load %arg9[%swap3A_41] {strides = array<i32>} : memref<640xf32, #tpu.memory_space<vmem>>, vector<16xf32>,
    %swap3A_43 = vector.shape_cast %swap3A_42 : vector<16xf32> to vector<16xf32>
    %swap3A_44 = vector.shape_cast %broadcast_in_dim3A_1 : vector<16xf32> to vector<16xf32>
    tpu.vector_store %arg9[%swap3A_41], %swap3A_44 {strides = array<i32>} : memref<640xf32, #tpu.memory_space<vmem>>, vector<16xf32>,
    %swap3A_45 = arith.constant 176 : index
    %swap3A_46 = tpu.vector_load %arg9[%swap3A_45] {strides = array<i32>} : memref<640xf32, #tpu.memory_space<vmem>>, vector<16xf32>,
    %swap3A_47 = vector.shape_cast %swap3A_46 : vector<16xf32> to vector<16xf32>
    %swap3A_48 = vector.shape_cast %broadcast_in_dim3A_1 : vector<16xf32> to vector<16xf32>
    tpu.vector_store %arg9[%swap3A_45], %swap3A_48 {strides = array<i32>} : memref<640xf32, #tpu.memory_space<vmem>>, vector<16xf32>,
    %swap3A_49 = arith.constant 192 : index
    %swap3A_50 = tpu.vector_load %arg9[%swap3A_49] {strides = array<i32>} : memref<640xf32, #tpu.memory_space<vmem>>, vector<16xf32>,
    %swap3A_51 = vector.shape_cast %swap3A_50 : vector<16xf32> to vector<16xf32>
    %swap3A_52 = vector.shape_cast %broadcast_in_dim3A_1 : vector<16xf32> to vector<16xf32>
    tpu.vector_store %arg9[%swap3A_49], %swap3A_52 {strides = array<i32>} : memref<640xf32, #tpu.memory_space<vmem>>, vector<16xf32>,
    %swap3A_53 = arith.constant 208 : index
    %swap3A_54 = tpu.vector_load %arg9[%swap3A_53] {strides = array<i32>} : memref<640xf32, #tpu.memory_space<vmem>>, vector<16xf32>,
    %swap3A_55 = vector.shape_cast %swap3A_54 : vector<16xf32> to vector<16xf32>
    %swap3A_56 = vector.shape_cast %broadcast_in_dim3A_1 : vector<16xf32> to vector<16xf32>
    tpu.vector_store %arg9[%swap3A_53], %swap3A_56 {strides = array<i32>} : memref<640xf32, #tpu.memory_space<vmem>>, vector<16xf32>,
    %swap3A_57 = arith.constant 224 : index
    %swap3A_58 = tpu.vector_load %arg9[%swap3A_57] {strides = array<i32>} : memref<640xf32, #tpu.memory_space<vmem>>, vector<16xf32>,
    %swap3A_59 = vector.shape_cast %swap3A_58 : vector<16xf32> to vector<16xf32>
    %swap3A_60 = vector.shape_cast %broadcast_in_dim3A_1 : vector<16xf32> to vector<16xf32>
    tpu.vector_store %arg9[%swap3A_57], %swap3A_60 {strides = array<i32>} : memref<640xf32, #tpu.memory_space<vmem>>, vector<16xf32>,
    %swap3A_61 = arith.constant 240 : index
    %swap3A_62 = tpu.vector_load %arg9[%swap3A_61] {strides = array<i32>} : memref<640xf32, #tpu.memory_space<vmem>>, vector<16xf32>,
    %swap3A_63 = vector.shape_cast %swap3A_62 : vector<16xf32> to vector<16xf32>
    %swap3A_64 = vector.shape_cast %broadcast_in_dim3A_1 : vector<16xf32> to vector<16xf32>
    tpu.vector_store %arg9[%swap3A_61], %swap3A_64 {strides = array<i32>} : memref<640xf32, #tpu.memory_space<vmem>>, vector<16xf32>,
    %swap3A_65 = arith.constant 256 : index
    %swap3A_66 = tpu.vector_load %arg9[%swap3A_65] {strides = array<i32>} : memref<640xf32, #tpu.memory_space<vmem>>, vector<16xf32>,
    %swap3A_67 = vector.shape_cast %swap3A_66 : vector<16xf32> to vector<16xf32>
    %swap3A_68 = vector.shape_cast %broadcast_in_dim3A_1 : vector<16xf32> to vector<16xf32>
    tpu.vector_store %arg9[%swap3A_65], %swap3A_68 {strides = array<i32>} : memref<640xf32, #tpu.memory_space<vmem>>, vector<16xf32>,
    %swap3A_69 = arith.constant 272 : index
    %swap3A_70 = tpu.vector_load %arg9[%swap3A_69] {strides = array<i32>} : memref<640xf32, #tpu.memory_space<vmem>>, vector<16xf32>,
    %swap3A_71 = vector.shape_cast %swap3A_70 : vector<16xf32> to vector<16xf32>
    %swap3A_72 = vector.shape_cast %broadcast_in_dim3A_1 : vector<16xf32> to vector<16xf32>
    tpu.vector_store %arg9[%swap3A_69], %swap3A_72 {strides = array<i32>} : memref<640xf32, #tpu.memory_space<vmem>>, vector<16xf32>,
    %swap3A_73 = arith.constant 288 : index
    %swap3A_74 = tpu.vector_load %arg9[%swap3A_73] {strides = array<i32>} : memref<640xf32, #tpu.memory_space<vmem>>, vector<16xf32>,
    %swap3A_75 = vector.shape_cast %swap3A_74 : vector<16xf32> to vector<16xf32>
    %swap3A_76 = vector.shape_cast %broadcast_in_dim3A_1 : vector<16xf32> to vector<16xf32>
    tpu.vector_store %arg9[%swap3A_73], %swap3A_76 {strides = array<i32>} : memref<640xf32, #tpu.memory_space<vmem>>, vector<16xf32>,
    %swap3A_77 = arith.constant 304 : index
    %swap3A_78 = tpu.vector_load %arg9[%swap3A_77] {strides = array<i32>} : memref<640xf32, #tpu.memory_space<vmem>>, vector<16xf32>,
    %swap3A_79 = vector.shape_cast %swap3A_78 : vector<16xf32> to vector<16xf32>
    %swap3A_80 = vector.shape_cast %broadcast_in_dim3A_1 : vector<16xf32> to vector<16xf32>
    tpu.vector_store %arg9[%swap3A_77], %swap3A_80 {strides = array<i32>} : memref<640xf32, #tpu.memory_space<vmem>>, vector<16xf32>,
    %swap3A_81 = arith.constant 320 : index
    %swap3A_82 = tpu.vector_load %arg9[%swap3A_81] {strides = array<i32>} : memref<640xf32, #tpu.memory_space<vmem>>, vector<16xf32>,
    %swap3A_83 = vector.shape_cast %swap3A_82 : vector<16xf32> to vector<16xf32>
    %swap3A_84 = vector.shape_cast %broadcast_in_dim3A_1 : vector<16xf32> to vector<16xf32>
    tpu.vector_store %arg9[%swap3A_81], %swap3A_84 {strides = array<i32>} : memref<640xf32, #tpu.memory_space<vmem>>, vector<16xf32>,
    %swap3A_85 = arith.constant 336 : index
    %swap3A_86 = tpu.vector_load %arg9[%swap3A_85] {strides = array<i32>} : memref<640xf32, #tpu.memory_space<vmem>>, vector<16xf32>,
    %swap3A_87 = vector.shape_cast %swap3A_86 : vector<16xf32> to vector<16xf32>
    %swap3A_88 = vector.shape_cast %broadcast_in_dim3A_1 : vector<16xf32> to vector<16xf32>
    tpu.vector_store %arg9[%swap3A_85], %swap3A_88 {strides = array<i32>} : memref<640xf32, #tpu.memory_space<vmem>>, vector<16xf32>,
    %swap3A_89 = arith.constant 352 : index
    %swap3A_90 = tpu.vector_load %arg9[%swap3A_89] {strides = array<i32>} : memref<640xf32, #tpu.memory_space<vmem>>, vector<16xf32>,
    %swap3A_91 = vector.shape_cast %swap3A_90 : vector<16xf32> to vector<16xf32>
    %swap3A_92 = vector.shape_cast %broadcast_in_dim3A_1 : vector<16xf32> to vector<16xf32>
    tpu.vector_store %arg9[%swap3A_89], %swap3A_92 {strides = array<i32>} : memref<640xf32, #tpu.memory_space<vmem>>, vector<16xf32>,
    %swap3A_93 = arith.constant 368 : index
    %swap3A_94 = tpu.vector_load %arg9[%swap3A_93] {strides = array<i32>} : memref<640xf32, #tpu.memory_space<vmem>>, vector<16xf32>,
    %swap3A_95 = vector.shape_cast %swap3A_94 : vector<16xf32> to vector<16xf32>
    %swap3A_96 = vector.shape_cast %broadcast_in_dim3A_1 : vector<16xf32> to vector<16xf32>
    tpu.vector_store %arg9[%swap3A_93], %swap3A_96 {strides = array<i32>} : memref<640xf32, #tpu.memory_space<vmem>>, vector<16xf32>,
    %swap3A_97 = arith.constant 384 : index
    %swap3A_98 = tpu.vector_load %arg9[%swap3A_97] {strides = array<i32>} : memref<640xf32, #tpu.memory_space<vmem>>, vector<16xf32>,
    %swap3A_99 = vector.shape_cast %swap3A_98 : vector<16xf32> to vector<16xf32>
    %swap3A_100 = vector.shape_cast %broadcast_in_dim3A_1 : vector<16xf32> to vector<16xf32>
    tpu.vector_store %arg9[%swap3A_97], %swap3A_100 {strides = array<i32>} : memref<640xf32, #tpu.memory_space<vmem>>, vector<16xf32>,
    %swap3A_101 = arith.constant 400 : index
    %swap3A_102 = tpu.vector_load %arg9[%swap3A_101] {strides = array<i32>} : memref<640xf32, #tpu.memory_space<vmem>>, vector<16xf32>,
    %swap3A_103 = vector.shape_cast %swap3A_102 : vector<16xf32> to vector<16xf32>
    %swap3A_104 = vector.shape_cast %broadcast_in_dim3A_1 : vector<16xf32> to vector<16xf32>
    tpu.vector_store %arg9[%swap3A_101], %swap3A_104 {strides = array<i32>} : memref<640xf32, #tpu.memory_space<vmem>>, vector<16xf32>,
    %swap3A_105 = arith.constant 416 : index
    %swap3A_106 = tpu.vector_load %arg9[%swap3A_105] {strides = array<i32>} : memref<640xf32, #tpu.memory_space<vmem>>, vector<16xf32>,
    %swap3A_107 = vector.shape_cast %swap3A_106 : vector<16xf32> to vector<16xf32>
    %swap3A_108 = vector.shape_cast %broadcast_in_dim3A_1 : vector<16xf32> to vector<16xf32>
    tpu.vector_store %arg9[%swap3A_105], %swap3A_108 {strides = array<i32>} : memref<640xf32, #tpu.memory_space<vmem>>, vector<16xf32>,
    %swap3A_109 = arith.constant 432 : index
    %swap3A_110 = tpu.vector_load %arg9[%swap3A_109] {strides = array<i32>} : memref<640xf32, #tpu.memory_space<vmem>>, vector<16xf32>,
    %swap3A_111 = vector.shape_cast %swap3A_110 : vector<16xf32> to vector<16xf32>
    %swap3A_112 = vector.shape_cast %broadcast_in_dim3A_1 : vector<16xf32> to vector<16xf32>
    tpu.vector_store %arg9[%swap3A_109], %swap3A_112 {strides = array<i32>} : memref<640xf32, #tpu.memory_space<vmem>>, vector<16xf32>,
    %swap3A_113 = arith.constant 448 : index
    %swap3A_114 = tpu.vector_load %arg9[%swap3A_113] {strides = array<i32>} : memref<640xf32, #tpu.memory_space<vmem>>, vector<16xf32>,
    %swap3A_115 = vector.shape_cast %swap3A_114 : vector<16xf32> to vector<16xf32>
    %swap3A_116 = vector.shape_cast %broadcast_in_dim3A_1 : vector<16xf32> to vector<16xf32>
    tpu.vector_store %arg9[%swap3A_113], %swap3A_116 {strides = array<i32>} : memref<640xf32, #tpu.memory_space<vmem>>, vector<16xf32>,
    %swap3A_117 = arith.constant 464 : index
    %swap3A_118 = tpu.vector_load %arg9[%swap3A_117] {strides = array<i32>} : memref<640xf32, #tpu.memory_space<vmem>>, vector<16xf32>,
    %swap3A_119 = vector.shape_cast %swap3A_118 : vector<16xf32> to vector<16xf32>
    %swap3A_120 = vector.shape_cast %broadcast_in_dim3A_1 : vector<16xf32> to vector<16xf32>
    tpu.vector_store %arg9[%swap3A_117], %swap3A_120 {strides = array<i32>} : memref<640xf32, #tpu.memory_space<vmem>>, vector<16xf32>,
    %swap3A_121 = arith.constant 480 : index
    %swap3A_122 = tpu.vector_load %arg9[%swap3A_121] {strides = array<i32>} : memref<640xf32, #tpu.memory_space<vmem>>, vector<16xf32>,
    %swap3A_123 = vector.shape_cast %swap3A_122 : vector<16xf32> to vector<16xf32>
    %swap3A_124 = vector.shape_cast %broadcast_in_dim3A_1 : vector<16xf32> to vector<16xf32>
    tpu.vector_store %arg9[%swap3A_121], %swap3A_124 {strides = array<i32>} : memref<640xf32, #tpu.memory_space<vmem>>, vector<16xf32>,
    %swap3A_125 = arith.constant 496 : index
    %swap3A_126 = tpu.vector_load %arg9[%swap3A_125] {strides = array<i32>} : memref<640xf32, #tpu.memory_space<vmem>>, vector<16xf32>,
    %swap3A_127 = vector.shape_cast %swap3A_126 : vector<16xf32> to vector<16xf32>
    %swap3A_128 = vector.shape_cast %broadcast_in_dim3A_1 : vector<16xf32> to vector<16xf32>
    tpu.vector_store %arg9[%swap3A_125], %swap3A_128 {strides = array<i32>} : memref<640xf32, #tpu.memory_space<vmem>>, vector<16xf32>,
    %swap3A_129 = arith.constant 512 : index
    %swap3A_130 = tpu.vector_load %arg9[%swap3A_129] {strides = array<i32>} : memref<640xf32, #tpu.memory_space<vmem>>, vector<16xf32>,
    %swap3A_131 = vector.shape_cast %swap3A_130 : vector<16xf32> to vector<16xf32>
    %swap3A_132 = vector.shape_cast %broadcast_in_dim3A_1 : vector<16xf32> to vector<16xf32>
    tpu.vector_store %arg9[%swap3A_129], %swap3A_132 {strides = array<i32>} : memref<640xf32, #tpu.memory_space<vmem>>, vector<16xf32>,
    %swap3A_133 = arith.constant 528 : index
    %swap3A_134 = tpu.vector_load %arg9[%swap3A_133] {strides = array<i32>} : memref<640xf32, #tpu.memory_space<vmem>>, vector<16xf32>,
    %swap3A_135 = vector.shape_cast %swap3A_134 : vector<16xf32> to vector<16xf32>
    %swap3A_136 = vector.shape_cast %broadcast_in_dim3A_1 : vector<16xf32> to vector<16xf32>
    tpu.vector_store %arg9[%swap3A_133], %swap3A_136 {strides = array<i32>} : memref<640xf32, #tpu.memory_space<vmem>>, vector<16xf32>,
    %swap3A_137 = arith.constant 544 : index
    %swap3A_138 = tpu.vector_load %arg9[%swap3A_137] {strides = array<i32>} : memref<640xf32, #tpu.memory_space<vmem>>, vector<16xf32>,
    %swap3A_139 = vector.shape_cast %swap3A_138 : vector<16xf32> to vector<16xf32>
    %swap3A_140 = vector.shape_cast %broadcast_in_dim3A_1 : vector<16xf32> to vector<16xf32>
    tpu.vector_store %arg9[%swap3A_137], %swap3A_140 {strides = array<i32>} : memref<640xf32, #tpu.memory_space<vmem>>, vector<16xf32>,
    %swap3A_141 = arith.constant 560 : index
    %swap3A_142 = tpu.vector_load %arg9[%swap3A_141] {strides = array<i32>} : memref<640xf32, #tpu.memory_space<vmem>>, vector<16xf32>,
    %swap3A_143 = vector.shape_cast %swap3A_142 : vector<16xf32> to vector<16xf32>
    %swap3A_144 = vector.shape_cast %broadcast_in_dim3A_1 : vector<16xf32> to vector<16xf32>
    tpu.vector_store %arg9[%swap3A_141], %swap3A_144 {strides = array<i32>} : memref<640xf32, #tpu.memory_space<vmem>>, vector<16xf32>,
    %swap3A_145 = arith.constant 576 : index
    %swap3A_146 = tpu.vector_load %arg9[%swap3A_145] {strides = array<i32>} : memref<640xf32, #tpu.memory_space<vmem>>, vector<16xf32>,
    %swap3A_147 = vector.shape_cast %swap3A_146 : vector<16xf32> to vector<16xf32>
    %swap3A_148 = vector.shape_cast %broadcast_in_dim3A_1 : vector<16xf32> to vector<16xf32>
    tpu.vector_store %arg9[%swap3A_145], %swap3A_148 {strides = array<i32>} : memref<640xf32, #tpu.memory_space<vmem>>, vector<16xf32>,
    %swap3A_149 = arith.constant 592 : index
    %swap3A_150 = tpu.vector_load %arg9[%swap3A_149] {strides = array<i32>} : memref<640xf32, #tpu.memory_space<vmem>>, vector<16xf32>,
    %swap3A_151 = vector.shape_cast %swap3A_150 : vector<16xf32> to vector<16xf32>
    %swap3A_152 = vector.shape_cast %broadcast_in_dim3A_1 : vector<16xf32> to vector<16xf32>
    tpu.vector_store %arg9[%swap3A_149], %swap3A_152 {strides = array<i32>} : memref<640xf32, #tpu.memory_space<vmem>>, vector<16xf32>,
    %swap3A_153 = arith.constant 608 : index
    %swap3A_154 = tpu.vector_load %arg9[%swap3A_153] {strides = array<i32>} : memref<640xf32, #tpu.memory_space<vmem>>, vector<16xf32>,
    %swap3A_155 = vector.shape_cast %swap3A_154 : vector<16xf32> to vector<16xf32>
    %swap3A_156 = vector.shape_cast %broadcast_in_dim3A_1 : vector<16xf32> to vector<16xf32>
    tpu.vector_store %arg9[%swap3A_153], %swap3A_156 {strides = array<i32>} : memref<640xf32, #tpu.memory_space<vmem>>, vector<16xf32>,
    %swap3A_157 = arith.constant 624 : index
    %swap3A_158 = tpu.vector_load %arg9[%swap3A_157] {strides = array<i32>} : memref<640xf32, #tpu.memory_space<vmem>>, vector<16xf32>,
    %swap3A_159 = vector.shape_cast %swap3A_158 : vector<16xf32> to vector<16xf32>
    %swap3A_160 = vector.shape_cast %broadcast_in_dim3A_1 : vector<16xf32> to vector<16xf32>
    tpu.vector_store %arg9[%swap3A_157], %swap3A_160 {strides = array<i32>} : memref<640xf32, #tpu.memory_space<vmem>>, vector<16xf32>,
    %mul3A_161 = arith.constant 640 : i32
    %mul3A_162 = arith.muli %arg1, %mul3A_161 : i32
    "tpu.region"() ({
      %run_scoped3A_180 = tpu.sem_alloc : memref<!tpu.dma_semaphore, #tpu.memory_space<semaphore_mem>>
      %dma_start3A = tpu.memref_slice %arg10[%mul3A_162] : memref<10240xf32, #tpu.memory_space<vmem_shared>> -> memref<640xf32, #tpu.memory_space<vmem_shared>>
      %dma_start3A_181 = tpu.memref_slice %arg10[%mul3A_162] : memref<10240xf32, #tpu.memory_space<vmem_shared>> -> memref<640xf32, #tpu.memory_space<vmem_shared>>
      tpu.enqueue_dma source(%arg9 : memref<640xf32, #tpu.memory_space<vmem>>) target(%dma_start3A_181 : memref<640xf32, #tpu.memory_space<vmem_shared>>) target_semaphore(%run_scoped3A_180 : memref<!tpu.dma_semaphore, #tpu.memory_space<semaphore_mem>>)
      %dma_wait3A = tpu.memref_slice %arg10[%mul3A_162] : memref<10240xf32, #tpu.memory_space<vmem_shared>> -> memref<640xf32, #tpu.memory_space<vmem_shared>>
      %dma_wait3A_182 = tpu.memref_slice %arg10[%mul3A_162] : memref<10240xf32, #tpu.memory_space<vmem_shared>> -> memref<640xf32, #tpu.memory_space<vmem_shared>>
      tpu.wait_dma2 semaphore(%run_scoped3A_180 : memref<!tpu.dma_semaphore, #tpu.memory_space<semaphore_mem>>) src(%arg9 : memref<640xf32, #tpu.memory_space<vmem>>) dst(%dma_wait3A_182 : memref<640xf32, #tpu.memory_space<vmem_shared>>)
      tpu.yield
    }) : () -> ()
    %mul3A_163 = arith.constant 640 : i32
    %mul3A_164 = arith.muli %arg1, %mul3A_163 : i32
    "tpu.region"() ({
      %run_scoped3A_180 = tpu.sem_alloc : memref<!tpu.dma_semaphore, #tpu.memory_space<semaphore_mem>>
      %dma_start3A = tpu.memref_slice %arg11[%mul3A_164] : memref<10240xf32, #tpu.memory_space<vmem_shared>> -> memref<640xf32, #tpu.memory_space<vmem_shared>>
      %dma_start3A_181 = tpu.memref_slice %arg11[%mul3A_164] : memref<10240xf32, #tpu.memory_space<vmem_shared>> -> memref<640xf32, #tpu.memory_space<vmem_shared>>
      tpu.enqueue_dma source(%arg9 : memref<640xf32, #tpu.memory_space<vmem>>) target(%dma_start3A_181 : memref<640xf32, #tpu.memory_space<vmem_shared>>) target_semaphore(%run_scoped3A_180 : memref<!tpu.dma_semaphore, #tpu.memory_space<semaphore_mem>>)
      %dma_wait3A = tpu.memref_slice %arg11[%mul3A_164] : memref<10240xf32, #tpu.memory_space<vmem_shared>> -> memref<640xf32, #tpu.memory_space<vmem_shared>>
      %dma_wait3A_182 = tpu.memref_slice %arg11[%mul3A_164] : memref<10240xf32, #tpu.memory_space<vmem_shared>> -> memref<640xf32, #tpu.memory_space<vmem_shared>>
      tpu.wait_dma2 semaphore(%run_scoped3A_180 : memref<!tpu.dma_semaphore, #tpu.memory_space<semaphore_mem>>) src(%arg9 : memref<640xf32, #tpu.memory_space<vmem>>) dst(%dma_wait3A_182 : memref<640xf32, #tpu.memory_space<vmem_shared>>)
      tpu.yield
    }) : () -> ()
    %barrier3A = arith.constant 0 : index
    tpu.barrier barrier_id(%barrier3A)
    %scan3A = arith.constant 0 : i32
    %scan3A_165 = arith.constant 0 : i32
    %scan3A_166 = arith.constant 10 : i32
    %scan3A_167 = arith.addi %scan3A_165, %scan3A_166 : i32
    %scan3A_168 = arith.constant 1 : i32
    scf.for %scan3A_180 = %scan3A_165 to %scan3A_167 step %scan3A_168  : i32 {
      %mul3A_181 = arith.constant 10000 : i32
      %mul3A_182 = arith.muli %add3A, %mul3A_181 : i32
      %mul3A_183 = arith.constant 1000 : i32
      %mul3A_184 = arith.muli %scan3A_180, %mul3A_183 : i32
      %add3A_185 = arith.addi %mul3A_182, %mul3A_184 : i32
      "tpu.region"() ({
        %run_scoped3A_186 = tpu.sem_alloc : memref<!tpu.dma_semaphore, #tpu.memory_space<semaphore_mem>>
        %dma_start3A = tpu.memref_slice %arg2[%add3A_185] : memref<320000xi32, #tpu.memory_space<hbm>> -> memref<1000xi32, #tpu.memory_space<hbm>>
        %dma_start3A_187 = tpu.memref_slice %arg2[%add3A_185] : memref<320000xi32, #tpu.memory_space<hbm>> -> memref<1000xi32, #tpu.memory_space<hbm>>
        tpu.enqueue_dma source(%dma_start3A_187 : memref<1000xi32, #tpu.memory_space<hbm>>) target(%arg6 : memref<1000xi32, #tpu.memory_space<vmem>>) target_semaphore(%run_scoped3A_186 : memref<!tpu.dma_semaphore, #tpu.memory_space<semaphore_mem>>)
        %dma_wait3A = tpu.memref_slice %arg2[%add3A_185] : memref<320000xi32, #tpu.memory_space<hbm>> -> memref<1000xi32, #tpu.memory_space<hbm>>
        %dma_wait3A_188 = tpu.memref_slice %arg2[%add3A_185] : memref<320000xi32, #tpu.memory_space<hbm>> -> memref<1000xi32, #tpu.memory_space<hbm>>
        tpu.wait_dma2 semaphore(%run_scoped3A_186 : memref<!tpu.dma_semaphore, #tpu.memory_space<semaphore_mem>>) src(%dma_wait3A_188 : memref<1000xi32, #tpu.memory_space<hbm>>) dst(%arg6 : memref<1000xi32, #tpu.memory_space<vmem>>)
        tpu.yield
      }) : () -> ()
      "tpu.region"() ({
        %run_scoped3A_186 = tpu.sem_alloc : memref<!tpu.dma_semaphore, #tpu.memory_space<semaphore_mem>>
        %dma_start3A = tpu.memref_slice %arg3[%add3A_185] : memref<320000xi32, #tpu.memory_space<hbm>> -> memref<1000xi32, #tpu.memory_space<hbm>>
        %dma_start3A_187 = tpu.memref_slice %arg3[%add3A_185] : memref<320000xi32, #tpu.memory_space<hbm>> -> memref<1000xi32, #tpu.memory_space<hbm>>
        tpu.enqueue_dma source(%dma_start3A_187 : memref<1000xi32, #tpu.memory_space<hbm>>) target(%arg7 : memref<1000xi32, #tpu.memory_space<vmem>>) target_semaphore(%run_scoped3A_186 : memref<!tpu.dma_semaphore, #tpu.memory_space<semaphore_mem>>)
        %dma_wait3A = tpu.memref_slice %arg3[%add3A_185] : memref<320000xi32, #tpu.memory_space<hbm>> -> memref<1000xi32, #tpu.memory_space<hbm>>
        %dma_wait3A_188 = tpu.memref_slice %arg3[%add3A_185] : memref<320000xi32, #tpu.memory_space<hbm>> -> memref<1000xi32, #tpu.memory_space<hbm>>
        tpu.wait_dma2 semaphore(%run_scoped3A_186 : memref<!tpu.dma_semaphore, #tpu.memory_space<semaphore_mem>>) src(%dma_wait3A_188 : memref<1000xi32, #tpu.memory_space<hbm>>) dst(%arg7 : memref<1000xi32, #tpu.memory_space<vmem>>)
        tpu.yield
      }) : () -> ()
      "tpu.region"() ({
        %run_scoped3A_186 = tpu.sem_alloc : memref<!tpu.dma_semaphore, #tpu.memory_space<semaphore_mem>>
        %dma_start3A = tpu.memref_slice %arg4[%add3A_185] : memref<320000xf32, #tpu.memory_space<hbm>> -> memref<1000xf32, #tpu.memory_space<hbm>>
        %dma_start3A_187 = tpu.memref_slice %arg4[%add3A_185] : memref<320000xf32, #tpu.memory_space<hbm>> -> memref<1000xf32, #tpu.memory_space<hbm>>
        tpu.enqueue_dma source(%dma_start3A_187 : memref<1000xf32, #tpu.memory_space<hbm>>) target(%arg8 : memref<1000xf32, #tpu.memory_space<vmem>>) target_semaphore(%run_scoped3A_186 : memref<!tpu.dma_semaphore, #tpu.memory_space<semaphore_mem>>)
        %dma_wait3A = tpu.memref_slice %arg4[%add3A_185] : memref<320000xf32, #tpu.memory_space<hbm>> -> memref<1000xf32, #tpu.memory_space<hbm>>
        %dma_wait3A_188 = tpu.memref_slice %arg4[%add3A_185] : memref<320000xf32, #tpu.memory_space<hbm>> -> memref<1000xf32, #tpu.memory_space<hbm>>
        tpu.wait_dma2 semaphore(%run_scoped3A_186 : memref<!tpu.dma_semaphore, #tpu.memory_space<semaphore_mem>>) src(%dma_wait3A_188 : memref<1000xf32, #tpu.memory_space<hbm>>) dst(%arg8 : memref<1000xf32, #tpu.memory_space<vmem>>)
        tpu.yield
      }) : () -> ()
      "tpu.region"() ({
        %run_scoped3A_186 = tpu.sem_alloc : memref<!tpu.dma_semaphore, #tpu.memory_space<semaphore_mem>>
        %dma_start3A = arith.constant 0 : i32
        %dma_start3A_187 = tpu.memref_slice %arg10[%dma_start3A] : memref<10240xf32, #tpu.memory_space<vmem_shared>> -> memref<10240xf32, #tpu.memory_space<vmem_shared>>
        tpu.enqueue_indirect_dma source(%arg8 : memref<1000xf32, #tpu.memory_space<vmem>>) target(%dma_start3A_187 : memref<10240xf32, #tpu.memory_space<vmem_shared>>) offsets(%arg6 : memref<1000xi32, #tpu.memory_space<vmem>>) semaphore(%run_scoped3A_186 : memref<!tpu.dma_semaphore, #tpu.memory_space<semaphore_mem>>) {add = true}
        %dma_wait3A = arith.constant 0 : i32
        %dma_wait3A_188 = tpu.memref_slice %arg10[%dma_wait3A] : memref<10240xf32, #tpu.memory_space<vmem_shared>> -> memref<10240xf32, #tpu.memory_space<vmem_shared>>
        tpu.wait_indirect_dma semaphore(%run_scoped3A_186 : memref<!tpu.dma_semaphore, #tpu.memory_space<semaphore_mem>>) src(%arg8 : memref<1000xf32, #tpu.memory_space<vmem>>) dst(%dma_wait3A_188 : memref<10240xf32, #tpu.memory_space<vmem_shared>>)
        tpu.yield
      }) : () -> ()
      "tpu.region"() ({
        %run_scoped3A_186 = tpu.sem_alloc : memref<!tpu.dma_semaphore, #tpu.memory_space<semaphore_mem>>
        %dma_start3A = arith.constant 0 : i32
        %dma_start3A_187 = tpu.memref_slice %arg11[%dma_start3A] : memref<10240xf32, #tpu.memory_space<vmem_shared>> -> memref<10240xf32, #tpu.memory_space<vmem_shared>>
        tpu.enqueue_indirect_dma source(%arg8 : memref<1000xf32, #tpu.memory_space<vmem>>) target(%dma_start3A_187 : memref<10240xf32, #tpu.memory_space<vmem_shared>>) offsets(%arg7 : memref<1000xi32, #tpu.memory_space<vmem>>) semaphore(%run_scoped3A_186 : memref<!tpu.dma_semaphore, #tpu.memory_space<semaphore_mem>>) {add = true}
        %dma_wait3A = arith.constant 0 : i32
        %dma_wait3A_188 = tpu.memref_slice %arg11[%dma_wait3A] : memref<10240xf32, #tpu.memory_space<vmem_shared>> -> memref<10240xf32, #tpu.memory_space<vmem_shared>>
        tpu.wait_indirect_dma semaphore(%run_scoped3A_186 : memref<!tpu.dma_semaphore, #tpu.memory_space<semaphore_mem>>) src(%arg8 : memref<1000xf32, #tpu.memory_space<vmem>>) dst(%dma_wait3A_188 : memref<10240xf32, #tpu.memory_space<vmem_shared>>)
        tpu.yield
      }) : () -> ()
    }
    %scan3A_169 = arith.constant 10 : i32
    %barrier3A_170 = arith.constant 0 : index
    tpu.barrier barrier_id(%barrier3A_170)
    %mul3A_171 = arith.constant 640 : i32
    %mul3A_172 = arith.muli %arg1, %mul3A_171 : i32
    %mul3A_173 = arith.constant 640 : i32
    %mul3A_174 = arith.muli %arg1, %mul3A_173 : i32
    %run_scoped3A = arith.constant 0 : i32
    "tpu.region"() ({
      %run_scoped3A_180 = tpu.sem_alloc : memref<!tpu.dma_semaphore, #tpu.memory_space<semaphore_mem>>
      %dma_start3A = tpu.memref_slice %arg5[%arg0, %run_scoped3A, %mul3A_174] : memref<2x2x10240xf32, #tpu.memory_space<hbm>> -> memref<1x1x640xf32, #tpu.memory_space<hbm>>
      %dma_start3A_181 = tpu.memref_squeeze %dma_start3A : memref<1x1x640xf32, #tpu.memory_space<hbm>> -> memref<640xf32, #tpu.memory_space<hbm>>
      %dma_start3A_182 = tpu.memref_slice %arg10[%mul3A_172] : memref<10240xf32, #tpu.memory_space<vmem_shared>> -> memref<640xf32, #tpu.memory_space<vmem_shared>>
      tpu.enqueue_dma source(%dma_start3A_182 : memref<640xf32, #tpu.memory_space<vmem_shared>>) target(%dma_start3A_181 : memref<640xf32, #tpu.memory_space<hbm>>) target_semaphore(%run_scoped3A_180 : memref<!tpu.dma_semaphore, #tpu.memory_space<semaphore_mem>>)
      %dma_wait3A = tpu.memref_slice %arg5[%arg0, %run_scoped3A, %mul3A_174] : memref<2x2x10240xf32, #tpu.memory_space<hbm>> -> memref<1x1x640xf32, #tpu.memory_space<hbm>>
      %dma_wait3A_183 = tpu.memref_squeeze %dma_wait3A : memref<1x1x640xf32, #tpu.memory_space<hbm>> -> memref<640xf32, #tpu.memory_space<hbm>>
      %dma_wait3A_184 = tpu.memref_slice %arg10[%mul3A_172] : memref<10240xf32, #tpu.memory_space<vmem_shared>> -> memref<640xf32, #tpu.memory_space<vmem_shared>>
      tpu.wait_dma2 semaphore(%run_scoped3A_180 : memref<!tpu.dma_semaphore, #tpu.memory_space<semaphore_mem>>) src(%dma_wait3A_184 : memref<640xf32, #tpu.memory_space<vmem_shared>>) dst(%dma_wait3A_183 : memref<640xf32, #tpu.memory_space<hbm>>)
      tpu.yield
    }) : () -> ()
    %mul3A_175 = arith.constant 640 : i32
    %mul3A_176 = arith.muli %arg1, %mul3A_175 : i32
    %mul3A_177 = arith.constant 640 : i32
    %mul3A_178 = arith.muli %arg1, %mul3A_177 : i32
    %run_scoped3A_179 = arith.constant 1 : i32
    "tpu.region"() ({
      %run_scoped3A_180 = tpu.sem_alloc : memref<!tpu.dma_semaphore, #tpu.memory_space<semaphore_mem>>
      %dma_start3A = tpu.memref_slice %arg5[%arg0, %run_scoped3A_179, %mul3A_178] : memref<2x2x10240xf32, #tpu.memory_space<hbm>> -> memref<1x1x640xf32, #tpu.memory_space<hbm>>
      %dma_start3A_181 = tpu.memref_squeeze %dma_start3A : memref<1x1x640xf32, #tpu.memory_space<hbm>> -> memref<640xf32, #tpu.memory_space<hbm>>
      %dma_start3A_182 = tpu.memref_slice %arg11[%mul3A_176] : memref<10240xf32, #tpu.memory_space<vmem_shared>> -> memref<640xf32, #tpu.memory_space<vmem_shared>>
      tpu.enqueue_dma source(%dma_start3A_182 : memref<640xf32, #tpu.memory_space<vmem_shared>>) target(%dma_start3A_181 : memref<640xf32, #tpu.memory_space<hbm>>) target_semaphore(%run_scoped3A_180 : memref<!tpu.dma_semaphore, #tpu.memory_space<semaphore_mem>>)
      %dma_wait3A = tpu.memref_slice %arg5[%arg0, %run_scoped3A_179, %mul3A_178] : memref<2x2x10240xf32, #tpu.memory_space<hbm>> -> memref<1x1x640xf32, #tpu.memory_space<hbm>>
      %dma_wait3A_183 = tpu.memref_squeeze %dma_wait3A : memref<1x1x640xf32, #tpu.memory_space<hbm>> -> memref<640xf32, #tpu.memory_space<hbm>>
      %dma_wait3A_184 = tpu.memref_slice %arg11[%mul3A_176] : memref<10240xf32, #tpu.memory_space<vmem_shared>> -> memref<640xf32, #tpu.memory_space<vmem_shared>>
      tpu.wait_dma2 semaphore(%run_scoped3A_180 : memref<!tpu.dma_semaphore, #tpu.memory_space<semaphore_mem>>) src(%dma_wait3A_184 : memref<640xf32, #tpu.memory_space<vmem_shared>>) dst(%dma_wait3A_183 : memref<640xf32, #tpu.memory_space<hbm>>)
      tpu.yield
    }) : () -> ()
    return
  }
}

#map = affine_map<(d0, d1) -> (0, 0, 0)>
#map1 = affine_map<(d0, d1) -> (0, 0)>
#map2 = affine_map<(d0, d1) -> (0)>
module attributes {stable_mosaic.version = 14 : i64} {
  func.func @diffuse(%arg0: i32, %arg1: i32, %arg2: memref<2x10240x112xf32, #tpu.memory_space<hbm>>, %arg3: memref<2x320000xi32, #tpu.memory_space<hbm>>, %arg4: memref<320000xf32, #tpu.memory_space<hbm>>, %arg5: memref<2x10240x112xf32, #tpu.memory_space<hbm>>, %arg6: memref<400xi32, #tpu.memory_space<vmem>>, %arg7: memref<400xi32, #tpu.memory_space<vmem>>, %arg8: memref<400xf32, #tpu.memory_space<vmem>>, %arg9: memref<400x112xf32, #tpu.memory_space<vmem>>, %arg10: memref<10240x112xf32, #tpu.memory_space<vmem_shared>>, %arg11: memref<!tpu.dma_semaphore, #tpu.memory_space<semaphore_mem>>) attributes {dimension_semantics = [#tpu.dimension_semantics<core_parallel>, #tpu.dimension_semantics<subcore_parallel>], iteration_bounds = array<i64: 2, 16>, scalar_prefetch = 0 : i64, scratch_operands = 6 : i64, tpu.core_type = #tpu.core_type<sc_vector_subcore>, window_params = [{transform_indices = #map}, {transform_indices = #map1}, {transform_indices = #map2}, {transform_indices = #map}]} {
    %broadcast_in_dim3A = arith.constant 0.000000e+00 : f32
    %broadcast_in_dim3A_0 = vector.broadcast %broadcast_in_dim3A : f32 to vector<16xf32>
    %scan3A = arith.constant 0 : i32
    %scan3A_1 = arith.constant 0 : i32
    %scan3A_2 = arith.constant 128 : i32
    %scan3A_3 = arith.addi %scan3A_1, %scan3A_2 : i32
    %scan3A_4 = arith.constant 1 : i32
    scf.for %scan3A_35 = %scan3A_1 to %scan3A_3 step %scan3A_4  : i32 {
      %swap3A = arith.index_cast %scan3A_35 : i32 to index
      %swap3A_36 = arith.constant 0 : index
      %swap3A_37 = tpu.vector_load %arg9[%swap3A, %swap3A_36] {strides = array<i32>} : memref<400x112xf32, #tpu.memory_space<vmem>>, vector<1x16xf32>,
      %swap3A_38 = vector.shape_cast %swap3A_37 : vector<1x16xf32> to vector<16xf32>
      %swap3A_39 = vector.shape_cast %broadcast_in_dim3A_0 : vector<16xf32> to vector<1x16xf32>
      tpu.vector_store %arg9[%swap3A, %swap3A_36], %swap3A_39 {strides = array<i32>} : memref<400x112xf32, #tpu.memory_space<vmem>>, vector<1x16xf32>,
      %swap3A_40 = arith.index_cast %scan3A_35 : i32 to index
      %swap3A_41 = arith.constant 16 : index
      %swap3A_42 = tpu.vector_load %arg9[%swap3A_40, %swap3A_41] {strides = array<i32>} : memref<400x112xf32, #tpu.memory_space<vmem>>, vector<1x16xf32>,
      %swap3A_43 = vector.shape_cast %swap3A_42 : vector<1x16xf32> to vector<16xf32>
      %swap3A_44 = vector.shape_cast %broadcast_in_dim3A_0 : vector<16xf32> to vector<1x16xf32>
      tpu.vector_store %arg9[%swap3A_40, %swap3A_41], %swap3A_44 {strides = array<i32>} : memref<400x112xf32, #tpu.memory_space<vmem>>, vector<1x16xf32>,
      %swap3A_45 = arith.index_cast %scan3A_35 : i32 to index
      %swap3A_46 = arith.constant 32 : index
      %swap3A_47 = tpu.vector_load %arg9[%swap3A_45, %swap3A_46] {strides = array<i32>} : memref<400x112xf32, #tpu.memory_space<vmem>>, vector<1x16xf32>,
      %swap3A_48 = vector.shape_cast %swap3A_47 : vector<1x16xf32> to vector<16xf32>
      %swap3A_49 = vector.shape_cast %broadcast_in_dim3A_0 : vector<16xf32> to vector<1x16xf32>
      tpu.vector_store %arg9[%swap3A_45, %swap3A_46], %swap3A_49 {strides = array<i32>} : memref<400x112xf32, #tpu.memory_space<vmem>>, vector<1x16xf32>,
      %swap3A_50 = arith.index_cast %scan3A_35 : i32 to index
      %swap3A_51 = arith.constant 48 : index
      %swap3A_52 = tpu.vector_load %arg9[%swap3A_50, %swap3A_51] {strides = array<i32>} : memref<400x112xf32, #tpu.memory_space<vmem>>, vector<1x16xf32>,
      %swap3A_53 = vector.shape_cast %swap3A_52 : vector<1x16xf32> to vector<16xf32>
      %swap3A_54 = vector.shape_cast %broadcast_in_dim3A_0 : vector<16xf32> to vector<1x16xf32>
      tpu.vector_store %arg9[%swap3A_50, %swap3A_51], %swap3A_54 {strides = array<i32>} : memref<400x112xf32, #tpu.memory_space<vmem>>, vector<1x16xf32>,
      %swap3A_55 = arith.index_cast %scan3A_35 : i32 to index
      %swap3A_56 = arith.constant 64 : index
      %swap3A_57 = tpu.vector_load %arg9[%swap3A_55, %swap3A_56] {strides = array<i32>} : memref<400x112xf32, #tpu.memory_space<vmem>>, vector<1x16xf32>,
      %swap3A_58 = vector.shape_cast %swap3A_57 : vector<1x16xf32> to vector<16xf32>
      %swap3A_59 = vector.shape_cast %broadcast_in_dim3A_0 : vector<16xf32> to vector<1x16xf32>
      tpu.vector_store %arg9[%swap3A_55, %swap3A_56], %swap3A_59 {strides = array<i32>} : memref<400x112xf32, #tpu.memory_space<vmem>>, vector<1x16xf32>,
      %swap3A_60 = arith.index_cast %scan3A_35 : i32 to index
      %swap3A_61 = arith.constant 80 : index
      %swap3A_62 = tpu.vector_load %arg9[%swap3A_60, %swap3A_61] {strides = array<i32>} : memref<400x112xf32, #tpu.memory_space<vmem>>, vector<1x16xf32>,
      %swap3A_63 = vector.shape_cast %swap3A_62 : vector<1x16xf32> to vector<16xf32>
      %swap3A_64 = vector.shape_cast %broadcast_in_dim3A_0 : vector<16xf32> to vector<1x16xf32>
      tpu.vector_store %arg9[%swap3A_60, %swap3A_61], %swap3A_64 {strides = array<i32>} : memref<400x112xf32, #tpu.memory_space<vmem>>, vector<1x16xf32>,
      %swap3A_65 = arith.index_cast %scan3A_35 : i32 to index
      %swap3A_66 = arith.constant 96 : index
      %swap3A_67 = tpu.vector_load %arg9[%swap3A_65, %swap3A_66] {strides = array<i32>} : memref<400x112xf32, #tpu.memory_space<vmem>>, vector<1x16xf32>,
      %swap3A_68 = vector.shape_cast %swap3A_67 : vector<1x16xf32> to vector<16xf32>
      %swap3A_69 = vector.shape_cast %broadcast_in_dim3A_0 : vector<16xf32> to vector<1x16xf32>
      tpu.vector_store %arg9[%swap3A_65, %swap3A_66], %swap3A_69 {strides = array<i32>} : memref<400x112xf32, #tpu.memory_space<vmem>>, vector<1x16xf32>,
    }
    %scan3A_5 = arith.constant 128 : i32
    %mul3A = arith.constant 640 : i32
    %mul3A_6 = arith.muli %arg1, %mul3A : i32
    %add3A = arith.constant 0 : i32
    %add3A_7 = arith.addi %mul3A_6, %add3A : i32
    "tpu.region"() ({
      %run_scoped3A = tpu.sem_alloc : memref<!tpu.dma_semaphore, #tpu.memory_space<semaphore_mem>>
      %dma_start3A = arith.constant 0 : i32
      %dma_start3A_35 = arith.constant 0 : i32
      %dma_start3A_36 = tpu.memref_slice %arg9[%dma_start3A, %dma_start3A_35] : memref<400x112xf32, #tpu.memory_space<vmem>> -> memref<128x112xf32, #tpu.memory_space<vmem>>
      %dma_start3A_37 = arith.constant 0 : i32
      %dma_start3A_38 = tpu.memref_slice %arg10[%add3A_7, %dma_start3A_37] : memref<10240x112xf32, #tpu.memory_space<vmem_shared>> -> memref<128x112xf32, #tpu.memory_space<vmem_shared>>
      %dma_start3A_39 = arith.constant 0 : i32
      %dma_start3A_40 = tpu.memref_slice %arg10[%add3A_7, %dma_start3A_39] : memref<10240x112xf32, #tpu.memory_space<vmem_shared>> -> memref<128x112xf32, #tpu.memory_space<vmem_shared>>
      %dma_start3A_41 = arith.constant 0 : i32
      %dma_start3A_42 = arith.constant 0 : i32
      %dma_start3A_43 = tpu.memref_slice %arg9[%dma_start3A_41, %dma_start3A_42] : memref<400x112xf32, #tpu.memory_space<vmem>> -> memref<128x112xf32, #tpu.memory_space<vmem>>
      tpu.enqueue_dma source(%dma_start3A_43 : memref<128x112xf32, #tpu.memory_space<vmem>>) target(%dma_start3A_40 : memref<128x112xf32, #tpu.memory_space<vmem_shared>>) target_semaphore(%run_scoped3A : memref<!tpu.dma_semaphore, #tpu.memory_space<semaphore_mem>>)
      %dma_wait3A = arith.constant 0 : i32
      %dma_wait3A_44 = arith.constant 0 : i32
      %dma_wait3A_45 = tpu.memref_slice %arg9[%dma_wait3A, %dma_wait3A_44] : memref<400x112xf32, #tpu.memory_space<vmem>> -> memref<128x112xf32, #tpu.memory_space<vmem>>
      %dma_wait3A_46 = arith.constant 0 : i32
      %dma_wait3A_47 = tpu.memref_slice %arg10[%add3A_7, %dma_wait3A_46] : memref<10240x112xf32, #tpu.memory_space<vmem_shared>> -> memref<128x112xf32, #tpu.memory_space<vmem_shared>>
      %dma_wait3A_48 = arith.constant 0 : i32
      %dma_wait3A_49 = tpu.memref_slice %arg10[%add3A_7, %dma_wait3A_48] : memref<10240x112xf32, #tpu.memory_space<vmem_shared>> -> memref<128x112xf32, #tpu.memory_space<vmem_shared>>
      %dma_wait3A_50 = arith.constant 0 : i32
      %dma_wait3A_51 = arith.constant 0 : i32
      %dma_wait3A_52 = tpu.memref_slice %arg9[%dma_wait3A_50, %dma_wait3A_51] : memref<400x112xf32, #tpu.memory_space<vmem>> -> memref<128x112xf32, #tpu.memory_space<vmem>>
      tpu.wait_dma2 semaphore(%run_scoped3A : memref<!tpu.dma_semaphore, #tpu.memory_space<semaphore_mem>>) src(%dma_wait3A_52 : memref<128x112xf32, #tpu.memory_space<vmem>>) dst(%dma_wait3A_49 : memref<128x112xf32, #tpu.memory_space<vmem_shared>>)
      tpu.yield
    }) : () -> ()
    %mul3A_8 = arith.constant 640 : i32
    %mul3A_9 = arith.muli %arg1, %mul3A_8 : i32
    %add3A_10 = arith.constant 128 : i32
    %add3A_11 = arith.addi %mul3A_9, %add3A_10 : i32
    "tpu.region"() ({
      %run_scoped3A = tpu.sem_alloc : memref<!tpu.dma_semaphore, #tpu.memory_space<semaphore_mem>>
      %dma_start3A = arith.constant 0 : i32
      %dma_start3A_35 = arith.constant 0 : i32
      %dma_start3A_36 = tpu.memref_slice %arg9[%dma_start3A, %dma_start3A_35] : memref<400x112xf32, #tpu.memory_space<vmem>> -> memref<128x112xf32, #tpu.memory_space<vmem>>
      %dma_start3A_37 = arith.constant 0 : i32
      %dma_start3A_38 = tpu.memref_slice %arg10[%add3A_11, %dma_start3A_37] : memref<10240x112xf32, #tpu.memory_space<vmem_shared>> -> memref<128x112xf32, #tpu.memory_space<vmem_shared>>
      %dma_start3A_39 = arith.constant 0 : i32
      %dma_start3A_40 = tpu.memref_slice %arg10[%add3A_11, %dma_start3A_39] : memref<10240x112xf32, #tpu.memory_space<vmem_shared>> -> memref<128x112xf32, #tpu.memory_space<vmem_shared>>
      %dma_start3A_41 = arith.constant 0 : i32
      %dma_start3A_42 = arith.constant 0 : i32
      %dma_start3A_43 = tpu.memref_slice %arg9[%dma_start3A_41, %dma_start3A_42] : memref<400x112xf32, #tpu.memory_space<vmem>> -> memref<128x112xf32, #tpu.memory_space<vmem>>
      tpu.enqueue_dma source(%dma_start3A_43 : memref<128x112xf32, #tpu.memory_space<vmem>>) target(%dma_start3A_40 : memref<128x112xf32, #tpu.memory_space<vmem_shared>>) target_semaphore(%run_scoped3A : memref<!tpu.dma_semaphore, #tpu.memory_space<semaphore_mem>>)
      %dma_wait3A = arith.constant 0 : i32
      %dma_wait3A_44 = arith.constant 0 : i32
      %dma_wait3A_45 = tpu.memref_slice %arg9[%dma_wait3A, %dma_wait3A_44] : memref<400x112xf32, #tpu.memory_space<vmem>> -> memref<128x112xf32, #tpu.memory_space<vmem>>
      %dma_wait3A_46 = arith.constant 0 : i32
      %dma_wait3A_47 = tpu.memref_slice %arg10[%add3A_11, %dma_wait3A_46] : memref<10240x112xf32, #tpu.memory_space<vmem_shared>> -> memref<128x112xf32, #tpu.memory_space<vmem_shared>>
      %dma_wait3A_48 = arith.constant 0 : i32
      %dma_wait3A_49 = tpu.memref_slice %arg10[%add3A_11, %dma_wait3A_48] : memref<10240x112xf32, #tpu.memory_space<vmem_shared>> -> memref<128x112xf32, #tpu.memory_space<vmem_shared>>
      %dma_wait3A_50 = arith.constant 0 : i32
      %dma_wait3A_51 = arith.constant 0 : i32
      %dma_wait3A_52 = tpu.memref_slice %arg9[%dma_wait3A_50, %dma_wait3A_51] : memref<400x112xf32, #tpu.memory_space<vmem>> -> memref<128x112xf32, #tpu.memory_space<vmem>>
      tpu.wait_dma2 semaphore(%run_scoped3A : memref<!tpu.dma_semaphore, #tpu.memory_space<semaphore_mem>>) src(%dma_wait3A_52 : memref<128x112xf32, #tpu.memory_space<vmem>>) dst(%dma_wait3A_49 : memref<128x112xf32, #tpu.memory_space<vmem_shared>>)
      tpu.yield
    }) : () -> ()
    %mul3A_12 = arith.constant 640 : i32
    %mul3A_13 = arith.muli %arg1, %mul3A_12 : i32
    %add3A_14 = arith.constant 256 : i32
    %add3A_15 = arith.addi %mul3A_13, %add3A_14 : i32
    "tpu.region"() ({
      %run_scoped3A = tpu.sem_alloc : memref<!tpu.dma_semaphore, #tpu.memory_space<semaphore_mem>>
      %dma_start3A = arith.constant 0 : i32
      %dma_start3A_35 = arith.constant 0 : i32
      %dma_start3A_36 = tpu.memref_slice %arg9[%dma_start3A, %dma_start3A_35] : memref<400x112xf32, #tpu.memory_space<vmem>> -> memref<128x112xf32, #tpu.memory_space<vmem>>
      %dma_start3A_37 = arith.constant 0 : i32
      %dma_start3A_38 = tpu.memref_slice %arg10[%add3A_15, %dma_start3A_37] : memref<10240x112xf32, #tpu.memory_space<vmem_shared>> -> memref<128x112xf32, #tpu.memory_space<vmem_shared>>
      %dma_start3A_39 = arith.constant 0 : i32
      %dma_start3A_40 = tpu.memref_slice %arg10[%add3A_15, %dma_start3A_39] : memref<10240x112xf32, #tpu.memory_space<vmem_shared>> -> memref<128x112xf32, #tpu.memory_space<vmem_shared>>
      %dma_start3A_41 = arith.constant 0 : i32
      %dma_start3A_42 = arith.constant 0 : i32
      %dma_start3A_43 = tpu.memref_slice %arg9[%dma_start3A_41, %dma_start3A_42] : memref<400x112xf32, #tpu.memory_space<vmem>> -> memref<128x112xf32, #tpu.memory_space<vmem>>
      tpu.enqueue_dma source(%dma_start3A_43 : memref<128x112xf32, #tpu.memory_space<vmem>>) target(%dma_start3A_40 : memref<128x112xf32, #tpu.memory_space<vmem_shared>>) target_semaphore(%run_scoped3A : memref<!tpu.dma_semaphore, #tpu.memory_space<semaphore_mem>>)
      %dma_wait3A = arith.constant 0 : i32
      %dma_wait3A_44 = arith.constant 0 : i32
      %dma_wait3A_45 = tpu.memref_slice %arg9[%dma_wait3A, %dma_wait3A_44] : memref<400x112xf32, #tpu.memory_space<vmem>> -> memref<128x112xf32, #tpu.memory_space<vmem>>
      %dma_wait3A_46 = arith.constant 0 : i32
      %dma_wait3A_47 = tpu.memref_slice %arg10[%add3A_15, %dma_wait3A_46] : memref<10240x112xf32, #tpu.memory_space<vmem_shared>> -> memref<128x112xf32, #tpu.memory_space<vmem_shared>>
      %dma_wait3A_48 = arith.constant 0 : i32
      %dma_wait3A_49 = tpu.memref_slice %arg10[%add3A_15, %dma_wait3A_48] : memref<10240x112xf32, #tpu.memory_space<vmem_shared>> -> memref<128x112xf32, #tpu.memory_space<vmem_shared>>
      %dma_wait3A_50 = arith.constant 0 : i32
      %dma_wait3A_51 = arith.constant 0 : i32
      %dma_wait3A_52 = tpu.memref_slice %arg9[%dma_wait3A_50, %dma_wait3A_51] : memref<400x112xf32, #tpu.memory_space<vmem>> -> memref<128x112xf32, #tpu.memory_space<vmem>>
      tpu.wait_dma2 semaphore(%run_scoped3A : memref<!tpu.dma_semaphore, #tpu.memory_space<semaphore_mem>>) src(%dma_wait3A_52 : memref<128x112xf32, #tpu.memory_space<vmem>>) dst(%dma_wait3A_49 : memref<128x112xf32, #tpu.memory_space<vmem_shared>>)
      tpu.yield
    }) : () -> ()
    %mul3A_16 = arith.constant 640 : i32
    %mul3A_17 = arith.muli %arg1, %mul3A_16 : i32
    %add3A_18 = arith.constant 384 : i32
    %add3A_19 = arith.addi %mul3A_17, %add3A_18 : i32
    "tpu.region"() ({
      %run_scoped3A = tpu.sem_alloc : memref<!tpu.dma_semaphore, #tpu.memory_space<semaphore_mem>>
      %dma_start3A = arith.constant 0 : i32
      %dma_start3A_35 = arith.constant 0 : i32
      %dma_start3A_36 = tpu.memref_slice %arg9[%dma_start3A, %dma_start3A_35] : memref<400x112xf32, #tpu.memory_space<vmem>> -> memref<128x112xf32, #tpu.memory_space<vmem>>
      %dma_start3A_37 = arith.constant 0 : i32
      %dma_start3A_38 = tpu.memref_slice %arg10[%add3A_19, %dma_start3A_37] : memref<10240x112xf32, #tpu.memory_space<vmem_shared>> -> memref<128x112xf32, #tpu.memory_space<vmem_shared>>
      %dma_start3A_39 = arith.constant 0 : i32
      %dma_start3A_40 = tpu.memref_slice %arg10[%add3A_19, %dma_start3A_39] : memref<10240x112xf32, #tpu.memory_space<vmem_shared>> -> memref<128x112xf32, #tpu.memory_space<vmem_shared>>
      %dma_start3A_41 = arith.constant 0 : i32
      %dma_start3A_42 = arith.constant 0 : i32
      %dma_start3A_43 = tpu.memref_slice %arg9[%dma_start3A_41, %dma_start3A_42] : memref<400x112xf32, #tpu.memory_space<vmem>> -> memref<128x112xf32, #tpu.memory_space<vmem>>
      tpu.enqueue_dma source(%dma_start3A_43 : memref<128x112xf32, #tpu.memory_space<vmem>>) target(%dma_start3A_40 : memref<128x112xf32, #tpu.memory_space<vmem_shared>>) target_semaphore(%run_scoped3A : memref<!tpu.dma_semaphore, #tpu.memory_space<semaphore_mem>>)
      %dma_wait3A = arith.constant 0 : i32
      %dma_wait3A_44 = arith.constant 0 : i32
      %dma_wait3A_45 = tpu.memref_slice %arg9[%dma_wait3A, %dma_wait3A_44] : memref<400x112xf32, #tpu.memory_space<vmem>> -> memref<128x112xf32, #tpu.memory_space<vmem>>
      %dma_wait3A_46 = arith.constant 0 : i32
      %dma_wait3A_47 = tpu.memref_slice %arg10[%add3A_19, %dma_wait3A_46] : memref<10240x112xf32, #tpu.memory_space<vmem_shared>> -> memref<128x112xf32, #tpu.memory_space<vmem_shared>>
      %dma_wait3A_48 = arith.constant 0 : i32
      %dma_wait3A_49 = tpu.memref_slice %arg10[%add3A_19, %dma_wait3A_48] : memref<10240x112xf32, #tpu.memory_space<vmem_shared>> -> memref<128x112xf32, #tpu.memory_space<vmem_shared>>
      %dma_wait3A_50 = arith.constant 0 : i32
      %dma_wait3A_51 = arith.constant 0 : i32
      %dma_wait3A_52 = tpu.memref_slice %arg9[%dma_wait3A_50, %dma_wait3A_51] : memref<400x112xf32, #tpu.memory_space<vmem>> -> memref<128x112xf32, #tpu.memory_space<vmem>>
      tpu.wait_dma2 semaphore(%run_scoped3A : memref<!tpu.dma_semaphore, #tpu.memory_space<semaphore_mem>>) src(%dma_wait3A_52 : memref<128x112xf32, #tpu.memory_space<vmem>>) dst(%dma_wait3A_49 : memref<128x112xf32, #tpu.memory_space<vmem_shared>>)
      tpu.yield
    }) : () -> ()
    %mul3A_20 = arith.constant 640 : i32
    %mul3A_21 = arith.muli %arg1, %mul3A_20 : i32
    %add3A_22 = arith.constant 512 : i32
    %add3A_23 = arith.addi %mul3A_21, %add3A_22 : i32
    "tpu.region"() ({
      %run_scoped3A = tpu.sem_alloc : memref<!tpu.dma_semaphore, #tpu.memory_space<semaphore_mem>>
      %dma_start3A = arith.constant 0 : i32
      %dma_start3A_35 = arith.constant 0 : i32
      %dma_start3A_36 = tpu.memref_slice %arg9[%dma_start3A, %dma_start3A_35] : memref<400x112xf32, #tpu.memory_space<vmem>> -> memref<128x112xf32, #tpu.memory_space<vmem>>
      %dma_start3A_37 = arith.constant 0 : i32
      %dma_start3A_38 = tpu.memref_slice %arg10[%add3A_23, %dma_start3A_37] : memref<10240x112xf32, #tpu.memory_space<vmem_shared>> -> memref<128x112xf32, #tpu.memory_space<vmem_shared>>
      %dma_start3A_39 = arith.constant 0 : i32
      %dma_start3A_40 = tpu.memref_slice %arg10[%add3A_23, %dma_start3A_39] : memref<10240x112xf32, #tpu.memory_space<vmem_shared>> -> memref<128x112xf32, #tpu.memory_space<vmem_shared>>
      %dma_start3A_41 = arith.constant 0 : i32
      %dma_start3A_42 = arith.constant 0 : i32
      %dma_start3A_43 = tpu.memref_slice %arg9[%dma_start3A_41, %dma_start3A_42] : memref<400x112xf32, #tpu.memory_space<vmem>> -> memref<128x112xf32, #tpu.memory_space<vmem>>
      tpu.enqueue_dma source(%dma_start3A_43 : memref<128x112xf32, #tpu.memory_space<vmem>>) target(%dma_start3A_40 : memref<128x112xf32, #tpu.memory_space<vmem_shared>>) target_semaphore(%run_scoped3A : memref<!tpu.dma_semaphore, #tpu.memory_space<semaphore_mem>>)
      %dma_wait3A = arith.constant 0 : i32
      %dma_wait3A_44 = arith.constant 0 : i32
      %dma_wait3A_45 = tpu.memref_slice %arg9[%dma_wait3A, %dma_wait3A_44] : memref<400x112xf32, #tpu.memory_space<vmem>> -> memref<128x112xf32, #tpu.memory_space<vmem>>
      %dma_wait3A_46 = arith.constant 0 : i32
      %dma_wait3A_47 = tpu.memref_slice %arg10[%add3A_23, %dma_wait3A_46] : memref<10240x112xf32, #tpu.memory_space<vmem_shared>> -> memref<128x112xf32, #tpu.memory_space<vmem_shared>>
      %dma_wait3A_48 = arith.constant 0 : i32
      %dma_wait3A_49 = tpu.memref_slice %arg10[%add3A_23, %dma_wait3A_48] : memref<10240x112xf32, #tpu.memory_space<vmem_shared>> -> memref<128x112xf32, #tpu.memory_space<vmem_shared>>
      %dma_wait3A_50 = arith.constant 0 : i32
      %dma_wait3A_51 = arith.constant 0 : i32
      %dma_wait3A_52 = tpu.memref_slice %arg9[%dma_wait3A_50, %dma_wait3A_51] : memref<400x112xf32, #tpu.memory_space<vmem>> -> memref<128x112xf32, #tpu.memory_space<vmem>>
      tpu.wait_dma2 semaphore(%run_scoped3A : memref<!tpu.dma_semaphore, #tpu.memory_space<semaphore_mem>>) src(%dma_wait3A_52 : memref<128x112xf32, #tpu.memory_space<vmem>>) dst(%dma_wait3A_49 : memref<128x112xf32, #tpu.memory_space<vmem_shared>>)
      tpu.yield
    }) : () -> ()
    %barrier3A = arith.constant 0 : index
    tpu.barrier barrier_id(%barrier3A)
    %scan3A_24 = arith.constant 0 : i32
    %scan3A_25 = arith.constant 0 : i32
    %scan3A_26 = arith.constant 50 : i32
    %scan3A_27 = arith.addi %scan3A_25, %scan3A_26 : i32
    %scan3A_28 = arith.constant 1 : i32
    scf.for %scan3A_35 = %scan3A_25 to %scan3A_27 step %scan3A_28  : i32 {
      %mul3A_36 = arith.constant 20000 : i32
      %mul3A_37 = arith.muli %arg1, %mul3A_36 : i32
      %mul3A_38 = arith.constant 400 : i32
      %mul3A_39 = arith.muli %scan3A_35, %mul3A_38 : i32
      %add3A_40 = arith.addi %mul3A_37, %mul3A_39 : i32
      "tpu.region"() ({
        %run_scoped3A = tpu.sem_alloc : memref<!tpu.dma_semaphore, #tpu.memory_space<semaphore_mem>>
        %dma_start3A_60 = tpu.memref_slice %arg3[%arg0, %add3A_40] : memref<2x320000xi32, #tpu.memory_space<hbm>> -> memref<1x400xi32, #tpu.memory_space<hbm>>
        %dma_start3A_61 = tpu.memref_squeeze %dma_start3A_60 : memref<1x400xi32, #tpu.memory_space<hbm>> -> memref<400xi32, #tpu.memory_space<hbm>>
        %dma_start3A_62 = tpu.memref_slice %arg3[%arg0, %add3A_40] : memref<2x320000xi32, #tpu.memory_space<hbm>> -> memref<1x400xi32, #tpu.memory_space<hbm>>
        %dma_start3A_63 = tpu.memref_squeeze %dma_start3A_62 : memref<1x400xi32, #tpu.memory_space<hbm>> -> memref<400xi32, #tpu.memory_space<hbm>>
        tpu.enqueue_dma source(%dma_start3A_63 : memref<400xi32, #tpu.memory_space<hbm>>) target(%arg6 : memref<400xi32, #tpu.memory_space<vmem>>) target_semaphore(%run_scoped3A : memref<!tpu.dma_semaphore, #tpu.memory_space<semaphore_mem>>)
        %dma_wait3A_64 = tpu.memref_slice %arg3[%arg0, %add3A_40] : memref<2x320000xi32, #tpu.memory_space<hbm>> -> memref<1x400xi32, #tpu.memory_space<hbm>>
        %dma_wait3A_65 = tpu.memref_squeeze %dma_wait3A_64 : memref<1x400xi32, #tpu.memory_space<hbm>> -> memref<400xi32, #tpu.memory_space<hbm>>
        %dma_wait3A_66 = tpu.memref_slice %arg3[%arg0, %add3A_40] : memref<2x320000xi32, #tpu.memory_space<hbm>> -> memref<1x400xi32, #tpu.memory_space<hbm>>
        %dma_wait3A_67 = tpu.memref_squeeze %dma_wait3A_66 : memref<1x400xi32, #tpu.memory_space<hbm>> -> memref<400xi32, #tpu.memory_space<hbm>>
        tpu.wait_dma2 semaphore(%run_scoped3A : memref<!tpu.dma_semaphore, #tpu.memory_space<semaphore_mem>>) src(%dma_wait3A_67 : memref<400xi32, #tpu.memory_space<hbm>>) dst(%arg6 : memref<400xi32, #tpu.memory_space<vmem>>)
        tpu.yield
      }) : () -> ()
      %sub3A = arith.constant 1 : i32
      %sub3A_41 = arith.subi %sub3A, %arg0 : i32
      "tpu.region"() ({
        %run_scoped3A = tpu.sem_alloc : memref<!tpu.dma_semaphore, #tpu.memory_space<semaphore_mem>>
        %dma_start3A_60 = tpu.memref_slice %arg3[%sub3A_41, %add3A_40] : memref<2x320000xi32, #tpu.memory_space<hbm>> -> memref<1x400xi32, #tpu.memory_space<hbm>>
        %dma_start3A_61 = tpu.memref_squeeze %dma_start3A_60 : memref<1x400xi32, #tpu.memory_space<hbm>> -> memref<400xi32, #tpu.memory_space<hbm>>
        %dma_start3A_62 = tpu.memref_slice %arg3[%sub3A_41, %add3A_40] : memref<2x320000xi32, #tpu.memory_space<hbm>> -> memref<1x400xi32, #tpu.memory_space<hbm>>
        %dma_start3A_63 = tpu.memref_squeeze %dma_start3A_62 : memref<1x400xi32, #tpu.memory_space<hbm>> -> memref<400xi32, #tpu.memory_space<hbm>>
        tpu.enqueue_dma source(%dma_start3A_63 : memref<400xi32, #tpu.memory_space<hbm>>) target(%arg7 : memref<400xi32, #tpu.memory_space<vmem>>) target_semaphore(%run_scoped3A : memref<!tpu.dma_semaphore, #tpu.memory_space<semaphore_mem>>)
        %dma_wait3A_64 = tpu.memref_slice %arg3[%sub3A_41, %add3A_40] : memref<2x320000xi32, #tpu.memory_space<hbm>> -> memref<1x400xi32, #tpu.memory_space<hbm>>
        %dma_wait3A_65 = tpu.memref_squeeze %dma_wait3A_64 : memref<1x400xi32, #tpu.memory_space<hbm>> -> memref<400xi32, #tpu.memory_space<hbm>>
        %dma_wait3A_66 = tpu.memref_slice %arg3[%sub3A_41, %add3A_40] : memref<2x320000xi32, #tpu.memory_space<hbm>> -> memref<1x400xi32, #tpu.memory_space<hbm>>
        %dma_wait3A_67 = tpu.memref_squeeze %dma_wait3A_66 : memref<1x400xi32, #tpu.memory_space<hbm>> -> memref<400xi32, #tpu.memory_space<hbm>>
        tpu.wait_dma2 semaphore(%run_scoped3A : memref<!tpu.dma_semaphore, #tpu.memory_space<semaphore_mem>>) src(%dma_wait3A_67 : memref<400xi32, #tpu.memory_space<hbm>>) dst(%arg7 : memref<400xi32, #tpu.memory_space<vmem>>)
        tpu.yield
      }) : () -> ()
      "tpu.region"() ({
        %run_scoped3A = tpu.sem_alloc : memref<!tpu.dma_semaphore, #tpu.memory_space<semaphore_mem>>
        %dma_start3A_60 = tpu.memref_slice %arg4[%add3A_40] : memref<320000xf32, #tpu.memory_space<hbm>> -> memref<400xf32, #tpu.memory_space<hbm>>
        %dma_start3A_61 = tpu.memref_slice %arg4[%add3A_40] : memref<320000xf32, #tpu.memory_space<hbm>> -> memref<400xf32, #tpu.memory_space<hbm>>
        tpu.enqueue_dma source(%dma_start3A_61 : memref<400xf32, #tpu.memory_space<hbm>>) target(%arg8 : memref<400xf32, #tpu.memory_space<vmem>>) target_semaphore(%run_scoped3A : memref<!tpu.dma_semaphore, #tpu.memory_space<semaphore_mem>>)
        %dma_wait3A_62 = tpu.memref_slice %arg4[%add3A_40] : memref<320000xf32, #tpu.memory_space<hbm>> -> memref<400xf32, #tpu.memory_space<hbm>>
        %dma_wait3A_63 = tpu.memref_slice %arg4[%add3A_40] : memref<320000xf32, #tpu.memory_space<hbm>> -> memref<400xf32, #tpu.memory_space<hbm>>
        tpu.wait_dma2 semaphore(%run_scoped3A : memref<!tpu.dma_semaphore, #tpu.memory_space<semaphore_mem>>) src(%dma_wait3A_63 : memref<400xf32, #tpu.memory_space<hbm>>) dst(%arg8 : memref<400xf32, #tpu.memory_space<vmem>>)
        tpu.yield
      }) : () -> ()
      %dma_start3A = arith.constant 0 : i32
      %dma_start3A_42 = arith.constant 0 : i32
      %dma_start3A_43 = tpu.memref_slice %arg2[%arg0, %dma_start3A, %dma_start3A_42] : memref<2x10240x112xf32, #tpu.memory_space<hbm>> -> memref<1x10240x112xf32, #tpu.memory_space<hbm>>
      %dma_start3A_44 = tpu.memref_squeeze %dma_start3A_43 : memref<1x10240x112xf32, #tpu.memory_space<hbm>> -> memref<10240x112xf32, #tpu.memory_space<hbm>>
      %dma_start3A_45 = arith.constant 0 : i32
      %dma_start3A_46 = arith.constant 0 : i32
      %dma_start3A_47 = tpu.memref_slice %dma_start3A_44[%dma_start3A_45, %dma_start3A_46] : memref<10240x112xf32, #tpu.memory_space<hbm>> -> memref<10240x112xf32, #tpu.memory_space<hbm>>
      tpu.enqueue_indirect_dma source(%dma_start3A_47 : memref<10240x112xf32, #tpu.memory_space<hbm>>) target(%arg9 : memref<400x112xf32, #tpu.memory_space<vmem>>) offsets(%arg6 : memref<400xi32, #tpu.memory_space<vmem>>) semaphore(%arg11 : memref<!tpu.dma_semaphore, #tpu.memory_space<semaphore_mem>>)
      %dma_wait3A = arith.constant 0 : i32
      %dma_wait3A_48 = arith.constant 0 : i32
      %dma_wait3A_49 = tpu.memref_slice %arg2[%arg0, %dma_wait3A, %dma_wait3A_48] : memref<2x10240x112xf32, #tpu.memory_space<hbm>> -> memref<1x10240x112xf32, #tpu.memory_space<hbm>>
      %dma_wait3A_50 = tpu.memref_squeeze %dma_wait3A_49 : memref<1x10240x112xf32, #tpu.memory_space<hbm>> -> memref<10240x112xf32, #tpu.memory_space<hbm>>
      %dma_wait3A_51 = arith.constant 0 : i32
      %dma_wait3A_52 = arith.constant 0 : i32
      %dma_wait3A_53 = tpu.memref_slice %dma_wait3A_50[%dma_wait3A_51, %dma_wait3A_52] : memref<10240x112xf32, #tpu.memory_space<hbm>> -> memref<10240x112xf32, #tpu.memory_space<hbm>>
      tpu.wait_indirect_dma semaphore(%arg11 : memref<!tpu.dma_semaphore, #tpu.memory_space<semaphore_mem>>) src(%dma_wait3A_53 : memref<10240x112xf32, #tpu.memory_space<hbm>>) dst(%arg9 : memref<400x112xf32, #tpu.memory_space<vmem>>)
      %scan3A_54 = arith.constant 0 : i32
      %scan3A_55 = arith.constant 0 : i32
      %scan3A_56 = arith.constant 25 : i32
      %scan3A_57 = arith.addi %scan3A_55, %scan3A_56 : i32
      %scan3A_58 = arith.constant 1 : i32
      scf.for %scan3A_60 = %scan3A_55 to %scan3A_57 step %scan3A_58  : i32 {
        %mul3A_61 = arith.constant 16 : i32
        %mul3A_62 = arith.muli %scan3A_60, %mul3A_61 : i32
        %get3A = arith.index_cast %mul3A_62 : i32 to index
        %get3A_63 = tpu.vector_load %arg8[%get3A] {strides = array<i32>} : memref<400xf32, #tpu.memory_space<vmem>>, vector<16xf32>,
        %get3A_64 = vector.shape_cast %get3A_63 : vector<16xf32> to vector<16xf32>
        %slice3A = vector.extract_strided_slice %get3A_64 {offsets = [0], sizes = [1], strides = [1]} : vector<16xf32> to vector<1xf32>
        %squeeze3A = vector.extract %slice3A[0] : f32 from vector<1xf32>
        %broadcast_in_dim3A_65 = vector.broadcast %squeeze3A : f32 to vector<16xf32>
        %add3A_66 = arith.constant 0 : i32
        %add3A_67 = arith.addi %mul3A_62, %add3A_66 : i32
        %get3A_68 = arith.index_cast %add3A_67 : i32 to index
        %get3A_69 = arith.constant 0 : index
        %get3A_70 = tpu.vector_load %arg9[%get3A_68, %get3A_69] {strides = array<i32>} : memref<400x112xf32, #tpu.memory_space<vmem>>, vector<1x16xf32>,
        %get3A_71 = vector.shape_cast %get3A_70 : vector<1x16xf32> to vector<16xf32>
        %mul3A_72 = arith.mulf %get3A_71, %broadcast_in_dim3A_65 : vector<16xf32>
        %add3A_73 = arith.constant 0 : i32
        %add3A_74 = arith.addi %mul3A_62, %add3A_73 : i32
        %swap3A = arith.index_cast %add3A_74 : i32 to index
        %swap3A_75 = arith.constant 0 : index
        %swap3A_76 = tpu.vector_load %arg9[%swap3A, %swap3A_75] {strides = array<i32>} : memref<400x112xf32, #tpu.memory_space<vmem>>, vector<1x16xf32>,
        %swap3A_77 = vector.shape_cast %swap3A_76 : vector<1x16xf32> to vector<16xf32>
        %swap3A_78 = vector.shape_cast %mul3A_72 : vector<16xf32> to vector<1x16xf32>
        tpu.vector_store %arg9[%swap3A, %swap3A_75], %swap3A_78 {strides = array<i32>} : memref<400x112xf32, #tpu.memory_space<vmem>>, vector<1x16xf32>,
        %add3A_79 = arith.constant 0 : i32
        %add3A_80 = arith.addi %mul3A_62, %add3A_79 : i32
        %get3A_81 = arith.index_cast %add3A_80 : i32 to index
        %get3A_82 = arith.constant 16 : index
        %get3A_83 = tpu.vector_load %arg9[%get3A_81, %get3A_82] {strides = array<i32>} : memref<400x112xf32, #tpu.memory_space<vmem>>, vector<1x16xf32>,
        %get3A_84 = vector.shape_cast %get3A_83 : vector<1x16xf32> to vector<16xf32>
        %mul3A_85 = arith.mulf %get3A_84, %broadcast_in_dim3A_65 : vector<16xf32>
        %add3A_86 = arith.constant 0 : i32
        %add3A_87 = arith.addi %mul3A_62, %add3A_86 : i32
        %swap3A_88 = arith.index_cast %add3A_87 : i32 to index
        %swap3A_89 = arith.constant 16 : index
        %swap3A_90 = tpu.vector_load %arg9[%swap3A_88, %swap3A_89] {strides = array<i32>} : memref<400x112xf32, #tpu.memory_space<vmem>>, vector<1x16xf32>,
        %swap3A_91 = vector.shape_cast %swap3A_90 : vector<1x16xf32> to vector<16xf32>
        %swap3A_92 = vector.shape_cast %mul3A_85 : vector<16xf32> to vector<1x16xf32>
        tpu.vector_store %arg9[%swap3A_88, %swap3A_89], %swap3A_92 {strides = array<i32>} : memref<400x112xf32, #tpu.memory_space<vmem>>, vector<1x16xf32>,
        %add3A_93 = arith.constant 0 : i32
        %add3A_94 = arith.addi %mul3A_62, %add3A_93 : i32
        %get3A_95 = arith.index_cast %add3A_94 : i32 to index
        %get3A_96 = arith.constant 32 : index
        %get3A_97 = tpu.vector_load %arg9[%get3A_95, %get3A_96] {strides = array<i32>} : memref<400x112xf32, #tpu.memory_space<vmem>>, vector<1x16xf32>,
        %get3A_98 = vector.shape_cast %get3A_97 : vector<1x16xf32> to vector<16xf32>
        %mul3A_99 = arith.mulf %get3A_98, %broadcast_in_dim3A_65 : vector<16xf32>
        %add3A_100 = arith.constant 0 : i32
        %add3A_101 = arith.addi %mul3A_62, %add3A_100 : i32
        %swap3A_102 = arith.index_cast %add3A_101 : i32 to index
        %swap3A_103 = arith.constant 32 : index
        %swap3A_104 = tpu.vector_load %arg9[%swap3A_102, %swap3A_103] {strides = array<i32>} : memref<400x112xf32, #tpu.memory_space<vmem>>, vector<1x16xf32>,
        %swap3A_105 = vector.shape_cast %swap3A_104 : vector<1x16xf32> to vector<16xf32>
        %swap3A_106 = vector.shape_cast %mul3A_99 : vector<16xf32> to vector<1x16xf32>
        tpu.vector_store %arg9[%swap3A_102, %swap3A_103], %swap3A_106 {strides = array<i32>} : memref<400x112xf32, #tpu.memory_space<vmem>>, vector<1x16xf32>,
        %add3A_107 = arith.constant 0 : i32
        %add3A_108 = arith.addi %mul3A_62, %add3A_107 : i32
        %get3A_109 = arith.index_cast %add3A_108 : i32 to index
        %get3A_110 = arith.constant 48 : index
        %get3A_111 = tpu.vector_load %arg9[%get3A_109, %get3A_110] {strides = array<i32>} : memref<400x112xf32, #tpu.memory_space<vmem>>, vector<1x16xf32>,
        %get3A_112 = vector.shape_cast %get3A_111 : vector<1x16xf32> to vector<16xf32>
        %mul3A_113 = arith.mulf %get3A_112, %broadcast_in_dim3A_65 : vector<16xf32>
        %add3A_114 = arith.constant 0 : i32
        %add3A_115 = arith.addi %mul3A_62, %add3A_114 : i32
        %swap3A_116 = arith.index_cast %add3A_115 : i32 to index
        %swap3A_117 = arith.constant 48 : index
        %swap3A_118 = tpu.vector_load %arg9[%swap3A_116, %swap3A_117] {strides = array<i32>} : memref<400x112xf32, #tpu.memory_space<vmem>>, vector<1x16xf32>,
        %swap3A_119 = vector.shape_cast %swap3A_118 : vector<1x16xf32> to vector<16xf32>
        %swap3A_120 = vector.shape_cast %mul3A_113 : vector<16xf32> to vector<1x16xf32>
        tpu.vector_store %arg9[%swap3A_116, %swap3A_117], %swap3A_120 {strides = array<i32>} : memref<400x112xf32, #tpu.memory_space<vmem>>, vector<1x16xf32>,
        %add3A_121 = arith.constant 0 : i32
        %add3A_122 = arith.addi %mul3A_62, %add3A_121 : i32
        %get3A_123 = arith.index_cast %add3A_122 : i32 to index
        %get3A_124 = arith.constant 64 : index
        %get3A_125 = tpu.vector_load %arg9[%get3A_123, %get3A_124] {strides = array<i32>} : memref<400x112xf32, #tpu.memory_space<vmem>>, vector<1x16xf32>,
        %get3A_126 = vector.shape_cast %get3A_125 : vector<1x16xf32> to vector<16xf32>
        %mul3A_127 = arith.mulf %get3A_126, %broadcast_in_dim3A_65 : vector<16xf32>
        %add3A_128 = arith.constant 0 : i32
        %add3A_129 = arith.addi %mul3A_62, %add3A_128 : i32
        %swap3A_130 = arith.index_cast %add3A_129 : i32 to index
        %swap3A_131 = arith.constant 64 : index
        %swap3A_132 = tpu.vector_load %arg9[%swap3A_130, %swap3A_131] {strides = array<i32>} : memref<400x112xf32, #tpu.memory_space<vmem>>, vector<1x16xf32>,
        %swap3A_133 = vector.shape_cast %swap3A_132 : vector<1x16xf32> to vector<16xf32>
        %swap3A_134 = vector.shape_cast %mul3A_127 : vector<16xf32> to vector<1x16xf32>
        tpu.vector_store %arg9[%swap3A_130, %swap3A_131], %swap3A_134 {strides = array<i32>} : memref<400x112xf32, #tpu.memory_space<vmem>>, vector<1x16xf32>,
        %add3A_135 = arith.constant 0 : i32
        %add3A_136 = arith.addi %mul3A_62, %add3A_135 : i32
        %get3A_137 = arith.index_cast %add3A_136 : i32 to index
        %get3A_138 = arith.constant 80 : index
        %get3A_139 = tpu.vector_load %arg9[%get3A_137, %get3A_138] {strides = array<i32>} : memref<400x112xf32, #tpu.memory_space<vmem>>, vector<1x16xf32>,
        %get3A_140 = vector.shape_cast %get3A_139 : vector<1x16xf32> to vector<16xf32>
        %mul3A_141 = arith.mulf %get3A_140, %broadcast_in_dim3A_65 : vector<16xf32>
        %add3A_142 = arith.constant 0 : i32
        %add3A_143 = arith.addi %mul3A_62, %add3A_142 : i32
        %swap3A_144 = arith.index_cast %add3A_143 : i32 to index
        %swap3A_145 = arith.constant 80 : index
        %swap3A_146 = tpu.vector_load %arg9[%swap3A_144, %swap3A_145] {strides = array<i32>} : memref<400x112xf32, #tpu.memory_space<vmem>>, vector<1x16xf32>,
        %swap3A_147 = vector.shape_cast %swap3A_146 : vector<1x16xf32> to vector<16xf32>
        %swap3A_148 = vector.shape_cast %mul3A_141 : vector<16xf32> to vector<1x16xf32>
        tpu.vector_store %arg9[%swap3A_144, %swap3A_145], %swap3A_148 {strides = array<i32>} : memref<400x112xf32, #tpu.memory_space<vmem>>, vector<1x16xf32>,
        %add3A_149 = arith.constant 0 : i32
        %add3A_150 = arith.addi %mul3A_62, %add3A_149 : i32
        %get3A_151 = arith.index_cast %add3A_150 : i32 to index
        %get3A_152 = arith.constant 96 : index
        %get3A_153 = tpu.vector_load %arg9[%get3A_151, %get3A_152] {strides = array<i32>} : memref<400x112xf32, #tpu.memory_space<vmem>>, vector<1x16xf32>,
        %get3A_154 = vector.shape_cast %get3A_153 : vector<1x16xf32> to vector<16xf32>
        %mul3A_155 = arith.mulf %get3A_154, %broadcast_in_dim3A_65 : vector<16xf32>
        %add3A_156 = arith.constant 0 : i32
        %add3A_157 = arith.addi %mul3A_62, %add3A_156 : i32
        %swap3A_158 = arith.index_cast %add3A_157 : i32 to index
        %swap3A_159 = arith.constant 96 : index
        %swap3A_160 = tpu.vector_load %arg9[%swap3A_158, %swap3A_159] {strides = array<i32>} : memref<400x112xf32, #tpu.memory_space<vmem>>, vector<1x16xf32>,
        %swap3A_161 = vector.shape_cast %swap3A_160 : vector<1x16xf32> to vector<16xf32>
        %swap3A_162 = vector.shape_cast %mul3A_155 : vector<16xf32> to vector<1x16xf32>
        tpu.vector_store %arg9[%swap3A_158, %swap3A_159], %swap3A_162 {strides = array<i32>} : memref<400x112xf32, #tpu.memory_space<vmem>>, vector<1x16xf32>,
        %slice3A_163 = vector.extract_strided_slice %get3A_64 {offsets = [1], sizes = [1], strides = [1]} : vector<16xf32> to vector<1xf32>
        %squeeze3A_164 = vector.extract %slice3A_163[0] : f32 from vector<1xf32>
        %broadcast_in_dim3A_165 = vector.broadcast %squeeze3A_164 : f32 to vector<16xf32>
        %add3A_166 = arith.constant 1 : i32
        %add3A_167 = arith.addi %mul3A_62, %add3A_166 : i32
        %get3A_168 = arith.index_cast %add3A_167 : i32 to index
        %get3A_169 = arith.constant 0 : index
        %get3A_170 = tpu.vector_load %arg9[%get3A_168, %get3A_169] {strides = array<i32>} : memref<400x112xf32, #tpu.memory_space<vmem>>, vector<1x16xf32>,
        %get3A_171 = vector.shape_cast %get3A_170 : vector<1x16xf32> to vector<16xf32>
        %mul3A_172 = arith.mulf %get3A_171, %broadcast_in_dim3A_165 : vector<16xf32>
        %add3A_173 = arith.constant 1 : i32
        %add3A_174 = arith.addi %mul3A_62, %add3A_173 : i32
        %swap3A_175 = arith.index_cast %add3A_174 : i32 to index
        %swap3A_176 = arith.constant 0 : index
        %swap3A_177 = tpu.vector_load %arg9[%swap3A_175, %swap3A_176] {strides = array<i32>} : memref<400x112xf32, #tpu.memory_space<vmem>>, vector<1x16xf32>,
        %swap3A_178 = vector.shape_cast %swap3A_177 : vector<1x16xf32> to vector<16xf32>
        %swap3A_179 = vector.shape_cast %mul3A_172 : vector<16xf32> to vector<1x16xf32>
        tpu.vector_store %arg9[%swap3A_175, %swap3A_176], %swap3A_179 {strides = array<i32>} : memref<400x112xf32, #tpu.memory_space<vmem>>, vector<1x16xf32>,
        %add3A_180 = arith.constant 1 : i32
        %add3A_181 = arith.addi %mul3A_62, %add3A_180 : i32
        %get3A_182 = arith.index_cast %add3A_181 : i32 to index
        %get3A_183 = arith.constant 16 : index
        %get3A_184 = tpu.vector_load %arg9[%get3A_182, %get3A_183] {strides = array<i32>} : memref<400x112xf32, #tpu.memory_space<vmem>>, vector<1x16xf32>,
        %get3A_185 = vector.shape_cast %get3A_184 : vector<1x16xf32> to vector<16xf32>
        %mul3A_186 = arith.mulf %get3A_185, %broadcast_in_dim3A_165 : vector<16xf32>
        %add3A_187 = arith.constant 1 : i32
        %add3A_188 = arith.addi %mul3A_62, %add3A_187 : i32
        %swap3A_189 = arith.index_cast %add3A_188 : i32 to index
        %swap3A_190 = arith.constant 16 : index
        %swap3A_191 = tpu.vector_load %arg9[%swap3A_189, %swap3A_190] {strides = array<i32>} : memref<400x112xf32, #tpu.memory_space<vmem>>, vector<1x16xf32>,
        %swap3A_192 = vector.shape_cast %swap3A_191 : vector<1x16xf32> to vector<16xf32>
        %swap3A_193 = vector.shape_cast %mul3A_186 : vector<16xf32> to vector<1x16xf32>
        tpu.vector_store %arg9[%swap3A_189, %swap3A_190], %swap3A_193 {strides = array<i32>} : memref<400x112xf32, #tpu.memory_space<vmem>>, vector<1x16xf32>,
        %add3A_194 = arith.constant 1 : i32
        %add3A_195 = arith.addi %mul3A_62, %add3A_194 : i32
        %get3A_196 = arith.index_cast %add3A_195 : i32 to index
        %get3A_197 = arith.constant 32 : index
        %get3A_198 = tpu.vector_load %arg9[%get3A_196, %get3A_197] {strides = array<i32>} : memref<400x112xf32, #tpu.memory_space<vmem>>, vector<1x16xf32>,
        %get3A_199 = vector.shape_cast %get3A_198 : vector<1x16xf32> to vector<16xf32>
        %mul3A_200 = arith.mulf %get3A_199, %broadcast_in_dim3A_165 : vector<16xf32>
        %add3A_201 = arith.constant 1 : i32
        %add3A_202 = arith.addi %mul3A_62, %add3A_201 : i32
        %swap3A_203 = arith.index_cast %add3A_202 : i32 to index
        %swap3A_204 = arith.constant 32 : index
        %swap3A_205 = tpu.vector_load %arg9[%swap3A_203, %swap3A_204] {strides = array<i32>} : memref<400x112xf32, #tpu.memory_space<vmem>>, vector<1x16xf32>,
        %swap3A_206 = vector.shape_cast %swap3A_205 : vector<1x16xf32> to vector<16xf32>
        %swap3A_207 = vector.shape_cast %mul3A_200 : vector<16xf32> to vector<1x16xf32>
        tpu.vector_store %arg9[%swap3A_203, %swap3A_204], %swap3A_207 {strides = array<i32>} : memref<400x112xf32, #tpu.memory_space<vmem>>, vector<1x16xf32>,
        %add3A_208 = arith.constant 1 : i32
        %add3A_209 = arith.addi %mul3A_62, %add3A_208 : i32
        %get3A_210 = arith.index_cast %add3A_209 : i32 to index
        %get3A_211 = arith.constant 48 : index
        %get3A_212 = tpu.vector_load %arg9[%get3A_210, %get3A_211] {strides = array<i32>} : memref<400x112xf32, #tpu.memory_space<vmem>>, vector<1x16xf32>,
        %get3A_213 = vector.shape_cast %get3A_212 : vector<1x16xf32> to vector<16xf32>
        %mul3A_214 = arith.mulf %get3A_213, %broadcast_in_dim3A_165 : vector<16xf32>
        %add3A_215 = arith.constant 1 : i32
        %add3A_216 = arith.addi %mul3A_62, %add3A_215 : i32
        %swap3A_217 = arith.index_cast %add3A_216 : i32 to index
        %swap3A_218 = arith.constant 48 : index
        %swap3A_219 = tpu.vector_load %arg9[%swap3A_217, %swap3A_218] {strides = array<i32>} : memref<400x112xf32, #tpu.memory_space<vmem>>, vector<1x16xf32>,
        %swap3A_220 = vector.shape_cast %swap3A_219 : vector<1x16xf32> to vector<16xf32>
        %swap3A_221 = vector.shape_cast %mul3A_214 : vector<16xf32> to vector<1x16xf32>
        tpu.vector_store %arg9[%swap3A_217, %swap3A_218], %swap3A_221 {strides = array<i32>} : memref<400x112xf32, #tpu.memory_space<vmem>>, vector<1x16xf32>,
        %add3A_222 = arith.constant 1 : i32
        %add3A_223 = arith.addi %mul3A_62, %add3A_222 : i32
        %get3A_224 = arith.index_cast %add3A_223 : i32 to index
        %get3A_225 = arith.constant 64 : index
        %get3A_226 = tpu.vector_load %arg9[%get3A_224, %get3A_225] {strides = array<i32>} : memref<400x112xf32, #tpu.memory_space<vmem>>, vector<1x16xf32>,
        %get3A_227 = vector.shape_cast %get3A_226 : vector<1x16xf32> to vector<16xf32>
        %mul3A_228 = arith.mulf %get3A_227, %broadcast_in_dim3A_165 : vector<16xf32>
        %add3A_229 = arith.constant 1 : i32
        %add3A_230 = arith.addi %mul3A_62, %add3A_229 : i32
        %swap3A_231 = arith.index_cast %add3A_230 : i32 to index
        %swap3A_232 = arith.constant 64 : index
        %swap3A_233 = tpu.vector_load %arg9[%swap3A_231, %swap3A_232] {strides = array<i32>} : memref<400x112xf32, #tpu.memory_space<vmem>>, vector<1x16xf32>,
        %swap3A_234 = vector.shape_cast %swap3A_233 : vector<1x16xf32> to vector<16xf32>
        %swap3A_235 = vector.shape_cast %mul3A_228 : vector<16xf32> to vector<1x16xf32>
        tpu.vector_store %arg9[%swap3A_231, %swap3A_232], %swap3A_235 {strides = array<i32>} : memref<400x112xf32, #tpu.memory_space<vmem>>, vector<1x16xf32>,
        %add3A_236 = arith.constant 1 : i32
        %add3A_237 = arith.addi %mul3A_62, %add3A_236 : i32
        %get3A_238 = arith.index_cast %add3A_237 : i32 to index
        %get3A_239 = arith.constant 80 : index
        %get3A_240 = tpu.vector_load %arg9[%get3A_238, %get3A_239] {strides = array<i32>} : memref<400x112xf32, #tpu.memory_space<vmem>>, vector<1x16xf32>,
        %get3A_241 = vector.shape_cast %get3A_240 : vector<1x16xf32> to vector<16xf32>
        %mul3A_242 = arith.mulf %get3A_241, %broadcast_in_dim3A_165 : vector<16xf32>
        %add3A_243 = arith.constant 1 : i32
        %add3A_244 = arith.addi %mul3A_62, %add3A_243 : i32
        %swap3A_245 = arith.index_cast %add3A_244 : i32 to index
        %swap3A_246 = arith.constant 80 : index
        %swap3A_247 = tpu.vector_load %arg9[%swap3A_245, %swap3A_246] {strides = array<i32>} : memref<400x112xf32, #tpu.memory_space<vmem>>, vector<1x16xf32>,
        %swap3A_248 = vector.shape_cast %swap3A_247 : vector<1x16xf32> to vector<16xf32>
        %swap3A_249 = vector.shape_cast %mul3A_242 : vector<16xf32> to vector<1x16xf32>
        tpu.vector_store %arg9[%swap3A_245, %swap3A_246], %swap3A_249 {strides = array<i32>} : memref<400x112xf32, #tpu.memory_space<vmem>>, vector<1x16xf32>,
        %add3A_250 = arith.constant 1 : i32
        %add3A_251 = arith.addi %mul3A_62, %add3A_250 : i32
        %get3A_252 = arith.index_cast %add3A_251 : i32 to index
        %get3A_253 = arith.constant 96 : index
        %get3A_254 = tpu.vector_load %arg9[%get3A_252, %get3A_253] {strides = array<i32>} : memref<400x112xf32, #tpu.memory_space<vmem>>, vector<1x16xf32>,
        %get3A_255 = vector.shape_cast %get3A_254 : vector<1x16xf32> to vector<16xf32>
        %mul3A_256 = arith.mulf %get3A_255, %broadcast_in_dim3A_165 : vector<16xf32>
        %add3A_257 = arith.constant 1 : i32
        %add3A_258 = arith.addi %mul3A_62, %add3A_257 : i32
        %swap3A_259 = arith.index_cast %add3A_258 : i32 to index
        %swap3A_260 = arith.constant 96 : index
        %swap3A_261 = tpu.vector_load %arg9[%swap3A_259, %swap3A_260] {strides = array<i32>} : memref<400x112xf32, #tpu.memory_space<vmem>>, vector<1x16xf32>,
        %swap3A_262 = vector.shape_cast %swap3A_261 : vector<1x16xf32> to vector<16xf32>
        %swap3A_263 = vector.shape_cast %mul3A_256 : vector<16xf32> to vector<1x16xf32>
        tpu.vector_store %arg9[%swap3A_259, %swap3A_260], %swap3A_263 {strides = array<i32>} : memref<400x112xf32, #tpu.memory_space<vmem>>, vector<1x16xf32>,
        %slice3A_264 = vector.extract_strided_slice %get3A_64 {offsets = [2], sizes = [1], strides = [1]} : vector<16xf32> to vector<1xf32>
        %squeeze3A_265 = vector.extract %slice3A_264[0] : f32 from vector<1xf32>
        %broadcast_in_dim3A_266 = vector.broadcast %squeeze3A_265 : f32 to vector<16xf32>
        %add3A_267 = arith.constant 2 : i32
        %add3A_268 = arith.addi %mul3A_62, %add3A_267 : i32
        %get3A_269 = arith.index_cast %add3A_268 : i32 to index
        %get3A_270 = arith.constant 0 : index
        %get3A_271 = tpu.vector_load %arg9[%get3A_269, %get3A_270] {strides = array<i32>} : memref<400x112xf32, #tpu.memory_space<vmem>>, vector<1x16xf32>,
        %get3A_272 = vector.shape_cast %get3A_271 : vector<1x16xf32> to vector<16xf32>
        %mul3A_273 = arith.mulf %get3A_272, %broadcast_in_dim3A_266 : vector<16xf32>
        %add3A_274 = arith.constant 2 : i32
        %add3A_275 = arith.addi %mul3A_62, %add3A_274 : i32
        %swap3A_276 = arith.index_cast %add3A_275 : i32 to index
        %swap3A_277 = arith.constant 0 : index
        %swap3A_278 = tpu.vector_load %arg9[%swap3A_276, %swap3A_277] {strides = array<i32>} : memref<400x112xf32, #tpu.memory_space<vmem>>, vector<1x16xf32>,
        %swap3A_279 = vector.shape_cast %swap3A_278 : vector<1x16xf32> to vector<16xf32>
        %swap3A_280 = vector.shape_cast %mul3A_273 : vector<16xf32> to vector<1x16xf32>
        tpu.vector_store %arg9[%swap3A_276, %swap3A_277], %swap3A_280 {strides = array<i32>} : memref<400x112xf32, #tpu.memory_space<vmem>>, vector<1x16xf32>,
        %add3A_281 = arith.constant 2 : i32
        %add3A_282 = arith.addi %mul3A_62, %add3A_281 : i32
        %get3A_283 = arith.index_cast %add3A_282 : i32 to index
        %get3A_284 = arith.constant 16 : index
        %get3A_285 = tpu.vector_load %arg9[%get3A_283, %get3A_284] {strides = array<i32>} : memref<400x112xf32, #tpu.memory_space<vmem>>, vector<1x16xf32>,
        %get3A_286 = vector.shape_cast %get3A_285 : vector<1x16xf32> to vector<16xf32>
        %mul3A_287 = arith.mulf %get3A_286, %broadcast_in_dim3A_266 : vector<16xf32>
        %add3A_288 = arith.constant 2 : i32
        %add3A_289 = arith.addi %mul3A_62, %add3A_288 : i32
        %swap3A_290 = arith.index_cast %add3A_289 : i32 to index
        %swap3A_291 = arith.constant 16 : index
        %swap3A_292 = tpu.vector_load %arg9[%swap3A_290, %swap3A_291] {strides = array<i32>} : memref<400x112xf32, #tpu.memory_space<vmem>>, vector<1x16xf32>,
        %swap3A_293 = vector.shape_cast %swap3A_292 : vector<1x16xf32> to vector<16xf32>
        %swap3A_294 = vector.shape_cast %mul3A_287 : vector<16xf32> to vector<1x16xf32>
        tpu.vector_store %arg9[%swap3A_290, %swap3A_291], %swap3A_294 {strides = array<i32>} : memref<400x112xf32, #tpu.memory_space<vmem>>, vector<1x16xf32>,
        %add3A_295 = arith.constant 2 : i32
        %add3A_296 = arith.addi %mul3A_62, %add3A_295 : i32
        %get3A_297 = arith.index_cast %add3A_296 : i32 to index
        %get3A_298 = arith.constant 32 : index
        %get3A_299 = tpu.vector_load %arg9[%get3A_297, %get3A_298] {strides = array<i32>} : memref<400x112xf32, #tpu.memory_space<vmem>>, vector<1x16xf32>,
        %get3A_300 = vector.shape_cast %get3A_299 : vector<1x16xf32> to vector<16xf32>
        %mul3A_301 = arith.mulf %get3A_300, %broadcast_in_dim3A_266 : vector<16xf32>
        %add3A_302 = arith.constant 2 : i32
        %add3A_303 = arith.addi %mul3A_62, %add3A_302 : i32
        %swap3A_304 = arith.index_cast %add3A_303 : i32 to index
        %swap3A_305 = arith.constant 32 : index
        %swap3A_306 = tpu.vector_load %arg9[%swap3A_304, %swap3A_305] {strides = array<i32>} : memref<400x112xf32, #tpu.memory_space<vmem>>, vector<1x16xf32>,
        %swap3A_307 = vector.shape_cast %swap3A_306 : vector<1x16xf32> to vector<16xf32>
        %swap3A_308 = vector.shape_cast %mul3A_301 : vector<16xf32> to vector<1x16xf32>
        tpu.vector_store %arg9[%swap3A_304, %swap3A_305], %swap3A_308 {strides = array<i32>} : memref<400x112xf32, #tpu.memory_space<vmem>>, vector<1x16xf32>,
        %add3A_309 = arith.constant 2 : i32
        %add3A_310 = arith.addi %mul3A_62, %add3A_309 : i32
        %get3A_311 = arith.index_cast %add3A_310 : i32 to index
        %get3A_312 = arith.constant 48 : index
        %get3A_313 = tpu.vector_load %arg9[%get3A_311, %get3A_312] {strides = array<i32>} : memref<400x112xf32, #tpu.memory_space<vmem>>, vector<1x16xf32>,
        %get3A_314 = vector.shape_cast %get3A_313 : vector<1x16xf32> to vector<16xf32>
        %mul3A_315 = arith.mulf %get3A_314, %broadcast_in_dim3A_266 : vector<16xf32>
        %add3A_316 = arith.constant 2 : i32
        %add3A_317 = arith.addi %mul3A_62, %add3A_316 : i32
        %swap3A_318 = arith.index_cast %add3A_317 : i32 to index
        %swap3A_319 = arith.constant 48 : index
        %swap3A_320 = tpu.vector_load %arg9[%swap3A_318, %swap3A_319] {strides = array<i32>} : memref<400x112xf32, #tpu.memory_space<vmem>>, vector<1x16xf32>,
        %swap3A_321 = vector.shape_cast %swap3A_320 : vector<1x16xf32> to vector<16xf32>
        %swap3A_322 = vector.shape_cast %mul3A_315 : vector<16xf32> to vector<1x16xf32>
        tpu.vector_store %arg9[%swap3A_318, %swap3A_319], %swap3A_322 {strides = array<i32>} : memref<400x112xf32, #tpu.memory_space<vmem>>, vector<1x16xf32>,
        %add3A_323 = arith.constant 2 : i32
        %add3A_324 = arith.addi %mul3A_62, %add3A_323 : i32
        %get3A_325 = arith.index_cast %add3A_324 : i32 to index
        %get3A_326 = arith.constant 64 : index
        %get3A_327 = tpu.vector_load %arg9[%get3A_325, %get3A_326] {strides = array<i32>} : memref<400x112xf32, #tpu.memory_space<vmem>>, vector<1x16xf32>,
        %get3A_328 = vector.shape_cast %get3A_327 : vector<1x16xf32> to vector<16xf32>
        %mul3A_329 = arith.mulf %get3A_328, %broadcast_in_dim3A_266 : vector<16xf32>
        %add3A_330 = arith.constant 2 : i32
        %add3A_331 = arith.addi %mul3A_62, %add3A_330 : i32
        %swap3A_332 = arith.index_cast %add3A_331 : i32 to index
        %swap3A_333 = arith.constant 64 : index
        %swap3A_334 = tpu.vector_load %arg9[%swap3A_332, %swap3A_333] {strides = array<i32>} : memref<400x112xf32, #tpu.memory_space<vmem>>, vector<1x16xf32>,
        %swap3A_335 = vector.shape_cast %swap3A_334 : vector<1x16xf32> to vector<16xf32>
        %swap3A_336 = vector.shape_cast %mul3A_329 : vector<16xf32> to vector<1x16xf32>
        tpu.vector_store %arg9[%swap3A_332, %swap3A_333], %swap3A_336 {strides = array<i32>} : memref<400x112xf32, #tpu.memory_space<vmem>>, vector<1x16xf32>,
        %add3A_337 = arith.constant 2 : i32
        %add3A_338 = arith.addi %mul3A_62, %add3A_337 : i32
        %get3A_339 = arith.index_cast %add3A_338 : i32 to index
        %get3A_340 = arith.constant 80 : index
        %get3A_341 = tpu.vector_load %arg9[%get3A_339, %get3A_340] {strides = array<i32>} : memref<400x112xf32, #tpu.memory_space<vmem>>, vector<1x16xf32>,
        %get3A_342 = vector.shape_cast %get3A_341 : vector<1x16xf32> to vector<16xf32>
        %mul3A_343 = arith.mulf %get3A_342, %broadcast_in_dim3A_266 : vector<16xf32>
        %add3A_344 = arith.constant 2 : i32
        %add3A_345 = arith.addi %mul3A_62, %add3A_344 : i32
        %swap3A_346 = arith.index_cast %add3A_345 : i32 to index
        %swap3A_347 = arith.constant 80 : index
        %swap3A_348 = tpu.vector_load %arg9[%swap3A_346, %swap3A_347] {strides = array<i32>} : memref<400x112xf32, #tpu.memory_space<vmem>>, vector<1x16xf32>,
        %swap3A_349 = vector.shape_cast %swap3A_348 : vector<1x16xf32> to vector<16xf32>
        %swap3A_350 = vector.shape_cast %mul3A_343 : vector<16xf32> to vector<1x16xf32>
        tpu.vector_store %arg9[%swap3A_346, %swap3A_347], %swap3A_350 {strides = array<i32>} : memref<400x112xf32, #tpu.memory_space<vmem>>, vector<1x16xf32>,
        %add3A_351 = arith.constant 2 : i32
        %add3A_352 = arith.addi %mul3A_62, %add3A_351 : i32
        %get3A_353 = arith.index_cast %add3A_352 : i32 to index
        %get3A_354 = arith.constant 96 : index
        %get3A_355 = tpu.vector_load %arg9[%get3A_353, %get3A_354] {strides = array<i32>} : memref<400x112xf32, #tpu.memory_space<vmem>>, vector<1x16xf32>,
        %get3A_356 = vector.shape_cast %get3A_355 : vector<1x16xf32> to vector<16xf32>
        %mul3A_357 = arith.mulf %get3A_356, %broadcast_in_dim3A_266 : vector<16xf32>
        %add3A_358 = arith.constant 2 : i32
        %add3A_359 = arith.addi %mul3A_62, %add3A_358 : i32
        %swap3A_360 = arith.index_cast %add3A_359 : i32 to index
        %swap3A_361 = arith.constant 96 : index
        %swap3A_362 = tpu.vector_load %arg9[%swap3A_360, %swap3A_361] {strides = array<i32>} : memref<400x112xf32, #tpu.memory_space<vmem>>, vector<1x16xf32>,
        %swap3A_363 = vector.shape_cast %swap3A_362 : vector<1x16xf32> to vector<16xf32>
        %swap3A_364 = vector.shape_cast %mul3A_357 : vector<16xf32> to vector<1x16xf32>
        tpu.vector_store %arg9[%swap3A_360, %swap3A_361], %swap3A_364 {strides = array<i32>} : memref<400x112xf32, #tpu.memory_space<vmem>>, vector<1x16xf32>,
        %slice3A_365 = vector.extract_strided_slice %get3A_64 {offsets = [3], sizes = [1], strides = [1]} : vector<16xf32> to vector<1xf32>
        %squeeze3A_366 = vector.extract %slice3A_365[0] : f32 from vector<1xf32>
        %broadcast_in_dim3A_367 = vector.broadcast %squeeze3A_366 : f32 to vector<16xf32>
        %add3A_368 = arith.constant 3 : i32
        %add3A_369 = arith.addi %mul3A_62, %add3A_368 : i32
        %get3A_370 = arith.index_cast %add3A_369 : i32 to index
        %get3A_371 = arith.constant 0 : index
        %get3A_372 = tpu.vector_load %arg9[%get3A_370, %get3A_371] {strides = array<i32>} : memref<400x112xf32, #tpu.memory_space<vmem>>, vector<1x16xf32>,
        %get3A_373 = vector.shape_cast %get3A_372 : vector<1x16xf32> to vector<16xf32>
        %mul3A_374 = arith.mulf %get3A_373, %broadcast_in_dim3A_367 : vector<16xf32>
        %add3A_375 = arith.constant 3 : i32
        %add3A_376 = arith.addi %mul3A_62, %add3A_375 : i32
        %swap3A_377 = arith.index_cast %add3A_376 : i32 to index
        %swap3A_378 = arith.constant 0 : index
        %swap3A_379 = tpu.vector_load %arg9[%swap3A_377, %swap3A_378] {strides = array<i32>} : memref<400x112xf32, #tpu.memory_space<vmem>>, vector<1x16xf32>,
        %swap3A_380 = vector.shape_cast %swap3A_379 : vector<1x16xf32> to vector<16xf32>
        %swap3A_381 = vector.shape_cast %mul3A_374 : vector<16xf32> to vector<1x16xf32>
        tpu.vector_store %arg9[%swap3A_377, %swap3A_378], %swap3A_381 {strides = array<i32>} : memref<400x112xf32, #tpu.memory_space<vmem>>, vector<1x16xf32>,
        %add3A_382 = arith.constant 3 : i32
        %add3A_383 = arith.addi %mul3A_62, %add3A_382 : i32
        %get3A_384 = arith.index_cast %add3A_383 : i32 to index
        %get3A_385 = arith.constant 16 : index
        %get3A_386 = tpu.vector_load %arg9[%get3A_384, %get3A_385] {strides = array<i32>} : memref<400x112xf32, #tpu.memory_space<vmem>>, vector<1x16xf32>,
        %get3A_387 = vector.shape_cast %get3A_386 : vector<1x16xf32> to vector<16xf32>
        %mul3A_388 = arith.mulf %get3A_387, %broadcast_in_dim3A_367 : vector<16xf32>
        %add3A_389 = arith.constant 3 : i32
        %add3A_390 = arith.addi %mul3A_62, %add3A_389 : i32
        %swap3A_391 = arith.index_cast %add3A_390 : i32 to index
        %swap3A_392 = arith.constant 16 : index
        %swap3A_393 = tpu.vector_load %arg9[%swap3A_391, %swap3A_392] {strides = array<i32>} : memref<400x112xf32, #tpu.memory_space<vmem>>, vector<1x16xf32>,
        %swap3A_394 = vector.shape_cast %swap3A_393 : vector<1x16xf32> to vector<16xf32>
        %swap3A_395 = vector.shape_cast %mul3A_388 : vector<16xf32> to vector<1x16xf32>
        tpu.vector_store %arg9[%swap3A_391, %swap3A_392], %swap3A_395 {strides = array<i32>} : memref<400x112xf32, #tpu.memory_space<vmem>>, vector<1x16xf32>,
        %add3A_396 = arith.constant 3 : i32
        %add3A_397 = arith.addi %mul3A_62, %add3A_396 : i32
        %get3A_398 = arith.index_cast %add3A_397 : i32 to index
        %get3A_399 = arith.constant 32 : index
        %get3A_400 = tpu.vector_load %arg9[%get3A_398, %get3A_399] {strides = array<i32>} : memref<400x112xf32, #tpu.memory_space<vmem>>, vector<1x16xf32>,
        %get3A_401 = vector.shape_cast %get3A_400 : vector<1x16xf32> to vector<16xf32>
        %mul3A_402 = arith.mulf %get3A_401, %broadcast_in_dim3A_367 : vector<16xf32>
        %add3A_403 = arith.constant 3 : i32
        %add3A_404 = arith.addi %mul3A_62, %add3A_403 : i32
        %swap3A_405 = arith.index_cast %add3A_404 : i32 to index
        %swap3A_406 = arith.constant 32 : index
        %swap3A_407 = tpu.vector_load %arg9[%swap3A_405, %swap3A_406] {strides = array<i32>} : memref<400x112xf32, #tpu.memory_space<vmem>>, vector<1x16xf32>,
        %swap3A_408 = vector.shape_cast %swap3A_407 : vector<1x16xf32> to vector<16xf32>
        %swap3A_409 = vector.shape_cast %mul3A_402 : vector<16xf32> to vector<1x16xf32>
        tpu.vector_store %arg9[%swap3A_405, %swap3A_406], %swap3A_409 {strides = array<i32>} : memref<400x112xf32, #tpu.memory_space<vmem>>, vector<1x16xf32>,
        %add3A_410 = arith.constant 3 : i32
        %add3A_411 = arith.addi %mul3A_62, %add3A_410 : i32
        %get3A_412 = arith.index_cast %add3A_411 : i32 to index
        %get3A_413 = arith.constant 48 : index
        %get3A_414 = tpu.vector_load %arg9[%get3A_412, %get3A_413] {strides = array<i32>} : memref<400x112xf32, #tpu.memory_space<vmem>>, vector<1x16xf32>,
        %get3A_415 = vector.shape_cast %get3A_414 : vector<1x16xf32> to vector<16xf32>
        %mul3A_416 = arith.mulf %get3A_415, %broadcast_in_dim3A_367 : vector<16xf32>
        %add3A_417 = arith.constant 3 : i32
        %add3A_418 = arith.addi %mul3A_62, %add3A_417 : i32
        %swap3A_419 = arith.index_cast %add3A_418 : i32 to index
        %swap3A_420 = arith.constant 48 : index
        %swap3A_421 = tpu.vector_load %arg9[%swap3A_419, %swap3A_420] {strides = array<i32>} : memref<400x112xf32, #tpu.memory_space<vmem>>, vector<1x16xf32>,
        %swap3A_422 = vector.shape_cast %swap3A_421 : vector<1x16xf32> to vector<16xf32>
        %swap3A_423 = vector.shape_cast %mul3A_416 : vector<16xf32> to vector<1x16xf32>
        tpu.vector_store %arg9[%swap3A_419, %swap3A_420], %swap3A_423 {strides = array<i32>} : memref<400x112xf32, #tpu.memory_space<vmem>>, vector<1x16xf32>,
        %add3A_424 = arith.constant 3 : i32
        %add3A_425 = arith.addi %mul3A_62, %add3A_424 : i32
        %get3A_426 = arith.index_cast %add3A_425 : i32 to index
        %get3A_427 = arith.constant 64 : index
        %get3A_428 = tpu.vector_load %arg9[%get3A_426, %get3A_427] {strides = array<i32>} : memref<400x112xf32, #tpu.memory_space<vmem>>, vector<1x16xf32>,
        %get3A_429 = vector.shape_cast %get3A_428 : vector<1x16xf32> to vector<16xf32>
        %mul3A_430 = arith.mulf %get3A_429, %broadcast_in_dim3A_367 : vector<16xf32>
        %add3A_431 = arith.constant 3 : i32
        %add3A_432 = arith.addi %mul3A_62, %add3A_431 : i32
        %swap3A_433 = arith.index_cast %add3A_432 : i32 to index
        %swap3A_434 = arith.constant 64 : index
        %swap3A_435 = tpu.vector_load %arg9[%swap3A_433, %swap3A_434] {strides = array<i32>} : memref<400x112xf32, #tpu.memory_space<vmem>>, vector<1x16xf32>,
        %swap3A_436 = vector.shape_cast %swap3A_435 : vector<1x16xf32> to vector<16xf32>
        %swap3A_437 = vector.shape_cast %mul3A_430 : vector<16xf32> to vector<1x16xf32>
        tpu.vector_store %arg9[%swap3A_433, %swap3A_434], %swap3A_437 {strides = array<i32>} : memref<400x112xf32, #tpu.memory_space<vmem>>, vector<1x16xf32>,
        %add3A_438 = arith.constant 3 : i32
        %add3A_439 = arith.addi %mul3A_62, %add3A_438 : i32
        %get3A_440 = arith.index_cast %add3A_439 : i32 to index
        %get3A_441 = arith.constant 80 : index
        %get3A_442 = tpu.vector_load %arg9[%get3A_440, %get3A_441] {strides = array<i32>} : memref<400x112xf32, #tpu.memory_space<vmem>>, vector<1x16xf32>,
        %get3A_443 = vector.shape_cast %get3A_442 : vector<1x16xf32> to vector<16xf32>
        %mul3A_444 = arith.mulf %get3A_443, %broadcast_in_dim3A_367 : vector<16xf32>
        %add3A_445 = arith.constant 3 : i32
        %add3A_446 = arith.addi %mul3A_62, %add3A_445 : i32
        %swap3A_447 = arith.index_cast %add3A_446 : i32 to index
        %swap3A_448 = arith.constant 80 : index
        %swap3A_449 = tpu.vector_load %arg9[%swap3A_447, %swap3A_448] {strides = array<i32>} : memref<400x112xf32, #tpu.memory_space<vmem>>, vector<1x16xf32>,
        %swap3A_450 = vector.shape_cast %swap3A_449 : vector<1x16xf32> to vector<16xf32>
        %swap3A_451 = vector.shape_cast %mul3A_444 : vector<16xf32> to vector<1x16xf32>
        tpu.vector_store %arg9[%swap3A_447, %swap3A_448], %swap3A_451 {strides = array<i32>} : memref<400x112xf32, #tpu.memory_space<vmem>>, vector<1x16xf32>,
        %add3A_452 = arith.constant 3 : i32
        %add3A_453 = arith.addi %mul3A_62, %add3A_452 : i32
        %get3A_454 = arith.index_cast %add3A_453 : i32 to index
        %get3A_455 = arith.constant 96 : index
        %get3A_456 = tpu.vector_load %arg9[%get3A_454, %get3A_455] {strides = array<i32>} : memref<400x112xf32, #tpu.memory_space<vmem>>, vector<1x16xf32>,
        %get3A_457 = vector.shape_cast %get3A_456 : vector<1x16xf32> to vector<16xf32>
        %mul3A_458 = arith.mulf %get3A_457, %broadcast_in_dim3A_367 : vector<16xf32>
        %add3A_459 = arith.constant 3 : i32
        %add3A_460 = arith.addi %mul3A_62, %add3A_459 : i32
        %swap3A_461 = arith.index_cast %add3A_460 : i32 to index
        %swap3A_462 = arith.constant 96 : index
        %swap3A_463 = tpu.vector_load %arg9[%swap3A_461, %swap3A_462] {strides = array<i32>} : memref<400x112xf32, #tpu.memory_space<vmem>>, vector<1x16xf32>,
        %swap3A_464 = vector.shape_cast %swap3A_463 : vector<1x16xf32> to vector<16xf32>
        %swap3A_465 = vector.shape_cast %mul3A_458 : vector<16xf32> to vector<1x16xf32>
        tpu.vector_store %arg9[%swap3A_461, %swap3A_462], %swap3A_465 {strides = array<i32>} : memref<400x112xf32, #tpu.memory_space<vmem>>, vector<1x16xf32>,
        %slice3A_466 = vector.extract_strided_slice %get3A_64 {offsets = [4], sizes = [1], strides = [1]} : vector<16xf32> to vector<1xf32>
        %squeeze3A_467 = vector.extract %slice3A_466[0] : f32 from vector<1xf32>
        %broadcast_in_dim3A_468 = vector.broadcast %squeeze3A_467 : f32 to vector<16xf32>
        %add3A_469 = arith.constant 4 : i32
        %add3A_470 = arith.addi %mul3A_62, %add3A_469 : i32
        %get3A_471 = arith.index_cast %add3A_470 : i32 to index
        %get3A_472 = arith.constant 0 : index
        %get3A_473 = tpu.vector_load %arg9[%get3A_471, %get3A_472] {strides = array<i32>} : memref<400x112xf32, #tpu.memory_space<vmem>>, vector<1x16xf32>,
        %get3A_474 = vector.shape_cast %get3A_473 : vector<1x16xf32> to vector<16xf32>
        %mul3A_475 = arith.mulf %get3A_474, %broadcast_in_dim3A_468 : vector<16xf32>
        %add3A_476 = arith.constant 4 : i32
        %add3A_477 = arith.addi %mul3A_62, %add3A_476 : i32
        %swap3A_478 = arith.index_cast %add3A_477 : i32 to index
        %swap3A_479 = arith.constant 0 : index
        %swap3A_480 = tpu.vector_load %arg9[%swap3A_478, %swap3A_479] {strides = array<i32>} : memref<400x112xf32, #tpu.memory_space<vmem>>, vector<1x16xf32>,
        %swap3A_481 = vector.shape_cast %swap3A_480 : vector<1x16xf32> to vector<16xf32>
        %swap3A_482 = vector.shape_cast %mul3A_475 : vector<16xf32> to vector<1x16xf32>
        tpu.vector_store %arg9[%swap3A_478, %swap3A_479], %swap3A_482 {strides = array<i32>} : memref<400x112xf32, #tpu.memory_space<vmem>>, vector<1x16xf32>,
        %add3A_483 = arith.constant 4 : i32
        %add3A_484 = arith.addi %mul3A_62, %add3A_483 : i32
        %get3A_485 = arith.index_cast %add3A_484 : i32 to index
        %get3A_486 = arith.constant 16 : index
        %get3A_487 = tpu.vector_load %arg9[%get3A_485, %get3A_486] {strides = array<i32>} : memref<400x112xf32, #tpu.memory_space<vmem>>, vector<1x16xf32>,
        %get3A_488 = vector.shape_cast %get3A_487 : vector<1x16xf32> to vector<16xf32>
        %mul3A_489 = arith.mulf %get3A_488, %broadcast_in_dim3A_468 : vector<16xf32>
        %add3A_490 = arith.constant 4 : i32
        %add3A_491 = arith.addi %mul3A_62, %add3A_490 : i32
        %swap3A_492 = arith.index_cast %add3A_491 : i32 to index
        %swap3A_493 = arith.constant 16 : index
        %swap3A_494 = tpu.vector_load %arg9[%swap3A_492, %swap3A_493] {strides = array<i32>} : memref<400x112xf32, #tpu.memory_space<vmem>>, vector<1x16xf32>,
        %swap3A_495 = vector.shape_cast %swap3A_494 : vector<1x16xf32> to vector<16xf32>
        %swap3A_496 = vector.shape_cast %mul3A_489 : vector<16xf32> to vector<1x16xf32>
        tpu.vector_store %arg9[%swap3A_492, %swap3A_493], %swap3A_496 {strides = array<i32>} : memref<400x112xf32, #tpu.memory_space<vmem>>, vector<1x16xf32>,
        %add3A_497 = arith.constant 4 : i32
        %add3A_498 = arith.addi %mul3A_62, %add3A_497 : i32
        %get3A_499 = arith.index_cast %add3A_498 : i32 to index
        %get3A_500 = arith.constant 32 : index
        %get3A_501 = tpu.vector_load %arg9[%get3A_499, %get3A_500] {strides = array<i32>} : memref<400x112xf32, #tpu.memory_space<vmem>>, vector<1x16xf32>,
        %get3A_502 = vector.shape_cast %get3A_501 : vector<1x16xf32> to vector<16xf32>
        %mul3A_503 = arith.mulf %get3A_502, %broadcast_in_dim3A_468 : vector<16xf32>
        %add3A_504 = arith.constant 4 : i32
        %add3A_505 = arith.addi %mul3A_62, %add3A_504 : i32
        %swap3A_506 = arith.index_cast %add3A_505 : i32 to index
        %swap3A_507 = arith.constant 32 : index
        %swap3A_508 = tpu.vector_load %arg9[%swap3A_506, %swap3A_507] {strides = array<i32>} : memref<400x112xf32, #tpu.memory_space<vmem>>, vector<1x16xf32>,
        %swap3A_509 = vector.shape_cast %swap3A_508 : vector<1x16xf32> to vector<16xf32>
        %swap3A_510 = vector.shape_cast %mul3A_503 : vector<16xf32> to vector<1x16xf32>
        tpu.vector_store %arg9[%swap3A_506, %swap3A_507], %swap3A_510 {strides = array<i32>} : memref<400x112xf32, #tpu.memory_space<vmem>>, vector<1x16xf32>,
        %add3A_511 = arith.constant 4 : i32
        %add3A_512 = arith.addi %mul3A_62, %add3A_511 : i32
        %get3A_513 = arith.index_cast %add3A_512 : i32 to index
        %get3A_514 = arith.constant 48 : index
        %get3A_515 = tpu.vector_load %arg9[%get3A_513, %get3A_514] {strides = array<i32>} : memref<400x112xf32, #tpu.memory_space<vmem>>, vector<1x16xf32>,
        %get3A_516 = vector.shape_cast %get3A_515 : vector<1x16xf32> to vector<16xf32>
        %mul3A_517 = arith.mulf %get3A_516, %broadcast_in_dim3A_468 : vector<16xf32>
        %add3A_518 = arith.constant 4 : i32
        %add3A_519 = arith.addi %mul3A_62, %add3A_518 : i32
        %swap3A_520 = arith.index_cast %add3A_519 : i32 to index
        %swap3A_521 = arith.constant 48 : index
        %swap3A_522 = tpu.vector_load %arg9[%swap3A_520, %swap3A_521] {strides = array<i32>} : memref<400x112xf32, #tpu.memory_space<vmem>>, vector<1x16xf32>,
        %swap3A_523 = vector.shape_cast %swap3A_522 : vector<1x16xf32> to vector<16xf32>
        %swap3A_524 = vector.shape_cast %mul3A_517 : vector<16xf32> to vector<1x16xf32>
        tpu.vector_store %arg9[%swap3A_520, %swap3A_521], %swap3A_524 {strides = array<i32>} : memref<400x112xf32, #tpu.memory_space<vmem>>, vector<1x16xf32>,
        %add3A_525 = arith.constant 4 : i32
        %add3A_526 = arith.addi %mul3A_62, %add3A_525 : i32
        %get3A_527 = arith.index_cast %add3A_526 : i32 to index
        %get3A_528 = arith.constant 64 : index
        %get3A_529 = tpu.vector_load %arg9[%get3A_527, %get3A_528] {strides = array<i32>} : memref<400x112xf32, #tpu.memory_space<vmem>>, vector<1x16xf32>,
        %get3A_530 = vector.shape_cast %get3A_529 : vector<1x16xf32> to vector<16xf32>
        %mul3A_531 = arith.mulf %get3A_530, %broadcast_in_dim3A_468 : vector<16xf32>
        %add3A_532 = arith.constant 4 : i32
        %add3A_533 = arith.addi %mul3A_62, %add3A_532 : i32
        %swap3A_534 = arith.index_cast %add3A_533 : i32 to index
        %swap3A_535 = arith.constant 64 : index
        %swap3A_536 = tpu.vector_load %arg9[%swap3A_534, %swap3A_535] {strides = array<i32>} : memref<400x112xf32, #tpu.memory_space<vmem>>, vector<1x16xf32>,
        %swap3A_537 = vector.shape_cast %swap3A_536 : vector<1x16xf32> to vector<16xf32>
        %swap3A_538 = vector.shape_cast %mul3A_531 : vector<16xf32> to vector<1x16xf32>
        tpu.vector_store %arg9[%swap3A_534, %swap3A_535], %swap3A_538 {strides = array<i32>} : memref<400x112xf32, #tpu.memory_space<vmem>>, vector<1x16xf32>,
        %add3A_539 = arith.constant 4 : i32
        %add3A_540 = arith.addi %mul3A_62, %add3A_539 : i32
        %get3A_541 = arith.index_cast %add3A_540 : i32 to index
        %get3A_542 = arith.constant 80 : index
        %get3A_543 = tpu.vector_load %arg9[%get3A_541, %get3A_542] {strides = array<i32>} : memref<400x112xf32, #tpu.memory_space<vmem>>, vector<1x16xf32>,
        %get3A_544 = vector.shape_cast %get3A_543 : vector<1x16xf32> to vector<16xf32>
        %mul3A_545 = arith.mulf %get3A_544, %broadcast_in_dim3A_468 : vector<16xf32>
        %add3A_546 = arith.constant 4 : i32
        %add3A_547 = arith.addi %mul3A_62, %add3A_546 : i32
        %swap3A_548 = arith.index_cast %add3A_547 : i32 to index
        %swap3A_549 = arith.constant 80 : index
        %swap3A_550 = tpu.vector_load %arg9[%swap3A_548, %swap3A_549] {strides = array<i32>} : memref<400x112xf32, #tpu.memory_space<vmem>>, vector<1x16xf32>,
        %swap3A_551 = vector.shape_cast %swap3A_550 : vector<1x16xf32> to vector<16xf32>
        %swap3A_552 = vector.shape_cast %mul3A_545 : vector<16xf32> to vector<1x16xf32>
        tpu.vector_store %arg9[%swap3A_548, %swap3A_549], %swap3A_552 {strides = array<i32>} : memref<400x112xf32, #tpu.memory_space<vmem>>, vector<1x16xf32>,
        %add3A_553 = arith.constant 4 : i32
        %add3A_554 = arith.addi %mul3A_62, %add3A_553 : i32
        %get3A_555 = arith.index_cast %add3A_554 : i32 to index
        %get3A_556 = arith.constant 96 : index
        %get3A_557 = tpu.vector_load %arg9[%get3A_555, %get3A_556] {strides = array<i32>} : memref<400x112xf32, #tpu.memory_space<vmem>>, vector<1x16xf32>,
        %get3A_558 = vector.shape_cast %get3A_557 : vector<1x16xf32> to vector<16xf32>
        %mul3A_559 = arith.mulf %get3A_558, %broadcast_in_dim3A_468 : vector<16xf32>
        %add3A_560 = arith.constant 4 : i32
        %add3A_561 = arith.addi %mul3A_62, %add3A_560 : i32
        %swap3A_562 = arith.index_cast %add3A_561 : i32 to index
        %swap3A_563 = arith.constant 96 : index
        %swap3A_564 = tpu.vector_load %arg9[%swap3A_562, %swap3A_563] {strides = array<i32>} : memref<400x112xf32, #tpu.memory_space<vmem>>, vector<1x16xf32>,
        %swap3A_565 = vector.shape_cast %swap3A_564 : vector<1x16xf32> to vector<16xf32>
        %swap3A_566 = vector.shape_cast %mul3A_559 : vector<16xf32> to vector<1x16xf32>
        tpu.vector_store %arg9[%swap3A_562, %swap3A_563], %swap3A_566 {strides = array<i32>} : memref<400x112xf32, #tpu.memory_space<vmem>>, vector<1x16xf32>,
        %slice3A_567 = vector.extract_strided_slice %get3A_64 {offsets = [5], sizes = [1], strides = [1]} : vector<16xf32> to vector<1xf32>
        %squeeze3A_568 = vector.extract %slice3A_567[0] : f32 from vector<1xf32>
        %broadcast_in_dim3A_569 = vector.broadcast %squeeze3A_568 : f32 to vector<16xf32>
        %add3A_570 = arith.constant 5 : i32
        %add3A_571 = arith.addi %mul3A_62, %add3A_570 : i32
        %get3A_572 = arith.index_cast %add3A_571 : i32 to index
        %get3A_573 = arith.constant 0 : index
        %get3A_574 = tpu.vector_load %arg9[%get3A_572, %get3A_573] {strides = array<i32>} : memref<400x112xf32, #tpu.memory_space<vmem>>, vector<1x16xf32>,
        %get3A_575 = vector.shape_cast %get3A_574 : vector<1x16xf32> to vector<16xf32>
        %mul3A_576 = arith.mulf %get3A_575, %broadcast_in_dim3A_569 : vector<16xf32>
        %add3A_577 = arith.constant 5 : i32
        %add3A_578 = arith.addi %mul3A_62, %add3A_577 : i32
        %swap3A_579 = arith.index_cast %add3A_578 : i32 to index
        %swap3A_580 = arith.constant 0 : index
        %swap3A_581 = tpu.vector_load %arg9[%swap3A_579, %swap3A_580] {strides = array<i32>} : memref<400x112xf32, #tpu.memory_space<vmem>>, vector<1x16xf32>,
        %swap3A_582 = vector.shape_cast %swap3A_581 : vector<1x16xf32> to vector<16xf32>
        %swap3A_583 = vector.shape_cast %mul3A_576 : vector<16xf32> to vector<1x16xf32>
        tpu.vector_store %arg9[%swap3A_579, %swap3A_580], %swap3A_583 {strides = array<i32>} : memref<400x112xf32, #tpu.memory_space<vmem>>, vector<1x16xf32>,
        %add3A_584 = arith.constant 5 : i32
        %add3A_585 = arith.addi %mul3A_62, %add3A_584 : i32
        %get3A_586 = arith.index_cast %add3A_585 : i32 to index
        %get3A_587 = arith.constant 16 : index
        %get3A_588 = tpu.vector_load %arg9[%get3A_586, %get3A_587] {strides = array<i32>} : memref<400x112xf32, #tpu.memory_space<vmem>>, vector<1x16xf32>,
        %get3A_589 = vector.shape_cast %get3A_588 : vector<1x16xf32> to vector<16xf32>
        %mul3A_590 = arith.mulf %get3A_589, %broadcast_in_dim3A_569 : vector<16xf32>
        %add3A_591 = arith.constant 5 : i32
        %add3A_592 = arith.addi %mul3A_62, %add3A_591 : i32
        %swap3A_593 = arith.index_cast %add3A_592 : i32 to index
        %swap3A_594 = arith.constant 16 : index
        %swap3A_595 = tpu.vector_load %arg9[%swap3A_593, %swap3A_594] {strides = array<i32>} : memref<400x112xf32, #tpu.memory_space<vmem>>, vector<1x16xf32>,
        %swap3A_596 = vector.shape_cast %swap3A_595 : vector<1x16xf32> to vector<16xf32>
        %swap3A_597 = vector.shape_cast %mul3A_590 : vector<16xf32> to vector<1x16xf32>
        tpu.vector_store %arg9[%swap3A_593, %swap3A_594], %swap3A_597 {strides = array<i32>} : memref<400x112xf32, #tpu.memory_space<vmem>>, vector<1x16xf32>,
        %add3A_598 = arith.constant 5 : i32
        %add3A_599 = arith.addi %mul3A_62, %add3A_598 : i32
        %get3A_600 = arith.index_cast %add3A_599 : i32 to index
        %get3A_601 = arith.constant 32 : index
        %get3A_602 = tpu.vector_load %arg9[%get3A_600, %get3A_601] {strides = array<i32>} : memref<400x112xf32, #tpu.memory_space<vmem>>, vector<1x16xf32>,
        %get3A_603 = vector.shape_cast %get3A_602 : vector<1x16xf32> to vector<16xf32>
        %mul3A_604 = arith.mulf %get3A_603, %broadcast_in_dim3A_569 : vector<16xf32>
        %add3A_605 = arith.constant 5 : i32
        %add3A_606 = arith.addi %mul3A_62, %add3A_605 : i32
        %swap3A_607 = arith.index_cast %add3A_606 : i32 to index
        %swap3A_608 = arith.constant 32 : index
        %swap3A_609 = tpu.vector_load %arg9[%swap3A_607, %swap3A_608] {strides = array<i32>} : memref<400x112xf32, #tpu.memory_space<vmem>>, vector<1x16xf32>,
        %swap3A_610 = vector.shape_cast %swap3A_609 : vector<1x16xf32> to vector<16xf32>
        %swap3A_611 = vector.shape_cast %mul3A_604 : vector<16xf32> to vector<1x16xf32>
        tpu.vector_store %arg9[%swap3A_607, %swap3A_608], %swap3A_611 {strides = array<i32>} : memref<400x112xf32, #tpu.memory_space<vmem>>, vector<1x16xf32>,
        %add3A_612 = arith.constant 5 : i32
        %add3A_613 = arith.addi %mul3A_62, %add3A_612 : i32
        %get3A_614 = arith.index_cast %add3A_613 : i32 to index
        %get3A_615 = arith.constant 48 : index
        %get3A_616 = tpu.vector_load %arg9[%get3A_614, %get3A_615] {strides = array<i32>} : memref<400x112xf32, #tpu.memory_space<vmem>>, vector<1x16xf32>,
        %get3A_617 = vector.shape_cast %get3A_616 : vector<1x16xf32> to vector<16xf32>
        %mul3A_618 = arith.mulf %get3A_617, %broadcast_in_dim3A_569 : vector<16xf32>
        %add3A_619 = arith.constant 5 : i32
        %add3A_620 = arith.addi %mul3A_62, %add3A_619 : i32
        %swap3A_621 = arith.index_cast %add3A_620 : i32 to index
        %swap3A_622 = arith.constant 48 : index
        %swap3A_623 = tpu.vector_load %arg9[%swap3A_621, %swap3A_622] {strides = array<i32>} : memref<400x112xf32, #tpu.memory_space<vmem>>, vector<1x16xf32>,
        %swap3A_624 = vector.shape_cast %swap3A_623 : vector<1x16xf32> to vector<16xf32>
        %swap3A_625 = vector.shape_cast %mul3A_618 : vector<16xf32> to vector<1x16xf32>
        tpu.vector_store %arg9[%swap3A_621, %swap3A_622], %swap3A_625 {strides = array<i32>} : memref<400x112xf32, #tpu.memory_space<vmem>>, vector<1x16xf32>,
        %add3A_626 = arith.constant 5 : i32
        %add3A_627 = arith.addi %mul3A_62, %add3A_626 : i32
        %get3A_628 = arith.index_cast %add3A_627 : i32 to index
        %get3A_629 = arith.constant 64 : index
        %get3A_630 = tpu.vector_load %arg9[%get3A_628, %get3A_629] {strides = array<i32>} : memref<400x112xf32, #tpu.memory_space<vmem>>, vector<1x16xf32>,
        %get3A_631 = vector.shape_cast %get3A_630 : vector<1x16xf32> to vector<16xf32>
        %mul3A_632 = arith.mulf %get3A_631, %broadcast_in_dim3A_569 : vector<16xf32>
        %add3A_633 = arith.constant 5 : i32
        %add3A_634 = arith.addi %mul3A_62, %add3A_633 : i32
        %swap3A_635 = arith.index_cast %add3A_634 : i32 to index
        %swap3A_636 = arith.constant 64 : index
        %swap3A_637 = tpu.vector_load %arg9[%swap3A_635, %swap3A_636] {strides = array<i32>} : memref<400x112xf32, #tpu.memory_space<vmem>>, vector<1x16xf32>,
        %swap3A_638 = vector.shape_cast %swap3A_637 : vector<1x16xf32> to vector<16xf32>
        %swap3A_639 = vector.shape_cast %mul3A_632 : vector<16xf32> to vector<1x16xf32>
        tpu.vector_store %arg9[%swap3A_635, %swap3A_636], %swap3A_639 {strides = array<i32>} : memref<400x112xf32, #tpu.memory_space<vmem>>, vector<1x16xf32>,
        %add3A_640 = arith.constant 5 : i32
        %add3A_641 = arith.addi %mul3A_62, %add3A_640 : i32
        %get3A_642 = arith.index_cast %add3A_641 : i32 to index
        %get3A_643 = arith.constant 80 : index
        %get3A_644 = tpu.vector_load %arg9[%get3A_642, %get3A_643] {strides = array<i32>} : memref<400x112xf32, #tpu.memory_space<vmem>>, vector<1x16xf32>,
        %get3A_645 = vector.shape_cast %get3A_644 : vector<1x16xf32> to vector<16xf32>
        %mul3A_646 = arith.mulf %get3A_645, %broadcast_in_dim3A_569 : vector<16xf32>
        %add3A_647 = arith.constant 5 : i32
        %add3A_648 = arith.addi %mul3A_62, %add3A_647 : i32
        %swap3A_649 = arith.index_cast %add3A_648 : i32 to index
        %swap3A_650 = arith.constant 80 : index
        %swap3A_651 = tpu.vector_load %arg9[%swap3A_649, %swap3A_650] {strides = array<i32>} : memref<400x112xf32, #tpu.memory_space<vmem>>, vector<1x16xf32>,
        %swap3A_652 = vector.shape_cast %swap3A_651 : vector<1x16xf32> to vector<16xf32>
        %swap3A_653 = vector.shape_cast %mul3A_646 : vector<16xf32> to vector<1x16xf32>
        tpu.vector_store %arg9[%swap3A_649, %swap3A_650], %swap3A_653 {strides = array<i32>} : memref<400x112xf32, #tpu.memory_space<vmem>>, vector<1x16xf32>,
        %add3A_654 = arith.constant 5 : i32
        %add3A_655 = arith.addi %mul3A_62, %add3A_654 : i32
        %get3A_656 = arith.index_cast %add3A_655 : i32 to index
        %get3A_657 = arith.constant 96 : index
        %get3A_658 = tpu.vector_load %arg9[%get3A_656, %get3A_657] {strides = array<i32>} : memref<400x112xf32, #tpu.memory_space<vmem>>, vector<1x16xf32>,
        %get3A_659 = vector.shape_cast %get3A_658 : vector<1x16xf32> to vector<16xf32>
        %mul3A_660 = arith.mulf %get3A_659, %broadcast_in_dim3A_569 : vector<16xf32>
        %add3A_661 = arith.constant 5 : i32
        %add3A_662 = arith.addi %mul3A_62, %add3A_661 : i32
        %swap3A_663 = arith.index_cast %add3A_662 : i32 to index
        %swap3A_664 = arith.constant 96 : index
        %swap3A_665 = tpu.vector_load %arg9[%swap3A_663, %swap3A_664] {strides = array<i32>} : memref<400x112xf32, #tpu.memory_space<vmem>>, vector<1x16xf32>,
        %swap3A_666 = vector.shape_cast %swap3A_665 : vector<1x16xf32> to vector<16xf32>
        %swap3A_667 = vector.shape_cast %mul3A_660 : vector<16xf32> to vector<1x16xf32>
        tpu.vector_store %arg9[%swap3A_663, %swap3A_664], %swap3A_667 {strides = array<i32>} : memref<400x112xf32, #tpu.memory_space<vmem>>, vector<1x16xf32>,
        %slice3A_668 = vector.extract_strided_slice %get3A_64 {offsets = [6], sizes = [1], strides = [1]} : vector<16xf32> to vector<1xf32>
        %squeeze3A_669 = vector.extract %slice3A_668[0] : f32 from vector<1xf32>
        %broadcast_in_dim3A_670 = vector.broadcast %squeeze3A_669 : f32 to vector<16xf32>
        %add3A_671 = arith.constant 6 : i32
        %add3A_672 = arith.addi %mul3A_62, %add3A_671 : i32
        %get3A_673 = arith.index_cast %add3A_672 : i32 to index
        %get3A_674 = arith.constant 0 : index
        %get3A_675 = tpu.vector_load %arg9[%get3A_673, %get3A_674] {strides = array<i32>} : memref<400x112xf32, #tpu.memory_space<vmem>>, vector<1x16xf32>,
        %get3A_676 = vector.shape_cast %get3A_675 : vector<1x16xf32> to vector<16xf32>
        %mul3A_677 = arith.mulf %get3A_676, %broadcast_in_dim3A_670 : vector<16xf32>
        %add3A_678 = arith.constant 6 : i32
        %add3A_679 = arith.addi %mul3A_62, %add3A_678 : i32
        %swap3A_680 = arith.index_cast %add3A_679 : i32 to index
        %swap3A_681 = arith.constant 0 : index
        %swap3A_682 = tpu.vector_load %arg9[%swap3A_680, %swap3A_681] {strides = array<i32>} : memref<400x112xf32, #tpu.memory_space<vmem>>, vector<1x16xf32>,
        %swap3A_683 = vector.shape_cast %swap3A_682 : vector<1x16xf32> to vector<16xf32>
        %swap3A_684 = vector.shape_cast %mul3A_677 : vector<16xf32> to vector<1x16xf32>
        tpu.vector_store %arg9[%swap3A_680, %swap3A_681], %swap3A_684 {strides = array<i32>} : memref<400x112xf32, #tpu.memory_space<vmem>>, vector<1x16xf32>,
        %add3A_685 = arith.constant 6 : i32
        %add3A_686 = arith.addi %mul3A_62, %add3A_685 : i32
        %get3A_687 = arith.index_cast %add3A_686 : i32 to index
        %get3A_688 = arith.constant 16 : index
        %get3A_689 = tpu.vector_load %arg9[%get3A_687, %get3A_688] {strides = array<i32>} : memref<400x112xf32, #tpu.memory_space<vmem>>, vector<1x16xf32>,
        %get3A_690 = vector.shape_cast %get3A_689 : vector<1x16xf32> to vector<16xf32>
        %mul3A_691 = arith.mulf %get3A_690, %broadcast_in_dim3A_670 : vector<16xf32>
        %add3A_692 = arith.constant 6 : i32
        %add3A_693 = arith.addi %mul3A_62, %add3A_692 : i32
        %swap3A_694 = arith.index_cast %add3A_693 : i32 to index
        %swap3A_695 = arith.constant 16 : index
        %swap3A_696 = tpu.vector_load %arg9[%swap3A_694, %swap3A_695] {strides = array<i32>} : memref<400x112xf32, #tpu.memory_space<vmem>>, vector<1x16xf32>,
        %swap3A_697 = vector.shape_cast %swap3A_696 : vector<1x16xf32> to vector<16xf32>
        %swap3A_698 = vector.shape_cast %mul3A_691 : vector<16xf32> to vector<1x16xf32>
        tpu.vector_store %arg9[%swap3A_694, %swap3A_695], %swap3A_698 {strides = array<i32>} : memref<400x112xf32, #tpu.memory_space<vmem>>, vector<1x16xf32>,
        %add3A_699 = arith.constant 6 : i32
        %add3A_700 = arith.addi %mul3A_62, %add3A_699 : i32
        %get3A_701 = arith.index_cast %add3A_700 : i32 to index
        %get3A_702 = arith.constant 32 : index
        %get3A_703 = tpu.vector_load %arg9[%get3A_701, %get3A_702] {strides = array<i32>} : memref<400x112xf32, #tpu.memory_space<vmem>>, vector<1x16xf32>,
        %get3A_704 = vector.shape_cast %get3A_703 : vector<1x16xf32> to vector<16xf32>
        %mul3A_705 = arith.mulf %get3A_704, %broadcast_in_dim3A_670 : vector<16xf32>
        %add3A_706 = arith.constant 6 : i32
        %add3A_707 = arith.addi %mul3A_62, %add3A_706 : i32
        %swap3A_708 = arith.index_cast %add3A_707 : i32 to index
        %swap3A_709 = arith.constant 32 : index
        %swap3A_710 = tpu.vector_load %arg9[%swap3A_708, %swap3A_709] {strides = array<i32>} : memref<400x112xf32, #tpu.memory_space<vmem>>, vector<1x16xf32>,
        %swap3A_711 = vector.shape_cast %swap3A_710 : vector<1x16xf32> to vector<16xf32>
        %swap3A_712 = vector.shape_cast %mul3A_705 : vector<16xf32> to vector<1x16xf32>
        tpu.vector_store %arg9[%swap3A_708, %swap3A_709], %swap3A_712 {strides = array<i32>} : memref<400x112xf32, #tpu.memory_space<vmem>>, vector<1x16xf32>,
        %add3A_713 = arith.constant 6 : i32
        %add3A_714 = arith.addi %mul3A_62, %add3A_713 : i32
        %get3A_715 = arith.index_cast %add3A_714 : i32 to index
        %get3A_716 = arith.constant 48 : index
        %get3A_717 = tpu.vector_load %arg9[%get3A_715, %get3A_716] {strides = array<i32>} : memref<400x112xf32, #tpu.memory_space<vmem>>, vector<1x16xf32>,
        %get3A_718 = vector.shape_cast %get3A_717 : vector<1x16xf32> to vector<16xf32>
        %mul3A_719 = arith.mulf %get3A_718, %broadcast_in_dim3A_670 : vector<16xf32>
        %add3A_720 = arith.constant 6 : i32
        %add3A_721 = arith.addi %mul3A_62, %add3A_720 : i32
        %swap3A_722 = arith.index_cast %add3A_721 : i32 to index
        %swap3A_723 = arith.constant 48 : index
        %swap3A_724 = tpu.vector_load %arg9[%swap3A_722, %swap3A_723] {strides = array<i32>} : memref<400x112xf32, #tpu.memory_space<vmem>>, vector<1x16xf32>,
        %swap3A_725 = vector.shape_cast %swap3A_724 : vector<1x16xf32> to vector<16xf32>
        %swap3A_726 = vector.shape_cast %mul3A_719 : vector<16xf32> to vector<1x16xf32>
        tpu.vector_store %arg9[%swap3A_722, %swap3A_723], %swap3A_726 {strides = array<i32>} : memref<400x112xf32, #tpu.memory_space<vmem>>, vector<1x16xf32>,
        %add3A_727 = arith.constant 6 : i32
        %add3A_728 = arith.addi %mul3A_62, %add3A_727 : i32
        %get3A_729 = arith.index_cast %add3A_728 : i32 to index
        %get3A_730 = arith.constant 64 : index
        %get3A_731 = tpu.vector_load %arg9[%get3A_729, %get3A_730] {strides = array<i32>} : memref<400x112xf32, #tpu.memory_space<vmem>>, vector<1x16xf32>,
        %get3A_732 = vector.shape_cast %get3A_731 : vector<1x16xf32> to vector<16xf32>
        %mul3A_733 = arith.mulf %get3A_732, %broadcast_in_dim3A_670 : vector<16xf32>
        %add3A_734 = arith.constant 6 : i32
        %add3A_735 = arith.addi %mul3A_62, %add3A_734 : i32
        %swap3A_736 = arith.index_cast %add3A_735 : i32 to index
        %swap3A_737 = arith.constant 64 : index
        %swap3A_738 = tpu.vector_load %arg9[%swap3A_736, %swap3A_737] {strides = array<i32>} : memref<400x112xf32, #tpu.memory_space<vmem>>, vector<1x16xf32>,
        %swap3A_739 = vector.shape_cast %swap3A_738 : vector<1x16xf32> to vector<16xf32>
        %swap3A_740 = vector.shape_cast %mul3A_733 : vector<16xf32> to vector<1x16xf32>
        tpu.vector_store %arg9[%swap3A_736, %swap3A_737], %swap3A_740 {strides = array<i32>} : memref<400x112xf32, #tpu.memory_space<vmem>>, vector<1x16xf32>,
        %add3A_741 = arith.constant 6 : i32
        %add3A_742 = arith.addi %mul3A_62, %add3A_741 : i32
        %get3A_743 = arith.index_cast %add3A_742 : i32 to index
        %get3A_744 = arith.constant 80 : index
        %get3A_745 = tpu.vector_load %arg9[%get3A_743, %get3A_744] {strides = array<i32>} : memref<400x112xf32, #tpu.memory_space<vmem>>, vector<1x16xf32>,
        %get3A_746 = vector.shape_cast %get3A_745 : vector<1x16xf32> to vector<16xf32>
        %mul3A_747 = arith.mulf %get3A_746, %broadcast_in_dim3A_670 : vector<16xf32>
        %add3A_748 = arith.constant 6 : i32
        %add3A_749 = arith.addi %mul3A_62, %add3A_748 : i32
        %swap3A_750 = arith.index_cast %add3A_749 : i32 to index
        %swap3A_751 = arith.constant 80 : index
        %swap3A_752 = tpu.vector_load %arg9[%swap3A_750, %swap3A_751] {strides = array<i32>} : memref<400x112xf32, #tpu.memory_space<vmem>>, vector<1x16xf32>,
        %swap3A_753 = vector.shape_cast %swap3A_752 : vector<1x16xf32> to vector<16xf32>
        %swap3A_754 = vector.shape_cast %mul3A_747 : vector<16xf32> to vector<1x16xf32>
        tpu.vector_store %arg9[%swap3A_750, %swap3A_751], %swap3A_754 {strides = array<i32>} : memref<400x112xf32, #tpu.memory_space<vmem>>, vector<1x16xf32>,
        %add3A_755 = arith.constant 6 : i32
        %add3A_756 = arith.addi %mul3A_62, %add3A_755 : i32
        %get3A_757 = arith.index_cast %add3A_756 : i32 to index
        %get3A_758 = arith.constant 96 : index
        %get3A_759 = tpu.vector_load %arg9[%get3A_757, %get3A_758] {strides = array<i32>} : memref<400x112xf32, #tpu.memory_space<vmem>>, vector<1x16xf32>,
        %get3A_760 = vector.shape_cast %get3A_759 : vector<1x16xf32> to vector<16xf32>
        %mul3A_761 = arith.mulf %get3A_760, %broadcast_in_dim3A_670 : vector<16xf32>
        %add3A_762 = arith.constant 6 : i32
        %add3A_763 = arith.addi %mul3A_62, %add3A_762 : i32
        %swap3A_764 = arith.index_cast %add3A_763 : i32 to index
        %swap3A_765 = arith.constant 96 : index
        %swap3A_766 = tpu.vector_load %arg9[%swap3A_764, %swap3A_765] {strides = array<i32>} : memref<400x112xf32, #tpu.memory_space<vmem>>, vector<1x16xf32>,
        %swap3A_767 = vector.shape_cast %swap3A_766 : vector<1x16xf32> to vector<16xf32>
        %swap3A_768 = vector.shape_cast %mul3A_761 : vector<16xf32> to vector<1x16xf32>
        tpu.vector_store %arg9[%swap3A_764, %swap3A_765], %swap3A_768 {strides = array<i32>} : memref<400x112xf32, #tpu.memory_space<vmem>>, vector<1x16xf32>,
        %slice3A_769 = vector.extract_strided_slice %get3A_64 {offsets = [7], sizes = [1], strides = [1]} : vector<16xf32> to vector<1xf32>
        %squeeze3A_770 = vector.extract %slice3A_769[0] : f32 from vector<1xf32>
        %broadcast_in_dim3A_771 = vector.broadcast %squeeze3A_770 : f32 to vector<16xf32>
        %add3A_772 = arith.constant 7 : i32
        %add3A_773 = arith.addi %mul3A_62, %add3A_772 : i32
        %get3A_774 = arith.index_cast %add3A_773 : i32 to index
        %get3A_775 = arith.constant 0 : index
        %get3A_776 = tpu.vector_load %arg9[%get3A_774, %get3A_775] {strides = array<i32>} : memref<400x112xf32, #tpu.memory_space<vmem>>, vector<1x16xf32>,
        %get3A_777 = vector.shape_cast %get3A_776 : vector<1x16xf32> to vector<16xf32>
        %mul3A_778 = arith.mulf %get3A_777, %broadcast_in_dim3A_771 : vector<16xf32>
        %add3A_779 = arith.constant 7 : i32
        %add3A_780 = arith.addi %mul3A_62, %add3A_779 : i32
        %swap3A_781 = arith.index_cast %add3A_780 : i32 to index
        %swap3A_782 = arith.constant 0 : index
        %swap3A_783 = tpu.vector_load %arg9[%swap3A_781, %swap3A_782] {strides = array<i32>} : memref<400x112xf32, #tpu.memory_space<vmem>>, vector<1x16xf32>,
        %swap3A_784 = vector.shape_cast %swap3A_783 : vector<1x16xf32> to vector<16xf32>
        %swap3A_785 = vector.shape_cast %mul3A_778 : vector<16xf32> to vector<1x16xf32>
        tpu.vector_store %arg9[%swap3A_781, %swap3A_782], %swap3A_785 {strides = array<i32>} : memref<400x112xf32, #tpu.memory_space<vmem>>, vector<1x16xf32>,
        %add3A_786 = arith.constant 7 : i32
        %add3A_787 = arith.addi %mul3A_62, %add3A_786 : i32
        %get3A_788 = arith.index_cast %add3A_787 : i32 to index
        %get3A_789 = arith.constant 16 : index
        %get3A_790 = tpu.vector_load %arg9[%get3A_788, %get3A_789] {strides = array<i32>} : memref<400x112xf32, #tpu.memory_space<vmem>>, vector<1x16xf32>,
        %get3A_791 = vector.shape_cast %get3A_790 : vector<1x16xf32> to vector<16xf32>
        %mul3A_792 = arith.mulf %get3A_791, %broadcast_in_dim3A_771 : vector<16xf32>
        %add3A_793 = arith.constant 7 : i32
        %add3A_794 = arith.addi %mul3A_62, %add3A_793 : i32
        %swap3A_795 = arith.index_cast %add3A_794 : i32 to index
        %swap3A_796 = arith.constant 16 : index
        %swap3A_797 = tpu.vector_load %arg9[%swap3A_795, %swap3A_796] {strides = array<i32>} : memref<400x112xf32, #tpu.memory_space<vmem>>, vector<1x16xf32>,
        %swap3A_798 = vector.shape_cast %swap3A_797 : vector<1x16xf32> to vector<16xf32>
        %swap3A_799 = vector.shape_cast %mul3A_792 : vector<16xf32> to vector<1x16xf32>
        tpu.vector_store %arg9[%swap3A_795, %swap3A_796], %swap3A_799 {strides = array<i32>} : memref<400x112xf32, #tpu.memory_space<vmem>>, vector<1x16xf32>,
        %add3A_800 = arith.constant 7 : i32
        %add3A_801 = arith.addi %mul3A_62, %add3A_800 : i32
        %get3A_802 = arith.index_cast %add3A_801 : i32 to index
        %get3A_803 = arith.constant 32 : index
        %get3A_804 = tpu.vector_load %arg9[%get3A_802, %get3A_803] {strides = array<i32>} : memref<400x112xf32, #tpu.memory_space<vmem>>, vector<1x16xf32>,
        %get3A_805 = vector.shape_cast %get3A_804 : vector<1x16xf32> to vector<16xf32>
        %mul3A_806 = arith.mulf %get3A_805, %broadcast_in_dim3A_771 : vector<16xf32>
        %add3A_807 = arith.constant 7 : i32
        %add3A_808 = arith.addi %mul3A_62, %add3A_807 : i32
        %swap3A_809 = arith.index_cast %add3A_808 : i32 to index
        %swap3A_810 = arith.constant 32 : index
        %swap3A_811 = tpu.vector_load %arg9[%swap3A_809, %swap3A_810] {strides = array<i32>} : memref<400x112xf32, #tpu.memory_space<vmem>>, vector<1x16xf32>,
        %swap3A_812 = vector.shape_cast %swap3A_811 : vector<1x16xf32> to vector<16xf32>
        %swap3A_813 = vector.shape_cast %mul3A_806 : vector<16xf32> to vector<1x16xf32>
        tpu.vector_store %arg9[%swap3A_809, %swap3A_810], %swap3A_813 {strides = array<i32>} : memref<400x112xf32, #tpu.memory_space<vmem>>, vector<1x16xf32>,
        %add3A_814 = arith.constant 7 : i32
        %add3A_815 = arith.addi %mul3A_62, %add3A_814 : i32
        %get3A_816 = arith.index_cast %add3A_815 : i32 to index
        %get3A_817 = arith.constant 48 : index
        %get3A_818 = tpu.vector_load %arg9[%get3A_816, %get3A_817] {strides = array<i32>} : memref<400x112xf32, #tpu.memory_space<vmem>>, vector<1x16xf32>,
        %get3A_819 = vector.shape_cast %get3A_818 : vector<1x16xf32> to vector<16xf32>
        %mul3A_820 = arith.mulf %get3A_819, %broadcast_in_dim3A_771 : vector<16xf32>
        %add3A_821 = arith.constant 7 : i32
        %add3A_822 = arith.addi %mul3A_62, %add3A_821 : i32
        %swap3A_823 = arith.index_cast %add3A_822 : i32 to index
        %swap3A_824 = arith.constant 48 : index
        %swap3A_825 = tpu.vector_load %arg9[%swap3A_823, %swap3A_824] {strides = array<i32>} : memref<400x112xf32, #tpu.memory_space<vmem>>, vector<1x16xf32>,
        %swap3A_826 = vector.shape_cast %swap3A_825 : vector<1x16xf32> to vector<16xf32>
        %swap3A_827 = vector.shape_cast %mul3A_820 : vector<16xf32> to vector<1x16xf32>
        tpu.vector_store %arg9[%swap3A_823, %swap3A_824], %swap3A_827 {strides = array<i32>} : memref<400x112xf32, #tpu.memory_space<vmem>>, vector<1x16xf32>,
        %add3A_828 = arith.constant 7 : i32
        %add3A_829 = arith.addi %mul3A_62, %add3A_828 : i32
        %get3A_830 = arith.index_cast %add3A_829 : i32 to index
        %get3A_831 = arith.constant 64 : index
        %get3A_832 = tpu.vector_load %arg9[%get3A_830, %get3A_831] {strides = array<i32>} : memref<400x112xf32, #tpu.memory_space<vmem>>, vector<1x16xf32>,
        %get3A_833 = vector.shape_cast %get3A_832 : vector<1x16xf32> to vector<16xf32>
        %mul3A_834 = arith.mulf %get3A_833, %broadcast_in_dim3A_771 : vector<16xf32>
        %add3A_835 = arith.constant 7 : i32
        %add3A_836 = arith.addi %mul3A_62, %add3A_835 : i32
        %swap3A_837 = arith.index_cast %add3A_836 : i32 to index
        %swap3A_838 = arith.constant 64 : index
        %swap3A_839 = tpu.vector_load %arg9[%swap3A_837, %swap3A_838] {strides = array<i32>} : memref<400x112xf32, #tpu.memory_space<vmem>>, vector<1x16xf32>,
        %swap3A_840 = vector.shape_cast %swap3A_839 : vector<1x16xf32> to vector<16xf32>
        %swap3A_841 = vector.shape_cast %mul3A_834 : vector<16xf32> to vector<1x16xf32>
        tpu.vector_store %arg9[%swap3A_837, %swap3A_838], %swap3A_841 {strides = array<i32>} : memref<400x112xf32, #tpu.memory_space<vmem>>, vector<1x16xf32>,
        %add3A_842 = arith.constant 7 : i32
        %add3A_843 = arith.addi %mul3A_62, %add3A_842 : i32
        %get3A_844 = arith.index_cast %add3A_843 : i32 to index
        %get3A_845 = arith.constant 80 : index
        %get3A_846 = tpu.vector_load %arg9[%get3A_844, %get3A_845] {strides = array<i32>} : memref<400x112xf32, #tpu.memory_space<vmem>>, vector<1x16xf32>,
        %get3A_847 = vector.shape_cast %get3A_846 : vector<1x16xf32> to vector<16xf32>
        %mul3A_848 = arith.mulf %get3A_847, %broadcast_in_dim3A_771 : vector<16xf32>
        %add3A_849 = arith.constant 7 : i32
        %add3A_850 = arith.addi %mul3A_62, %add3A_849 : i32
        %swap3A_851 = arith.index_cast %add3A_850 : i32 to index
        %swap3A_852 = arith.constant 80 : index
        %swap3A_853 = tpu.vector_load %arg9[%swap3A_851, %swap3A_852] {strides = array<i32>} : memref<400x112xf32, #tpu.memory_space<vmem>>, vector<1x16xf32>,
        %swap3A_854 = vector.shape_cast %swap3A_853 : vector<1x16xf32> to vector<16xf32>
        %swap3A_855 = vector.shape_cast %mul3A_848 : vector<16xf32> to vector<1x16xf32>
        tpu.vector_store %arg9[%swap3A_851, %swap3A_852], %swap3A_855 {strides = array<i32>} : memref<400x112xf32, #tpu.memory_space<vmem>>, vector<1x16xf32>,
        %add3A_856 = arith.constant 7 : i32
        %add3A_857 = arith.addi %mul3A_62, %add3A_856 : i32
        %get3A_858 = arith.index_cast %add3A_857 : i32 to index
        %get3A_859 = arith.constant 96 : index
        %get3A_860 = tpu.vector_load %arg9[%get3A_858, %get3A_859] {strides = array<i32>} : memref<400x112xf32, #tpu.memory_space<vmem>>, vector<1x16xf32>,
        %get3A_861 = vector.shape_cast %get3A_860 : vector<1x16xf32> to vector<16xf32>
        %mul3A_862 = arith.mulf %get3A_861, %broadcast_in_dim3A_771 : vector<16xf32>
        %add3A_863 = arith.constant 7 : i32
        %add3A_864 = arith.addi %mul3A_62, %add3A_863 : i32
        %swap3A_865 = arith.index_cast %add3A_864 : i32 to index
        %swap3A_866 = arith.constant 96 : index
        %swap3A_867 = tpu.vector_load %arg9[%swap3A_865, %swap3A_866] {strides = array<i32>} : memref<400x112xf32, #tpu.memory_space<vmem>>, vector<1x16xf32>,
        %swap3A_868 = vector.shape_cast %swap3A_867 : vector<1x16xf32> to vector<16xf32>
        %swap3A_869 = vector.shape_cast %mul3A_862 : vector<16xf32> to vector<1x16xf32>
        tpu.vector_store %arg9[%swap3A_865, %swap3A_866], %swap3A_869 {strides = array<i32>} : memref<400x112xf32, #tpu.memory_space<vmem>>, vector<1x16xf32>,
        %slice3A_870 = vector.extract_strided_slice %get3A_64 {offsets = [8], sizes = [1], strides = [1]} : vector<16xf32> to vector<1xf32>
        %squeeze3A_871 = vector.extract %slice3A_870[0] : f32 from vector<1xf32>
        %broadcast_in_dim3A_872 = vector.broadcast %squeeze3A_871 : f32 to vector<16xf32>
        %add3A_873 = arith.constant 8 : i32
        %add3A_874 = arith.addi %mul3A_62, %add3A_873 : i32
        %get3A_875 = arith.index_cast %add3A_874 : i32 to index
        %get3A_876 = arith.constant 0 : index
        %get3A_877 = tpu.vector_load %arg9[%get3A_875, %get3A_876] {strides = array<i32>} : memref<400x112xf32, #tpu.memory_space<vmem>>, vector<1x16xf32>,
        %get3A_878 = vector.shape_cast %get3A_877 : vector<1x16xf32> to vector<16xf32>
        %mul3A_879 = arith.mulf %get3A_878, %broadcast_in_dim3A_872 : vector<16xf32>
        %add3A_880 = arith.constant 8 : i32
        %add3A_881 = arith.addi %mul3A_62, %add3A_880 : i32
        %swap3A_882 = arith.index_cast %add3A_881 : i32 to index
        %swap3A_883 = arith.constant 0 : index
        %swap3A_884 = tpu.vector_load %arg9[%swap3A_882, %swap3A_883] {strides = array<i32>} : memref<400x112xf32, #tpu.memory_space<vmem>>, vector<1x16xf32>,
        %swap3A_885 = vector.shape_cast %swap3A_884 : vector<1x16xf32> to vector<16xf32>
        %swap3A_886 = vector.shape_cast %mul3A_879 : vector<16xf32> to vector<1x16xf32>
        tpu.vector_store %arg9[%swap3A_882, %swap3A_883], %swap3A_886 {strides = array<i32>} : memref<400x112xf32, #tpu.memory_space<vmem>>, vector<1x16xf32>,
        %add3A_887 = arith.constant 8 : i32
        %add3A_888 = arith.addi %mul3A_62, %add3A_887 : i32
        %get3A_889 = arith.index_cast %add3A_888 : i32 to index
        %get3A_890 = arith.constant 16 : index
        %get3A_891 = tpu.vector_load %arg9[%get3A_889, %get3A_890] {strides = array<i32>} : memref<400x112xf32, #tpu.memory_space<vmem>>, vector<1x16xf32>,
        %get3A_892 = vector.shape_cast %get3A_891 : vector<1x16xf32> to vector<16xf32>
        %mul3A_893 = arith.mulf %get3A_892, %broadcast_in_dim3A_872 : vector<16xf32>
        %add3A_894 = arith.constant 8 : i32
        %add3A_895 = arith.addi %mul3A_62, %add3A_894 : i32
        %swap3A_896 = arith.index_cast %add3A_895 : i32 to index
        %swap3A_897 = arith.constant 16 : index
        %swap3A_898 = tpu.vector_load %arg9[%swap3A_896, %swap3A_897] {strides = array<i32>} : memref<400x112xf32, #tpu.memory_space<vmem>>, vector<1x16xf32>,
        %swap3A_899 = vector.shape_cast %swap3A_898 : vector<1x16xf32> to vector<16xf32>
        %swap3A_900 = vector.shape_cast %mul3A_893 : vector<16xf32> to vector<1x16xf32>
        tpu.vector_store %arg9[%swap3A_896, %swap3A_897], %swap3A_900 {strides = array<i32>} : memref<400x112xf32, #tpu.memory_space<vmem>>, vector<1x16xf32>,
        %add3A_901 = arith.constant 8 : i32
        %add3A_902 = arith.addi %mul3A_62, %add3A_901 : i32
        %get3A_903 = arith.index_cast %add3A_902 : i32 to index
        %get3A_904 = arith.constant 32 : index
        %get3A_905 = tpu.vector_load %arg9[%get3A_903, %get3A_904] {strides = array<i32>} : memref<400x112xf32, #tpu.memory_space<vmem>>, vector<1x16xf32>,
        %get3A_906 = vector.shape_cast %get3A_905 : vector<1x16xf32> to vector<16xf32>
        %mul3A_907 = arith.mulf %get3A_906, %broadcast_in_dim3A_872 : vector<16xf32>
        %add3A_908 = arith.constant 8 : i32
        %add3A_909 = arith.addi %mul3A_62, %add3A_908 : i32
        %swap3A_910 = arith.index_cast %add3A_909 : i32 to index
        %swap3A_911 = arith.constant 32 : index
        %swap3A_912 = tpu.vector_load %arg9[%swap3A_910, %swap3A_911] {strides = array<i32>} : memref<400x112xf32, #tpu.memory_space<vmem>>, vector<1x16xf32>,
        %swap3A_913 = vector.shape_cast %swap3A_912 : vector<1x16xf32> to vector<16xf32>
        %swap3A_914 = vector.shape_cast %mul3A_907 : vector<16xf32> to vector<1x16xf32>
        tpu.vector_store %arg9[%swap3A_910, %swap3A_911], %swap3A_914 {strides = array<i32>} : memref<400x112xf32, #tpu.memory_space<vmem>>, vector<1x16xf32>,
        %add3A_915 = arith.constant 8 : i32
        %add3A_916 = arith.addi %mul3A_62, %add3A_915 : i32
        %get3A_917 = arith.index_cast %add3A_916 : i32 to index
        %get3A_918 = arith.constant 48 : index
        %get3A_919 = tpu.vector_load %arg9[%get3A_917, %get3A_918] {strides = array<i32>} : memref<400x112xf32, #tpu.memory_space<vmem>>, vector<1x16xf32>,
        %get3A_920 = vector.shape_cast %get3A_919 : vector<1x16xf32> to vector<16xf32>
        %mul3A_921 = arith.mulf %get3A_920, %broadcast_in_dim3A_872 : vector<16xf32>
        %add3A_922 = arith.constant 8 : i32
        %add3A_923 = arith.addi %mul3A_62, %add3A_922 : i32
        %swap3A_924 = arith.index_cast %add3A_923 : i32 to index
        %swap3A_925 = arith.constant 48 : index
        %swap3A_926 = tpu.vector_load %arg9[%swap3A_924, %swap3A_925] {strides = array<i32>} : memref<400x112xf32, #tpu.memory_space<vmem>>, vector<1x16xf32>,
        %swap3A_927 = vector.shape_cast %swap3A_926 : vector<1x16xf32> to vector<16xf32>
        %swap3A_928 = vector.shape_cast %mul3A_921 : vector<16xf32> to vector<1x16xf32>
        tpu.vector_store %arg9[%swap3A_924, %swap3A_925], %swap3A_928 {strides = array<i32>} : memref<400x112xf32, #tpu.memory_space<vmem>>, vector<1x16xf32>,
        %add3A_929 = arith.constant 8 : i32
        %add3A_930 = arith.addi %mul3A_62, %add3A_929 : i32
        %get3A_931 = arith.index_cast %add3A_930 : i32 to index
        %get3A_932 = arith.constant 64 : index
        %get3A_933 = tpu.vector_load %arg9[%get3A_931, %get3A_932] {strides = array<i32>} : memref<400x112xf32, #tpu.memory_space<vmem>>, vector<1x16xf32>,
        %get3A_934 = vector.shape_cast %get3A_933 : vector<1x16xf32> to vector<16xf32>
        %mul3A_935 = arith.mulf %get3A_934, %broadcast_in_dim3A_872 : vector<16xf32>
        %add3A_936 = arith.constant 8 : i32
        %add3A_937 = arith.addi %mul3A_62, %add3A_936 : i32
        %swap3A_938 = arith.index_cast %add3A_937 : i32 to index
        %swap3A_939 = arith.constant 64 : index
        %swap3A_940 = tpu.vector_load %arg9[%swap3A_938, %swap3A_939] {strides = array<i32>} : memref<400x112xf32, #tpu.memory_space<vmem>>, vector<1x16xf32>,
        %swap3A_941 = vector.shape_cast %swap3A_940 : vector<1x16xf32> to vector<16xf32>
        %swap3A_942 = vector.shape_cast %mul3A_935 : vector<16xf32> to vector<1x16xf32>
        tpu.vector_store %arg9[%swap3A_938, %swap3A_939], %swap3A_942 {strides = array<i32>} : memref<400x112xf32, #tpu.memory_space<vmem>>, vector<1x16xf32>,
        %add3A_943 = arith.constant 8 : i32
        %add3A_944 = arith.addi %mul3A_62, %add3A_943 : i32
        %get3A_945 = arith.index_cast %add3A_944 : i32 to index
        %get3A_946 = arith.constant 80 : index
        %get3A_947 = tpu.vector_load %arg9[%get3A_945, %get3A_946] {strides = array<i32>} : memref<400x112xf32, #tpu.memory_space<vmem>>, vector<1x16xf32>,
        %get3A_948 = vector.shape_cast %get3A_947 : vector<1x16xf32> to vector<16xf32>
        %mul3A_949 = arith.mulf %get3A_948, %broadcast_in_dim3A_872 : vector<16xf32>
        %add3A_950 = arith.constant 8 : i32
        %add3A_951 = arith.addi %mul3A_62, %add3A_950 : i32
        %swap3A_952 = arith.index_cast %add3A_951 : i32 to index
        %swap3A_953 = arith.constant 80 : index
        %swap3A_954 = tpu.vector_load %arg9[%swap3A_952, %swap3A_953] {strides = array<i32>} : memref<400x112xf32, #tpu.memory_space<vmem>>, vector<1x16xf32>,
        %swap3A_955 = vector.shape_cast %swap3A_954 : vector<1x16xf32> to vector<16xf32>
        %swap3A_956 = vector.shape_cast %mul3A_949 : vector<16xf32> to vector<1x16xf32>
        tpu.vector_store %arg9[%swap3A_952, %swap3A_953], %swap3A_956 {strides = array<i32>} : memref<400x112xf32, #tpu.memory_space<vmem>>, vector<1x16xf32>,
        %add3A_957 = arith.constant 8 : i32
        %add3A_958 = arith.addi %mul3A_62, %add3A_957 : i32
        %get3A_959 = arith.index_cast %add3A_958 : i32 to index
        %get3A_960 = arith.constant 96 : index
        %get3A_961 = tpu.vector_load %arg9[%get3A_959, %get3A_960] {strides = array<i32>} : memref<400x112xf32, #tpu.memory_space<vmem>>, vector<1x16xf32>,
        %get3A_962 = vector.shape_cast %get3A_961 : vector<1x16xf32> to vector<16xf32>
        %mul3A_963 = arith.mulf %get3A_962, %broadcast_in_dim3A_872 : vector<16xf32>
        %add3A_964 = arith.constant 8 : i32
        %add3A_965 = arith.addi %mul3A_62, %add3A_964 : i32
        %swap3A_966 = arith.index_cast %add3A_965 : i32 to index
        %swap3A_967 = arith.constant 96 : index
        %swap3A_968 = tpu.vector_load %arg9[%swap3A_966, %swap3A_967] {strides = array<i32>} : memref<400x112xf32, #tpu.memory_space<vmem>>, vector<1x16xf32>,
        %swap3A_969 = vector.shape_cast %swap3A_968 : vector<1x16xf32> to vector<16xf32>
        %swap3A_970 = vector.shape_cast %mul3A_963 : vector<16xf32> to vector<1x16xf32>
        tpu.vector_store %arg9[%swap3A_966, %swap3A_967], %swap3A_970 {strides = array<i32>} : memref<400x112xf32, #tpu.memory_space<vmem>>, vector<1x16xf32>,
        %slice3A_971 = vector.extract_strided_slice %get3A_64 {offsets = [9], sizes = [1], strides = [1]} : vector<16xf32> to vector<1xf32>
        %squeeze3A_972 = vector.extract %slice3A_971[0] : f32 from vector<1xf32>
        %broadcast_in_dim3A_973 = vector.broadcast %squeeze3A_972 : f32 to vector<16xf32>
        %add3A_974 = arith.constant 9 : i32
        %add3A_975 = arith.addi %mul3A_62, %add3A_974 : i32
        %get3A_976 = arith.index_cast %add3A_975 : i32 to index
        %get3A_977 = arith.constant 0 : index
        %get3A_978 = tpu.vector_load %arg9[%get3A_976, %get3A_977] {strides = array<i32>} : memref<400x112xf32, #tpu.memory_space<vmem>>, vector<1x16xf32>,
        %get3A_979 = vector.shape_cast %get3A_978 : vector<1x16xf32> to vector<16xf32>
        %mul3A_980 = arith.mulf %get3A_979, %broadcast_in_dim3A_973 : vector<16xf32>
        %add3A_981 = arith.constant 9 : i32
        %add3A_982 = arith.addi %mul3A_62, %add3A_981 : i32
        %swap3A_983 = arith.index_cast %add3A_982 : i32 to index
        %swap3A_984 = arith.constant 0 : index
        %swap3A_985 = tpu.vector_load %arg9[%swap3A_983, %swap3A_984] {strides = array<i32>} : memref<400x112xf32, #tpu.memory_space<vmem>>, vector<1x16xf32>,
        %swap3A_986 = vector.shape_cast %swap3A_985 : vector<1x16xf32> to vector<16xf32>
        %swap3A_987 = vector.shape_cast %mul3A_980 : vector<16xf32> to vector<1x16xf32>
        tpu.vector_store %arg9[%swap3A_983, %swap3A_984], %swap3A_987 {strides = array<i32>} : memref<400x112xf32, #tpu.memory_space<vmem>>, vector<1x16xf32>,
        %add3A_988 = arith.constant 9 : i32
        %add3A_989 = arith.addi %mul3A_62, %add3A_988 : i32
        %get3A_990 = arith.index_cast %add3A_989 : i32 to index
        %get3A_991 = arith.constant 16 : index
        %get3A_992 = tpu.vector_load %arg9[%get3A_990, %get3A_991] {strides = array<i32>} : memref<400x112xf32, #tpu.memory_space<vmem>>, vector<1x16xf32>,
        %get3A_993 = vector.shape_cast %get3A_992 : vector<1x16xf32> to vector<16xf32>
        %mul3A_994 = arith.mulf %get3A_993, %broadcast_in_dim3A_973 : vector<16xf32>
        %add3A_995 = arith.constant 9 : i32
        %add3A_996 = arith.addi %mul3A_62, %add3A_995 : i32
        %swap3A_997 = arith.index_cast %add3A_996 : i32 to index
        %swap3A_998 = arith.constant 16 : index
        %swap3A_999 = tpu.vector_load %arg9[%swap3A_997, %swap3A_998] {strides = array<i32>} : memref<400x112xf32, #tpu.memory_space<vmem>>, vector<1x16xf32>,
        %swap3A_1000 = vector.shape_cast %swap3A_999 : vector<1x16xf32> to vector<16xf32>
        %swap3A_1001 = vector.shape_cast %mul3A_994 : vector<16xf32> to vector<1x16xf32>
        tpu.vector_store %arg9[%swap3A_997, %swap3A_998], %swap3A_1001 {strides = array<i32>} : memref<400x112xf32, #tpu.memory_space<vmem>>, vector<1x16xf32>,
        %add3A_1002 = arith.constant 9 : i32
        %add3A_1003 = arith.addi %mul3A_62, %add3A_1002 : i32
        %get3A_1004 = arith.index_cast %add3A_1003 : i32 to index
        %get3A_1005 = arith.constant 32 : index
        %get3A_1006 = tpu.vector_load %arg9[%get3A_1004, %get3A_1005] {strides = array<i32>} : memref<400x112xf32, #tpu.memory_space<vmem>>, vector<1x16xf32>,
        %get3A_1007 = vector.shape_cast %get3A_1006 : vector<1x16xf32> to vector<16xf32>
        %mul3A_1008 = arith.mulf %get3A_1007, %broadcast_in_dim3A_973 : vector<16xf32>
        %add3A_1009 = arith.constant 9 : i32
        %add3A_1010 = arith.addi %mul3A_62, %add3A_1009 : i32
        %swap3A_1011 = arith.index_cast %add3A_1010 : i32 to index
        %swap3A_1012 = arith.constant 32 : index
        %swap3A_1013 = tpu.vector_load %arg9[%swap3A_1011, %swap3A_1012] {strides = array<i32>} : memref<400x112xf32, #tpu.memory_space<vmem>>, vector<1x16xf32>,
        %swap3A_1014 = vector.shape_cast %swap3A_1013 : vector<1x16xf32> to vector<16xf32>
        %swap3A_1015 = vector.shape_cast %mul3A_1008 : vector<16xf32> to vector<1x16xf32>
        tpu.vector_store %arg9[%swap3A_1011, %swap3A_1012], %swap3A_1015 {strides = array<i32>} : memref<400x112xf32, #tpu.memory_space<vmem>>, vector<1x16xf32>,
        %add3A_1016 = arith.constant 9 : i32
        %add3A_1017 = arith.addi %mul3A_62, %add3A_1016 : i32
        %get3A_1018 = arith.index_cast %add3A_1017 : i32 to index
        %get3A_1019 = arith.constant 48 : index
        %get3A_1020 = tpu.vector_load %arg9[%get3A_1018, %get3A_1019] {strides = array<i32>} : memref<400x112xf32, #tpu.memory_space<vmem>>, vector<1x16xf32>,
        %get3A_1021 = vector.shape_cast %get3A_1020 : vector<1x16xf32> to vector<16xf32>
        %mul3A_1022 = arith.mulf %get3A_1021, %broadcast_in_dim3A_973 : vector<16xf32>
        %add3A_1023 = arith.constant 9 : i32
        %add3A_1024 = arith.addi %mul3A_62, %add3A_1023 : i32
        %swap3A_1025 = arith.index_cast %add3A_1024 : i32 to index
        %swap3A_1026 = arith.constant 48 : index
        %swap3A_1027 = tpu.vector_load %arg9[%swap3A_1025, %swap3A_1026] {strides = array<i32>} : memref<400x112xf32, #tpu.memory_space<vmem>>, vector<1x16xf32>,
        %swap3A_1028 = vector.shape_cast %swap3A_1027 : vector<1x16xf32> to vector<16xf32>
        %swap3A_1029 = vector.shape_cast %mul3A_1022 : vector<16xf32> to vector<1x16xf32>
        tpu.vector_store %arg9[%swap3A_1025, %swap3A_1026], %swap3A_1029 {strides = array<i32>} : memref<400x112xf32, #tpu.memory_space<vmem>>, vector<1x16xf32>,
        %add3A_1030 = arith.constant 9 : i32
        %add3A_1031 = arith.addi %mul3A_62, %add3A_1030 : i32
        %get3A_1032 = arith.index_cast %add3A_1031 : i32 to index
        %get3A_1033 = arith.constant 64 : index
        %get3A_1034 = tpu.vector_load %arg9[%get3A_1032, %get3A_1033] {strides = array<i32>} : memref<400x112xf32, #tpu.memory_space<vmem>>, vector<1x16xf32>,
        %get3A_1035 = vector.shape_cast %get3A_1034 : vector<1x16xf32> to vector<16xf32>
        %mul3A_1036 = arith.mulf %get3A_1035, %broadcast_in_dim3A_973 : vector<16xf32>
        %add3A_1037 = arith.constant 9 : i32
        %add3A_1038 = arith.addi %mul3A_62, %add3A_1037 : i32
        %swap3A_1039 = arith.index_cast %add3A_1038 : i32 to index
        %swap3A_1040 = arith.constant 64 : index
        %swap3A_1041 = tpu.vector_load %arg9[%swap3A_1039, %swap3A_1040] {strides = array<i32>} : memref<400x112xf32, #tpu.memory_space<vmem>>, vector<1x16xf32>,
        %swap3A_1042 = vector.shape_cast %swap3A_1041 : vector<1x16xf32> to vector<16xf32>
        %swap3A_1043 = vector.shape_cast %mul3A_1036 : vector<16xf32> to vector<1x16xf32>
        tpu.vector_store %arg9[%swap3A_1039, %swap3A_1040], %swap3A_1043 {strides = array<i32>} : memref<400x112xf32, #tpu.memory_space<vmem>>, vector<1x16xf32>,
        %add3A_1044 = arith.constant 9 : i32
        %add3A_1045 = arith.addi %mul3A_62, %add3A_1044 : i32
        %get3A_1046 = arith.index_cast %add3A_1045 : i32 to index
        %get3A_1047 = arith.constant 80 : index
        %get3A_1048 = tpu.vector_load %arg9[%get3A_1046, %get3A_1047] {strides = array<i32>} : memref<400x112xf32, #tpu.memory_space<vmem>>, vector<1x16xf32>,
        %get3A_1049 = vector.shape_cast %get3A_1048 : vector<1x16xf32> to vector<16xf32>
        %mul3A_1050 = arith.mulf %get3A_1049, %broadcast_in_dim3A_973 : vector<16xf32>
        %add3A_1051 = arith.constant 9 : i32
        %add3A_1052 = arith.addi %mul3A_62, %add3A_1051 : i32
        %swap3A_1053 = arith.index_cast %add3A_1052 : i32 to index
        %swap3A_1054 = arith.constant 80 : index
        %swap3A_1055 = tpu.vector_load %arg9[%swap3A_1053, %swap3A_1054] {strides = array<i32>} : memref<400x112xf32, #tpu.memory_space<vmem>>, vector<1x16xf32>,
        %swap3A_1056 = vector.shape_cast %swap3A_1055 : vector<1x16xf32> to vector<16xf32>
        %swap3A_1057 = vector.shape_cast %mul3A_1050 : vector<16xf32> to vector<1x16xf32>
        tpu.vector_store %arg9[%swap3A_1053, %swap3A_1054], %swap3A_1057 {strides = array<i32>} : memref<400x112xf32, #tpu.memory_space<vmem>>, vector<1x16xf32>,
        %add3A_1058 = arith.constant 9 : i32
        %add3A_1059 = arith.addi %mul3A_62, %add3A_1058 : i32
        %get3A_1060 = arith.index_cast %add3A_1059 : i32 to index
        %get3A_1061 = arith.constant 96 : index
        %get3A_1062 = tpu.vector_load %arg9[%get3A_1060, %get3A_1061] {strides = array<i32>} : memref<400x112xf32, #tpu.memory_space<vmem>>, vector<1x16xf32>,
        %get3A_1063 = vector.shape_cast %get3A_1062 : vector<1x16xf32> to vector<16xf32>
        %mul3A_1064 = arith.mulf %get3A_1063, %broadcast_in_dim3A_973 : vector<16xf32>
        %add3A_1065 = arith.constant 9 : i32
        %add3A_1066 = arith.addi %mul3A_62, %add3A_1065 : i32
        %swap3A_1067 = arith.index_cast %add3A_1066 : i32 to index
        %swap3A_1068 = arith.constant 96 : index
        %swap3A_1069 = tpu.vector_load %arg9[%swap3A_1067, %swap3A_1068] {strides = array<i32>} : memref<400x112xf32, #tpu.memory_space<vmem>>, vector<1x16xf32>,
        %swap3A_1070 = vector.shape_cast %swap3A_1069 : vector<1x16xf32> to vector<16xf32>
        %swap3A_1071 = vector.shape_cast %mul3A_1064 : vector<16xf32> to vector<1x16xf32>
        tpu.vector_store %arg9[%swap3A_1067, %swap3A_1068], %swap3A_1071 {strides = array<i32>} : memref<400x112xf32, #tpu.memory_space<vmem>>, vector<1x16xf32>,
        %slice3A_1072 = vector.extract_strided_slice %get3A_64 {offsets = [10], sizes = [1], strides = [1]} : vector<16xf32> to vector<1xf32>
        %squeeze3A_1073 = vector.extract %slice3A_1072[0] : f32 from vector<1xf32>
        %broadcast_in_dim3A_1074 = vector.broadcast %squeeze3A_1073 : f32 to vector<16xf32>
        %add3A_1075 = arith.constant 10 : i32
        %add3A_1076 = arith.addi %mul3A_62, %add3A_1075 : i32
        %get3A_1077 = arith.index_cast %add3A_1076 : i32 to index
        %get3A_1078 = arith.constant 0 : index
        %get3A_1079 = tpu.vector_load %arg9[%get3A_1077, %get3A_1078] {strides = array<i32>} : memref<400x112xf32, #tpu.memory_space<vmem>>, vector<1x16xf32>,
        %get3A_1080 = vector.shape_cast %get3A_1079 : vector<1x16xf32> to vector<16xf32>
        %mul3A_1081 = arith.mulf %get3A_1080, %broadcast_in_dim3A_1074 : vector<16xf32>
        %add3A_1082 = arith.constant 10 : i32
        %add3A_1083 = arith.addi %mul3A_62, %add3A_1082 : i32
        %swap3A_1084 = arith.index_cast %add3A_1083 : i32 to index
        %swap3A_1085 = arith.constant 0 : index
        %swap3A_1086 = tpu.vector_load %arg9[%swap3A_1084, %swap3A_1085] {strides = array<i32>} : memref<400x112xf32, #tpu.memory_space<vmem>>, vector<1x16xf32>,
        %swap3A_1087 = vector.shape_cast %swap3A_1086 : vector<1x16xf32> to vector<16xf32>
        %swap3A_1088 = vector.shape_cast %mul3A_1081 : vector<16xf32> to vector<1x16xf32>
        tpu.vector_store %arg9[%swap3A_1084, %swap3A_1085], %swap3A_1088 {strides = array<i32>} : memref<400x112xf32, #tpu.memory_space<vmem>>, vector<1x16xf32>,
        %add3A_1089 = arith.constant 10 : i32
        %add3A_1090 = arith.addi %mul3A_62, %add3A_1089 : i32
        %get3A_1091 = arith.index_cast %add3A_1090 : i32 to index
        %get3A_1092 = arith.constant 16 : index
        %get3A_1093 = tpu.vector_load %arg9[%get3A_1091, %get3A_1092] {strides = array<i32>} : memref<400x112xf32, #tpu.memory_space<vmem>>, vector<1x16xf32>,
        %get3A_1094 = vector.shape_cast %get3A_1093 : vector<1x16xf32> to vector<16xf32>
        %mul3A_1095 = arith.mulf %get3A_1094, %broadcast_in_dim3A_1074 : vector<16xf32>
        %add3A_1096 = arith.constant 10 : i32
        %add3A_1097 = arith.addi %mul3A_62, %add3A_1096 : i32
        %swap3A_1098 = arith.index_cast %add3A_1097 : i32 to index
        %swap3A_1099 = arith.constant 16 : index
        %swap3A_1100 = tpu.vector_load %arg9[%swap3A_1098, %swap3A_1099] {strides = array<i32>} : memref<400x112xf32, #tpu.memory_space<vmem>>, vector<1x16xf32>,
        %swap3A_1101 = vector.shape_cast %swap3A_1100 : vector<1x16xf32> to vector<16xf32>
        %swap3A_1102 = vector.shape_cast %mul3A_1095 : vector<16xf32> to vector<1x16xf32>
        tpu.vector_store %arg9[%swap3A_1098, %swap3A_1099], %swap3A_1102 {strides = array<i32>} : memref<400x112xf32, #tpu.memory_space<vmem>>, vector<1x16xf32>,
        %add3A_1103 = arith.constant 10 : i32
        %add3A_1104 = arith.addi %mul3A_62, %add3A_1103 : i32
        %get3A_1105 = arith.index_cast %add3A_1104 : i32 to index
        %get3A_1106 = arith.constant 32 : index
        %get3A_1107 = tpu.vector_load %arg9[%get3A_1105, %get3A_1106] {strides = array<i32>} : memref<400x112xf32, #tpu.memory_space<vmem>>, vector<1x16xf32>,
        %get3A_1108 = vector.shape_cast %get3A_1107 : vector<1x16xf32> to vector<16xf32>
        %mul3A_1109 = arith.mulf %get3A_1108, %broadcast_in_dim3A_1074 : vector<16xf32>
        %add3A_1110 = arith.constant 10 : i32
        %add3A_1111 = arith.addi %mul3A_62, %add3A_1110 : i32
        %swap3A_1112 = arith.index_cast %add3A_1111 : i32 to index
        %swap3A_1113 = arith.constant 32 : index
        %swap3A_1114 = tpu.vector_load %arg9[%swap3A_1112, %swap3A_1113] {strides = array<i32>} : memref<400x112xf32, #tpu.memory_space<vmem>>, vector<1x16xf32>,
        %swap3A_1115 = vector.shape_cast %swap3A_1114 : vector<1x16xf32> to vector<16xf32>
        %swap3A_1116 = vector.shape_cast %mul3A_1109 : vector<16xf32> to vector<1x16xf32>
        tpu.vector_store %arg9[%swap3A_1112, %swap3A_1113], %swap3A_1116 {strides = array<i32>} : memref<400x112xf32, #tpu.memory_space<vmem>>, vector<1x16xf32>,
        %add3A_1117 = arith.constant 10 : i32
        %add3A_1118 = arith.addi %mul3A_62, %add3A_1117 : i32
        %get3A_1119 = arith.index_cast %add3A_1118 : i32 to index
        %get3A_1120 = arith.constant 48 : index
        %get3A_1121 = tpu.vector_load %arg9[%get3A_1119, %get3A_1120] {strides = array<i32>} : memref<400x112xf32, #tpu.memory_space<vmem>>, vector<1x16xf32>,
        %get3A_1122 = vector.shape_cast %get3A_1121 : vector<1x16xf32> to vector<16xf32>
        %mul3A_1123 = arith.mulf %get3A_1122, %broadcast_in_dim3A_1074 : vector<16xf32>
        %add3A_1124 = arith.constant 10 : i32
        %add3A_1125 = arith.addi %mul3A_62, %add3A_1124 : i32
        %swap3A_1126 = arith.index_cast %add3A_1125 : i32 to index
        %swap3A_1127 = arith.constant 48 : index
        %swap3A_1128 = tpu.vector_load %arg9[%swap3A_1126, %swap3A_1127] {strides = array<i32>} : memref<400x112xf32, #tpu.memory_space<vmem>>, vector<1x16xf32>,
        %swap3A_1129 = vector.shape_cast %swap3A_1128 : vector<1x16xf32> to vector<16xf32>
        %swap3A_1130 = vector.shape_cast %mul3A_1123 : vector<16xf32> to vector<1x16xf32>
        tpu.vector_store %arg9[%swap3A_1126, %swap3A_1127], %swap3A_1130 {strides = array<i32>} : memref<400x112xf32, #tpu.memory_space<vmem>>, vector<1x16xf32>,
        %add3A_1131 = arith.constant 10 : i32
        %add3A_1132 = arith.addi %mul3A_62, %add3A_1131 : i32
        %get3A_1133 = arith.index_cast %add3A_1132 : i32 to index
        %get3A_1134 = arith.constant 64 : index
        %get3A_1135 = tpu.vector_load %arg9[%get3A_1133, %get3A_1134] {strides = array<i32>} : memref<400x112xf32, #tpu.memory_space<vmem>>, vector<1x16xf32>,
        %get3A_1136 = vector.shape_cast %get3A_1135 : vector<1x16xf32> to vector<16xf32>
        %mul3A_1137 = arith.mulf %get3A_1136, %broadcast_in_dim3A_1074 : vector<16xf32>
        %add3A_1138 = arith.constant 10 : i32
        %add3A_1139 = arith.addi %mul3A_62, %add3A_1138 : i32
        %swap3A_1140 = arith.index_cast %add3A_1139 : i32 to index
        %swap3A_1141 = arith.constant 64 : index
        %swap3A_1142 = tpu.vector_load %arg9[%swap3A_1140, %swap3A_1141] {strides = array<i32>} : memref<400x112xf32, #tpu.memory_space<vmem>>, vector<1x16xf32>,
        %swap3A_1143 = vector.shape_cast %swap3A_1142 : vector<1x16xf32> to vector<16xf32>
        %swap3A_1144 = vector.shape_cast %mul3A_1137 : vector<16xf32> to vector<1x16xf32>
        tpu.vector_store %arg9[%swap3A_1140, %swap3A_1141], %swap3A_1144 {strides = array<i32>} : memref<400x112xf32, #tpu.memory_space<vmem>>, vector<1x16xf32>,
        %add3A_1145 = arith.constant 10 : i32
        %add3A_1146 = arith.addi %mul3A_62, %add3A_1145 : i32
        %get3A_1147 = arith.index_cast %add3A_1146 : i32 to index
        %get3A_1148 = arith.constant 80 : index
        %get3A_1149 = tpu.vector_load %arg9[%get3A_1147, %get3A_1148] {strides = array<i32>} : memref<400x112xf32, #tpu.memory_space<vmem>>, vector<1x16xf32>,
        %get3A_1150 = vector.shape_cast %get3A_1149 : vector<1x16xf32> to vector<16xf32>
        %mul3A_1151 = arith.mulf %get3A_1150, %broadcast_in_dim3A_1074 : vector<16xf32>
        %add3A_1152 = arith.constant 10 : i32
        %add3A_1153 = arith.addi %mul3A_62, %add3A_1152 : i32
        %swap3A_1154 = arith.index_cast %add3A_1153 : i32 to index
        %swap3A_1155 = arith.constant 80 : index
        %swap3A_1156 = tpu.vector_load %arg9[%swap3A_1154, %swap3A_1155] {strides = array<i32>} : memref<400x112xf32, #tpu.memory_space<vmem>>, vector<1x16xf32>,
        %swap3A_1157 = vector.shape_cast %swap3A_1156 : vector<1x16xf32> to vector<16xf32>
        %swap3A_1158 = vector.shape_cast %mul3A_1151 : vector<16xf32> to vector<1x16xf32>
        tpu.vector_store %arg9[%swap3A_1154, %swap3A_1155], %swap3A_1158 {strides = array<i32>} : memref<400x112xf32, #tpu.memory_space<vmem>>, vector<1x16xf32>,
        %add3A_1159 = arith.constant 10 : i32
        %add3A_1160 = arith.addi %mul3A_62, %add3A_1159 : i32
        %get3A_1161 = arith.index_cast %add3A_1160 : i32 to index
        %get3A_1162 = arith.constant 96 : index
        %get3A_1163 = tpu.vector_load %arg9[%get3A_1161, %get3A_1162] {strides = array<i32>} : memref<400x112xf32, #tpu.memory_space<vmem>>, vector<1x16xf32>,
        %get3A_1164 = vector.shape_cast %get3A_1163 : vector<1x16xf32> to vector<16xf32>
        %mul3A_1165 = arith.mulf %get3A_1164, %broadcast_in_dim3A_1074 : vector<16xf32>
        %add3A_1166 = arith.constant 10 : i32
        %add3A_1167 = arith.addi %mul3A_62, %add3A_1166 : i32
        %swap3A_1168 = arith.index_cast %add3A_1167 : i32 to index
        %swap3A_1169 = arith.constant 96 : index
        %swap3A_1170 = tpu.vector_load %arg9[%swap3A_1168, %swap3A_1169] {strides = array<i32>} : memref<400x112xf32, #tpu.memory_space<vmem>>, vector<1x16xf32>,
        %swap3A_1171 = vector.shape_cast %swap3A_1170 : vector<1x16xf32> to vector<16xf32>
        %swap3A_1172 = vector.shape_cast %mul3A_1165 : vector<16xf32> to vector<1x16xf32>
        tpu.vector_store %arg9[%swap3A_1168, %swap3A_1169], %swap3A_1172 {strides = array<i32>} : memref<400x112xf32, #tpu.memory_space<vmem>>, vector<1x16xf32>,
        %slice3A_1173 = vector.extract_strided_slice %get3A_64 {offsets = [11], sizes = [1], strides = [1]} : vector<16xf32> to vector<1xf32>
        %squeeze3A_1174 = vector.extract %slice3A_1173[0] : f32 from vector<1xf32>
        %broadcast_in_dim3A_1175 = vector.broadcast %squeeze3A_1174 : f32 to vector<16xf32>
        %add3A_1176 = arith.constant 11 : i32
        %add3A_1177 = arith.addi %mul3A_62, %add3A_1176 : i32
        %get3A_1178 = arith.index_cast %add3A_1177 : i32 to index
        %get3A_1179 = arith.constant 0 : index
        %get3A_1180 = tpu.vector_load %arg9[%get3A_1178, %get3A_1179] {strides = array<i32>} : memref<400x112xf32, #tpu.memory_space<vmem>>, vector<1x16xf32>,
        %get3A_1181 = vector.shape_cast %get3A_1180 : vector<1x16xf32> to vector<16xf32>
        %mul3A_1182 = arith.mulf %get3A_1181, %broadcast_in_dim3A_1175 : vector<16xf32>
        %add3A_1183 = arith.constant 11 : i32
        %add3A_1184 = arith.addi %mul3A_62, %add3A_1183 : i32
        %swap3A_1185 = arith.index_cast %add3A_1184 : i32 to index
        %swap3A_1186 = arith.constant 0 : index
        %swap3A_1187 = tpu.vector_load %arg9[%swap3A_1185, %swap3A_1186] {strides = array<i32>} : memref<400x112xf32, #tpu.memory_space<vmem>>, vector<1x16xf32>,
        %swap3A_1188 = vector.shape_cast %swap3A_1187 : vector<1x16xf32> to vector<16xf32>
        %swap3A_1189 = vector.shape_cast %mul3A_1182 : vector<16xf32> to vector<1x16xf32>
        tpu.vector_store %arg9[%swap3A_1185, %swap3A_1186], %swap3A_1189 {strides = array<i32>} : memref<400x112xf32, #tpu.memory_space<vmem>>, vector<1x16xf32>,
        %add3A_1190 = arith.constant 11 : i32
        %add3A_1191 = arith.addi %mul3A_62, %add3A_1190 : i32
        %get3A_1192 = arith.index_cast %add3A_1191 : i32 to index
        %get3A_1193 = arith.constant 16 : index
        %get3A_1194 = tpu.vector_load %arg9[%get3A_1192, %get3A_1193] {strides = array<i32>} : memref<400x112xf32, #tpu.memory_space<vmem>>, vector<1x16xf32>,
        %get3A_1195 = vector.shape_cast %get3A_1194 : vector<1x16xf32> to vector<16xf32>
        %mul3A_1196 = arith.mulf %get3A_1195, %broadcast_in_dim3A_1175 : vector<16xf32>
        %add3A_1197 = arith.constant 11 : i32
        %add3A_1198 = arith.addi %mul3A_62, %add3A_1197 : i32
        %swap3A_1199 = arith.index_cast %add3A_1198 : i32 to index
        %swap3A_1200 = arith.constant 16 : index
        %swap3A_1201 = tpu.vector_load %arg9[%swap3A_1199, %swap3A_1200] {strides = array<i32>} : memref<400x112xf32, #tpu.memory_space<vmem>>, vector<1x16xf32>,
        %swap3A_1202 = vector.shape_cast %swap3A_1201 : vector<1x16xf32> to vector<16xf32>
        %swap3A_1203 = vector.shape_cast %mul3A_1196 : vector<16xf32> to vector<1x16xf32>
        tpu.vector_store %arg9[%swap3A_1199, %swap3A_1200], %swap3A_1203 {strides = array<i32>} : memref<400x112xf32, #tpu.memory_space<vmem>>, vector<1x16xf32>,
        %add3A_1204 = arith.constant 11 : i32
        %add3A_1205 = arith.addi %mul3A_62, %add3A_1204 : i32
        %get3A_1206 = arith.index_cast %add3A_1205 : i32 to index
        %get3A_1207 = arith.constant 32 : index
        %get3A_1208 = tpu.vector_load %arg9[%get3A_1206, %get3A_1207] {strides = array<i32>} : memref<400x112xf32, #tpu.memory_space<vmem>>, vector<1x16xf32>,
        %get3A_1209 = vector.shape_cast %get3A_1208 : vector<1x16xf32> to vector<16xf32>
        %mul3A_1210 = arith.mulf %get3A_1209, %broadcast_in_dim3A_1175 : vector<16xf32>
        %add3A_1211 = arith.constant 11 : i32
        %add3A_1212 = arith.addi %mul3A_62, %add3A_1211 : i32
        %swap3A_1213 = arith.index_cast %add3A_1212 : i32 to index
        %swap3A_1214 = arith.constant 32 : index
        %swap3A_1215 = tpu.vector_load %arg9[%swap3A_1213, %swap3A_1214] {strides = array<i32>} : memref<400x112xf32, #tpu.memory_space<vmem>>, vector<1x16xf32>,
        %swap3A_1216 = vector.shape_cast %swap3A_1215 : vector<1x16xf32> to vector<16xf32>
        %swap3A_1217 = vector.shape_cast %mul3A_1210 : vector<16xf32> to vector<1x16xf32>
        tpu.vector_store %arg9[%swap3A_1213, %swap3A_1214], %swap3A_1217 {strides = array<i32>} : memref<400x112xf32, #tpu.memory_space<vmem>>, vector<1x16xf32>,
        %add3A_1218 = arith.constant 11 : i32
        %add3A_1219 = arith.addi %mul3A_62, %add3A_1218 : i32
        %get3A_1220 = arith.index_cast %add3A_1219 : i32 to index
        %get3A_1221 = arith.constant 48 : index
        %get3A_1222 = tpu.vector_load %arg9[%get3A_1220, %get3A_1221] {strides = array<i32>} : memref<400x112xf32, #tpu.memory_space<vmem>>, vector<1x16xf32>,
        %get3A_1223 = vector.shape_cast %get3A_1222 : vector<1x16xf32> to vector<16xf32>
        %mul3A_1224 = arith.mulf %get3A_1223, %broadcast_in_dim3A_1175 : vector<16xf32>
        %add3A_1225 = arith.constant 11 : i32
        %add3A_1226 = arith.addi %mul3A_62, %add3A_1225 : i32
        %swap3A_1227 = arith.index_cast %add3A_1226 : i32 to index
        %swap3A_1228 = arith.constant 48 : index
        %swap3A_1229 = tpu.vector_load %arg9[%swap3A_1227, %swap3A_1228] {strides = array<i32>} : memref<400x112xf32, #tpu.memory_space<vmem>>, vector<1x16xf32>,
        %swap3A_1230 = vector.shape_cast %swap3A_1229 : vector<1x16xf32> to vector<16xf32>
        %swap3A_1231 = vector.shape_cast %mul3A_1224 : vector<16xf32> to vector<1x16xf32>
        tpu.vector_store %arg9[%swap3A_1227, %swap3A_1228], %swap3A_1231 {strides = array<i32>} : memref<400x112xf32, #tpu.memory_space<vmem>>, vector<1x16xf32>,
        %add3A_1232 = arith.constant 11 : i32
        %add3A_1233 = arith.addi %mul3A_62, %add3A_1232 : i32
        %get3A_1234 = arith.index_cast %add3A_1233 : i32 to index
        %get3A_1235 = arith.constant 64 : index
        %get3A_1236 = tpu.vector_load %arg9[%get3A_1234, %get3A_1235] {strides = array<i32>} : memref<400x112xf32, #tpu.memory_space<vmem>>, vector<1x16xf32>,
        %get3A_1237 = vector.shape_cast %get3A_1236 : vector<1x16xf32> to vector<16xf32>
        %mul3A_1238 = arith.mulf %get3A_1237, %broadcast_in_dim3A_1175 : vector<16xf32>
        %add3A_1239 = arith.constant 11 : i32
        %add3A_1240 = arith.addi %mul3A_62, %add3A_1239 : i32
        %swap3A_1241 = arith.index_cast %add3A_1240 : i32 to index
        %swap3A_1242 = arith.constant 64 : index
        %swap3A_1243 = tpu.vector_load %arg9[%swap3A_1241, %swap3A_1242] {strides = array<i32>} : memref<400x112xf32, #tpu.memory_space<vmem>>, vector<1x16xf32>,
        %swap3A_1244 = vector.shape_cast %swap3A_1243 : vector<1x16xf32> to vector<16xf32>
        %swap3A_1245 = vector.shape_cast %mul3A_1238 : vector<16xf32> to vector<1x16xf32>
        tpu.vector_store %arg9[%swap3A_1241, %swap3A_1242], %swap3A_1245 {strides = array<i32>} : memref<400x112xf32, #tpu.memory_space<vmem>>, vector<1x16xf32>,
        %add3A_1246 = arith.constant 11 : i32
        %add3A_1247 = arith.addi %mul3A_62, %add3A_1246 : i32
        %get3A_1248 = arith.index_cast %add3A_1247 : i32 to index
        %get3A_1249 = arith.constant 80 : index
        %get3A_1250 = tpu.vector_load %arg9[%get3A_1248, %get3A_1249] {strides = array<i32>} : memref<400x112xf32, #tpu.memory_space<vmem>>, vector<1x16xf32>,
        %get3A_1251 = vector.shape_cast %get3A_1250 : vector<1x16xf32> to vector<16xf32>
        %mul3A_1252 = arith.mulf %get3A_1251, %broadcast_in_dim3A_1175 : vector<16xf32>
        %add3A_1253 = arith.constant 11 : i32
        %add3A_1254 = arith.addi %mul3A_62, %add3A_1253 : i32
        %swap3A_1255 = arith.index_cast %add3A_1254 : i32 to index
        %swap3A_1256 = arith.constant 80 : index
        %swap3A_1257 = tpu.vector_load %arg9[%swap3A_1255, %swap3A_1256] {strides = array<i32>} : memref<400x112xf32, #tpu.memory_space<vmem>>, vector<1x16xf32>,
        %swap3A_1258 = vector.shape_cast %swap3A_1257 : vector<1x16xf32> to vector<16xf32>
        %swap3A_1259 = vector.shape_cast %mul3A_1252 : vector<16xf32> to vector<1x16xf32>
        tpu.vector_store %arg9[%swap3A_1255, %swap3A_1256], %swap3A_1259 {strides = array<i32>} : memref<400x112xf32, #tpu.memory_space<vmem>>, vector<1x16xf32>,
        %add3A_1260 = arith.constant 11 : i32
        %add3A_1261 = arith.addi %mul3A_62, %add3A_1260 : i32
        %get3A_1262 = arith.index_cast %add3A_1261 : i32 to index
        %get3A_1263 = arith.constant 96 : index
        %get3A_1264 = tpu.vector_load %arg9[%get3A_1262, %get3A_1263] {strides = array<i32>} : memref<400x112xf32, #tpu.memory_space<vmem>>, vector<1x16xf32>,
        %get3A_1265 = vector.shape_cast %get3A_1264 : vector<1x16xf32> to vector<16xf32>
        %mul3A_1266 = arith.mulf %get3A_1265, %broadcast_in_dim3A_1175 : vector<16xf32>
        %add3A_1267 = arith.constant 11 : i32
        %add3A_1268 = arith.addi %mul3A_62, %add3A_1267 : i32
        %swap3A_1269 = arith.index_cast %add3A_1268 : i32 to index
        %swap3A_1270 = arith.constant 96 : index
        %swap3A_1271 = tpu.vector_load %arg9[%swap3A_1269, %swap3A_1270] {strides = array<i32>} : memref<400x112xf32, #tpu.memory_space<vmem>>, vector<1x16xf32>,
        %swap3A_1272 = vector.shape_cast %swap3A_1271 : vector<1x16xf32> to vector<16xf32>
        %swap3A_1273 = vector.shape_cast %mul3A_1266 : vector<16xf32> to vector<1x16xf32>
        tpu.vector_store %arg9[%swap3A_1269, %swap3A_1270], %swap3A_1273 {strides = array<i32>} : memref<400x112xf32, #tpu.memory_space<vmem>>, vector<1x16xf32>,
        %slice3A_1274 = vector.extract_strided_slice %get3A_64 {offsets = [12], sizes = [1], strides = [1]} : vector<16xf32> to vector<1xf32>
        %squeeze3A_1275 = vector.extract %slice3A_1274[0] : f32 from vector<1xf32>
        %broadcast_in_dim3A_1276 = vector.broadcast %squeeze3A_1275 : f32 to vector<16xf32>
        %add3A_1277 = arith.constant 12 : i32
        %add3A_1278 = arith.addi %mul3A_62, %add3A_1277 : i32
        %get3A_1279 = arith.index_cast %add3A_1278 : i32 to index
        %get3A_1280 = arith.constant 0 : index
        %get3A_1281 = tpu.vector_load %arg9[%get3A_1279, %get3A_1280] {strides = array<i32>} : memref<400x112xf32, #tpu.memory_space<vmem>>, vector<1x16xf32>,
        %get3A_1282 = vector.shape_cast %get3A_1281 : vector<1x16xf32> to vector<16xf32>
        %mul3A_1283 = arith.mulf %get3A_1282, %broadcast_in_dim3A_1276 : vector<16xf32>
        %add3A_1284 = arith.constant 12 : i32
        %add3A_1285 = arith.addi %mul3A_62, %add3A_1284 : i32
        %swap3A_1286 = arith.index_cast %add3A_1285 : i32 to index
        %swap3A_1287 = arith.constant 0 : index
        %swap3A_1288 = tpu.vector_load %arg9[%swap3A_1286, %swap3A_1287] {strides = array<i32>} : memref<400x112xf32, #tpu.memory_space<vmem>>, vector<1x16xf32>,
        %swap3A_1289 = vector.shape_cast %swap3A_1288 : vector<1x16xf32> to vector<16xf32>
        %swap3A_1290 = vector.shape_cast %mul3A_1283 : vector<16xf32> to vector<1x16xf32>
        tpu.vector_store %arg9[%swap3A_1286, %swap3A_1287], %swap3A_1290 {strides = array<i32>} : memref<400x112xf32, #tpu.memory_space<vmem>>, vector<1x16xf32>,
        %add3A_1291 = arith.constant 12 : i32
        %add3A_1292 = arith.addi %mul3A_62, %add3A_1291 : i32
        %get3A_1293 = arith.index_cast %add3A_1292 : i32 to index
        %get3A_1294 = arith.constant 16 : index
        %get3A_1295 = tpu.vector_load %arg9[%get3A_1293, %get3A_1294] {strides = array<i32>} : memref<400x112xf32, #tpu.memory_space<vmem>>, vector<1x16xf32>,
        %get3A_1296 = vector.shape_cast %get3A_1295 : vector<1x16xf32> to vector<16xf32>
        %mul3A_1297 = arith.mulf %get3A_1296, %broadcast_in_dim3A_1276 : vector<16xf32>
        %add3A_1298 = arith.constant 12 : i32
        %add3A_1299 = arith.addi %mul3A_62, %add3A_1298 : i32
        %swap3A_1300 = arith.index_cast %add3A_1299 : i32 to index
        %swap3A_1301 = arith.constant 16 : index
        %swap3A_1302 = tpu.vector_load %arg9[%swap3A_1300, %swap3A_1301] {strides = array<i32>} : memref<400x112xf32, #tpu.memory_space<vmem>>, vector<1x16xf32>,
        %swap3A_1303 = vector.shape_cast %swap3A_1302 : vector<1x16xf32> to vector<16xf32>
        %swap3A_1304 = vector.shape_cast %mul3A_1297 : vector<16xf32> to vector<1x16xf32>
        tpu.vector_store %arg9[%swap3A_1300, %swap3A_1301], %swap3A_1304 {strides = array<i32>} : memref<400x112xf32, #tpu.memory_space<vmem>>, vector<1x16xf32>,
        %add3A_1305 = arith.constant 12 : i32
        %add3A_1306 = arith.addi %mul3A_62, %add3A_1305 : i32
        %get3A_1307 = arith.index_cast %add3A_1306 : i32 to index
        %get3A_1308 = arith.constant 32 : index
        %get3A_1309 = tpu.vector_load %arg9[%get3A_1307, %get3A_1308] {strides = array<i32>} : memref<400x112xf32, #tpu.memory_space<vmem>>, vector<1x16xf32>,
        %get3A_1310 = vector.shape_cast %get3A_1309 : vector<1x16xf32> to vector<16xf32>
        %mul3A_1311 = arith.mulf %get3A_1310, %broadcast_in_dim3A_1276 : vector<16xf32>
        %add3A_1312 = arith.constant 12 : i32
        %add3A_1313 = arith.addi %mul3A_62, %add3A_1312 : i32
        %swap3A_1314 = arith.index_cast %add3A_1313 : i32 to index
        %swap3A_1315 = arith.constant 32 : index
        %swap3A_1316 = tpu.vector_load %arg9[%swap3A_1314, %swap3A_1315] {strides = array<i32>} : memref<400x112xf32, #tpu.memory_space<vmem>>, vector<1x16xf32>,
        %swap3A_1317 = vector.shape_cast %swap3A_1316 : vector<1x16xf32> to vector<16xf32>
        %swap3A_1318 = vector.shape_cast %mul3A_1311 : vector<16xf32> to vector<1x16xf32>
        tpu.vector_store %arg9[%swap3A_1314, %swap3A_1315], %swap3A_1318 {strides = array<i32>} : memref<400x112xf32, #tpu.memory_space<vmem>>, vector<1x16xf32>,
        %add3A_1319 = arith.constant 12 : i32
        %add3A_1320 = arith.addi %mul3A_62, %add3A_1319 : i32
        %get3A_1321 = arith.index_cast %add3A_1320 : i32 to index
        %get3A_1322 = arith.constant 48 : index
        %get3A_1323 = tpu.vector_load %arg9[%get3A_1321, %get3A_1322] {strides = array<i32>} : memref<400x112xf32, #tpu.memory_space<vmem>>, vector<1x16xf32>,
        %get3A_1324 = vector.shape_cast %get3A_1323 : vector<1x16xf32> to vector<16xf32>
        %mul3A_1325 = arith.mulf %get3A_1324, %broadcast_in_dim3A_1276 : vector<16xf32>
        %add3A_1326 = arith.constant 12 : i32
        %add3A_1327 = arith.addi %mul3A_62, %add3A_1326 : i32
        %swap3A_1328 = arith.index_cast %add3A_1327 : i32 to index
        %swap3A_1329 = arith.constant 48 : index
        %swap3A_1330 = tpu.vector_load %arg9[%swap3A_1328, %swap3A_1329] {strides = array<i32>} : memref<400x112xf32, #tpu.memory_space<vmem>>, vector<1x16xf32>,
        %swap3A_1331 = vector.shape_cast %swap3A_1330 : vector<1x16xf32> to vector<16xf32>
        %swap3A_1332 = vector.shape_cast %mul3A_1325 : vector<16xf32> to vector<1x16xf32>
        tpu.vector_store %arg9[%swap3A_1328, %swap3A_1329], %swap3A_1332 {strides = array<i32>} : memref<400x112xf32, #tpu.memory_space<vmem>>, vector<1x16xf32>,
        %add3A_1333 = arith.constant 12 : i32
        %add3A_1334 = arith.addi %mul3A_62, %add3A_1333 : i32
        %get3A_1335 = arith.index_cast %add3A_1334 : i32 to index
        %get3A_1336 = arith.constant 64 : index
        %get3A_1337 = tpu.vector_load %arg9[%get3A_1335, %get3A_1336] {strides = array<i32>} : memref<400x112xf32, #tpu.memory_space<vmem>>, vector<1x16xf32>,
        %get3A_1338 = vector.shape_cast %get3A_1337 : vector<1x16xf32> to vector<16xf32>
        %mul3A_1339 = arith.mulf %get3A_1338, %broadcast_in_dim3A_1276 : vector<16xf32>
        %add3A_1340 = arith.constant 12 : i32
        %add3A_1341 = arith.addi %mul3A_62, %add3A_1340 : i32
        %swap3A_1342 = arith.index_cast %add3A_1341 : i32 to index
        %swap3A_1343 = arith.constant 64 : index
        %swap3A_1344 = tpu.vector_load %arg9[%swap3A_1342, %swap3A_1343] {strides = array<i32>} : memref<400x112xf32, #tpu.memory_space<vmem>>, vector<1x16xf32>,
        %swap3A_1345 = vector.shape_cast %swap3A_1344 : vector<1x16xf32> to vector<16xf32>
        %swap3A_1346 = vector.shape_cast %mul3A_1339 : vector<16xf32> to vector<1x16xf32>
        tpu.vector_store %arg9[%swap3A_1342, %swap3A_1343], %swap3A_1346 {strides = array<i32>} : memref<400x112xf32, #tpu.memory_space<vmem>>, vector<1x16xf32>,
        %add3A_1347 = arith.constant 12 : i32
        %add3A_1348 = arith.addi %mul3A_62, %add3A_1347 : i32
        %get3A_1349 = arith.index_cast %add3A_1348 : i32 to index
        %get3A_1350 = arith.constant 80 : index
        %get3A_1351 = tpu.vector_load %arg9[%get3A_1349, %get3A_1350] {strides = array<i32>} : memref<400x112xf32, #tpu.memory_space<vmem>>, vector<1x16xf32>,
        %get3A_1352 = vector.shape_cast %get3A_1351 : vector<1x16xf32> to vector<16xf32>
        %mul3A_1353 = arith.mulf %get3A_1352, %broadcast_in_dim3A_1276 : vector<16xf32>
        %add3A_1354 = arith.constant 12 : i32
        %add3A_1355 = arith.addi %mul3A_62, %add3A_1354 : i32
        %swap3A_1356 = arith.index_cast %add3A_1355 : i32 to index
        %swap3A_1357 = arith.constant 80 : index
        %swap3A_1358 = tpu.vector_load %arg9[%swap3A_1356, %swap3A_1357] {strides = array<i32>} : memref<400x112xf32, #tpu.memory_space<vmem>>, vector<1x16xf32>,
        %swap3A_1359 = vector.shape_cast %swap3A_1358 : vector<1x16xf32> to vector<16xf32>
        %swap3A_1360 = vector.shape_cast %mul3A_1353 : vector<16xf32> to vector<1x16xf32>
        tpu.vector_store %arg9[%swap3A_1356, %swap3A_1357], %swap3A_1360 {strides = array<i32>} : memref<400x112xf32, #tpu.memory_space<vmem>>, vector<1x16xf32>,
        %add3A_1361 = arith.constant 12 : i32
        %add3A_1362 = arith.addi %mul3A_62, %add3A_1361 : i32
        %get3A_1363 = arith.index_cast %add3A_1362 : i32 to index
        %get3A_1364 = arith.constant 96 : index
        %get3A_1365 = tpu.vector_load %arg9[%get3A_1363, %get3A_1364] {strides = array<i32>} : memref<400x112xf32, #tpu.memory_space<vmem>>, vector<1x16xf32>,
        %get3A_1366 = vector.shape_cast %get3A_1365 : vector<1x16xf32> to vector<16xf32>
        %mul3A_1367 = arith.mulf %get3A_1366, %broadcast_in_dim3A_1276 : vector<16xf32>
        %add3A_1368 = arith.constant 12 : i32
        %add3A_1369 = arith.addi %mul3A_62, %add3A_1368 : i32
        %swap3A_1370 = arith.index_cast %add3A_1369 : i32 to index
        %swap3A_1371 = arith.constant 96 : index
        %swap3A_1372 = tpu.vector_load %arg9[%swap3A_1370, %swap3A_1371] {strides = array<i32>} : memref<400x112xf32, #tpu.memory_space<vmem>>, vector<1x16xf32>,
        %swap3A_1373 = vector.shape_cast %swap3A_1372 : vector<1x16xf32> to vector<16xf32>
        %swap3A_1374 = vector.shape_cast %mul3A_1367 : vector<16xf32> to vector<1x16xf32>
        tpu.vector_store %arg9[%swap3A_1370, %swap3A_1371], %swap3A_1374 {strides = array<i32>} : memref<400x112xf32, #tpu.memory_space<vmem>>, vector<1x16xf32>,
        %slice3A_1375 = vector.extract_strided_slice %get3A_64 {offsets = [13], sizes = [1], strides = [1]} : vector<16xf32> to vector<1xf32>
        %squeeze3A_1376 = vector.extract %slice3A_1375[0] : f32 from vector<1xf32>
        %broadcast_in_dim3A_1377 = vector.broadcast %squeeze3A_1376 : f32 to vector<16xf32>
        %add3A_1378 = arith.constant 13 : i32
        %add3A_1379 = arith.addi %mul3A_62, %add3A_1378 : i32
        %get3A_1380 = arith.index_cast %add3A_1379 : i32 to index
        %get3A_1381 = arith.constant 0 : index
        %get3A_1382 = tpu.vector_load %arg9[%get3A_1380, %get3A_1381] {strides = array<i32>} : memref<400x112xf32, #tpu.memory_space<vmem>>, vector<1x16xf32>,
        %get3A_1383 = vector.shape_cast %get3A_1382 : vector<1x16xf32> to vector<16xf32>
        %mul3A_1384 = arith.mulf %get3A_1383, %broadcast_in_dim3A_1377 : vector<16xf32>
        %add3A_1385 = arith.constant 13 : i32
        %add3A_1386 = arith.addi %mul3A_62, %add3A_1385 : i32
        %swap3A_1387 = arith.index_cast %add3A_1386 : i32 to index
        %swap3A_1388 = arith.constant 0 : index
        %swap3A_1389 = tpu.vector_load %arg9[%swap3A_1387, %swap3A_1388] {strides = array<i32>} : memref<400x112xf32, #tpu.memory_space<vmem>>, vector<1x16xf32>,
        %swap3A_1390 = vector.shape_cast %swap3A_1389 : vector<1x16xf32> to vector<16xf32>
        %swap3A_1391 = vector.shape_cast %mul3A_1384 : vector<16xf32> to vector<1x16xf32>
        tpu.vector_store %arg9[%swap3A_1387, %swap3A_1388], %swap3A_1391 {strides = array<i32>} : memref<400x112xf32, #tpu.memory_space<vmem>>, vector<1x16xf32>,
        %add3A_1392 = arith.constant 13 : i32
        %add3A_1393 = arith.addi %mul3A_62, %add3A_1392 : i32
        %get3A_1394 = arith.index_cast %add3A_1393 : i32 to index
        %get3A_1395 = arith.constant 16 : index
        %get3A_1396 = tpu.vector_load %arg9[%get3A_1394, %get3A_1395] {strides = array<i32>} : memref<400x112xf32, #tpu.memory_space<vmem>>, vector<1x16xf32>,
        %get3A_1397 = vector.shape_cast %get3A_1396 : vector<1x16xf32> to vector<16xf32>
        %mul3A_1398 = arith.mulf %get3A_1397, %broadcast_in_dim3A_1377 : vector<16xf32>
        %add3A_1399 = arith.constant 13 : i32
        %add3A_1400 = arith.addi %mul3A_62, %add3A_1399 : i32
        %swap3A_1401 = arith.index_cast %add3A_1400 : i32 to index
        %swap3A_1402 = arith.constant 16 : index
        %swap3A_1403 = tpu.vector_load %arg9[%swap3A_1401, %swap3A_1402] {strides = array<i32>} : memref<400x112xf32, #tpu.memory_space<vmem>>, vector<1x16xf32>,
        %swap3A_1404 = vector.shape_cast %swap3A_1403 : vector<1x16xf32> to vector<16xf32>
        %swap3A_1405 = vector.shape_cast %mul3A_1398 : vector<16xf32> to vector<1x16xf32>
        tpu.vector_store %arg9[%swap3A_1401, %swap3A_1402], %swap3A_1405 {strides = array<i32>} : memref<400x112xf32, #tpu.memory_space<vmem>>, vector<1x16xf32>,
        %add3A_1406 = arith.constant 13 : i32
        %add3A_1407 = arith.addi %mul3A_62, %add3A_1406 : i32
        %get3A_1408 = arith.index_cast %add3A_1407 : i32 to index
        %get3A_1409 = arith.constant 32 : index
        %get3A_1410 = tpu.vector_load %arg9[%get3A_1408, %get3A_1409] {strides = array<i32>} : memref<400x112xf32, #tpu.memory_space<vmem>>, vector<1x16xf32>,
        %get3A_1411 = vector.shape_cast %get3A_1410 : vector<1x16xf32> to vector<16xf32>
        %mul3A_1412 = arith.mulf %get3A_1411, %broadcast_in_dim3A_1377 : vector<16xf32>
        %add3A_1413 = arith.constant 13 : i32
        %add3A_1414 = arith.addi %mul3A_62, %add3A_1413 : i32
        %swap3A_1415 = arith.index_cast %add3A_1414 : i32 to index
        %swap3A_1416 = arith.constant 32 : index
        %swap3A_1417 = tpu.vector_load %arg9[%swap3A_1415, %swap3A_1416] {strides = array<i32>} : memref<400x112xf32, #tpu.memory_space<vmem>>, vector<1x16xf32>,
        %swap3A_1418 = vector.shape_cast %swap3A_1417 : vector<1x16xf32> to vector<16xf32>
        %swap3A_1419 = vector.shape_cast %mul3A_1412 : vector<16xf32> to vector<1x16xf32>
        tpu.vector_store %arg9[%swap3A_1415, %swap3A_1416], %swap3A_1419 {strides = array<i32>} : memref<400x112xf32, #tpu.memory_space<vmem>>, vector<1x16xf32>,
        %add3A_1420 = arith.constant 13 : i32
        %add3A_1421 = arith.addi %mul3A_62, %add3A_1420 : i32
        %get3A_1422 = arith.index_cast %add3A_1421 : i32 to index
        %get3A_1423 = arith.constant 48 : index
        %get3A_1424 = tpu.vector_load %arg9[%get3A_1422, %get3A_1423] {strides = array<i32>} : memref<400x112xf32, #tpu.memory_space<vmem>>, vector<1x16xf32>,
        %get3A_1425 = vector.shape_cast %get3A_1424 : vector<1x16xf32> to vector<16xf32>
        %mul3A_1426 = arith.mulf %get3A_1425, %broadcast_in_dim3A_1377 : vector<16xf32>
        %add3A_1427 = arith.constant 13 : i32
        %add3A_1428 = arith.addi %mul3A_62, %add3A_1427 : i32
        %swap3A_1429 = arith.index_cast %add3A_1428 : i32 to index
        %swap3A_1430 = arith.constant 48 : index
        %swap3A_1431 = tpu.vector_load %arg9[%swap3A_1429, %swap3A_1430] {strides = array<i32>} : memref<400x112xf32, #tpu.memory_space<vmem>>, vector<1x16xf32>,
        %swap3A_1432 = vector.shape_cast %swap3A_1431 : vector<1x16xf32> to vector<16xf32>
        %swap3A_1433 = vector.shape_cast %mul3A_1426 : vector<16xf32> to vector<1x16xf32>
        tpu.vector_store %arg9[%swap3A_1429, %swap3A_1430], %swap3A_1433 {strides = array<i32>} : memref<400x112xf32, #tpu.memory_space<vmem>>, vector<1x16xf32>,
        %add3A_1434 = arith.constant 13 : i32
        %add3A_1435 = arith.addi %mul3A_62, %add3A_1434 : i32
        %get3A_1436 = arith.index_cast %add3A_1435 : i32 to index
        %get3A_1437 = arith.constant 64 : index
        %get3A_1438 = tpu.vector_load %arg9[%get3A_1436, %get3A_1437] {strides = array<i32>} : memref<400x112xf32, #tpu.memory_space<vmem>>, vector<1x16xf32>,
        %get3A_1439 = vector.shape_cast %get3A_1438 : vector<1x16xf32> to vector<16xf32>
        %mul3A_1440 = arith.mulf %get3A_1439, %broadcast_in_dim3A_1377 : vector<16xf32>
        %add3A_1441 = arith.constant 13 : i32
        %add3A_1442 = arith.addi %mul3A_62, %add3A_1441 : i32
        %swap3A_1443 = arith.index_cast %add3A_1442 : i32 to index
        %swap3A_1444 = arith.constant 64 : index
        %swap3A_1445 = tpu.vector_load %arg9[%swap3A_1443, %swap3A_1444] {strides = array<i32>} : memref<400x112xf32, #tpu.memory_space<vmem>>, vector<1x16xf32>,
        %swap3A_1446 = vector.shape_cast %swap3A_1445 : vector<1x16xf32> to vector<16xf32>
        %swap3A_1447 = vector.shape_cast %mul3A_1440 : vector<16xf32> to vector<1x16xf32>
        tpu.vector_store %arg9[%swap3A_1443, %swap3A_1444], %swap3A_1447 {strides = array<i32>} : memref<400x112xf32, #tpu.memory_space<vmem>>, vector<1x16xf32>,
        %add3A_1448 = arith.constant 13 : i32
        %add3A_1449 = arith.addi %mul3A_62, %add3A_1448 : i32
        %get3A_1450 = arith.index_cast %add3A_1449 : i32 to index
        %get3A_1451 = arith.constant 80 : index
        %get3A_1452 = tpu.vector_load %arg9[%get3A_1450, %get3A_1451] {strides = array<i32>} : memref<400x112xf32, #tpu.memory_space<vmem>>, vector<1x16xf32>,
        %get3A_1453 = vector.shape_cast %get3A_1452 : vector<1x16xf32> to vector<16xf32>
        %mul3A_1454 = arith.mulf %get3A_1453, %broadcast_in_dim3A_1377 : vector<16xf32>
        %add3A_1455 = arith.constant 13 : i32
        %add3A_1456 = arith.addi %mul3A_62, %add3A_1455 : i32
        %swap3A_1457 = arith.index_cast %add3A_1456 : i32 to index
        %swap3A_1458 = arith.constant 80 : index
        %swap3A_1459 = tpu.vector_load %arg9[%swap3A_1457, %swap3A_1458] {strides = array<i32>} : memref<400x112xf32, #tpu.memory_space<vmem>>, vector<1x16xf32>,
        %swap3A_1460 = vector.shape_cast %swap3A_1459 : vector<1x16xf32> to vector<16xf32>
        %swap3A_1461 = vector.shape_cast %mul3A_1454 : vector<16xf32> to vector<1x16xf32>
        tpu.vector_store %arg9[%swap3A_1457, %swap3A_1458], %swap3A_1461 {strides = array<i32>} : memref<400x112xf32, #tpu.memory_space<vmem>>, vector<1x16xf32>,
        %add3A_1462 = arith.constant 13 : i32
        %add3A_1463 = arith.addi %mul3A_62, %add3A_1462 : i32
        %get3A_1464 = arith.index_cast %add3A_1463 : i32 to index
        %get3A_1465 = arith.constant 96 : index
        %get3A_1466 = tpu.vector_load %arg9[%get3A_1464, %get3A_1465] {strides = array<i32>} : memref<400x112xf32, #tpu.memory_space<vmem>>, vector<1x16xf32>,
        %get3A_1467 = vector.shape_cast %get3A_1466 : vector<1x16xf32> to vector<16xf32>
        %mul3A_1468 = arith.mulf %get3A_1467, %broadcast_in_dim3A_1377 : vector<16xf32>
        %add3A_1469 = arith.constant 13 : i32
        %add3A_1470 = arith.addi %mul3A_62, %add3A_1469 : i32
        %swap3A_1471 = arith.index_cast %add3A_1470 : i32 to index
        %swap3A_1472 = arith.constant 96 : index
        %swap3A_1473 = tpu.vector_load %arg9[%swap3A_1471, %swap3A_1472] {strides = array<i32>} : memref<400x112xf32, #tpu.memory_space<vmem>>, vector<1x16xf32>,
        %swap3A_1474 = vector.shape_cast %swap3A_1473 : vector<1x16xf32> to vector<16xf32>
        %swap3A_1475 = vector.shape_cast %mul3A_1468 : vector<16xf32> to vector<1x16xf32>
        tpu.vector_store %arg9[%swap3A_1471, %swap3A_1472], %swap3A_1475 {strides = array<i32>} : memref<400x112xf32, #tpu.memory_space<vmem>>, vector<1x16xf32>,
        %slice3A_1476 = vector.extract_strided_slice %get3A_64 {offsets = [14], sizes = [1], strides = [1]} : vector<16xf32> to vector<1xf32>
        %squeeze3A_1477 = vector.extract %slice3A_1476[0] : f32 from vector<1xf32>
        %broadcast_in_dim3A_1478 = vector.broadcast %squeeze3A_1477 : f32 to vector<16xf32>
        %add3A_1479 = arith.constant 14 : i32
        %add3A_1480 = arith.addi %mul3A_62, %add3A_1479 : i32
        %get3A_1481 = arith.index_cast %add3A_1480 : i32 to index
        %get3A_1482 = arith.constant 0 : index
        %get3A_1483 = tpu.vector_load %arg9[%get3A_1481, %get3A_1482] {strides = array<i32>} : memref<400x112xf32, #tpu.memory_space<vmem>>, vector<1x16xf32>,
        %get3A_1484 = vector.shape_cast %get3A_1483 : vector<1x16xf32> to vector<16xf32>
        %mul3A_1485 = arith.mulf %get3A_1484, %broadcast_in_dim3A_1478 : vector<16xf32>
        %add3A_1486 = arith.constant 14 : i32
        %add3A_1487 = arith.addi %mul3A_62, %add3A_1486 : i32
        %swap3A_1488 = arith.index_cast %add3A_1487 : i32 to index
        %swap3A_1489 = arith.constant 0 : index
        %swap3A_1490 = tpu.vector_load %arg9[%swap3A_1488, %swap3A_1489] {strides = array<i32>} : memref<400x112xf32, #tpu.memory_space<vmem>>, vector<1x16xf32>,
        %swap3A_1491 = vector.shape_cast %swap3A_1490 : vector<1x16xf32> to vector<16xf32>
        %swap3A_1492 = vector.shape_cast %mul3A_1485 : vector<16xf32> to vector<1x16xf32>
        tpu.vector_store %arg9[%swap3A_1488, %swap3A_1489], %swap3A_1492 {strides = array<i32>} : memref<400x112xf32, #tpu.memory_space<vmem>>, vector<1x16xf32>,
        %add3A_1493 = arith.constant 14 : i32
        %add3A_1494 = arith.addi %mul3A_62, %add3A_1493 : i32
        %get3A_1495 = arith.index_cast %add3A_1494 : i32 to index
        %get3A_1496 = arith.constant 16 : index
        %get3A_1497 = tpu.vector_load %arg9[%get3A_1495, %get3A_1496] {strides = array<i32>} : memref<400x112xf32, #tpu.memory_space<vmem>>, vector<1x16xf32>,
        %get3A_1498 = vector.shape_cast %get3A_1497 : vector<1x16xf32> to vector<16xf32>
        %mul3A_1499 = arith.mulf %get3A_1498, %broadcast_in_dim3A_1478 : vector<16xf32>
        %add3A_1500 = arith.constant 14 : i32
        %add3A_1501 = arith.addi %mul3A_62, %add3A_1500 : i32
        %swap3A_1502 = arith.index_cast %add3A_1501 : i32 to index
        %swap3A_1503 = arith.constant 16 : index
        %swap3A_1504 = tpu.vector_load %arg9[%swap3A_1502, %swap3A_1503] {strides = array<i32>} : memref<400x112xf32, #tpu.memory_space<vmem>>, vector<1x16xf32>,
        %swap3A_1505 = vector.shape_cast %swap3A_1504 : vector<1x16xf32> to vector<16xf32>
        %swap3A_1506 = vector.shape_cast %mul3A_1499 : vector<16xf32> to vector<1x16xf32>
        tpu.vector_store %arg9[%swap3A_1502, %swap3A_1503], %swap3A_1506 {strides = array<i32>} : memref<400x112xf32, #tpu.memory_space<vmem>>, vector<1x16xf32>,
        %add3A_1507 = arith.constant 14 : i32
        %add3A_1508 = arith.addi %mul3A_62, %add3A_1507 : i32
        %get3A_1509 = arith.index_cast %add3A_1508 : i32 to index
        %get3A_1510 = arith.constant 32 : index
        %get3A_1511 = tpu.vector_load %arg9[%get3A_1509, %get3A_1510] {strides = array<i32>} : memref<400x112xf32, #tpu.memory_space<vmem>>, vector<1x16xf32>,
        %get3A_1512 = vector.shape_cast %get3A_1511 : vector<1x16xf32> to vector<16xf32>
        %mul3A_1513 = arith.mulf %get3A_1512, %broadcast_in_dim3A_1478 : vector<16xf32>
        %add3A_1514 = arith.constant 14 : i32
        %add3A_1515 = arith.addi %mul3A_62, %add3A_1514 : i32
        %swap3A_1516 = arith.index_cast %add3A_1515 : i32 to index
        %swap3A_1517 = arith.constant 32 : index
        %swap3A_1518 = tpu.vector_load %arg9[%swap3A_1516, %swap3A_1517] {strides = array<i32>} : memref<400x112xf32, #tpu.memory_space<vmem>>, vector<1x16xf32>,
        %swap3A_1519 = vector.shape_cast %swap3A_1518 : vector<1x16xf32> to vector<16xf32>
        %swap3A_1520 = vector.shape_cast %mul3A_1513 : vector<16xf32> to vector<1x16xf32>
        tpu.vector_store %arg9[%swap3A_1516, %swap3A_1517], %swap3A_1520 {strides = array<i32>} : memref<400x112xf32, #tpu.memory_space<vmem>>, vector<1x16xf32>,
        %add3A_1521 = arith.constant 14 : i32
        %add3A_1522 = arith.addi %mul3A_62, %add3A_1521 : i32
        %get3A_1523 = arith.index_cast %add3A_1522 : i32 to index
        %get3A_1524 = arith.constant 48 : index
        %get3A_1525 = tpu.vector_load %arg9[%get3A_1523, %get3A_1524] {strides = array<i32>} : memref<400x112xf32, #tpu.memory_space<vmem>>, vector<1x16xf32>,
        %get3A_1526 = vector.shape_cast %get3A_1525 : vector<1x16xf32> to vector<16xf32>
        %mul3A_1527 = arith.mulf %get3A_1526, %broadcast_in_dim3A_1478 : vector<16xf32>
        %add3A_1528 = arith.constant 14 : i32
        %add3A_1529 = arith.addi %mul3A_62, %add3A_1528 : i32
        %swap3A_1530 = arith.index_cast %add3A_1529 : i32 to index
        %swap3A_1531 = arith.constant 48 : index
        %swap3A_1532 = tpu.vector_load %arg9[%swap3A_1530, %swap3A_1531] {strides = array<i32>} : memref<400x112xf32, #tpu.memory_space<vmem>>, vector<1x16xf32>,
        %swap3A_1533 = vector.shape_cast %swap3A_1532 : vector<1x16xf32> to vector<16xf32>
        %swap3A_1534 = vector.shape_cast %mul3A_1527 : vector<16xf32> to vector<1x16xf32>
        tpu.vector_store %arg9[%swap3A_1530, %swap3A_1531], %swap3A_1534 {strides = array<i32>} : memref<400x112xf32, #tpu.memory_space<vmem>>, vector<1x16xf32>,
        %add3A_1535 = arith.constant 14 : i32
        %add3A_1536 = arith.addi %mul3A_62, %add3A_1535 : i32
        %get3A_1537 = arith.index_cast %add3A_1536 : i32 to index
        %get3A_1538 = arith.constant 64 : index
        %get3A_1539 = tpu.vector_load %arg9[%get3A_1537, %get3A_1538] {strides = array<i32>} : memref<400x112xf32, #tpu.memory_space<vmem>>, vector<1x16xf32>,
        %get3A_1540 = vector.shape_cast %get3A_1539 : vector<1x16xf32> to vector<16xf32>
        %mul3A_1541 = arith.mulf %get3A_1540, %broadcast_in_dim3A_1478 : vector<16xf32>
        %add3A_1542 = arith.constant 14 : i32
        %add3A_1543 = arith.addi %mul3A_62, %add3A_1542 : i32
        %swap3A_1544 = arith.index_cast %add3A_1543 : i32 to index
        %swap3A_1545 = arith.constant 64 : index
        %swap3A_1546 = tpu.vector_load %arg9[%swap3A_1544, %swap3A_1545] {strides = array<i32>} : memref<400x112xf32, #tpu.memory_space<vmem>>, vector<1x16xf32>,
        %swap3A_1547 = vector.shape_cast %swap3A_1546 : vector<1x16xf32> to vector<16xf32>
        %swap3A_1548 = vector.shape_cast %mul3A_1541 : vector<16xf32> to vector<1x16xf32>
        tpu.vector_store %arg9[%swap3A_1544, %swap3A_1545], %swap3A_1548 {strides = array<i32>} : memref<400x112xf32, #tpu.memory_space<vmem>>, vector<1x16xf32>,
        %add3A_1549 = arith.constant 14 : i32
        %add3A_1550 = arith.addi %mul3A_62, %add3A_1549 : i32
        %get3A_1551 = arith.index_cast %add3A_1550 : i32 to index
        %get3A_1552 = arith.constant 80 : index
        %get3A_1553 = tpu.vector_load %arg9[%get3A_1551, %get3A_1552] {strides = array<i32>} : memref<400x112xf32, #tpu.memory_space<vmem>>, vector<1x16xf32>,
        %get3A_1554 = vector.shape_cast %get3A_1553 : vector<1x16xf32> to vector<16xf32>
        %mul3A_1555 = arith.mulf %get3A_1554, %broadcast_in_dim3A_1478 : vector<16xf32>
        %add3A_1556 = arith.constant 14 : i32
        %add3A_1557 = arith.addi %mul3A_62, %add3A_1556 : i32
        %swap3A_1558 = arith.index_cast %add3A_1557 : i32 to index
        %swap3A_1559 = arith.constant 80 : index
        %swap3A_1560 = tpu.vector_load %arg9[%swap3A_1558, %swap3A_1559] {strides = array<i32>} : memref<400x112xf32, #tpu.memory_space<vmem>>, vector<1x16xf32>,
        %swap3A_1561 = vector.shape_cast %swap3A_1560 : vector<1x16xf32> to vector<16xf32>
        %swap3A_1562 = vector.shape_cast %mul3A_1555 : vector<16xf32> to vector<1x16xf32>
        tpu.vector_store %arg9[%swap3A_1558, %swap3A_1559], %swap3A_1562 {strides = array<i32>} : memref<400x112xf32, #tpu.memory_space<vmem>>, vector<1x16xf32>,
        %add3A_1563 = arith.constant 14 : i32
        %add3A_1564 = arith.addi %mul3A_62, %add3A_1563 : i32
        %get3A_1565 = arith.index_cast %add3A_1564 : i32 to index
        %get3A_1566 = arith.constant 96 : index
        %get3A_1567 = tpu.vector_load %arg9[%get3A_1565, %get3A_1566] {strides = array<i32>} : memref<400x112xf32, #tpu.memory_space<vmem>>, vector<1x16xf32>,
        %get3A_1568 = vector.shape_cast %get3A_1567 : vector<1x16xf32> to vector<16xf32>
        %mul3A_1569 = arith.mulf %get3A_1568, %broadcast_in_dim3A_1478 : vector<16xf32>
        %add3A_1570 = arith.constant 14 : i32
        %add3A_1571 = arith.addi %mul3A_62, %add3A_1570 : i32
        %swap3A_1572 = arith.index_cast %add3A_1571 : i32 to index
        %swap3A_1573 = arith.constant 96 : index
        %swap3A_1574 = tpu.vector_load %arg9[%swap3A_1572, %swap3A_1573] {strides = array<i32>} : memref<400x112xf32, #tpu.memory_space<vmem>>, vector<1x16xf32>,
        %swap3A_1575 = vector.shape_cast %swap3A_1574 : vector<1x16xf32> to vector<16xf32>
        %swap3A_1576 = vector.shape_cast %mul3A_1569 : vector<16xf32> to vector<1x16xf32>
        tpu.vector_store %arg9[%swap3A_1572, %swap3A_1573], %swap3A_1576 {strides = array<i32>} : memref<400x112xf32, #tpu.memory_space<vmem>>, vector<1x16xf32>,
        %slice3A_1577 = vector.extract_strided_slice %get3A_64 {offsets = [15], sizes = [1], strides = [1]} : vector<16xf32> to vector<1xf32>
        %squeeze3A_1578 = vector.extract %slice3A_1577[0] : f32 from vector<1xf32>
        %broadcast_in_dim3A_1579 = vector.broadcast %squeeze3A_1578 : f32 to vector<16xf32>
        %add3A_1580 = arith.constant 15 : i32
        %add3A_1581 = arith.addi %mul3A_62, %add3A_1580 : i32
        %get3A_1582 = arith.index_cast %add3A_1581 : i32 to index
        %get3A_1583 = arith.constant 0 : index
        %get3A_1584 = tpu.vector_load %arg9[%get3A_1582, %get3A_1583] {strides = array<i32>} : memref<400x112xf32, #tpu.memory_space<vmem>>, vector<1x16xf32>,
        %get3A_1585 = vector.shape_cast %get3A_1584 : vector<1x16xf32> to vector<16xf32>
        %mul3A_1586 = arith.mulf %get3A_1585, %broadcast_in_dim3A_1579 : vector<16xf32>
        %add3A_1587 = arith.constant 15 : i32
        %add3A_1588 = arith.addi %mul3A_62, %add3A_1587 : i32
        %swap3A_1589 = arith.index_cast %add3A_1588 : i32 to index
        %swap3A_1590 = arith.constant 0 : index
        %swap3A_1591 = tpu.vector_load %arg9[%swap3A_1589, %swap3A_1590] {strides = array<i32>} : memref<400x112xf32, #tpu.memory_space<vmem>>, vector<1x16xf32>,
        %swap3A_1592 = vector.shape_cast %swap3A_1591 : vector<1x16xf32> to vector<16xf32>
        %swap3A_1593 = vector.shape_cast %mul3A_1586 : vector<16xf32> to vector<1x16xf32>
        tpu.vector_store %arg9[%swap3A_1589, %swap3A_1590], %swap3A_1593 {strides = array<i32>} : memref<400x112xf32, #tpu.memory_space<vmem>>, vector<1x16xf32>,
        %add3A_1594 = arith.constant 15 : i32
        %add3A_1595 = arith.addi %mul3A_62, %add3A_1594 : i32
        %get3A_1596 = arith.index_cast %add3A_1595 : i32 to index
        %get3A_1597 = arith.constant 16 : index
        %get3A_1598 = tpu.vector_load %arg9[%get3A_1596, %get3A_1597] {strides = array<i32>} : memref<400x112xf32, #tpu.memory_space<vmem>>, vector<1x16xf32>,
        %get3A_1599 = vector.shape_cast %get3A_1598 : vector<1x16xf32> to vector<16xf32>
        %mul3A_1600 = arith.mulf %get3A_1599, %broadcast_in_dim3A_1579 : vector<16xf32>
        %add3A_1601 = arith.constant 15 : i32
        %add3A_1602 = arith.addi %mul3A_62, %add3A_1601 : i32
        %swap3A_1603 = arith.index_cast %add3A_1602 : i32 to index
        %swap3A_1604 = arith.constant 16 : index
        %swap3A_1605 = tpu.vector_load %arg9[%swap3A_1603, %swap3A_1604] {strides = array<i32>} : memref<400x112xf32, #tpu.memory_space<vmem>>, vector<1x16xf32>,
        %swap3A_1606 = vector.shape_cast %swap3A_1605 : vector<1x16xf32> to vector<16xf32>
        %swap3A_1607 = vector.shape_cast %mul3A_1600 : vector<16xf32> to vector<1x16xf32>
        tpu.vector_store %arg9[%swap3A_1603, %swap3A_1604], %swap3A_1607 {strides = array<i32>} : memref<400x112xf32, #tpu.memory_space<vmem>>, vector<1x16xf32>,
        %add3A_1608 = arith.constant 15 : i32
        %add3A_1609 = arith.addi %mul3A_62, %add3A_1608 : i32
        %get3A_1610 = arith.index_cast %add3A_1609 : i32 to index
        %get3A_1611 = arith.constant 32 : index
        %get3A_1612 = tpu.vector_load %arg9[%get3A_1610, %get3A_1611] {strides = array<i32>} : memref<400x112xf32, #tpu.memory_space<vmem>>, vector<1x16xf32>,
        %get3A_1613 = vector.shape_cast %get3A_1612 : vector<1x16xf32> to vector<16xf32>
        %mul3A_1614 = arith.mulf %get3A_1613, %broadcast_in_dim3A_1579 : vector<16xf32>
        %add3A_1615 = arith.constant 15 : i32
        %add3A_1616 = arith.addi %mul3A_62, %add3A_1615 : i32
        %swap3A_1617 = arith.index_cast %add3A_1616 : i32 to index
        %swap3A_1618 = arith.constant 32 : index
        %swap3A_1619 = tpu.vector_load %arg9[%swap3A_1617, %swap3A_1618] {strides = array<i32>} : memref<400x112xf32, #tpu.memory_space<vmem>>, vector<1x16xf32>,
        %swap3A_1620 = vector.shape_cast %swap3A_1619 : vector<1x16xf32> to vector<16xf32>
        %swap3A_1621 = vector.shape_cast %mul3A_1614 : vector<16xf32> to vector<1x16xf32>
        tpu.vector_store %arg9[%swap3A_1617, %swap3A_1618], %swap3A_1621 {strides = array<i32>} : memref<400x112xf32, #tpu.memory_space<vmem>>, vector<1x16xf32>,
        %add3A_1622 = arith.constant 15 : i32
        %add3A_1623 = arith.addi %mul3A_62, %add3A_1622 : i32
        %get3A_1624 = arith.index_cast %add3A_1623 : i32 to index
        %get3A_1625 = arith.constant 48 : index
        %get3A_1626 = tpu.vector_load %arg9[%get3A_1624, %get3A_1625] {strides = array<i32>} : memref<400x112xf32, #tpu.memory_space<vmem>>, vector<1x16xf32>,
        %get3A_1627 = vector.shape_cast %get3A_1626 : vector<1x16xf32> to vector<16xf32>
        %mul3A_1628 = arith.mulf %get3A_1627, %broadcast_in_dim3A_1579 : vector<16xf32>
        %add3A_1629 = arith.constant 15 : i32
        %add3A_1630 = arith.addi %mul3A_62, %add3A_1629 : i32
        %swap3A_1631 = arith.index_cast %add3A_1630 : i32 to index
        %swap3A_1632 = arith.constant 48 : index
        %swap3A_1633 = tpu.vector_load %arg9[%swap3A_1631, %swap3A_1632] {strides = array<i32>} : memref<400x112xf32, #tpu.memory_space<vmem>>, vector<1x16xf32>,
        %swap3A_1634 = vector.shape_cast %swap3A_1633 : vector<1x16xf32> to vector<16xf32>
        %swap3A_1635 = vector.shape_cast %mul3A_1628 : vector<16xf32> to vector<1x16xf32>
        tpu.vector_store %arg9[%swap3A_1631, %swap3A_1632], %swap3A_1635 {strides = array<i32>} : memref<400x112xf32, #tpu.memory_space<vmem>>, vector<1x16xf32>,
        %add3A_1636 = arith.constant 15 : i32
        %add3A_1637 = arith.addi %mul3A_62, %add3A_1636 : i32
        %get3A_1638 = arith.index_cast %add3A_1637 : i32 to index
        %get3A_1639 = arith.constant 64 : index
        %get3A_1640 = tpu.vector_load %arg9[%get3A_1638, %get3A_1639] {strides = array<i32>} : memref<400x112xf32, #tpu.memory_space<vmem>>, vector<1x16xf32>,
        %get3A_1641 = vector.shape_cast %get3A_1640 : vector<1x16xf32> to vector<16xf32>
        %mul3A_1642 = arith.mulf %get3A_1641, %broadcast_in_dim3A_1579 : vector<16xf32>
        %add3A_1643 = arith.constant 15 : i32
        %add3A_1644 = arith.addi %mul3A_62, %add3A_1643 : i32
        %swap3A_1645 = arith.index_cast %add3A_1644 : i32 to index
        %swap3A_1646 = arith.constant 64 : index
        %swap3A_1647 = tpu.vector_load %arg9[%swap3A_1645, %swap3A_1646] {strides = array<i32>} : memref<400x112xf32, #tpu.memory_space<vmem>>, vector<1x16xf32>,
        %swap3A_1648 = vector.shape_cast %swap3A_1647 : vector<1x16xf32> to vector<16xf32>
        %swap3A_1649 = vector.shape_cast %mul3A_1642 : vector<16xf32> to vector<1x16xf32>
        tpu.vector_store %arg9[%swap3A_1645, %swap3A_1646], %swap3A_1649 {strides = array<i32>} : memref<400x112xf32, #tpu.memory_space<vmem>>, vector<1x16xf32>,
        %add3A_1650 = arith.constant 15 : i32
        %add3A_1651 = arith.addi %mul3A_62, %add3A_1650 : i32
        %get3A_1652 = arith.index_cast %add3A_1651 : i32 to index
        %get3A_1653 = arith.constant 80 : index
        %get3A_1654 = tpu.vector_load %arg9[%get3A_1652, %get3A_1653] {strides = array<i32>} : memref<400x112xf32, #tpu.memory_space<vmem>>, vector<1x16xf32>,
        %get3A_1655 = vector.shape_cast %get3A_1654 : vector<1x16xf32> to vector<16xf32>
        %mul3A_1656 = arith.mulf %get3A_1655, %broadcast_in_dim3A_1579 : vector<16xf32>
        %add3A_1657 = arith.constant 15 : i32
        %add3A_1658 = arith.addi %mul3A_62, %add3A_1657 : i32
        %swap3A_1659 = arith.index_cast %add3A_1658 : i32 to index
        %swap3A_1660 = arith.constant 80 : index
        %swap3A_1661 = tpu.vector_load %arg9[%swap3A_1659, %swap3A_1660] {strides = array<i32>} : memref<400x112xf32, #tpu.memory_space<vmem>>, vector<1x16xf32>,
        %swap3A_1662 = vector.shape_cast %swap3A_1661 : vector<1x16xf32> to vector<16xf32>
        %swap3A_1663 = vector.shape_cast %mul3A_1656 : vector<16xf32> to vector<1x16xf32>
        tpu.vector_store %arg9[%swap3A_1659, %swap3A_1660], %swap3A_1663 {strides = array<i32>} : memref<400x112xf32, #tpu.memory_space<vmem>>, vector<1x16xf32>,
        %add3A_1664 = arith.constant 15 : i32
        %add3A_1665 = arith.addi %mul3A_62, %add3A_1664 : i32
        %get3A_1666 = arith.index_cast %add3A_1665 : i32 to index
        %get3A_1667 = arith.constant 96 : index
        %get3A_1668 = tpu.vector_load %arg9[%get3A_1666, %get3A_1667] {strides = array<i32>} : memref<400x112xf32, #tpu.memory_space<vmem>>, vector<1x16xf32>,
        %get3A_1669 = vector.shape_cast %get3A_1668 : vector<1x16xf32> to vector<16xf32>
        %mul3A_1670 = arith.mulf %get3A_1669, %broadcast_in_dim3A_1579 : vector<16xf32>
        %add3A_1671 = arith.constant 15 : i32
        %add3A_1672 = arith.addi %mul3A_62, %add3A_1671 : i32
        %swap3A_1673 = arith.index_cast %add3A_1672 : i32 to index
        %swap3A_1674 = arith.constant 96 : index
        %swap3A_1675 = tpu.vector_load %arg9[%swap3A_1673, %swap3A_1674] {strides = array<i32>} : memref<400x112xf32, #tpu.memory_space<vmem>>, vector<1x16xf32>,
        %swap3A_1676 = vector.shape_cast %swap3A_1675 : vector<1x16xf32> to vector<16xf32>
        %swap3A_1677 = vector.shape_cast %mul3A_1670 : vector<16xf32> to vector<1x16xf32>
        tpu.vector_store %arg9[%swap3A_1673, %swap3A_1674], %swap3A_1677 {strides = array<i32>} : memref<400x112xf32, #tpu.memory_space<vmem>>, vector<1x16xf32>,
      }
      %scan3A_59 = arith.constant 25 : i32
      "tpu.region"() ({
        %run_scoped3A = tpu.sem_alloc : memref<!tpu.dma_semaphore, #tpu.memory_space<semaphore_mem>>
        %dma_start3A_60 = arith.constant 0 : i32
        %dma_start3A_61 = arith.constant 0 : i32
        %dma_start3A_62 = tpu.memref_slice %arg10[%dma_start3A_60, %dma_start3A_61] : memref<10240x112xf32, #tpu.memory_space<vmem_shared>> -> memref<10240x112xf32, #tpu.memory_space<vmem_shared>>
        tpu.enqueue_indirect_dma source(%arg9 : memref<400x112xf32, #tpu.memory_space<vmem>>) target(%dma_start3A_62 : memref<10240x112xf32, #tpu.memory_space<vmem_shared>>) offsets(%arg7 : memref<400xi32, #tpu.memory_space<vmem>>) semaphore(%run_scoped3A : memref<!tpu.dma_semaphore, #tpu.memory_space<semaphore_mem>>) {add = true}
        %dma_wait3A_63 = arith.constant 0 : i32
        %dma_wait3A_64 = arith.constant 0 : i32
        %dma_wait3A_65 = tpu.memref_slice %arg10[%dma_wait3A_63, %dma_wait3A_64] : memref<10240x112xf32, #tpu.memory_space<vmem_shared>> -> memref<10240x112xf32, #tpu.memory_space<vmem_shared>>
        tpu.wait_indirect_dma semaphore(%run_scoped3A : memref<!tpu.dma_semaphore, #tpu.memory_space<semaphore_mem>>) src(%arg9 : memref<400x112xf32, #tpu.memory_space<vmem>>) dst(%dma_wait3A_65 : memref<10240x112xf32, #tpu.memory_space<vmem_shared>>)
        tpu.yield
      }) : () -> ()
    }
    %scan3A_29 = arith.constant 50 : i32
    %barrier3A_30 = arith.constant 0 : index
    tpu.barrier barrier_id(%barrier3A_30)
    %mul3A_31 = arith.constant 640 : i32
    %mul3A_32 = arith.muli %arg1, %mul3A_31 : i32
    %mul3A_33 = arith.constant 640 : i32
    %mul3A_34 = arith.muli %arg1, %mul3A_33 : i32
    "tpu.region"() ({
      %run_scoped3A = tpu.sem_alloc : memref<!tpu.dma_semaphore, #tpu.memory_space<semaphore_mem>>
      %dma_start3A = arith.constant 0 : i32
      %dma_start3A_35 = tpu.memref_slice %arg5[%arg0, %mul3A_34, %dma_start3A] : memref<2x10240x112xf32, #tpu.memory_space<hbm>> -> memref<1x640x112xf32, #tpu.memory_space<hbm>>
      %dma_start3A_36 = tpu.memref_squeeze %dma_start3A_35 : memref<1x640x112xf32, #tpu.memory_space<hbm>> -> memref<640x112xf32, #tpu.memory_space<hbm>>
      %dma_start3A_37 = arith.constant 0 : i32
      %dma_start3A_38 = tpu.memref_slice %arg10[%mul3A_32, %dma_start3A_37] : memref<10240x112xf32, #tpu.memory_space<vmem_shared>> -> memref<640x112xf32, #tpu.memory_space<vmem_shared>>
      tpu.enqueue_dma source(%dma_start3A_38 : memref<640x112xf32, #tpu.memory_space<vmem_shared>>) target(%dma_start3A_36 : memref<640x112xf32, #tpu.memory_space<hbm>>) target_semaphore(%run_scoped3A : memref<!tpu.dma_semaphore, #tpu.memory_space<semaphore_mem>>)
      %dma_wait3A = arith.constant 0 : i32
      %dma_wait3A_39 = tpu.memref_slice %arg5[%arg0, %mul3A_34, %dma_wait3A] : memref<2x10240x112xf32, #tpu.memory_space<hbm>> -> memref<1x640x112xf32, #tpu.memory_space<hbm>>
      %dma_wait3A_40 = tpu.memref_squeeze %dma_wait3A_39 : memref<1x640x112xf32, #tpu.memory_space<hbm>> -> memref<640x112xf32, #tpu.memory_space<hbm>>
      %dma_wait3A_41 = arith.constant 0 : i32
      %dma_wait3A_42 = tpu.memref_slice %arg10[%mul3A_32, %dma_wait3A_41] : memref<10240x112xf32, #tpu.memory_space<vmem_shared>> -> memref<640x112xf32, #tpu.memory_space<vmem_shared>>
      tpu.wait_dma2 semaphore(%run_scoped3A : memref<!tpu.dma_semaphore, #tpu.memory_space<semaphore_mem>>) src(%dma_wait3A_42 : memref<640x112xf32, #tpu.memory_space<vmem_shared>>) dst(%dma_wait3A_40 : memref<640x112xf32, #tpu.memory_space<hbm>>)
      tpu.yield
    }) : () -> ()
    return
  }
}

module attributes {stable_mosaic.version = 14 : i64} {
  func.func @_prep1_body(%arg0: i32, %arg1: memref<640x4xf32, #tpu.memory_space<vmem>>, %arg2: memref<640x128xf32, #tpu.memory_space<vmem>>, %arg3: memref<128x336xf32, #tpu.memory_space<vmem>>, %arg4: memref<2x640x112xf32, #tpu.memory_space<vmem>>, %arg5: memref<640x112xf32, #tpu.memory_space<vmem>>) attributes {dimension_semantics = [#tpu.dimension_semantics<arbitrary>], iteration_bounds = array<i64: 16>, scalar_prefetch = 0 : i64, scratch_operands = 0 : i64, tpu.core_type = #tpu.core_type<tc>, window_params = [{transform_indices = @transform_0, window_bounds = array<i64: 640, 4>}, {transform_indices = @transform_1, window_bounds = array<i64: 640, 128>}, {pipeline_mode = #tpu.pipeline_mode<synchronous>, transform_indices = @transform_2, window_bounds = array<i64: 128, 336>}, {transform_indices = @transform_3, window_bounds = array<i64: 2, 640, 112>}, {transform_indices = @transform_4, window_bounds = array<i64: 640, 112>}]} {
    %get3A = arith.constant 0 : index
    %get3A_0 = arith.constant 0 : index
    %get3A_1 = vector.load %arg1[%get3A, %get3A_0] : memref<640x4xf32, #tpu.memory_space<vmem>>, vector<640x4xf32>
    %slice3A = vector.extract_strided_slice %get3A_1 {offsets = [0, 0], sizes = [640, 1], strides = [1, 1]} : vector<640x4xf32> to vector<640x1xf32>
    %squeeze3A = vector.shape_cast %slice3A : vector<640x1xf32> to vector<640xf32>
    %slice3A_2 = vector.extract_strided_slice %get3A_1 {offsets = [0, 2], sizes = [640, 1], strides = [1, 1]} : vector<640x4xf32> to vector<640x1xf32>
    %squeeze3A_3 = vector.shape_cast %slice3A_2 : vector<640x1xf32> to vector<640xf32>
    %add3A = arith.addf %squeeze3A, %squeeze3A_3 : vector<640xf32>
    %slice3A_4 = vector.extract_strided_slice %get3A_1 {offsets = [0, 1], sizes = [640, 1], strides = [1, 1]} : vector<640x4xf32> to vector<640x1xf32>
    %squeeze3A_5 = vector.shape_cast %slice3A_4 : vector<640x1xf32> to vector<640xf32>
    %slice3A_6 = vector.extract_strided_slice %get3A_1 {offsets = [0, 3], sizes = [640, 1], strides = [1, 1]} : vector<640x4xf32> to vector<640x1xf32>
    %squeeze3A_7 = vector.shape_cast %slice3A_6 : vector<640x1xf32> to vector<640xf32>
    %add3A_8 = arith.addf %squeeze3A_5, %squeeze3A_7 : vector<640xf32>
    %eq3A = arith.constant 0.000000e+00 : f32
    %eq3A_9 = vector.broadcast %eq3A : f32 to vector<640xf32>
    %eq3A_10 = arith.cmpf oeq, %add3A, %eq3A_9 : vector<640xf32>
    %div3A = arith.constant 1.000000e+00 : f32
    %div3A_11 = vector.broadcast %div3A : f32 to vector<640xf32>
    %div3A_12 = arith.divf %div3A_11, %add3A : vector<640xf32>
    %jit3A = arith.constant 1.000000e+00 : f32
    %broadcast_in_dim3A = vector.broadcast %jit3A : f32 to vector<640xf32>
    %select_n3A = arith.select %eq3A_10, %broadcast_in_dim3A, %div3A_12 : vector<640xi1>, vector<640xf32>
    %eq3A_13 = arith.constant 0.000000e+00 : f32
    %eq3A_14 = vector.broadcast %eq3A_13 : f32 to vector<640xf32>
    %eq3A_15 = arith.cmpf oeq, %add3A_8, %eq3A_14 : vector<640xf32>
    %div3A_16 = arith.constant 1.000000e+00 : f32
    %div3A_17 = vector.broadcast %div3A_16 : f32 to vector<640xf32>
    %div3A_18 = arith.divf %div3A_17, %add3A_8 : vector<640xf32>
    %jit3A_19 = arith.constant 1.000000e+00 : f32
    %broadcast_in_dim3A_20 = vector.broadcast %jit3A_19 : f32 to vector<640xf32>
    %select_n3A_21 = arith.select %eq3A_15, %broadcast_in_dim3A_20, %div3A_18 : vector<640xi1>, vector<640xf32>
    %get3A_22 = arith.constant 0 : index
    %get3A_23 = arith.constant 0 : index
    %get3A_24 = vector.load %arg2[%get3A_22, %get3A_23] : memref<640x128xf32, #tpu.memory_space<vmem>>, vector<640x128xf32>
    %get3A_25 = arith.constant 0 : index
    %get3A_26 = arith.constant 0 : index
    %get3A_27 = vector.load %arg3[%get3A_25, %get3A_26] : memref<128x336xf32, #tpu.memory_space<vmem>>, vector<128x336xf32>
    %dot_general3A = arith.constant dense<0.000000e+00> : vector<640x336xf32>
    %dot_general3A_28 = tpu.matmul %get3A_24, %get3A_27, %dot_general3A {dimension_numbers = #tpu.dot_dimension_numbers<[1], [0], [0], [1], [0, 0, 1, 1], [], []>, transpose_lhs_hint = false} : vector<640x128xf32>, vector<128x336xf32>, vector<640x336xf32> -> vector<640x336xf32>
    %slice3A_29 = vector.extract_strided_slice %dot_general3A_28 {offsets = [0, 0], sizes = [640, 112], strides = [1, 1]} : vector<640x336xf32> to vector<640x112xf32>
    %broadcast_in_dim3A_30 = vector.shape_cast %select_n3A : vector<640xf32> to vector<640x1xf32>
    %mul3A = vector.broadcast %broadcast_in_dim3A_30 : vector<640x1xf32> to vector<640x112xf32>
    %mul3A_31 = arith.mulf %slice3A_29, %mul3A : vector<640x112xf32>
    %swap3A = arith.constant 0 : index
    %swap3A_32 = arith.constant 0 : index
    %swap3A_33 = arith.constant 0 : index
    %swap3A_34 = vector.load %arg4[%swap3A, %swap3A_32, %swap3A_33] : memref<2x640x112xf32, #tpu.memory_space<vmem>>, vector<1x640x112xf32>
    %swap3A_35 = vector.shape_cast %swap3A_34 : vector<1x640x112xf32> to vector<640x112xf32>
    %swap3A_36 = vector.shape_cast %mul3A_31 : vector<640x112xf32> to vector<1x640x112xf32>
    tpu.vector_store %arg4[%swap3A, %swap3A_32, %swap3A_33], %swap3A_36 {strides = array<i32>} : memref<2x640x112xf32, #tpu.memory_space<vmem>>, vector<1x640x112xf32>,
    %slice3A_37 = vector.extract_strided_slice %dot_general3A_28 {offsets = [0, 112], sizes = [640, 112], strides = [1, 1]} : vector<640x336xf32> to vector<640x112xf32>
    %broadcast_in_dim3A_38 = vector.shape_cast %select_n3A_21 : vector<640xf32> to vector<640x1xf32>
    %mul3A_39 = vector.broadcast %broadcast_in_dim3A_38 : vector<640x1xf32> to vector<640x112xf32>
    %mul3A_40 = arith.mulf %slice3A_37, %mul3A_39 : vector<640x112xf32>
    %swap3A_41 = arith.constant 1 : index
    %swap3A_42 = arith.constant 0 : index
    %swap3A_43 = arith.constant 0 : index
    %swap3A_44 = vector.load %arg4[%swap3A_41, %swap3A_42, %swap3A_43] : memref<2x640x112xf32, #tpu.memory_space<vmem>>, vector<1x640x112xf32>
    %swap3A_45 = vector.shape_cast %swap3A_44 : vector<1x640x112xf32> to vector<640x112xf32>
    %swap3A_46 = vector.shape_cast %mul3A_40 : vector<640x112xf32> to vector<1x640x112xf32>
    tpu.vector_store %arg4[%swap3A_41, %swap3A_42, %swap3A_43], %swap3A_46 {strides = array<i32>} : memref<2x640x112xf32, #tpu.memory_space<vmem>>, vector<1x640x112xf32>,
    %slice3A_47 = vector.extract_strided_slice %dot_general3A_28 {offsets = [0, 224], sizes = [640, 112], strides = [1, 1]} : vector<640x336xf32> to vector<640x112xf32>
    %swap3A_48 = arith.constant 0 : index
    %swap3A_49 = arith.constant 0 : index
    %swap3A_50 = vector.load %arg5[%swap3A_48, %swap3A_49] : memref<640x112xf32, #tpu.memory_space<vmem>>, vector<640x112xf32>
    tpu.vector_store %arg5[%swap3A_48, %swap3A_49], %slice3A_47 {strides = array<i32>} : memref<640x112xf32, #tpu.memory_space<vmem>>, vector<640x112xf32>,
    return
  }
  func.func @transform_0(%arg0: i32) -> (i32, i32) {
    %c0_i32 = arith.constant 0 : i32
    %c0_i32_0 = arith.constant 0 : i32
    return %arg0, %c0_i32 : i32, i32
  }
  func.func @transform_1(%arg0: i32) -> (i32, i32) {
    %c0_i32 = arith.constant 0 : i32
    %c0_i32_0 = arith.constant 0 : i32
    return %arg0, %c0_i32 : i32, i32
  }
  func.func @transform_2(%arg0: i32) -> (i32, i32) {
    %c0_i32 = arith.constant 0 : i32
    %c0_i32_0 = arith.constant 0 : i32
    %c0_i32_1 = arith.constant 0 : i32
    return %c0_i32, %c0_i32_0 : i32, i32
  }
  func.func @transform_3(%arg0: i32) -> (i32, i32, i32) {
    %c0_i32 = arith.constant 0 : i32
    %c0_i32_0 = arith.constant 0 : i32
    %c0_i32_1 = arith.constant 0 : i32
    return %c0_i32, %arg0, %c0_i32_0 : i32, i32, i32
  }
  func.func @transform_4(%arg0: i32) -> (i32, i32) {
    %c0_i32 = arith.constant 0 : i32
    %c0_i32_0 = arith.constant 0 : i32
    return %arg0, %c0_i32 : i32, i32
  }
}

module attributes {stable_mosaic.version = 14 : i64} {
  func.func @_comb1_body(%arg0: i32, %arg1: memref<640x4xf32, #tpu.memory_space<vmem>>, %arg2: memref<2x640x112xf32, #tpu.memory_space<vmem>>, %arg3: memref<640x112xf32, #tpu.memory_space<vmem>>, %arg4: memref<1x112xf32, #tpu.memory_space<vmem>>, %arg5: memref<50x144xf32, #tpu.memory_space<vmem>>, %arg6: memref<2x640x48xf32, #tpu.memory_space<vmem>>, %arg7: memref<640x48xf32, #tpu.memory_space<vmem>>) attributes {dimension_semantics = [#tpu.dimension_semantics<arbitrary>], iteration_bounds = array<i64: 16>, scalar_prefetch = 0 : i64, scratch_operands = 0 : i64, tpu.core_type = #tpu.core_type<tc>, window_params = [{transform_indices = @transform_0, window_bounds = array<i64: 640, 4>}, {transform_indices = @transform_1, window_bounds = array<i64: 2, 640, 112>}, {transform_indices = @transform_2, window_bounds = array<i64: 640, 112>}, {pipeline_mode = #tpu.pipeline_mode<synchronous>, transform_indices = @transform_3, window_bounds = array<i64: 1, 112>}, {pipeline_mode = #tpu.pipeline_mode<synchronous>, transform_indices = @transform_4, window_bounds = array<i64: 50, 144>}, {transform_indices = @transform_5, window_bounds = array<i64: 2, 640, 48>}, {transform_indices = @transform_6, window_bounds = array<i64: 640, 48>}]} {
    %get3A = arith.constant 0 : index
    %get3A_0 = arith.constant 0 : index
    %get3A_1 = vector.load %arg1[%get3A, %get3A_0] : memref<640x4xf32, #tpu.memory_space<vmem>>, vector<640x4xf32>
    %slice3A = vector.extract_strided_slice %get3A_1 {offsets = [0, 0], sizes = [640, 1], strides = [1, 1]} : vector<640x4xf32> to vector<640x1xf32>
    %squeeze3A = vector.shape_cast %slice3A : vector<640x1xf32> to vector<640xf32>
    %slice3A_2 = vector.extract_strided_slice %get3A_1 {offsets = [0, 2], sizes = [640, 1], strides = [1, 1]} : vector<640x4xf32> to vector<640x1xf32>
    %squeeze3A_3 = vector.shape_cast %slice3A_2 : vector<640x1xf32> to vector<640xf32>
    %add3A = arith.addf %squeeze3A, %squeeze3A_3 : vector<640xf32>
    %slice3A_4 = vector.extract_strided_slice %get3A_1 {offsets = [0, 1], sizes = [640, 1], strides = [1, 1]} : vector<640x4xf32> to vector<640x1xf32>
    %squeeze3A_5 = vector.shape_cast %slice3A_4 : vector<640x1xf32> to vector<640xf32>
    %slice3A_6 = vector.extract_strided_slice %get3A_1 {offsets = [0, 3], sizes = [640, 1], strides = [1, 1]} : vector<640x4xf32> to vector<640x1xf32>
    %squeeze3A_7 = vector.shape_cast %slice3A_6 : vector<640x1xf32> to vector<640xf32>
    %add3A_8 = arith.addf %squeeze3A_5, %squeeze3A_7 : vector<640xf32>
    %eq3A = arith.constant 0.000000e+00 : f32
    %eq3A_9 = vector.broadcast %eq3A : f32 to vector<640xf32>
    %eq3A_10 = arith.cmpf oeq, %add3A, %eq3A_9 : vector<640xf32>
    %div3A = arith.constant 1.000000e+00 : f32
    %div3A_11 = vector.broadcast %div3A : f32 to vector<640xf32>
    %div3A_12 = arith.divf %div3A_11, %add3A : vector<640xf32>
    %jit3A = arith.constant 1.000000e+00 : f32
    %broadcast_in_dim3A = vector.broadcast %jit3A : f32 to vector<640xf32>
    %select_n3A = arith.select %eq3A_10, %broadcast_in_dim3A, %div3A_12 : vector<640xi1>, vector<640xf32>
    %eq3A_13 = arith.constant 0.000000e+00 : f32
    %eq3A_14 = vector.broadcast %eq3A_13 : f32 to vector<640xf32>
    %eq3A_15 = arith.cmpf oeq, %add3A_8, %eq3A_14 : vector<640xf32>
    %div3A_16 = arith.constant 1.000000e+00 : f32
    %div3A_17 = vector.broadcast %div3A_16 : f32 to vector<640xf32>
    %div3A_18 = arith.divf %div3A_17, %add3A_8 : vector<640xf32>
    %jit3A_19 = arith.constant 1.000000e+00 : f32
    %broadcast_in_dim3A_20 = vector.broadcast %jit3A_19 : f32 to vector<640xf32>
    %select_n3A_21 = arith.select %eq3A_15, %broadcast_in_dim3A_20, %div3A_18 : vector<640xi1>, vector<640xf32>
    %get3A_22 = arith.constant 0 : index
    %get3A_23 = arith.constant 0 : index
    %get3A_24 = arith.constant 0 : index
    %get3A_25 = vector.load %arg2[%get3A_22, %get3A_23, %get3A_24] : memref<2x640x112xf32, #tpu.memory_space<vmem>>, vector<1x640x112xf32>
    %get3A_26 = vector.shape_cast %get3A_25 : vector<1x640x112xf32> to vector<640x112xf32>
    %get3A_27 = arith.constant 1 : index
    %get3A_28 = arith.constant 0 : index
    %get3A_29 = arith.constant 0 : index
    %get3A_30 = vector.load %arg2[%get3A_27, %get3A_28, %get3A_29] : memref<2x640x112xf32, #tpu.memory_space<vmem>>, vector<1x640x112xf32>
    %get3A_31 = vector.shape_cast %get3A_30 : vector<1x640x112xf32> to vector<640x112xf32>
    %add3A_32 = arith.addf %get3A_26, %get3A_31 : vector<640x112xf32>
    %get3A_33 = arith.constant 0 : index
    %get3A_34 = arith.constant 0 : index
    %get3A_35 = vector.load %arg3[%get3A_33, %get3A_34] : memref<640x112xf32, #tpu.memory_space<vmem>>, vector<640x112xf32>
    %add3A_36 = arith.addf %add3A_32, %get3A_35 : vector<640x112xf32>
    %get3A_37 = arith.constant 0 : index
    %get3A_38 = arith.constant 0 : index
    %get3A_39 = vector.load %arg4[%get3A_37, %get3A_38] : memref<1x112xf32, #tpu.memory_space<vmem>>, vector<1x112xf32>
    %add3A_40 = vector.broadcast %get3A_39 : vector<1x112xf32> to vector<640x112xf32>
    %add3A_41 = arith.addf %add3A_36, %add3A_40 : vector<640x112xf32>
    %slice3A_42 = vector.extract_strided_slice %add3A_41 {offsets = [0, 0], sizes = [640, 50], strides = [1, 1]} : vector<640x112xf32> to vector<640x50xf32>
    %slice3A_43 = vector.extract_strided_slice %add3A_41 {offsets = [0, 50], sizes = [640, 50], strides = [1, 1]} : vector<640x112xf32> to vector<640x50xf32>
    %tanh3A = math.tanh %slice3A_43 : vector<640x50xf32>
    %exp3A = math.exp %slice3A_42 : vector<640x50xf32>
    %add3A_44 = arith.constant 1.000000e+00 : f32
    %add3A_45 = vector.broadcast %add3A_44 : f32 to vector<640x50xf32>
    %add3A_46 = arith.addf %add3A_45, %exp3A : vector<640x50xf32>
    %div3A_47 = arith.divf %tanh3A, %add3A_46 : vector<640x50xf32>
    %max3A = arith.constant 0.000000e+00 : f32
    %max3A_48 = vector.broadcast %max3A : f32 to vector<640x50xf32>
    %max3A_49 = arith.maximumf %div3A_47, %max3A_48 : vector<640x50xf32>
    %get3A_50 = arith.constant 0 : index
    %get3A_51 = arith.constant 0 : index
    %get3A_52 = vector.load %arg5[%get3A_50, %get3A_51] : memref<50x144xf32, #tpu.memory_space<vmem>>, vector<50x144xf32>
    %dot_general3A = arith.constant dense<0.000000e+00> : vector<640x144xf32>
    %dot_general3A_53 = tpu.matmul %max3A_49, %get3A_52, %dot_general3A {dimension_numbers = #tpu.dot_dimension_numbers<[1], [0], [0], [1], [0, 0, 1, 1], [], []>, transpose_lhs_hint = false} : vector<640x50xf32>, vector<50x144xf32>, vector<640x144xf32> -> vector<640x144xf32>
    %slice3A_54 = vector.extract_strided_slice %dot_general3A_53 {offsets = [0, 0], sizes = [640, 48], strides = [1, 1]} : vector<640x144xf32> to vector<640x48xf32>
    %broadcast_in_dim3A_55 = vector.shape_cast %select_n3A : vector<640xf32> to vector<640x1xf32>
    %mul3A = vector.broadcast %broadcast_in_dim3A_55 : vector<640x1xf32> to vector<640x48xf32>
    %mul3A_56 = arith.mulf %slice3A_54, %mul3A : vector<640x48xf32>
    %swap3A = arith.constant 0 : index
    %swap3A_57 = arith.constant 0 : index
    %swap3A_58 = arith.constant 0 : index
    %swap3A_59 = vector.load %arg6[%swap3A, %swap3A_57, %swap3A_58] : memref<2x640x48xf32, #tpu.memory_space<vmem>>, vector<1x640x48xf32>
    %swap3A_60 = vector.shape_cast %swap3A_59 : vector<1x640x48xf32> to vector<640x48xf32>
    %swap3A_61 = vector.shape_cast %mul3A_56 : vector<640x48xf32> to vector<1x640x48xf32>
    tpu.vector_store %arg6[%swap3A, %swap3A_57, %swap3A_58], %swap3A_61 {strides = array<i32>} : memref<2x640x48xf32, #tpu.memory_space<vmem>>, vector<1x640x48xf32>,
    %slice3A_62 = vector.extract_strided_slice %dot_general3A_53 {offsets = [0, 48], sizes = [640, 48], strides = [1, 1]} : vector<640x144xf32> to vector<640x48xf32>
    %broadcast_in_dim3A_63 = vector.shape_cast %select_n3A_21 : vector<640xf32> to vector<640x1xf32>
    %mul3A_64 = vector.broadcast %broadcast_in_dim3A_63 : vector<640x1xf32> to vector<640x48xf32>
    %mul3A_65 = arith.mulf %slice3A_62, %mul3A_64 : vector<640x48xf32>
    %swap3A_66 = arith.constant 1 : index
    %swap3A_67 = arith.constant 0 : index
    %swap3A_68 = arith.constant 0 : index
    %swap3A_69 = vector.load %arg6[%swap3A_66, %swap3A_67, %swap3A_68] : memref<2x640x48xf32, #tpu.memory_space<vmem>>, vector<1x640x48xf32>
    %swap3A_70 = vector.shape_cast %swap3A_69 : vector<1x640x48xf32> to vector<640x48xf32>
    %swap3A_71 = vector.shape_cast %mul3A_65 : vector<640x48xf32> to vector<1x640x48xf32>
    tpu.vector_store %arg6[%swap3A_66, %swap3A_67, %swap3A_68], %swap3A_71 {strides = array<i32>} : memref<2x640x48xf32, #tpu.memory_space<vmem>>, vector<1x640x48xf32>,
    %slice3A_72 = vector.extract_strided_slice %dot_general3A_53 {offsets = [0, 96], sizes = [640, 48], strides = [1, 1]} : vector<640x144xf32> to vector<640x48xf32>
    %swap3A_73 = arith.constant 0 : index
    %swap3A_74 = arith.constant 0 : index
    %swap3A_75 = vector.load %arg7[%swap3A_73, %swap3A_74] : memref<640x48xf32, #tpu.memory_space<vmem>>, vector<640x48xf32>
    tpu.vector_store %arg7[%swap3A_73, %swap3A_74], %slice3A_72 {strides = array<i32>} : memref<640x48xf32, #tpu.memory_space<vmem>>, vector<640x48xf32>,
    return
  }
  func.func @transform_0(%arg0: i32) -> (i32, i32) {
    %c0_i32 = arith.constant 0 : i32
    %c0_i32_0 = arith.constant 0 : i32
    return %arg0, %c0_i32 : i32, i32
  }
  func.func @transform_1(%arg0: i32) -> (i32, i32, i32) {
    %c0_i32 = arith.constant 0 : i32
    %c0_i32_0 = arith.constant 0 : i32
    %c0_i32_1 = arith.constant 0 : i32
    return %c0_i32, %arg0, %c0_i32_0 : i32, i32, i32
  }
  func.func @transform_2(%arg0: i32) -> (i32, i32) {
    %c0_i32 = arith.constant 0 : i32
    %c0_i32_0 = arith.constant 0 : i32
    return %arg0, %c0_i32 : i32, i32
  }
  func.func @transform_3(%arg0: i32) -> (i32, i32) {
    %c0_i32 = arith.constant 0 : i32
    %c0_i32_0 = arith.constant 0 : i32
    %c0_i32_1 = arith.constant 0 : i32
    return %c0_i32, %c0_i32_0 : i32, i32
  }
  func.func @transform_4(%arg0: i32) -> (i32, i32) {
    %c0_i32 = arith.constant 0 : i32
    %c0_i32_0 = arith.constant 0 : i32
    %c0_i32_1 = arith.constant 0 : i32
    return %c0_i32, %c0_i32_0 : i32, i32
  }
  func.func @transform_5(%arg0: i32) -> (i32, i32, i32) {
    %c0_i32 = arith.constant 0 : i32
    %c0_i32_0 = arith.constant 0 : i32
    %c0_i32_1 = arith.constant 0 : i32
    return %c0_i32, %arg0, %c0_i32_0 : i32, i32, i32
  }
  func.func @transform_6(%arg0: i32) -> (i32, i32) {
    %c0_i32 = arith.constant 0 : i32
    %c0_i32_0 = arith.constant 0 : i32
    return %arg0, %c0_i32 : i32, i32
  }
}

module attributes {stable_mosaic.version = 14 : i64} {
  func.func @_comb2_body(%arg0: i32, %arg1: memref<2x640x48xf32, #tpu.memory_space<vmem>>, %arg2: memref<640x48xf32, #tpu.memory_space<vmem>>, %arg3: memref<1x48xf32, #tpu.memory_space<vmem>>, %arg4: memref<20x1xf32, #tpu.memory_space<vmem>>, %arg5: memref<1x1xf32, #tpu.memory_space<vmem>>, %arg6: memref<640x1xf32, #tpu.memory_space<vmem>>) attributes {dimension_semantics = [#tpu.dimension_semantics<arbitrary>], iteration_bounds = array<i64: 16>, scalar_prefetch = 0 : i64, scratch_operands = 0 : i64, tpu.core_type = #tpu.core_type<tc>, window_params = [{transform_indices = @transform_0, window_bounds = array<i64: 2, 640, 48>}, {transform_indices = @transform_1, window_bounds = array<i64: 640, 48>}, {pipeline_mode = #tpu.pipeline_mode<synchronous>, transform_indices = @transform_2, window_bounds = array<i64: 1, 48>}, {pipeline_mode = #tpu.pipeline_mode<synchronous>, transform_indices = @transform_3, window_bounds = array<i64: 20, 1>}, {pipeline_mode = #tpu.pipeline_mode<synchronous>, transform_indices = @transform_4, window_bounds = array<i64: 1, 1>}, {transform_indices = @transform_5, window_bounds = array<i64: 640, 1>}]} {
    %get3A = arith.constant 0 : index
    %get3A_0 = arith.constant 0 : index
    %get3A_1 = arith.constant 0 : index
    %get3A_2 = vector.load %arg1[%get3A, %get3A_0, %get3A_1] : memref<2x640x48xf32, #tpu.memory_space<vmem>>, vector<1x640x48xf32>
    %get3A_3 = vector.shape_cast %get3A_2 : vector<1x640x48xf32> to vector<640x48xf32>
    %get3A_4 = arith.constant 1 : index
    %get3A_5 = arith.constant 0 : index
    %get3A_6 = arith.constant 0 : index
    %get3A_7 = vector.load %arg1[%get3A_4, %get3A_5, %get3A_6] : memref<2x640x48xf32, #tpu.memory_space<vmem>>, vector<1x640x48xf32>
    %get3A_8 = vector.shape_cast %get3A_7 : vector<1x640x48xf32> to vector<640x48xf32>
    %add3A = arith.addf %get3A_3, %get3A_8 : vector<640x48xf32>
    %get3A_9 = arith.constant 0 : index
    %get3A_10 = arith.constant 0 : index
    %get3A_11 = vector.load %arg2[%get3A_9, %get3A_10] : memref<640x48xf32, #tpu.memory_space<vmem>>, vector<640x48xf32>
    %add3A_12 = arith.addf %add3A, %get3A_11 : vector<640x48xf32>
    %get3A_13 = arith.constant 0 : index
    %get3A_14 = arith.constant 0 : index
    %get3A_15 = vector.load %arg3[%get3A_13, %get3A_14] : memref<1x48xf32, #tpu.memory_space<vmem>>, vector<1x48xf32>
    %add3A_16 = vector.broadcast %get3A_15 : vector<1x48xf32> to vector<640x48xf32>
    %add3A_17 = arith.addf %add3A_12, %add3A_16 : vector<640x48xf32>
    %slice3A = vector.extract_strided_slice %add3A_17 {offsets = [0, 0], sizes = [640, 20], strides = [1, 1]} : vector<640x48xf32> to vector<640x20xf32>
    %slice3A_18 = vector.extract_strided_slice %add3A_17 {offsets = [0, 20], sizes = [640, 20], strides = [1, 1]} : vector<640x48xf32> to vector<640x20xf32>
    %tanh3A = math.tanh %slice3A_18 : vector<640x20xf32>
    %exp3A = math.exp %slice3A : vector<640x20xf32>
    %add3A_19 = arith.constant 1.000000e+00 : f32
    %add3A_20 = vector.broadcast %add3A_19 : f32 to vector<640x20xf32>
    %add3A_21 = arith.addf %add3A_20, %exp3A : vector<640x20xf32>
    %div3A = arith.divf %tanh3A, %add3A_21 : vector<640x20xf32>
    %max3A = arith.constant 0.000000e+00 : f32
    %max3A_22 = vector.broadcast %max3A : f32 to vector<640x20xf32>
    %max3A_23 = arith.maximumf %div3A, %max3A_22 : vector<640x20xf32>
    %get3A_24 = arith.constant 0 : index
    %get3A_25 = arith.constant 0 : index
    %get3A_26 = vector.load %arg4[%get3A_24, %get3A_25] : memref<20x1xf32, #tpu.memory_space<vmem>>, vector<20x1xf32>
    %dot_general3A = arith.constant dense<0.000000e+00> : vector<640x1xf32>
    %dot_general3A_27 = tpu.matmul %max3A_23, %get3A_26, %dot_general3A {dimension_numbers = #tpu.dot_dimension_numbers<[1], [0], [0], [1], [0, 0, 1, 1], [], []>, transpose_lhs_hint = false} : vector<640x20xf32>, vector<20x1xf32>, vector<640x1xf32> -> vector<640x1xf32>
    %get3A_28 = arith.constant 0 : index
    %get3A_29 = arith.constant 0 : index
    %get3A_30 = vector.load %arg5[%get3A_28, %get3A_29] : memref<1x1xf32, #tpu.memory_space<vmem>>, vector<1x1xf32>
    %add3A_31 = vector.broadcast %get3A_30 : vector<1x1xf32> to vector<640x1xf32>
    %add3A_32 = arith.addf %dot_general3A_27, %add3A_31 : vector<640x1xf32>
    %swap3A = arith.constant 0 : index
    %swap3A_33 = arith.constant 0 : index
    %swap3A_34 = vector.load %arg6[%swap3A, %swap3A_33] : memref<640x1xf32, #tpu.memory_space<vmem>>, vector<640x1xf32>
    tpu.vector_store %arg6[%swap3A, %swap3A_33], %add3A_32 {strides = array<i32>} : memref<640x1xf32, #tpu.memory_space<vmem>>, vector<640x1xf32>,
    return
  }
  func.func @transform_0(%arg0: i32) -> (i32, i32, i32) {
    %c0_i32 = arith.constant 0 : i32
    %c0_i32_0 = arith.constant 0 : i32
    %c0_i32_1 = arith.constant 0 : i32
    return %c0_i32, %arg0, %c0_i32_0 : i32, i32, i32
  }
  func.func @transform_1(%arg0: i32) -> (i32, i32) {
    %c0_i32 = arith.constant 0 : i32
    %c0_i32_0 = arith.constant 0 : i32
    return %arg0, %c0_i32 : i32, i32
  }
  func.func @transform_2(%arg0: i32) -> (i32, i32) {
    %c0_i32 = arith.constant 0 : i32
    %c0_i32_0 = arith.constant 0 : i32
    %c0_i32_1 = arith.constant 0 : i32
    return %c0_i32, %c0_i32_0 : i32, i32
  }
  func.func @transform_3(%arg0: i32) -> (i32, i32) {
    %c0_i32 = arith.constant 0 : i32
    %c0_i32_0 = arith.constant 0 : i32
    %c0_i32_1 = arith.constant 0 : i32
    return %c0_i32, %c0_i32_0 : i32, i32
  }
  func.func @transform_4(%arg0: i32) -> (i32, i32) {
    %c0_i32 = arith.constant 0 : i32
    %c0_i32_0 = arith.constant 0 : i32
    %c0_i32_1 = arith.constant 0 : i32
    return %c0_i32, %c0_i32_0 : i32, i32
  }
  func.func @transform_5(%arg0: i32) -> (i32, i32) {
    %c0_i32 = arith.constant 0 : i32
    %c0_i32_0 = arith.constant 0 : i32
    return %arg0, %c0_i32 : i32, i32
  }
}

</mosaic_0001>

<sc_bundles>
// kernel: kernel.11.cloned.1.call-start
scs
__scs_entry_jumppad:
0x0: {  	(pc) =	sbr.rel $0x88, $3  }
0x1: {  	(tag) =	ssettag $0x0;
	lr =	simm.s32 $0x1  }
0x2: {  	[smem:$0x3F94] =	sst lr;
	_ =	strace $0xD0000000  }
0x3: {  	_ = 	snop  }
0x4: {  	_ = 	snop  }
0x5: {  	_ = 	snop  }
0x6: {  	_ = 	snop  }
0x7: {  	_ = 	snop  }
__scs_overlays_trampoline_lowered:
0x8: {  	[smem:$0x3FA3] =	sst s0  }
0x9: {  	[smem:$0x3FA4] =	sst s1  }
0xa: {  	[smem:$0x3FA5] =	sst s2  }
0xb: {  	[smem:$0x3FA6] =	sst s3  }
0xc: {  	[smem:$0x3FA7] =	sst s4  }
0xd: {  	[smem:$0x3FA8] =	sst s5  }
0xe: {  	[smem:$0x3FA9] =	sst s6  }
0xf: {  	[smem:$0x3FAA] =	sst s7  }
0x10: {  	[smem:$0x3FAB] =	sst s8  }
0x11: {  	[smem:$0x3FAC] =	sst s9;
	s0 =	simm.s32 @!p0 $0x0  }
0x12: {  	s1 =	sld [smem:$0x3F92];
	s0 =	simm.s32 @p0 $0x1  }
0x13: {  	[smem:$0x3FAD] =	sst s0;
	s0 =	simm.s32 @!p1 $0x0  }
0x14: {  	s2 =	sld [smem:$0x3F91];
	s0 =	simm.s32 @p1 $0x1  }
0x15: {  	[smem:$0x3FAE] =	sst s0;
	s0 =	simm.s32 @!p2 $0x0  }
0x16: {  	s3 =	sld [smem:$0x3FDB];
	s0 =	simm.s32 @p2 $0x1  }
0x17: {  	s4 =	simm.s32 $0x1BF5;
	[smem:$0x3FB0] =	sst s0  }
0x18: {  	s0 =	sld [smem:$0x3F93];
	_ =	swait.ge [sflag:s4], $0x0  }
0x19: {  	s7 =	sld [smem:$0x3F94]  }
0x1a: {  	s8 =	sadd.s32 $0xFFFFE003, lr  }
0x1b: {  	s9 =	sadd.s32 $0xFFFFFEF7, lr;
	s5 =	simm.s32 $0xFFFFFFFF;
	p2 =	slt.u32 s8, $0xFFFFF086  }
0x1c: {  	p1 =	slt.u32 s9, $0xF7A;
	s5 =	simm.s32 @!p2 $0x0  }
0x1d: {  	s5 =	simm.s32 @p1 $0x1;
	p0 =	seq.s32 s7, s2  }
0x1e: {  	s7 =	smul.u32 @!p0 $0xF7A, s2;
	p2 =	seq.s32 @!p0 s5, $0x0  }
0x1f: {  	s9 =	smul.u32 $0xF7A, s1;
	s8 =	simm.s32 @!p0 $0x1BF5;
	p2 =	por !p2, p0  }
0x20: {  	[sflag:s8] =	ssyncset.s32 @!p0 $0xFFFFF086;
	s6 =	sadd.s32 @!p0 s3, s7;
	s7 =	simm.s32 @!p0 $0x108  }
0x21: {  	s3 =	sadd.s32 s3, s9;
	s6 =	sadd.s32 @!p0 $0x88, s6;
	s7 =	simm.s32 @p2 $0x1082  }
0x22: {  	[simem:s7], [sflag:s8] =	dma.local @!p0 [hbm:s6], $0xF7A  }
0x23: {  	s9 =	sor.u32 $0xD0000000, s2;
	s6 =	simm.s32 $0x108;
	_ =	swait.ge @!p0 [sflag:s8], $0x0  }
0x24: {  	s3 =	sadd.s32 $0x88, s3;
	s6 =	simm.s32 @!p1 $0x1082;
	[sflag:s4] =	ssyncset.s32 $0xFFFFF086  }
0x25: {  	[simem:s6], [sflag:s4] =	dma.local [hbm:s3], $0xF7A  }
0x26: {  	[smem:$0x3F94] =	sst s1;
	(tag) =	ssettag s2;
	_ =	strace s9  }
0x27: {  	s1 =	sld [smem:$0x3FA4]  }
0x28: {  	s2 =	sld [smem:$0x3FA5]  }
0x29: {  	s4 =	sld [smem:$0x3FA7]  }
0x2a: {  	p0 =	seq.s32 s5, $0x0;
	s5 =	sld [smem:$0x3FA8]  }
0x2b: {  	s6 =	sld [smem:$0x3FA9]  }
0x2c: {  	s7 =	sld [smem:$0x3FAA]  }
0x2d: {  	s3 =	simm.s32 $0x108;
	s8 =	sld [smem:$0x3FAB]  }
0x2e: {  	s3 =	simm.s32 @!p0 $0x1082;
	s9 =	sld [smem:$0x3FAC]  }
0x2f: {  	lr =	sadd.s32 s0, s3;
	s0 =	sld [smem:$0x3FA3]  }
0x30: {  	s3 =	sld [smem:$0x3FA6]  }
0x31: {  	[smem:$0x3FAF] =	sst s10  }
0x32: {  	s10 =	sld [smem:$0x3FAD];
	_ =	sdelay $0x3  }
0x33: {  	p0 =	seq.s32 s10, $0x1;
	s10 =	sld [smem:$0x3FAF];
	_ =	sdelay $0x3  }
0x34: {  	[smem:$0x3FAF] =	sst s10  }
0x35: {  	s10 =	sld [smem:$0x3FAE];
	_ =	sdelay $0x3  }
0x36: {  	p1 =	seq.s32 s10, $0x1;
	s10 =	sld [smem:$0x3FAF];
	_ =	sdelay $0x3  }
0x37: {  	[smem:$0x3FAF] =	sst s10  }
0x38: {  	s10 =	sld [smem:$0x3FB0]  }
0x39: {  	_ = 	snop;
	(pc) =	sbr.ind lr, $3  }
0x3a: {  	_ = 	snop  }
0x3b: {  	_ = 	snop  }
0x3c: {  	p2 =	seq.s32 s10, $0x1;
	s10 =	sld [smem:$0x3FAF]  }
0x3d: {  	_ =	shalt  }
0x3e: {  	_ =	shalt  }
0x3f: {  	_ =	shalt  }
0x40: {  	_ =	shalt  }
0x41: {  	_ =	shalt  }
0x42: {  	_ =	shalt  }
0x43: {  	_ =	shalt  }
0x44: {  	_ =	shalt  }
0x45: {  	_ =	shalt  }
0x46: {  	_ =	shalt  }
0x47: {  	_ =	shalt  }
0x48: {  	_ =	shalt  }
0x49: {  	_ =	shalt  }
0x4a: {  	_ =	shalt  }
0x4b: {  	_ =	shalt  }
0x4c: {  	_ =	shalt  }
0x4d: {  	_ =	shalt  }
0x4e: {  	_ =	shalt  }
0x4f: {  	_ =	shalt  }
0x50: {  	_ =	shalt  }
0x51: {  	_ =	shalt  }
0x52: {  	_ =	shalt  }
0x53: {  	_ =	shalt  }
0x54: {  	_ =	shalt  }
0x55: {  	_ =	shalt  }
0x56: {  	_ =	shalt  }
0x57: {  	_ =	shalt  }
0x58: {  	_ =	shalt  }
0x59: {  	_ =	shalt  }
0x5a: {  	_ =	shalt  }
0x5b: {  	_ =	shalt  }
0x5c: {  	_ =	shalt  }
0x5d: {  	_ =	shalt  }
0x5e: {  	_ =	shalt  }
0x5f: {  	_ =	shalt  }
0x60: {  	_ =	shalt  }
0x61: {  	_ =	shalt  }
0x62: {  	_ =	shalt  }
0x63: {  	_ =	shalt  }
0x64: {  	_ =	shalt  }
0x65: {  	_ =	shalt  }
0x66: {  	_ =	shalt  }
0x67: {  	_ =	shalt  }
0x68: {  	_ =	shalt  }
0x69: {  	_ =	shalt  }
0x6a: {  	_ =	shalt  }
0x6b: {  	_ =	shalt  }
0x6c: {  	_ =	shalt  }
0x6d: {  	_ =	shalt  }
0x6e: {  	_ =	shalt  }
0x6f: {  	_ =	shalt  }
0x70: {  	_ =	shalt  }
0x71: {  	_ =	shalt  }
0x72: {  	_ =	shalt  }
0x73: {  	_ =	shalt  }
0x74: {  	_ =	shalt  }
0x75: {  	_ =	shalt  }
0x76: {  	_ =	shalt  }
0x77: {  	_ =	shalt  }
0x78: {  	_ =	shalt  }
0x79: {  	_ =	shalt  }
0x7a: {  	_ =	shalt  }
0x7b: {  	_ =	shalt  }
0x7c: {  	_ =	shalt  }
0x7d: {  	_ =	shalt  }
0x7e: {  	_ =	shalt  }
0x7f: {  	_ =	shalt  }
0x80: {  	_ =	shalt  }
0x81: {  	_ =	shalt  }
0x82: {  	_ =	shalt  }
0x83: {  	_ =	shalt  }
0x84: {  	_ =	shalt  }
0x85: {  	_ =	shalt  }
0x86: {  	_ =	shalt  }
0x87: {  	_ =	shalt  }
.Lfunc_end0:
.L_simem_size_0:
called_computation.1_lowered:
.L_overlay_start_0:
0x88: {  	s2 =	sld [smem:$0x3FD9]  }
0x89: {  	s3 =	sld [smem:$0x3FFE];
	_ =	sdelay $0x1  }
0x8a: {  	s1 =	srdreg.scid  }
0x8b: {  	s0 =	sand.u32 $0x1, s1  }
0x8c: {  	s17 =	sshll.u32 s0, $0xA;
	s2 =	sadd.s32 s3, s2  }
0x8d: {  	s2 =	sadd.s32 s2, s17  }
0x8e: {  	[smem:$0x3FBB] =	sst s2  }
0x8f: {  	_ = 	snop  }
0x90: {  	s2 =	sld [smem:$0x3FC7];
	(tm) =	ssettm $0x1  }
0x91: {  	s18 =	sld [smem:$0x3FFB];
	_ =	sdelay $0x3  }
0x92: {  	_ =	strace s18  }
0x93: {  	s3 =	sld [smem:$0x3FFC];
	_ =	sdelay $0x3  }
0x94: {  	_ =	strace s3  }
0x95: {  	s3 =	sld [smem:$0x3FFD];
	_ =	sdelay $0x3  }
0x96: {  	_ =	strace s3  }
0x97: {  	_ =	strace $0x8FFFFFFF  }
0x98: {  	s19 =	sld [smem:$0x3FDB];
	_ =	sdelay $0x1  }
0x99: {  	s4 =	simm.s32 $_scs_section_size  }
0x9a: {  	s5 =	simm.s32 $_size__tile_overlayer_lowered;
	s6 =	simm.s32 $_tile_overlayer_lowered  }
0x9b: {  	s22 =	simm.s32 $0x1BFF;
	s21 =	sshll.u32 s6, $0x1;
	s3 =	sadd.s32 s4, s19  }
0x9c: {  	s7 =	simm.s32 $0x0;
	s20 =	sshll.u32 s5, $0x1;
	s5 =	sadd.s32 s21, s3  }
0x9d: {  	[timem:s7], [sflag:s22] =	dma.local [hbm:s5], s20  }
0x9e: {  	_ =	swait.ge [sflag:s22], s20  }
0x9f: {  	s4 =	ssub.s32 $0x0, s20;
	[sflag:s22] =	ssyncset.done $0x0  }
0xa0: {  	[sflag:s22] =	ssyncadd.s32 s4;
	_ =	sdelay $0x1  }
0xa1: {  	s23 =	simm.s32 $0x1B8B  }
0xa2: {  	_ =	swait.ge [sflag:s23], $0x1  }
0xa3: {  	[sflag:s23] =	ssyncset.done $0x0  }
0xa4: {  	s25 =	simm.s32 $0x1B8E;
	s24 =	sld [smem:$0x3FFE];
	[sflag:s23] =	ssyncadd.s32 $0xFFFFFFFF  }
0xa5: {  	s26 =	simm.s32 $execute0_lowered;
	[smem:$0x3FD2] =	sst s25  }
0xa6: {  	s5 =	sshll.u32 s26, $0x1;
	_ =	strace $0x80000049;
	[dreg:$0x1] =	wrdreg $0xFFFFFFFF  }
0xa7: {  	s28 =	simm.s32 $_size_execute0_lowered;
	s3 =	sadd.s32 s3, s5;
	[dreg:$0x0] =	wrdreg $0x0  }
0xa8: {  	s5 =	sshll.u32 s28, $0x1;
	[dreg:$0x2] =	wrdreg s3  }
0xa9: {  	[dreg:$0x3] =	wrdreg s5  }
0xaa: {  	[dreg:$0x4] =	wrdreg $0xC0  }
0xab: {  	_ =	task [dreg:s7], $0x5FFFF  }
0xac: {  	[dreg:$0x1] =	wrdreg $0xFFFFFFFF  }
0xad: {  	[dreg:$0x0] =	wrdreg $0x60  }
0xae: {  	[dreg:$0x2] =	wrdreg s24  }
0xaf: {  	[dreg:$0x3] =	wrdreg s2  }
0xb0: {  	[dreg:$0x4] =	wrdreg $0xB3B00  }
0xb1: {  	[dreg:$0x5] =	wrdreg $0x9  }
0xb2: {  	_ =	task.clear_ibuf [dreg:s7], $0x6FFFF;
	_ =	strace $0x90000049  }
0xb3: {  	s29 =	simm.s32 $0x9;
	_ =	strace $0x8000004B  }
0xb4: {  	_ =	swait.ge [sflag:s29], $0x1  }
0xb5: {  	[sflag:s29] =	ssyncadd.s32 $0xFFFFFFFF  }
0xb6: {  	_ =	strace $0x9000004B  }
0xb7: {  	_ =	sfence  }
0xb8: {  	s30 =	sld [smem:$0x0];
	_ =	sdelay $0x2  }
0xb9: {  	s31 =	sshll.u32 s1, $0xD;
	s1 =	sshrl.u32 s1, $0x2  }
0xba: {  	s3 =	sand.u32 $0x4000, s31;
	s1 =	sadd.s32 s1, s30  }
0xbb: {  	s0 =	sor.u32 s3, s0;
	s1 =	sshll.u32 s1, $0x11  }
0xbc: {  	s0 =	sor.u32 s1, s0  }
0xbd: {  	s0 =	sadd.s32 $0x8F2B, s0  }
0xbe: {  	[sflag:s0] =	ssyncadd.remote.s32 $0x1  }
0xbf: {  	_ =	sfence.sel $0xFFFF  }
0xc0: {  	[dreg:$0x0] =	wrdreg $0xFFFFFFFF;
	(pc) =	sbr.abs _section_cstart, $3  }
0xc1: {  	[dreg:$0x1] =	wrdreg $0xFFFFFFFF  }
0xc2: {  	_ =	task.clear_ibuf [dreg:s7], $0x2FFFF;
	_ =	strace $0x9FFFFFFF  }
0xc3: {  	(tm) =	ssettm $0x7FFFFFFF  }
tec
execute0_lowered:
.L_overlay_start_1:
0x0: {  	(tag) =	ssettag $0x1  }
0x1: {  	s6 =	rddreg [dreg:$0x0]  }
0x2: {  	s1 =	rddreg [dreg:$0x1];
	s0 =	srdreg.scid  }
0x3: {  	s3 =	rddreg [dreg:$0x2];
	s2 =	stileid.u32  }
0x4: {  	s4 =	simm.s32 $0x0;
	s17 =	simm.s32 $0x4B0;
	s18 =	simm.s32 $0x2  }
0x5: {  	s19 =	simm.s32 $0x190;
	s20 =	simm.s32 $0x320;
	s7 =	smul.u32 $0x11800, s2  }
0x6: {  	s13 =	sand.u32 $0x1, s0;
	s0 =	rddreg [dreg:$0x3];
	s9 =	smul.u32 $0x46000, s2  }
0x7: {  	s21 =	simm.s32 $0x1;
	[smem:$0x7FF] =	sst s4;
	s5 =	smul.u32 $0x23000, s13  }
0x8: {  	s8 =	smul.u32 $0x118000, s13;
	_ =	strace $0x8000004A;
	s10 =	ssub.s32 $0x2, s13  }
0x9: {  	s12 =	smul.u32 $0x4E200, s13;
	s13 =	sxor.u32 $0x1, s13;
	s9 =	sshrl.u32 s9, $0x2  }
0xa: {  	s31 =	sshrl.u32 s10, $0x1;
	s13 =	smul.u32 $0x4E200, s13;
	s14 =	sadd.s32 s5, s6  }
0xb: {  	s5 =	sadd.s32 $0x18400, s6;
	s8 =	sadd.s32 s7, s8;
	s11 =	sadd.s32 s9, s3  }
0xc: {  	s16 =	ssub.s32 s10, s31;
	s10 =	smul.u32 $0x4E20, s2;
	s8 =	sshrl.u32 s8, $0x3  }
0xd: {  	s9 =	sadd.s32 $0xA800, s11;
	s14 =	sadd.s32 $0x7BE00, s14;
	s16 =	smax.u32 s16, $0x1  }
0xe: {  	s15 =	sadd.s32 s8, s6;
	s6 =	sadd.s32 s7, s3;
	s7 =	sadd.s32 $0x3800, s11  }
0xf: {  	v0 =	vimm.f32 $0.0e+00;
	s8 =	sadd.s32 $0x7000, s11;
	s11 =	sadd.s32 $0xE000, s11;
	s15 =	sadd.s32 $0x2BE00, s15  }
.LBB2_1:
0x10: {  	s22 =	simm.s32 $0x0;
	s23 =	simm.s32 $0x1C0  }
.LBB2_2:
0x11: {  	p0 =	sne.s32 s23, $0xDE40;
	[tilespmem:s22+$0x510] =	vst v0  }
0x12: {  	[tilespmem:s22+$0x4B0] =	vst v0  }
.Ltmp0:
0x13: {  	[tilespmem:s22+$0x4C0] =	vst v0;
	(pc) =	sbr.rel @p0 .LBB2_2-.Ltmp0, $4  }
0x14: {  	[tilespmem:s22+$0x4D0] =	vst v0  }
0x15: {  	[tilespmem:s22+$0x4E0] =	vst v0  }
0x16: {  	[tilespmem:s22+$0x4F0] =	vst v0  }
0x17: {  	[tilespmem:s22+$0x500] =	vst v0;
	s22 =	sshra.s32 s23, $0x2;
	s23 =	sadd.s32 $0x1C0, s23  }
0x18: {  	[tilespmem:s22+$0x510] =	vst v0  }
0x19: {  	[tilespmem:s22+$0x4B0] =	vst v0  }
0x1a: {  	[tilespmem:s22+$0x4C0] =	vst v0  }
0x1b: {  	[tilespmem:s22+$0x4D0] =	vst v0  }
0x1c: {  	[tilespmem:s22+$0x4E0] =	vst v0  }
0x1d: {  	[tilespmem:s22+$0x4F0] =	vst v0  }
0x1e: {  	[tilespmem:s22+$0x500] =	vst v0  }
0x1f: {  	[spmem:s6] =	stream.linear.scatter [tilespmem:s17], [sflag:$0x2], $0x3800, $0x38;
	[tilespmem:$0x1CBB0] =	vst v63  }
0x20: {  	_ =	swait.ge [sflag:s18], $0x3800  }
0x21: {  	[sflag:s18] =	ssyncset.done $0x0  }
0x22: {  	[sflag:s18] =	ssyncadd.s32 $0xFFFFC800  }
0x23: {  	[spmem:s7] =	stream.linear.scatter [tilespmem:s17], [sflag:$0x2], $0x3800, $0x38;
	[tilespmem:$0x1CBB0] =	vst v63  }
0x24: {  	_ =	swait.ge [sflag:s18], $0x3800  }
0x25: {  	[sflag:s18] =	ssyncset.done $0x0  }
0x26: {  	[sflag:s18] =	ssyncadd.s32 $0xFFFFC800  }
0x27: {  	[spmem:s8] =	stream.linear.scatter [tilespmem:s17], [sflag:$0x2], $0x3800, $0x38;
	[tilespmem:$0x1CBB0] =	vst v63  }
0x28: {  	_ =	swait.ge [sflag:s18], $0x3800  }
0x29: {  	[sflag:s18] =	ssyncset.done $0x0  }
0x2a: {  	[sflag:s18] =	ssyncadd.s32 $0xFFFFC800  }
0x2b: {  	[spmem:s9] =	stream.linear.scatter [tilespmem:s17], [sflag:$0x2], $0x3800, $0x38;
	[tilespmem:$0x1CBB0] =	vst v63  }
0x2c: {  	_ =	swait.ge [sflag:s18], $0x3800  }
0x2d: {  	[sflag:s18] =	ssyncset.done $0x0  }
0x2e: {  	[sflag:s18] =	ssyncadd.s32 $0xFFFFC800  }
0x2f: {  	[spmem:s11] =	stream.linear.scatter [tilespmem:s17], [sflag:$0x2], $0x3800, $0x38;
	[tilespmem:$0x1CBB0] =	vst v63  }
0x30: {  	_ =	swait.ge [sflag:s18], $0x3800  }
0x31: {  	[sflag:s18] =	ssyncset.done $0x0  }
0x32: {  	[sflag:s18] =	ssyncadd.s32 $0xFFFFC800  }
0x33: {  	s22 =	simm.s32 $0x0;
	s23 =	simm.s32 $0x0;
	[bflag:$0x0] =	sbarrier.arrive $0xFFFF  }
.LBB2_4:
0x34: {  	s24 =	smul.u32 $0x190, s23;
	_ =	sdelay $0x1  }
0x35: {  	s24 =	sadd.s32 s10, s24  }
0x36: {  	s25 =	sadd.s32 s12, s24  }
0x37: {  	s25 =	sshrl.u32 s25, $0x3  }
0x38: {  	s25 =	sadd.s32 s5, s25  }
0x39: {  	[tilespmem:s22], [sflag:$0x2] =	stream.linear.gather [hbm4b:s25+s22], $0x190, $0x38;
	[tilespmem:$0x1CBB0] =	vst v63  }
0x3a: {  	s29 =	sadd.s32 s13, s24;
	_ =	swait.ge [sflag:s18], $0x190  }
0x3b: {  	s25 =	sshrl.u32 s29, $0x3;
	[sflag:s18] =	ssyncset.done $0x0  }
0x3c: {  	s25 =	sadd.s32 s5, s25;
	[sflag:s18] =	ssyncadd.s32 $0xFFFFFE70  }
0x3d: {  	[tilespmem:s19], [sflag:$0x2] =	stream.linear.gather [hbm4b:s25+s22], $0x190, $0x38;
	[tilespmem:$0x1CBB0] =	vst v63  }
0x3e: {  	_ =	swait.ge [sflag:s18], $0x190  }
0x3f: {  	s24 =	sshrl.u32 s24, $0x3;
	[sflag:s18] =	ssyncset.done $0x0  }
0x40: {  	s24 =	sadd.s32 s1, s24;
	[sflag:s18] =	ssyncadd.s32 $0xFFFFFE70  }
0x41: {  	[tilespmem:s20], [sflag:$0x2] =	stream.linear.gather [hbm4b:s24+s22], $0x190, $0x38;
	[tilespmem:$0x1CBB0] =	vst v63  }
0x42: {  	_ =	swait.ge [sflag:s18], $0x190  }
0x43: {  	[sflag:s18] =	ssyncset.done $0x0  }
0x44: {  	[sflag:s18] =	ssyncadd.s32 $0xFFFFFE70  }
0x45: {  	[tilespmem:s17], [sflag:$0x1] =	stream.indirect.gather [hbm4b:s14+s19], $0x70, s22, s19, $0xb8;
	[tilespmem:$0x1CBB0] =	vst v63  }
0x46: {  	_ =	swait.ge [sflag:s21], $0xAF00  }
0x47: {  	s30 =	simm.s32 $0x0;
	[sflag:s21] =	ssyncset.done $0x0  }
0x48: {  	s31 =	smul.u32 $0x1C00, s22;
	s24 =	sand.u32 $0x3FFFFFF0, s30;
	[sflag:s21] =	ssyncadd.s32 $0xFFFF5100  }
0x49: {  	v1 =	vld [tilespmem:s24+$0x320]  }
0x4a: {  	s24 =	sshra.s32 s31, $0x2  }
0x4b: {  	v5 =	vld [tilespmem:s24+$0x4D0]  }
0x4c: {  	v4 =	vld [tilespmem:s24+$0x4C0]  }
0x4d: {  	v6 =	vld [tilespmem:s24+$0x4F0]  }
0x4e: {  	v8 =	vld [tilespmem:s24+$0x500];
	v3 =	vbroadcast v1, $0x0  }
0x4f: {  	v9 =	vld [tilespmem:s24+$0x510]  }
0x50: {  	v10 =	vld [tilespmem:s24+$0x520];
	v5 =	vmul.f32 v5, v3  }
0x51: {  	v11 =	vld [tilespmem:s24+$0x530];
	v4 =	vmul.f32 v4, v3  }
0x52: {  	v7 =	vld [tilespmem:s24+$0x4E0];
	v6 =	vmul.f32 v6, v3;
	[tilespmem:s24+$0x4D0] =	vst v5  }
0x53: {  	v12 =	vld [tilespmem:s24+$0x560];
	v52 =	vbroadcast v1, $0x1;
	v8 =	vmul.f32 v8, v3;
	[tilespmem:s24+$0x4C0] =	vst v4  }
0x54: {  	v41 =	vld [tilespmem:s24+$0x790];
	v9 =	vmul.f32 v9, v3;
	[tilespmem:s24+$0x4F0] =	vst v6  }
0x55: {  	v2 =	vld [tilespmem:s24+$0x4B0];
	v10 =	vmul.f32 v10, v52;
	[tilespmem:s24+$0x500] =	vst v8  }
0x56: {  	v50 =	vld [tilespmem:s24+$0x540];
	v11 =	vmul.f32 v11, v52;
	[tilespmem:s24+$0x510] =	vst v9  }
0x57: {  	v53 =	vld [tilespmem:s24+$0x570];
	v42 =	vbroadcast v1, $0x6;
	v7 =	vmul.f32 v7, v3;
	[tilespmem:s24+$0x520] =	vst v10  }
0x58: {  	v54 =	vld [tilespmem:s24+$0x580];
	v12 =	vmul.f32 v12, v52;
	[tilespmem:s24+$0x530] =	vst v11  }
0x59: {  	v55 =	vld [tilespmem:s24+$0x590];
	v48 =	vmul.f32 v41, v42;
	[tilespmem:s24+$0x4E0] =	vst v7  }
0x5a: {  	v56 =	vld [tilespmem:s24+$0x5A0];
	v2 =	vmul.f32 v3, v2;
	[tilespmem:s24+$0x560] =	vst v12  }
0x5b: {  	v58 =	vld [tilespmem:s24+$0x5C0];
	v5 =	vmul.f32 v50, v52;
	[tilespmem:s24+$0x790] =	vst v48  }
0x5c: {  	v59 =	vld [tilespmem:s24+$0x5D0];
	v13 =	vbroadcast v1, $0x2;
	v8 =	vmul.f32 v53, v52;
	[tilespmem:s24+$0x4B0] =	vst v2  }
0x5d: {  	v51 =	vld [tilespmem:s24+$0x550];
	v9 =	vmul.f32 v54, v52;
	[tilespmem:s24+$0x540] =	vst v5  }
0x5e: {  	v57 =	vld [tilespmem:s24+$0x5B0];
	v10 =	vmul.f32 v55, v13;
	[tilespmem:s24+$0x570] =	vst v8  }
0x5f: {  	v60 =	vld [tilespmem:s24+$0x5E0];
	v11 =	vmul.f32 v56, v13;
	[tilespmem:s24+$0x580] =	vst v9  }
0x60: {  	v61 =	vld [tilespmem:s24+$0x5F0];
	v7 =	vmul.f32 v58, v13;
	[tilespmem:s24+$0x590] =	vst v10  }
0x61: {  	v62 =	vld [tilespmem:s24+$0x600];
	v12 =	vmul.f32 v59, v13;
	[tilespmem:s24+$0x5A0] =	vst v11  }
0x62: {  	v63 =	vld [tilespmem:s24+$0x610];
	v4 =	vmul.f32 v51, v52;
	[tilespmem:s24+$0x5C0] =	vst v7  }
0x63: {  	v17 =	vld [tilespmem:s24+$0x630];
	v5 =	vmul.f32 v57, v13;
	[tilespmem:s24+$0x5D0] =	vst v12  }
0x64: {  	v18 =	vld [tilespmem:s24+$0x640];
	v14 =	vbroadcast v1, $0x3;
	v8 =	vmul.f32 v60, v13;
	[tilespmem:s24+$0x550] =	vst v4  }
0x65: {  	v49 =	vld [tilespmem:s24+$0x7F0];
	v9 =	vmul.f32 v61, v13;
	[tilespmem:s24+$0x5B0] =	vst v5  }
0x66: {  	v45 =	vld [tilespmem:s24+$0x7C0];
	v10 =	vmul.f32 v62, v14;
	[tilespmem:s24+$0x5E0] =	vst v8  }
0x67: {  	v47 =	vld [tilespmem:s24+$0x7E0];
	v11 =	vmul.f32 v63, v14;
	[tilespmem:s24+$0x5F0] =	vst v9  }
0x68: {  	v3 =	vld [tilespmem:s24+$0x820];
	v2 =	vbroadcast v1, $0x7;
	v7 =	vmul.f32 v17, v14;
	[tilespmem:s24+$0x600] =	vst v10  }
0x69: {  	v16 =	vld [tilespmem:s24+$0x620];
	v12 =	vmul.f32 v18, v14;
	[tilespmem:s24+$0x610] =	vst v11  }
0x6a: {  	v19 =	vld [tilespmem:s24+$0x650];
	v52 =	vmul.f32 v49, v2;
	[tilespmem:s24+$0x630] =	vst v7  }
0x6b: {  	v20 =	vld [tilespmem:s24+$0x660];
	v55 =	vmul.f32 v45, v2;
	[tilespmem:s24+$0x640] =	vst v12  }
0x6c: {  	v21 =	vld [tilespmem:s24+$0x670];
	v57 =	vmul.f32 v47, v2;
	[tilespmem:s24+$0x7F0] =	vst v52  }
0x6d: {  	v22 =	vld [tilespmem:s24+$0x680];
	v3 =	vmul.f32 v3, v2;
	[tilespmem:s24+$0x7C0] =	vst v55  }
0x6e: {  	v24 =	vld [tilespmem:s24+$0x6A0];
	v5 =	vmul.f32 v16, v14;
	[tilespmem:s24+$0x7E0] =	vst v57  }
0x6f: {  	v25 =	vld [tilespmem:s24+$0x6B0];
	v26 =	vbroadcast v1, $0x4;
	v8 =	vmul.f32 v19, v14;
	[tilespmem:s24+$0x820] =	vst v3  }
0x70: {  	v51 =	vld [tilespmem:s24+$0x830];
	v9 =	vmul.f32 v20, v14;
	[tilespmem:s24+$0x620] =	vst v5  }
0x71: {  	v56 =	vld [tilespmem:s24+$0x860];
	v10 =	vmul.f32 v21, v26;
	[tilespmem:s24+$0x650] =	vst v8  }
0x72: {  	v23 =	vld [tilespmem:s24+$0x690];
	v11 =	vmul.f32 v22, v26;
	[tilespmem:s24+$0x660] =	vst v9  }
0x73: {  	v27 =	vld [tilespmem:s24+$0x6C0];
	v60 =	vbroadcast v1, $0x8;
	v7 =	vmul.f32 v24, v26;
	[tilespmem:s24+$0x670] =	vst v10  }
0x74: {  	v28 =	vld [tilespmem:s24+$0x6D0];
	v12 =	vmul.f32 v25, v26;
	[tilespmem:s24+$0x680] =	vst v11  }
0x75: {  	v29 =	vld [tilespmem:s24+$0x6E0];
	v6 =	vmul.f32 v51, v60;
	[tilespmem:s24+$0x6A0] =	vst v7  }
0x76: {  	v30 =	vld [tilespmem:s24+$0x6F0];
	v4 =	vmul.f32 v56, v60;
	[tilespmem:s24+$0x6B0] =	vst v12  }
0x77: {  	v32 =	vld [tilespmem:s24+$0x710];
	v5 =	vmul.f32 v23, v26;
	[tilespmem:s24+$0x830] =	vst v6  }
0x78: {  	v33 =	vld [tilespmem:s24+$0x720];
	v34 =	vbroadcast v1, $0x5;
	v8 =	vmul.f32 v27, v26;
	[tilespmem:s24+$0x860] =	vst v4  }
0x79: {  	v63 =	vld [tilespmem:s24+$0x8C0];
	v9 =	vmul.f32 v28, v26;
	[tilespmem:s24+$0x690] =	vst v5  }
0x7a: {  	v18 =	vld [tilespmem:s24+$0x8F0];
	v10 =	vmul.f32 v29, v34;
	[tilespmem:s24+$0x6C0] =	vst v8  }
0x7b: {  	v31 =	vld [tilespmem:s24+$0x700];
	v11 =	vmul.f32 v30, v34;
	[tilespmem:s24+$0x6D0] =	vst v9  }
0x7c: {  	v35 =	vld [tilespmem:s24+$0x730];
	v20 =	vbroadcast v1, $0x9;
	v7 =	vmul.f32 v32, v34;
	[tilespmem:s24+$0x6E0] =	vst v10  }
0x7d: {  	v36 =	vld [tilespmem:s24+$0x740];
	v12 =	vmul.f32 v33, v34;
	[tilespmem:s24+$0x6F0] =	vst v11  }
0x7e: {  	v37 =	vld [tilespmem:s24+$0x750];
	v6 =	vmul.f32 v63, v20;
	[tilespmem:s24+$0x710] =	vst v7  }
0x7f: {  	v38 =	vld [tilespmem:s24+$0x760];
	v4 =	vmul.f32 v18, v20;
	[tilespmem:s24+$0x720] =	vst v12  }
0x80: {  	v40 =	vld [tilespmem:s24+$0x780];
	v5 =	vmul.f32 v31, v34;
	[tilespmem:s24+$0x8C0] =	vst v6  }
0x81: {  	v50 =	vld [tilespmem:s24+$0x800];
	v8 =	vmul.f32 v35, v34;
	[tilespmem:s24+$0x8F0] =	vst v4  }
0x82: {  	v24 =	vld [tilespmem:s24+$0x950];
	v9 =	vmul.f32 v36, v34;
	[tilespmem:s24+$0x700] =	vst v5  }
0x83: {  	v39 =	vld [tilespmem:s24+$0x770];
	v10 =	vmul.f32 v37, v42;
	[tilespmem:s24+$0x730] =	vst v8  }
0x84: {  	v43 =	vld [tilespmem:s24+$0x7A0];
	v11 =	vmul.f32 v38, v42;
	[tilespmem:s24+$0x740] =	vst v9  }
0x85: {  	v44 =	vld [tilespmem:s24+$0x7B0];
	v27 =	vbroadcast v1, $0xA;
	v7 =	vmul.f32 v40, v42;
	[tilespmem:s24+$0x750] =	vst v10  }
0x86: {  	v46 =	vld [tilespmem:s24+$0x7D0];
	v12 =	vmul.f32 v50, v2;
	[tilespmem:s24+$0x760] =	vst v11  }
0x87: {  	v53 =	vld [tilespmem:s24+$0x840];
	v6 =	vmul.f32 v24, v27;
	[tilespmem:s24+$0x780] =	vst v7  }
0x88: {  	v59 =	vld [tilespmem:s24+$0x880];
	v5 =	vmul.f32 v39, v42;
	[tilespmem:s24+$0x800] =	vst v12  }
0x89: {  	v3 =	vld [tilespmem:s24+$0x890];
	v8 =	vmul.f32 v43, v42;
	[tilespmem:s24+$0x950] =	vst v6  }
0x8a: {  	v61 =	vld [tilespmem:s24+$0x8A0];
	v9 =	vmul.f32 v44, v42;
	[tilespmem:s24+$0x770] =	vst v5  }
0x8b: {  	v28 =	vld [tilespmem:s24+$0x980];
	v11 =	vmul.f32 v46, v2;
	[tilespmem:s24+$0x7A0] =	vst v8  }
0x8c: {  	v33 =	vld [tilespmem:s24+$0x9E0];
	v7 =	vmul.f32 v53, v60;
	[tilespmem:s24+$0x7B0] =	vst v9  }
0x8d: {  	v54 =	vld [tilespmem:s24+$0x850];
	v10 =	vmul.f32 v59, v60;
	[tilespmem:s24+$0x7D0] =	vst v11  }
0x8e: {  	v58 =	vld [tilespmem:s24+$0x870];
	v34 =	vbroadcast v1, $0xB;
	v3 =	vmul.f32 v3, v60;
	[tilespmem:s24+$0x840] =	vst v7  }
0x8f: {  	v62 =	vld [tilespmem:s24+$0x8B0];
	v12 =	vmul.f32 v61, v20;
	[tilespmem:s24+$0x880] =	vst v10  }
0x90: {  	v16 =	vld [tilespmem:s24+$0x8D0];
	v4 =	vmul.f32 v28, v34;
	[tilespmem:s24+$0x890] =	vst v3  }
0x91: {  	v21 =	vld [tilespmem:s24+$0x910];
	v6 =	vmul.f32 v33, v34;
	[tilespmem:s24+$0x8A0] =	vst v12  }
0x92: {  	v22 =	vld [tilespmem:s24+$0x930];
	v8 =	vmul.f32 v54, v60;
	[tilespmem:s24+$0x980] =	vst v4  }
0x93: {  	v57 =	vld [tilespmem:s24+$0xB50];
	v9 =	vmul.f32 v58, v60;
	[tilespmem:s24+$0x9E0] =	vst v6  }
0x94: {  	v37 =	vld [tilespmem:s24+$0xA10];
	v11 =	vmul.f32 v62, v20;
	[tilespmem:s24+$0x850] =	vst v8  }
0x95: {  	v17 =	vld [tilespmem:s24+$0x8E0];
	v7 =	vmul.f32 v16, v20;
	[tilespmem:s24+$0x870] =	vst v9  }
0x96: {  	v19 =	vld [tilespmem:s24+$0x900];
	v61 =	vbroadcast v1, $0xF;
	v10 =	vmul.f32 v21, v27;
	[tilespmem:s24+$0x8B0] =	vst v11  }
0x97: {  	v41 =	vbroadcast v1, $0xC;
	v23 =	vld [tilespmem:s24+$0x940];
	v12 =	vmul.f32 v22, v27;
	[tilespmem:s24+$0x8D0] =	vst v7  }
0x98: {  	v25 =	vld [tilespmem:s24+$0x960];
	v63 =	vmul.f32 v57, v61;
	[tilespmem:s24+$0x910] =	vst v10  }
0x99: {  	v30 =	vld [tilespmem:s24+$0x9A0];
	v4 =	vmul.f32 v37, v41;
	[tilespmem:s24+$0x930] =	vst v12  }
0x9a: {  	v31 =	vld [tilespmem:s24+$0x9C0];
	v8 =	vmul.f32 v17, v20;
	[tilespmem:s24+$0xB50] =	vst v63  }
0x9b: {  	v3 =	vld [tilespmem:s24+$0x920];
	v9 =	vmul.f32 v19, v20;
	[tilespmem:s24+$0xA10] =	vst v4  }
0x9c: {  	v46 =	vld [tilespmem:s24+$0xAA0];
	v11 =	vmul.f32 v23, v27;
	[tilespmem:s24+$0x8E0] =	vst v8  }
0x9d: {  	v43 =	vld [tilespmem:s24+$0xA70];
	v7 =	vmul.f32 v25, v27;
	[tilespmem:s24+$0x900] =	vst v9  }
0x9e: {  	v26 =	vld [tilespmem:s24+$0x970];
	v10 =	vmul.f32 v30, v34;
	[tilespmem:s24+$0x940] =	vst v11  }
0x9f: {  	v49 =	vbroadcast v1, $0xD;
	v29 =	vld [tilespmem:s24+$0x990];
	v12 =	vmul.f32 v31, v34;
	[tilespmem:s24+$0x960] =	vst v7  }
0xa0: {  	v32 =	vld [tilespmem:s24+$0x9D0];
	[tilespmem:s24+$0x9A0] =	vst v10;
	v3 =	vmul.f32 v3, v27  }
0xa1: {  	v35 =	vld [tilespmem:s24+$0x9F0];
	v4 =	vmul.f32 v46, v49;
	[tilespmem:s24+$0x9C0] =	vst v12  }
0xa2: {  	v6 =	vmul.f32 v43, v49;
	[tilespmem:s24+$0x920] =	vst v3;
	v3 =	vld [tilespmem:s24+$0x9B0]  }
0xa3: {  	v39 =	vld [tilespmem:s24+$0xA30];
	v8 =	vmul.f32 v26, v27;
	[tilespmem:s24+$0xAA0] =	vst v4  }
0xa4: {  	v40 =	vld [tilespmem:s24+$0xA50];
	v9 =	vmul.f32 v29, v34;
	[tilespmem:s24+$0xA70] =	vst v6  }
0xa5: {  	v5 =	vld [tilespmem:s24+$0x810];
	v11 =	vmul.f32 v32, v34;
	[tilespmem:s24+$0x970] =	vst v8  }
0xa6: {  	v51 =	vld [tilespmem:s24+$0xAF0];
	v7 =	vmul.f32 v35, v41;
	[tilespmem:s24+$0x990] =	vst v9  }
0xa7: {  	v54 =	vld [tilespmem:s24+$0xB30];
	[tilespmem:s24+$0x9D0] =	vst v11;
	v3 =	vmul.f32 v3, v34  }
0xa8: {  	v36 =	vld [tilespmem:s24+$0xA00];
	v10 =	vmul.f32 v39, v41;
	[tilespmem:s24+$0x9F0] =	vst v7  }
0xa9: {  	v55 =	vbroadcast v1, $0xE;
	v12 =	vmul.f32 v40, v41;
	[tilespmem:s24+$0x9B0] =	vst v3;
	v3 =	vld [tilespmem:s24+$0xA40]  }
0xaa: {  	v38 =	vld [tilespmem:s24+$0xA20];
	v2 =	vmul.f32 v5, v2;
	[tilespmem:s24+$0xA30] =	vst v10  }
0xab: {  	v42 =	vld [tilespmem:s24+$0xA60];
	v5 =	vmul.f32 v51, v55;
	[tilespmem:s24+$0xA50] =	vst v12  }
0xac: {  	v44 =	vld [tilespmem:s24+$0xA80];
	v1 =	vmul.f32 v54, v55;
	[tilespmem:s24+$0x810] =	vst v2  }
0xad: {  	v48 =	vld [tilespmem:s24+$0xAC0];
	v8 =	vmul.f32 v36, v41;
	[tilespmem:s24+$0xAF0] =	vst v5  }
0xae: {  	v50 =	vld [tilespmem:s24+$0xAE0];
	[tilespmem:s24+$0xB30] =	vst v1;
	v3 =	vmul.f32 v3, v41  }
0xaf: {  	v58 =	vld [tilespmem:s24+$0xB70];
	v9 =	vmul.f32 v38, v41;
	[tilespmem:s24+$0xA00] =	vst v8  }
0xb0: {  	v11 =	vmul.f32 v42, v49;
	[tilespmem:s24+$0xA40] =	vst v3;
	v3 =	vld [tilespmem:s24+$0xAD0]  }
0xb1: {  	v45 =	vld [tilespmem:s24+$0xA90];
	v7 =	vmul.f32 v44, v49;
	[tilespmem:s24+$0xA20] =	vst v9  }
0xb2: {  	v47 =	vld [tilespmem:s24+$0xAB0];
	v10 =	vmul.f32 v48, v49;
	[tilespmem:s24+$0xA60] =	vst v11  }
0xb3: {  	v52 =	vld [tilespmem:s24+$0xB10];
	v12 =	vmul.f32 v50, v55;
	[tilespmem:s24+$0xA80] =	vst v7  }
0xb4: {  	v60 =	vld [tilespmem:s24+$0xB90];
	v1 =	vmul.f32 v58, v61;
	[tilespmem:s24+$0xAC0] =	vst v10  }
0xb5: {  	v2 =	vld [tilespmem:s24+$0xB00];
	[tilespmem:s24+$0xAE0] =	vst v12;
	v3 =	vmul.f32 v3, v55  }
0xb6: {  	v53 =	vld [tilespmem:s24+$0xB20];
	v8 =	vmul.f32 v45, v49;
	[tilespmem:s24+$0xB70] =	vst v1  }
0xb7: {  	v9 =	vmul.f32 v47, v49;
	[tilespmem:s24+$0xAD0] =	vst v3;
	v3 =	vld [tilespmem:s24+$0xB60]  }
0xb8: {  	v56 =	vld [tilespmem:s24+$0xB40];
	v7 =	vmul.f32 v52, v55;
	[tilespmem:s24+$0xA90] =	vst v8  }
0xb9: {  	v59 =	vld [tilespmem:s24+$0xB80];
	v1 =	vmul.f32 v60, v61;
	[tilespmem:s24+$0xAB0] =	vst v9  }
0xba: {  	v62 =	vld [tilespmem:s24+$0xBA0];
	[tilespmem:s24+$0xB10] =	vst v7;
	v2 =	vmul.f32 v2, v55  }
0xbb: {  	v8 =	vmul.f32 v53, v55;
	[tilespmem:s24+$0xB90] =	vst v1  }
0xbc: {  	[tilespmem:s24+$0xB00] =	vst v2;
	v2 =	vmul.f32 v3, v61  }
0xbd: {  	[tilespmem:s24+$0xB20] =	vst v8;
	v3 =	vmul.f32 v56, v61  }
0xbe: {  	[tilespmem:s24+$0xB60] =	vst v2  }
0xbf: {  	s26 =	simm.s32 $0x1;
	v1 =	vmul.f32 v59, v61;
	[tilespmem:s24+$0xB40] =	vst v3;
	v2 =	vmul.f32 v62, v61  }
.LBB2_5:
0xc0: {  	s25 =	smov.u32 s26  }
0xc1: {  	s28 =	sshll.u32 s26, $0x4;
	s29 =	smul.u32 $0x1C00, s26;
	[tilespmem:s24+$0xBA0] =	vst v2;
	s25 =	sadd.s32 $0x1, s26  }
0xc2: {  	p0 =	sne.s32 s26, $0x18;
	s28 =	sand.u32 $0x3FFFFFF0, s28;
	[tilespmem:s24+$0xB80] =	vst v1  }
0xc3: {  	s24 =	sshra.s32 s29, $0x2;
	v1 =	vld [tilespmem:s28+$0x320]  }
0xc4: {  	v2 =	vld [tilespmem:s24+$0x4B0]  }
0xc5: {  	v3 =	vld [tilespmem:s24+$0x4C0]  }
0xc6: {  	v5 =	vld [tilespmem:s24+$0x4D0]  }
0xc7: {  	v6 =	vld [tilespmem:s24+$0x4E0]  }
0xc8: {  	v7 =	vld [tilespmem:s24+$0x4F0];
	v8 =	vbroadcast v1, $0x1;
	v4 =	vbroadcast v1, $0x5  }
0xc9: {  	v9 =	vbroadcast v1, $0x0;
	v11 =	vbroadcast v1, $0x3;
	v10 =	vld [tilespmem:s24+$0x500]  }
0xca: {  	v12 =	vld [tilespmem:s24+$0x510]  }
0xcb: {  	v3 =	vmul.f32 v3, v9;
	v5 =	vmul.f32 v5, v9;
	v13 =	vld [tilespmem:s24+$0x520]  }
0xcc: {  	v2 =	vmul.f32 v9, v2;
	v6 =	vmul.f32 v6, v9;
	v14 =	vld [tilespmem:s24+$0x530]  }
0xcd: {  	[tilespmem:s24+$0x4D0] =	vst v5;
	v5 =	vmul.f32 v7, v9;
	v7 =	vld [tilespmem:s24+$0x540]  }
0xce: {  	[tilespmem:s24+$0x4C0] =	vst v3;
	v3 =	vmul.f32 v10, v9;
	v10 =	vld [tilespmem:s24+$0x550]  }
0xcf: {  	[tilespmem:s24+$0x4F0] =	vst v5;
	v5 =	vmul.f32 v12, v9;
	v9 =	vld [tilespmem:s24+$0x560]  }
0xd0: {  	[tilespmem:s24+$0x500] =	vst v3;
	v3 =	vmul.f32 v13, v8;
	v12 =	vld [tilespmem:s24+$0x570]  }
0xd1: {  	[tilespmem:s24+$0x510] =	vst v5;
	v5 =	vmul.f32 v14, v8;
	v13 =	vld [tilespmem:s24+$0x580]  }
0xd2: {  	[tilespmem:s24+$0x520] =	vst v3;
	v7 =	vmul.f32 v7, v8;
	v14 =	vld [tilespmem:s24+$0x590]  }
0xd3: {  	[tilespmem:s24+$0x530] =	vst v5;
	v3 =	vmul.f32 v10, v8;
	v5 =	vld [tilespmem:s24+$0x5A0]  }
0xd4: {  	[tilespmem:s24+$0x540] =	vst v7;
	v7 =	vmul.f32 v9, v8;
	v9 =	vld [tilespmem:s24+$0x5B0]  }
0xd5: {  	v10 =	vbroadcast v1, $0x2;
	[tilespmem:s24+$0x4E0] =	vst v6;
	v6 =	vmul.f32 v12, v8;
	v12 =	vld [tilespmem:s24+$0x5C0]  }
0xd6: {  	[tilespmem:s24+$0x560] =	vst v7;
	v7 =	vmul.f32 v13, v8;
	v8 =	vld [tilespmem:s24+$0x5D0]  }
0xd7: {  	[tilespmem:s24+$0x570] =	vst v6;
	v6 =	vmul.f32 v14, v10;
	v13 =	vld [tilespmem:s24+$0x5E0]  }
0xd8: {  	[tilespmem:s24+$0x580] =	vst v7;
	v5 =	vmul.f32 v5, v10;
	v7 =	vld [tilespmem:s24+$0x5F0]  }
0xd9: {  	[tilespmem:s24+$0x590] =	vst v6;
	v6 =	vmul.f32 v9, v10;
	v9 =	vld [tilespmem:s24+$0x600]  }
0xda: {  	[tilespmem:s24+$0x5A0] =	vst v5;
	v5 =	vmul.f32 v12, v10;
	v12 =	vld [tilespmem:s24+$0x610]  }
0xdb: {  	[tilespmem:s24+$0x5B0] =	vst v6;
	v6 =	vmul.f32 v8, v10;
	v8 =	vld [tilespmem:s24+$0x620]  }
0xdc: {  	[tilespmem:s24+$0x5C0] =	vst v5;
	v5 =	vmul.f32 v13, v10;
	v13 =	vld [tilespmem:s24+$0x630]  }
0xdd: {  	[tilespmem:s24+$0x5D0] =	vst v6;
	v6 =	vmul.f32 v7, v10;
	v7 =	vld [tilespmem:s24+$0x640]  }
0xde: {  	[tilespmem:s24+$0x5E0] =	vst v5;
	v5 =	vmul.f32 v9, v11;
	v9 =	vld [tilespmem:s24+$0x650]  }
0xdf: {  	[tilespmem:s24+$0x5F0] =	vst v6;
	v6 =	vmul.f32 v12, v11;
	v10 =	vld [tilespmem:s24+$0x660]  }
0xe0: {  	[tilespmem:s24+$0x600] =	vst v5;
	v5 =	vmul.f32 v8, v11;
	v8 =	vld [tilespmem:s24+$0x670]  }
0xe1: {  	[tilespmem:s24+$0x610] =	vst v6;
	v6 =	vmul.f32 v13, v11;
	v12 =	vld [tilespmem:s24+$0x680]  }
0xe2: {  	[tilespmem:s24+$0x620] =	vst v5;
	v5 =	vmul.f32 v7, v11;
	v7 =	vld [tilespmem:s24+$0x690]  }
0xe3: {  	[tilespmem:s24+$0x630] =	vst v6;
	v6 =	vmul.f32 v9, v11;
	v9 =	vbroadcast v1, $0x4;
	v13 =	vld [tilespmem:s24+$0x6A0]  }
0xe4: {  	[tilespmem:s24+$0x640] =	vst v5;
	v5 =	vmul.f32 v10, v11;
	v10 =	vld [tilespmem:s24+$0x6B0]  }
0xe5: {  	[tilespmem:s24+$0x650] =	vst v6;
	v6 =	vmul.f32 v8, v9;
	v8 =	vld [tilespmem:s24+$0x6C0]  }
0xe6: {  	[tilespmem:s24+$0x660] =	vst v5;
	v5 =	vmul.f32 v12, v9;
	v11 =	vld [tilespmem:s24+$0x6D0]  }
0xe7: {  	[tilespmem:s24+$0x670] =	vst v6;
	v6 =	vmul.f32 v7, v9;
	v7 =	vld [tilespmem:s24+$0x6E0]  }
0xe8: {  	[tilespmem:s24+$0x680] =	vst v5;
	v5 =	vmul.f32 v13, v9;
	v12 =	vld [tilespmem:s24+$0x6F0]  }
0xe9: {  	[tilespmem:s24+$0x690] =	vst v6;
	v6 =	vmul.f32 v10, v9;
	v10 =	vld [tilespmem:s24+$0x700]  }
0xea: {  	[tilespmem:s24+$0x6A0] =	vst v5;
	v5 =	vmul.f32 v8, v9;
	v8 =	vld [tilespmem:s24+$0x710]  }
0xeb: {  	[tilespmem:s24+$0x6B0] =	vst v6;
	v6 =	vmul.f32 v11, v9;
	v9 =	vld [tilespmem:s24+$0x720]  }
0xec: {  	[tilespmem:s24+$0x6C0] =	vst v5;
	v5 =	vmul.f32 v7, v4;
	v7 =	vld [tilespmem:s24+$0x730]  }
0xed: {  	[tilespmem:s24+$0x6D0] =	vst v6;
	v6 =	vmul.f32 v12, v4;
	v11 =	vld [tilespmem:s24+$0x740]  }
0xee: {  	[tilespmem:s24+$0x6E0] =	vst v5;
	v5 =	vmul.f32 v10, v4;
	v10 =	vld [tilespmem:s24+$0x750]  }
0xef: {  	[tilespmem:s24+$0x6F0] =	vst v6;
	v6 =	vmul.f32 v8, v4;
	v8 =	vld [tilespmem:s24+$0x760]  }
0xf0: {  	[tilespmem:s24+$0x700] =	vst v5;
	v5 =	vmul.f32 v9, v4;
	v9 =	vld [tilespmem:s24+$0x770]  }
0xf1: {  	[tilespmem:s24+$0x710] =	vst v6;
	v6 =	vmul.f32 v7, v4;
	v7 =	vbroadcast v1, $0x6;
	v12 =	vld [tilespmem:s24+$0x780]  }
0xf2: {  	[tilespmem:s24+$0x720] =	vst v5;
	v4 =	vmul.f32 v11, v4;
	v5 =	vld [tilespmem:s24+$0x790]  }
0xf3: {  	[tilespmem:s24+$0x730] =	vst v6;
	v6 =	vmul.f32 v10, v7;
	v10 =	vld [tilespmem:s24+$0x7A0]  }
0xf4: {  	[tilespmem:s24+$0x740] =	vst v4;
	v4 =	vmul.f32 v8, v7;
	v8 =	vld [tilespmem:s24+$0x7B0]  }
0xf5: {  	[tilespmem:s24+$0x750] =	vst v6;
	v6 =	vmul.f32 v9, v7;
	v9 =	vld [tilespmem:s24+$0x7C0]  }
0xf6: {  	[tilespmem:s24+$0x760] =	vst v4;
	v4 =	vmul.f32 v12, v7;
	v11 =	vld [tilespmem:s24+$0x7D0]  }
0xf7: {  	[tilespmem:s24+$0x770] =	vst v6;
	v5 =	vmul.f32 v5, v7;
	v6 =	vld [tilespmem:s24+$0x7E0]  }
0xf8: {  	[tilespmem:s24+$0x780] =	vst v4;
	v4 =	vmul.f32 v10, v7;
	v10 =	vld [tilespmem:s24+$0x7F0]  }
0xf9: {  	[tilespmem:s24+$0x790] =	vst v5;
	v5 =	vmul.f32 v8, v7;
	v7 =	vld [tilespmem:s24+$0x800]  }
0xfa: {  	[tilespmem:s24+$0x7A0] =	vst v4;
	v4 =	vld [tilespmem:s24+$0x810]  }
0xfb: {  	[tilespmem:s24+$0x7B0] =	vst v5;
	v5 =	vbroadcast v1, $0x7;
	v8 =	vld [tilespmem:s24+$0x820]  }
0xfc: {  	v12 =	vbroadcast v1, $0x8;
	[tilespmem:s24+$0x4B0] =	vst v2;
	v13 =	vld [tilespmem:s24+$0x830]  }
0xfd: {  	[tilespmem:s24+$0x550] =	vst v3;
	v3 =	vmul.f32 v9, v5;
	v2 =	vmul.f32 v10, v5;
	v9 =	vld [tilespmem:s24+$0x840]  }
0xfe: {  	v10 =	vmul.f32 v11, v5;
	v7 =	vmul.f32 v7, v5;
	v11 =	vld [tilespmem:s24+$0x850]  }
0xff: {  	v6 =	vmul.f32 v6, v5;
	[tilespmem:s24+$0x7F0] =	vst v2;
	v2 =	vmul.f32 v4, v5;
	v4 =	vld [tilespmem:s24+$0x860]  }
0x100: {  	[tilespmem:s24+$0x7C0] =	vst v3;
	v3 =	vmul.f32 v8, v5;
	v5 =	vld [tilespmem:s24+$0x870]  }
0x101: {  	[tilespmem:s24+$0x7E0] =	vst v6;
	v6 =	vmul.f32 v13, v12;
	v8 =	vld [tilespmem:s24+$0x880]  }
0x102: {  	[tilespmem:s24+$0x820] =	vst v3;
	v3 =	vmul.f32 v9, v12;
	v9 =	vld [tilespmem:s24+$0x890]  }
0x103: {  	[tilespmem:s24+$0x800] =	vst v7;
	v7 =	vmul.f32 v11, v12;
	v11 =	vld [tilespmem:s24+$0x8A0]  }
0x104: {  	[tilespmem:s24+$0x7D0] =	vst v10;
	v4 =	vmul.f32 v4, v12;
	v10 =	vld [tilespmem:s24+$0x8B0]  }
0x105: {  	[tilespmem:s24+$0x830] =	vst v6;
	v5 =	vmul.f32 v5, v12;
	v6 =	vld [tilespmem:s24+$0x8C0]  }
0x106: {  	[tilespmem:s24+$0x840] =	vst v3;
	v3 =	vmul.f32 v8, v12;
	v8 =	vbroadcast v1, $0x9;
	v13 =	vld [tilespmem:s24+$0x8D0]  }
0x107: {  	[tilespmem:s24+$0x850] =	vst v7;
	v7 =	vmul.f32 v9, v12;
	v9 =	vld [tilespmem:s24+$0x8E0]  }
0x108: {  	[tilespmem:s24+$0x860] =	vst v4;
	v4 =	vmul.f32 v11, v8;
	v11 =	vld [tilespmem:s24+$0x8F0]  }
0x109: {  	[tilespmem:s24+$0x870] =	vst v5;
	v5 =	vmul.f32 v10, v8;
	v10 =	vld [tilespmem:s24+$0x900]  }
0x10a: {  	[tilespmem:s24+$0x880] =	vst v3;
	v3 =	vmul.f32 v6, v8;
	v6 =	vld [tilespmem:s24+$0x910]  }
0x10b: {  	[tilespmem:s24+$0x890] =	vst v7;
	v7 =	vmul.f32 v13, v8;
	v12 =	vld [tilespmem:s24+$0x920]  }
0x10c: {  	[tilespmem:s24+$0x8A0] =	vst v4;
	v4 =	vmul.f32 v9, v8;
	v9 =	vld [tilespmem:s24+$0x930]  }
0x10d: {  	[tilespmem:s24+$0x8B0] =	vst v5;
	v5 =	vmul.f32 v11, v8;
	v11 =	vbroadcast v1, $0xA;
	v13 =	vld [tilespmem:s24+$0x940]  }
0x10e: {  	[tilespmem:s24+$0x8C0] =	vst v3;
	v3 =	vmul.f32 v10, v8;
	v8 =	vld [tilespmem:s24+$0x950]  }
0x10f: {  	[tilespmem:s24+$0x8D0] =	vst v7;
	v6 =	vmul.f32 v6, v11;
	v7 =	vld [tilespmem:s24+$0x960]  }
0x110: {  	[tilespmem:s24+$0x8E0] =	vst v4;
	v4 =	vmul.f32 v12, v11;
	v10 =	vld [tilespmem:s24+$0x970]  }
0x111: {  	[tilespmem:s24+$0x8F0] =	vst v5;
	v5 =	vmul.f32 v9, v11;
	v9 =	vld [tilespmem:s24+$0x980]  }
0x112: {  	[tilespmem:s24+$0x900] =	vst v3;
	v3 =	vmul.f32 v13, v11;
	v12 =	vld [tilespmem:s24+$0x990]  }
0x113: {  	[tilespmem:s24+$0x910] =	vst v6;
	v6 =	vmul.f32 v8, v11;
	v8 =	vld [tilespmem:s24+$0x9A0]  }
0x114: {  	[tilespmem:s24+$0x920] =	vst v4;
	v4 =	vmul.f32 v7, v11;
	v7 =	vbroadcast v1, $0xB;
	v13 =	vld [tilespmem:s24+$0x9B0]  }
0x115: {  	[tilespmem:s24+$0x930] =	vst v5;
	v5 =	vmul.f32 v10, v11;
	v10 =	vld [tilespmem:s24+$0x9C0]  }
0x116: {  	[tilespmem:s24+$0x940] =	vst v3;
	v3 =	vmul.f32 v9, v7;
	v9 =	vld [tilespmem:s24+$0x9D0]  }
0x117: {  	[tilespmem:s24+$0x950] =	vst v6;
	v6 =	vmul.f32 v12, v7;
	v11 =	vld [tilespmem:s24+$0x9E0]  }
0x118: {  	[tilespmem:s24+$0x960] =	vst v4;
	v4 =	vmul.f32 v8, v7;
	v8 =	vld [tilespmem:s24+$0x9F0]  }
0x119: {  	[tilespmem:s24+$0x970] =	vst v5;
	v5 =	vmul.f32 v13, v7;
	v12 =	vld [tilespmem:s24+$0xA00]  }
0x11a: {  	[tilespmem:s24+$0x980] =	vst v3;
	v3 =	vmul.f32 v10, v7;
	v10 =	vld [tilespmem:s24+$0xA10]  }
0x11b: {  	[tilespmem:s24+$0x990] =	vst v6;
	v6 =	vmul.f32 v9, v7;
	v9 =	vbroadcast v1, $0xC;
	v13 =	vld [tilespmem:s24+$0xA20]  }
0x11c: {  	[tilespmem:s24+$0x9A0] =	vst v4;
	v4 =	vmul.f32 v11, v7;
	v7 =	vld [tilespmem:s24+$0xA30]  }
0x11d: {  	[tilespmem:s24+$0x9B0] =	vst v5;
	v5 =	vmul.f32 v8, v9;
	v8 =	vld [tilespmem:s24+$0xA40]  }
0x11e: {  	[tilespmem:s24+$0x9C0] =	vst v3;
	v3 =	vmul.f32 v12, v9;
	v11 =	vld [tilespmem:s24+$0xA50]  }
0x11f: {  	[tilespmem:s24+$0x9D0] =	vst v6;
	v6 =	vmul.f32 v10, v9;
	v10 =	vld [tilespmem:s24+$0xA60]  }
0x120: {  	[tilespmem:s24+$0x9E0] =	vst v4;
	v4 =	vmul.f32 v13, v9;
	v12 =	vld [tilespmem:s24+$0xA70]  }
0x121: {  	[tilespmem:s24+$0x9F0] =	vst v5;
	v5 =	vmul.f32 v7, v9;
	v7 =	vld [tilespmem:s24+$0xA80]  }
0x122: {  	[tilespmem:s24+$0xA00] =	vst v3;
	v3 =	vmul.f32 v8, v9;
	v8 =	vbroadcast v1, $0xD;
	v13 =	vld [tilespmem:s24+$0xA90]  }
0x123: {  	[tilespmem:s24+$0xA10] =	vst v6;
	v6 =	vmul.f32 v11, v9;
	v9 =	vld [tilespmem:s24+$0xAA0]  }
0x124: {  	[tilespmem:s24+$0xA20] =	vst v4;
	v4 =	vmul.f32 v10, v8;
	v10 =	vld [tilespmem:s24+$0xAB0]  }
0x125: {  	[tilespmem:s24+$0xA30] =	vst v5;
	v5 =	vmul.f32 v12, v8;
	v11 =	vld [tilespmem:s24+$0xAC0]  }
0x126: {  	[tilespmem:s24+$0xA40] =	vst v3;
	v3 =	vmul.f32 v7, v8;
	v7 =	vld [tilespmem:s24+$0xAD0]  }
0x127: {  	[tilespmem:s24+$0xA50] =	vst v6;
	v6 =	vmul.f32 v13, v8;
	v12 =	vld [tilespmem:s24+$0xAE0]  }
0x128: {  	[tilespmem:s24+$0xA60] =	vst v4;
	v4 =	vmul.f32 v9, v8;
	v9 =	vld [tilespmem:s24+$0xAF0]  }
0x129: {  	[tilespmem:s24+$0x810] =	vst v2;
	v2 =	vmul.f32 v10, v8;
	v10 =	vbroadcast v1, $0xE;
	v13 =	vld [tilespmem:s24+$0xB00]  }
0x12a: {  	[tilespmem:s24+$0xA80] =	vst v3;
	v3 =	vmul.f32 v11, v8;
	v8 =	vld [tilespmem:s24+$0xB10]  }
0x12b: {  	[tilespmem:s24+$0xA90] =	vst v6;
	v6 =	vmul.f32 v7, v10;
	v7 =	vld [tilespmem:s24+$0xB20]  }
0x12c: {  	[tilespmem:s24+$0xAA0] =	vst v4;
	v4 =	vmul.f32 v12, v10;
	v11 =	vld [tilespmem:s24+$0xB30]  }
0x12d: {  	[tilespmem:s24+$0xAB0] =	vst v2;
	v2 =	vmul.f32 v9, v10;
	v9 =	vld [tilespmem:s24+$0xB40]  }
0x12e: {  	[tilespmem:s24+$0xAC0] =	vst v3;
	v3 =	vld [tilespmem:s24+$0xB50]  }
0x12f: {  	[tilespmem:s24+$0xAD0] =	vst v6;
	v6 =	vmul.f32 v8, v10;
	v8 =	vld [tilespmem:s24+$0xB60]  }
0x130: {  	[tilespmem:s24+$0xAE0] =	vst v4;
	v4 =	vmul.f32 v13, v10;
	v7 =	vmul.f32 v7, v10;
	v12 =	vld [tilespmem:s24+$0xB70]  }
0x131: {  	[tilespmem:s24+$0xAF0] =	vst v2;
	v2 =	vmul.f32 v11, v10;
	v10 =	vbroadcast v1, $0xF;
	v1 =	vld [tilespmem:s24+$0xB80]  }
0x132: {  	[tilespmem:s24+$0xB10] =	vst v6;
	v6 =	vld [tilespmem:s24+$0xB90]  }
0x133: {  	[tilespmem:s24+$0xB20] =	vst v7;
	v3 =	vmul.f32 v3, v10;
	v7 =	vld [tilespmem:s24+$0xBA0]  }
0x134: {  	[tilespmem:s24+$0xB00] =	vst v4;
	v4 =	vmul.f32 v9, v10;
	v8 =	vmul.f32 v8, v10  }
0x135: {  	[tilespmem:s24+$0xB30] =	vst v2;
	v2 =	vmul.f32 v12, v10  }
0x136: {  	[tilespmem:s24+$0xB50] =	vst v3;
	v1 =	vmul.f32 v1, v10  }
.Ltmp1:
0x137: {  	[tilespmem:s24+$0xB70] =	vst v2;
	v2 =	vmul.f32 v6, v10;
	(pc) =	sbr.rel @p0 .LBB2_5-.Ltmp1, $4  }
0x138: {  	[tilespmem:s24+$0xB60] =	vst v8  }
0x139: {  	[tilespmem:s24+$0xB90] =	vst v2  }
0x13a: {  	v2 =	vmul.f32 v7, v10;
	[tilespmem:s24+$0xB40] =	vst v4  }
0x13b: {  	s26 =	smov.u32 s25;
	[tilespmem:s24+$0xA70] =	vst v5  }
0x13c: {  	s23 =	sadd.s32 $0x1, s23  }
0x13d: {  	[tilespmem:s24+$0xBA0] =	vst v2;
	p0 =	sne.s32 s23, $0x32  }
.Ltmp2:
0x13e: {  	[tilespmem:s24+$0xB80] =	vst v1;
	(pc) =	sbr.rel @p0 .LBB2_4-.Ltmp2, $4  }
0x13f: {  	[spmem:s3] =	stream.indirect.scatter.add.f32 [tilespmem:s17], [sflag:$0x2], $0x70, s19, s19, $0xb8;
	[tilespmem:$0x1CBB0] =	vst v63  }
0x140: {  	_ =	swait.ge [sflag:s18], $0xAF00  }
0x141: {  	[sflag:s18] =	ssyncset.done $0x0  }
0x142: {  	[sflag:s18] =	ssyncadd.s32 $0xFFFF5100  }
0x143: {  	s4 =	sadd.s32 $0x1, s4  }
0x144: {  	s22 =	sshll.u32 s2, $0x6;
	[bflag:$0x0] =	sbarrier.arrive $0xFFFF;
	p0 =	sne.s32 s4, s16  }
.Ltmp3:
0x145: {  	s23 =	sshrl.u32 s6, $0x3;
	s22 =	sor.u32 $0x1C02, s22;
	(pc) =	sbr.rel @p0 .LBB2_1-.Ltmp3, $4  }
0x146: {  	[hbm:s15], [sflag:s22] =	dma.local [spmem:s23], $0x2300  }
0x147: {  	_ =	swait.ge [sflag:s18], $0x2300  }
0x148: {  	[sflag:s18] =	ssyncset.done $0x0  }
0x149: {  	[sflag:s18] =	ssyncadd.s32 $0xFFFFDD00  }
0x14a: {  	_ =	sfence.sel $0x180000  }
0x14b: {  	[bflag:$0x0] =	sbarrier.arrive $0xFFFF  }
0x14c: {  	p0 =	sne.s32 s2, $0x0;
	_ =	strace $0x9000004A  }
0x14d: {  	s0 =	sadd.s32 @!p0 $0x100000, s0;
	[bflag:$0x2] =	sbarrier.arrive $0xFFFF  }
0x14e: {  	[sflag:s0] =	ssyncadd.tile.s32 @!p0 $0x1;
	_ =	shalt  }
.Lfunc_end2:
_tile_overlayer_lowered:
.L_overlay_start_2:
0x14f: {  	(tag) =	ssettag $0x2  }
0x150: {  	s0 =	rddreg [dreg:$0x0];
	s2 =	stileid.u32  }
0x151: {  	s1 =	rddreg [dreg:$0x1];
	p0 =	sne.s32 s2, $0x0  }
0x152: {  	s3 =	rddreg [dreg:$0x2];
	[bflag:$0x3] =	sbarrier.arrive $0xFFFF;
	s2 =	simm.s32 @!p0 $0x1C02  }
0x153: {  	[timem:s3], [sflag:s2] =	dma.local @!p0 [hbm:s0], s1  }
0x154: {  	s0 =	simm.s32 @!p0 $0x2  }
0x155: {  	_ =	swait.ge @!p0 [sflag:s0], s1  }
0x156: {  	s1 =	ssub.s32 @!p0 $0x0, s1;
	[sflag:s0] =	ssyncset.done @!p0 $0x0  }
0x157: {  	[sflag:s0] =	ssyncadd.s32 @!p0 s1  }
0x158: {  	[bflag:$0x3] =	sbarrier.arrive $0xFFFF  }
0x159: {  	_ =	shalt  }

// kernel: kernel.14.cloned.1.call-start
scs
__scs_entry_jumppad:
0x0: {  	(pc) =	sbr.rel $0x88, $3  }
0x1: {  	(tag) =	ssettag $0x0;
	lr =	simm.s32 $0x1  }
0x2: {  	[smem:$0x3F94] =	sst lr;
	_ =	strace $0xD0000000  }
0x3: {  	_ = 	snop  }
0x4: {  	_ = 	snop  }
0x5: {  	_ = 	snop  }
0x6: {  	_ = 	snop  }
0x7: {  	_ = 	snop  }
__scs_overlays_trampoline_lowered:
0x8: {  	[smem:$0x3FA3] =	sst s0  }
0x9: {  	[smem:$0x3FA4] =	sst s1  }
0xa: {  	[smem:$0x3FA5] =	sst s2  }
0xb: {  	[smem:$0x3FA6] =	sst s3  }
0xc: {  	[smem:$0x3FA7] =	sst s4  }
0xd: {  	[smem:$0x3FA8] =	sst s5  }
0xe: {  	[smem:$0x3FA9] =	sst s6  }
0xf: {  	[smem:$0x3FAA] =	sst s7  }
0x10: {  	[smem:$0x3FAB] =	sst s8  }
0x11: {  	[smem:$0x3FAC] =	sst s9;
	s0 =	simm.s32 @!p0 $0x0  }
0x12: {  	s1 =	sld [smem:$0x3F92];
	s0 =	simm.s32 @p0 $0x1  }
0x13: {  	[smem:$0x3FAD] =	sst s0;
	s0 =	simm.s32 @!p1 $0x0  }
0x14: {  	s2 =	sld [smem:$0x3F91];
	s0 =	simm.s32 @p1 $0x1  }
0x15: {  	[smem:$0x3FAE] =	sst s0;
	s0 =	simm.s32 @!p2 $0x0  }
0x16: {  	s3 =	sld [smem:$0x3FDB];
	s0 =	simm.s32 @p2 $0x1  }
0x17: {  	s4 =	simm.s32 $0x1BF5;
	[smem:$0x3FB0] =	sst s0  }
0x18: {  	s0 =	sld [smem:$0x3F93];
	_ =	swait.ge [sflag:s4], $0x0  }
0x19: {  	s7 =	sld [smem:$0x3F94]  }
0x1a: {  	s8 =	sadd.s32 $0xFFFFE003, lr  }
0x1b: {  	s9 =	sadd.s32 $0xFFFFFEF7, lr;
	s5 =	simm.s32 $0xFFFFFFFF;
	p2 =	slt.u32 s8, $0xFFFFF086  }
0x1c: {  	p1 =	slt.u32 s9, $0xF7A;
	s5 =	simm.s32 @!p2 $0x0  }
0x1d: {  	s5 =	simm.s32 @p1 $0x1;
	p0 =	seq.s32 s7, s2  }
0x1e: {  	s7 =	smul.u32 @!p0 $0xF7A, s2;
	p2 =	seq.s32 @!p0 s5, $0x0  }
0x1f: {  	s9 =	smul.u32 $0xF7A, s1;
	s8 =	simm.s32 @!p0 $0x1BF5;
	p2 =	por !p2, p0  }
0x20: {  	[sflag:s8] =	ssyncset.s32 @!p0 $0xFFFFF086;
	s6 =	sadd.s32 @!p0 s3, s7;
	s7 =	simm.s32 @!p0 $0x108  }
0x21: {  	s3 =	sadd.s32 s3, s9;
	s6 =	sadd.s32 @!p0 $0x88, s6;
	s7 =	simm.s32 @p2 $0x1082  }
0x22: {  	[simem:s7], [sflag:s8] =	dma.local @!p0 [hbm:s6], $0xF7A  }
0x23: {  	s9 =	sor.u32 $0xD0000000, s2;
	s6 =	simm.s32 $0x108;
	_ =	swait.ge @!p0 [sflag:s8], $0x0  }
0x24: {  	s3 =	sadd.s32 $0x88, s3;
	s6 =	simm.s32 @!p1 $0x1082;
	[sflag:s4] =	ssyncset.s32 $0xFFFFF086  }
0x25: {  	[simem:s6], [sflag:s4] =	dma.local [hbm:s3], $0xF7A  }
0x26: {  	[smem:$0x3F94] =	sst s1;
	(tag) =	ssettag s2;
	_ =	strace s9  }
0x27: {  	s1 =	sld [smem:$0x3FA4]  }
0x28: {  	s2 =	sld [smem:$0x3FA5]  }
0x29: {  	s4 =	sld [smem:$0x3FA7]  }
0x2a: {  	p0 =	seq.s32 s5, $0x0;
	s5 =	sld [smem:$0x3FA8]  }
0x2b: {  	s6 =	sld [smem:$0x3FA9]  }
0x2c: {  	s7 =	sld [smem:$0x3FAA]  }
0x2d: {  	s3 =	simm.s32 $0x108;
	s8 =	sld [smem:$0x3FAB]  }
0x2e: {  	s3 =	simm.s32 @!p0 $0x1082;
	s9 =	sld [smem:$0x3FAC]  }
0x2f: {  	lr =	sadd.s32 s0, s3;
	s0 =	sld [smem:$0x3FA3]  }
0x30: {  	s3 =	sld [smem:$0x3FA6]  }
0x31: {  	[smem:$0x3FAF] =	sst s10  }
0x32: {  	s10 =	sld [smem:$0x3FAD];
	_ =	sdelay $0x3  }
0x33: {  	p0 =	seq.s32 s10, $0x1;
	s10 =	sld [smem:$0x3FAF];
	_ =	sdelay $0x3  }
0x34: {  	[smem:$0x3FAF] =	sst s10  }
0x35: {  	s10 =	sld [smem:$0x3FAE];
	_ =	sdelay $0x3  }
0x36: {  	p1 =	seq.s32 s10, $0x1;
	s10 =	sld [smem:$0x3FAF];
	_ =	sdelay $0x3  }
0x37: {  	[smem:$0x3FAF] =	sst s10  }
0x38: {  	s10 =	sld [smem:$0x3FB0]  }
0x39: {  	_ = 	snop;
	(pc) =	sbr.ind lr, $3  }
0x3a: {  	_ = 	snop  }
0x3b: {  	_ = 	snop  }
0x3c: {  	p2 =	seq.s32 s10, $0x1;
	s10 =	sld [smem:$0x3FAF]  }
0x3d: {  	_ =	shalt  }
0x3e: {  	_ =	shalt  }
0x3f: {  	_ =	shalt  }
0x40: {  	_ =	shalt  }
0x41: {  	_ =	shalt  }
0x42: {  	_ =	shalt  }
0x43: {  	_ =	shalt  }
0x44: {  	_ =	shalt  }
0x45: {  	_ =	shalt  }
0x46: {  	_ =	shalt  }
0x47: {  	_ =	shalt  }
0x48: {  	_ =	shalt  }
0x49: {  	_ =	shalt  }
0x4a: {  	_ =	shalt  }
0x4b: {  	_ =	shalt  }
0x4c: {  	_ =	shalt  }
0x4d: {  	_ =	shalt  }
0x4e: {  	_ =	shalt  }
0x4f: {  	_ =	shalt  }
0x50: {  	_ =	shalt  }
0x51: {  	_ =	shalt  }
0x52: {  	_ =	shalt  }
0x53: {  	_ =	shalt  }
0x54: {  	_ =	shalt  }
0x55: {  	_ =	shalt  }
0x56: {  	_ =	shalt  }
0x57: {  	_ =	shalt  }
0x58: {  	_ =	shalt  }
0x59: {  	_ =	shalt  }
0x5a: {  	_ =	shalt  }
0x5b: {  	_ =	shalt  }
0x5c: {  	_ =	shalt  }
0x5d: {  	_ =	shalt  }
0x5e: {  	_ =	shalt  }
0x5f: {  	_ =	shalt  }
0x60: {  	_ =	shalt  }
0x61: {  	_ =	shalt  }
0x62: {  	_ =	shalt  }
0x63: {  	_ =	shalt  }
0x64: {  	_ =	shalt  }
0x65: {  	_ =	shalt  }
0x66: {  	_ =	shalt  }
0x67: {  	_ =	shalt  }
0x68: {  	_ =	shalt  }
0x69: {  	_ =	shalt  }
0x6a: {  	_ =	shalt  }
0x6b: {  	_ =	shalt  }
0x6c: {  	_ =	shalt  }
0x6d: {  	_ =	shalt  }
0x6e: {  	_ =	shalt  }
0x6f: {  	_ =	shalt  }
0x70: {  	_ =	shalt  }
0x71: {  	_ =	shalt  }
0x72: {  	_ =	shalt  }
0x73: {  	_ =	shalt  }
0x74: {  	_ =	shalt  }
0x75: {  	_ =	shalt  }
0x76: {  	_ =	shalt  }
0x77: {  	_ =	shalt  }
0x78: {  	_ =	shalt  }
0x79: {  	_ =	shalt  }
0x7a: {  	_ =	shalt  }
0x7b: {  	_ =	shalt  }
0x7c: {  	_ =	shalt  }
0x7d: {  	_ =	shalt  }
0x7e: {  	_ =	shalt  }
0x7f: {  	_ =	shalt  }
0x80: {  	_ =	shalt  }
0x81: {  	_ =	shalt  }
0x82: {  	_ =	shalt  }
0x83: {  	_ =	shalt  }
0x84: {  	_ =	shalt  }
0x85: {  	_ =	shalt  }
0x86: {  	_ =	shalt  }
0x87: {  	_ =	shalt  }
.Lfunc_end0:
.L_simem_size_0:
called_computation.2_lowered:
.L_overlay_start_0:
0x88: {  	s2 =	sld [smem:$0x3FD9]  }
0x89: {  	s3 =	sld [smem:$0x3FFE];
	_ =	sdelay $0x1  }
0x8a: {  	s1 =	srdreg.scid  }
0x8b: {  	s0 =	sand.u32 $0x1, s1  }
0x8c: {  	s17 =	sshll.u32 s0, $0xA;
	s2 =	sadd.s32 s3, s2  }
0x8d: {  	s2 =	sadd.s32 s2, s17  }
0x8e: {  	[smem:$0x3FBB] =	sst s2  }
0x8f: {  	_ = 	snop  }
0x90: {  	s2 =	sld [smem:$0x3FC7];
	(tm) =	ssettm $0x1  }
0x91: {  	s18 =	sld [smem:$0x3FFB];
	_ =	sdelay $0x3  }
0x92: {  	_ =	strace s18  }
0x93: {  	s3 =	sld [smem:$0x3FFC];
	_ =	sdelay $0x3  }
0x94: {  	_ =	strace s3  }
0x95: {  	s3 =	sld [smem:$0x3FFD];
	_ =	sdelay $0x3  }
0x96: {  	_ =	strace s3  }
0x97: {  	_ =	strace $0x8FFFFFFF  }
0x98: {  	s19 =	sld [smem:$0x3FDB];
	_ =	sdelay $0x1  }
0x99: {  	s4 =	simm.s32 $_scs_section_size  }
0x9a: {  	s5 =	simm.s32 $_size__tile_overlayer_lowered;
	s6 =	simm.s32 $_tile_overlayer_lowered  }
0x9b: {  	s22 =	simm.s32 $0x1BFF;
	s21 =	sshll.u32 s6, $0x1;
	s3 =	sadd.s32 s4, s19  }
0x9c: {  	s7 =	simm.s32 $0x0;
	s20 =	sshll.u32 s5, $0x1;
	s5 =	sadd.s32 s21, s3  }
0x9d: {  	[timem:s7], [sflag:s22] =	dma.local [hbm:s5], s20  }
0x9e: {  	_ =	swait.ge [sflag:s22], s20  }
0x9f: {  	s4 =	ssub.s32 $0x0, s20;
	[sflag:s22] =	ssyncset.done $0x0  }
0xa0: {  	[sflag:s22] =	ssyncadd.s32 s4;
	_ =	sdelay $0x1  }
0xa1: {  	s23 =	simm.s32 $0x1B8B  }
0xa2: {  	_ =	swait.ge [sflag:s23], $0x1  }
0xa3: {  	[sflag:s23] =	ssyncset.done $0x0  }
0xa4: {  	s25 =	simm.s32 $0x1B8E;
	s24 =	sld [smem:$0x3FFE];
	[sflag:s23] =	ssyncadd.s32 $0xFFFFFFFF  }
0xa5: {  	s26 =	simm.s32 $execute0_lowered;
	[smem:$0x3FD2] =	sst s25  }
0xa6: {  	s5 =	sshll.u32 s26, $0x1;
	_ =	strace $0x8000004C;
	[dreg:$0x1] =	wrdreg $0xFFFFFFFF  }
0xa7: {  	s28 =	simm.s32 $_size_execute0_lowered;
	s3 =	sadd.s32 s3, s5;
	[dreg:$0x0] =	wrdreg $0x0  }
0xa8: {  	s5 =	sshll.u32 s28, $0x1;
	[dreg:$0x2] =	wrdreg s3  }
0xa9: {  	[dreg:$0x3] =	wrdreg s5  }
0xaa: {  	[dreg:$0x4] =	wrdreg $0xC0  }
0xab: {  	_ =	task [dreg:s7], $0x5FFFF  }
0xac: {  	[dreg:$0x1] =	wrdreg $0xFFFFFFFF  }
0xad: {  	[dreg:$0x0] =	wrdreg $0x60  }
0xae: {  	[dreg:$0x2] =	wrdreg s24  }
0xaf: {  	[dreg:$0x3] =	wrdreg s2  }
0xb0: {  	[dreg:$0x4] =	wrdreg $0x4FB00  }
0xb1: {  	[dreg:$0x5] =	wrdreg $0x9  }
0xb2: {  	_ =	task.clear_ibuf [dreg:s7], $0x6FFFF;
	_ =	strace $0x9000004C  }
0xb3: {  	s29 =	simm.s32 $0x9;
	_ =	strace $0x8000004E  }
0xb4: {  	_ =	swait.ge [sflag:s29], $0x1  }
0xb5: {  	[sflag:s29] =	ssyncadd.s32 $0xFFFFFFFF  }
0xb6: {  	_ =	strace $0x9000004E  }
0xb7: {  	_ =	sfence  }
0xb8: {  	s30 =	sld [smem:$0x0];
	_ =	sdelay $0x2  }
0xb9: {  	s31 =	sshll.u32 s1, $0xD;
	s1 =	sshrl.u32 s1, $0x2  }
0xba: {  	s3 =	sand.u32 $0x4000, s31;
	s1 =	sadd.s32 s1, s30  }
0xbb: {  	s0 =	sor.u32 s3, s0;
	s1 =	sshll.u32 s1, $0x11  }
0xbc: {  	s0 =	sor.u32 s1, s0  }
0xbd: {  	s0 =	sadd.s32 $0x8F2B, s0  }
0xbe: {  	[sflag:s0] =	ssyncadd.remote.s32 $0x1  }
0xbf: {  	_ =	sfence.sel $0xFFFF  }
0xc0: {  	[dreg:$0x0] =	wrdreg $0xFFFFFFFF;
	(pc) =	sbr.abs _section_cstart, $3  }
0xc1: {  	[dreg:$0x1] =	wrdreg $0xFFFFFFFF  }
0xc2: {  	_ =	task.clear_ibuf [dreg:s7], $0x2FFFF;
	_ =	strace $0x9FFFFFFF  }
0xc3: {  	(tm) =	ssettm $0x7FFFFFFF  }
tec
execute0_lowered:
.L_overlay_start_1:
0x0: {  	(tag) =	ssettag $0x1  }
0x1: {  	s6 =	rddreg [dreg:$0x0]  }
0x2: {  	s1 =	rddreg [dreg:$0x1];
	s0 =	srdreg.scid  }
0x3: {  	s3 =	rddreg [dreg:$0x2];
	s2 =	stileid.u32  }
0x4: {  	s4 =	simm.s32 $0x0;
	s17 =	simm.s32 $0x4B0;
	s18 =	simm.s32 $0x2  }
0x5: {  	s19 =	simm.s32 $0x190;
	s20 =	simm.s32 $0x320;
	s7 =	smul.u32 $0x7800, s2  }
0x6: {  	s13 =	sand.u32 $0x1, s0;
	s0 =	rddreg [dreg:$0x3];
	s9 =	smul.u32 $0x1E000, s2  }
0x7: {  	s21 =	simm.s32 $0x1;
	[smem:$0x7FF] =	sst s4;
	s5 =	smul.u32 $0xF000, s13  }
0x8: {  	s8 =	smul.u32 $0x78000, s13;
	_ =	strace $0x8000004D;
	s10 =	ssub.s32 $0x2, s13  }
0x9: {  	s12 =	smul.u32 $0x4E200, s13;
	s13 =	sxor.u32 $0x1, s13;
	s9 =	sshrl.u32 s9, $0x2  }
0xa: {  	s31 =	sshrl.u32 s10, $0x1;
	s13 =	smul.u32 $0x4E200, s13;
	s14 =	sadd.s32 s5, s6  }
0xb: {  	s5 =	sadd.s32 $0x18400, s6;
	s8 =	sadd.s32 s7, s8;
	s11 =	sadd.s32 s9, s3  }
0xc: {  	s16 =	ssub.s32 s10, s31;
	s10 =	smul.u32 $0x4E20, s2;
	s8 =	sshrl.u32 s8, $0x3  }
0xd: {  	s9 =	sadd.s32 $0x4800, s11;
	s14 =	sadd.s32 $0x2BE00, s14;
	s16 =	smax.u32 s16, $0x1  }
0xe: {  	s15 =	sadd.s32 s8, s6;
	s6 =	sadd.s32 s7, s3;
	s7 =	sadd.s32 $0x1800, s11  }
0xf: {  	v0 =	vimm.f32 $0.0e+00;
	s8 =	sadd.s32 $0x3000, s11;
	s11 =	sadd.s32 $0x6000, s11;
	s15 =	sadd.s32 $0x49E00, s15  }
.LBB2_1:
0x10: {  	s22 =	simm.s32 $0xC0;
	s23 =	simm.s32 $0x0  }
.LBB2_2:
0x11: {  	p0 =	sne.s32 s22, $0x5F40;
	[tilespmem:s23+$0x4D0] =	vst v0;
	s24 =	smov.u32 s22;
	s22 =	sadd.s32 $0xC0, s22  }
.Ltmp0:
0x12: {  	[tilespmem:s23+$0x4B0] =	vst v0;
	(pc) =	sbr.rel @p0 .LBB2_2-.Ltmp0, $2  }
0x13: {  	[tilespmem:s23+$0x4C0] =	vst v0;
	_ =	sdelay $0x2  }
0x14: {  	s23 =	sshra.s32 s24, $0x2  }
0x15: {  	[tilespmem:s23+$0x4D0] =	vst v0  }
0x16: {  	[tilespmem:s23+$0x4B0] =	vst v0  }
0x17: {  	[tilespmem:s23+$0x4C0] =	vst v0  }
0x18: {  	[spmem:s6] =	stream.linear.scatter [tilespmem:s17], [sflag:$0x2], $0x1800, $0x38;
	[tilespmem:$0xC7B0] =	vst v63  }
0x19: {  	_ =	swait.ge [sflag:s18], $0x1800  }
0x1a: {  	[sflag:s18] =	ssyncset.done $0x0  }
0x1b: {  	[sflag:s18] =	ssyncadd.s32 $0xFFFFE800  }
0x1c: {  	[spmem:s7] =	stream.linear.scatter [tilespmem:s17], [sflag:$0x2], $0x1800, $0x38;
	[tilespmem:$0xC7B0] =	vst v63  }
0x1d: {  	_ =	swait.ge [sflag:s18], $0x1800  }
0x1e: {  	[sflag:s18] =	ssyncset.done $0x0  }
0x1f: {  	[sflag:s18] =	ssyncadd.s32 $0xFFFFE800  }
0x20: {  	[spmem:s8] =	stream.linear.scatter [tilespmem:s17], [sflag:$0x2], $0x1800, $0x38;
	[tilespmem:$0xC7B0] =	vst v63  }
0x21: {  	_ =	swait.ge [sflag:s18], $0x1800  }
0x22: {  	[sflag:s18] =	ssyncset.done $0x0  }
0x23: {  	[sflag:s18] =	ssyncadd.s32 $0xFFFFE800  }
0x24: {  	[spmem:s9] =	stream.linear.scatter [tilespmem:s17], [sflag:$0x2], $0x1800, $0x38;
	[tilespmem:$0xC7B0] =	vst v63  }
0x25: {  	_ =	swait.ge [sflag:s18], $0x1800  }
0x26: {  	[sflag:s18] =	ssyncset.done $0x0  }
0x27: {  	[sflag:s18] =	ssyncadd.s32 $0xFFFFE800  }
0x28: {  	[spmem:s11] =	stream.linear.scatter [tilespmem:s17], [sflag:$0x2], $0x1800, $0x38;
	[tilespmem:$0xC7B0] =	vst v63  }
0x29: {  	_ =	swait.ge [sflag:s18], $0x1800  }
0x2a: {  	[sflag:s18] =	ssyncset.done $0x0  }
0x2b: {  	[sflag:s18] =	ssyncadd.s32 $0xFFFFE800  }
0x2c: {  	s22 =	simm.s32 $0x0;
	s23 =	simm.s32 $0x0;
	[bflag:$0x0] =	sbarrier.arrive $0xFFFF  }
.LBB2_4:
0x2d: {  	s24 =	smul.u32 $0x190, s23;
	_ =	sdelay $0x1  }
0x2e: {  	s24 =	sadd.s32 s10, s24  }
0x2f: {  	s25 =	sadd.s32 s12, s24  }
0x30: {  	s25 =	sshrl.u32 s25, $0x3  }
0x31: {  	s25 =	sadd.s32 s5, s25  }
0x32: {  	[tilespmem:s22], [sflag:$0x2] =	stream.linear.gather [hbm4b:s25+s22], $0x190, $0x38;
	[tilespmem:$0xC7B0] =	vst v63  }
0x33: {  	s30 =	sadd.s32 s13, s24;
	_ =	swait.ge [sflag:s18], $0x190  }
0x34: {  	s25 =	sshrl.u32 s30, $0x3;
	[sflag:s18] =	ssyncset.done $0x0  }
0x35: {  	s25 =	sadd.s32 s5, s25;
	[sflag:s18] =	ssyncadd.s32 $0xFFFFFE70  }
0x36: {  	[tilespmem:s19], [sflag:$0x2] =	stream.linear.gather [hbm4b:s25+s22], $0x190, $0x38;
	[tilespmem:$0xC7B0] =	vst v63  }
0x37: {  	_ =	swait.ge [sflag:s18], $0x190  }
0x38: {  	s24 =	sshrl.u32 s24, $0x3;
	[sflag:s18] =	ssyncset.done $0x0  }
0x39: {  	s24 =	sadd.s32 s1, s24;
	[sflag:s18] =	ssyncadd.s32 $0xFFFFFE70  }
0x3a: {  	[tilespmem:s20], [sflag:$0x2] =	stream.linear.gather [hbm4b:s24+s22], $0x190, $0x38;
	[tilespmem:$0xC7B0] =	vst v63  }
0x3b: {  	_ =	swait.ge [sflag:s18], $0x190  }
0x3c: {  	[sflag:s18] =	ssyncset.done $0x0  }
0x3d: {  	[sflag:s18] =	ssyncadd.s32 $0xFFFFFE70  }
0x3e: {  	[tilespmem:s17], [sflag:$0x1] =	stream.indirect.gather [hbm4b:s14+s19], $0x30, s22, s19, $0xb8;
	[tilespmem:$0xC7B0] =	vst v63  }
0x3f: {  	_ =	swait.ge [sflag:s21], $0x4B00  }
0x40: {  	[sflag:s21] =	ssyncset.done $0x0  }
0x41: {  	s24 =	simm.s32 $0x630;
	[sflag:s21] =	ssyncadd.s32 $0xFFFFB500  }
0x42: {  	v11 =	vld [tilespmem:s24+$0x160]  }
0x43: {  	v1 =	vld [tilespmem:s24+$0xFFFFFFF0]  }
0x44: {  	v2 =	vld [tilespmem:s24+$0xFFFFFEA0]  }
0x45: {  	v3 =	vld [tilespmem:s24+$0xFFFFFFA0]  }
0x46: {  	v15 =	vld [tilespmem:s24+$0xFFFFFE90]  }
0x47: {  	v19 =	vld [tilespmem:s24+$0x90]  }
0x48: {  	v17 =	vld [tilespmem:s24+$0xFFFFFEE0]  }
0x49: {  	v26 =	vld [tilespmem:s24+$0x150]  }
0x4a: {  	v5 =	vld [tilespmem:s24+$0x0]  }
0x4b: {  	v12 =	vld [tilespmem:s24+$0xB0]  }
0x4c: {  	v16 =	vld [tilespmem:s24+$0xFFFFFFB0]  }
0x4d: {  	v20 =	vld [tilespmem:s24+$0xFFFFFEF0]  }
0x4e: {  	v21 =	vld [tilespmem:s24+$0x120]  }
0x4f: {  	v25 =	vld [tilespmem:s24+$0x170]  }
0x50: {  	v27 =	vld [tilespmem:s24+$0xFFFFFF00]  }
0x51: {  	v7 =	vld [tilespmem:s24+$0xFFFFFFC0]  }
0x52: {  	v18 =	vld [tilespmem:s24+$0x70]  }
0x53: {  	s31 =	simm.s32 $0x0;
	v23 =	vld [tilespmem:s24+$0x140]  }
0x54: {  	v14 =	vld [tilespmem:s31+$0x320]  }
0x55: {  	v4 =	vld [tilespmem:s24+$0x60]  }
0x56: {  	v9 =	vld [tilespmem:s24+$0xFFFFFE80]  }
0x57: {  	v10 =	vld [tilespmem:s24+$0x10]  }
0x58: {  	v13 =	vld [tilespmem:s24+$0xFFFFFF90]  }
0x59: {  	v29 =	vld [tilespmem:s24+$0x100];
	v6 =	vbroadcast v14, $0x0;
	v22 =	vbroadcast v14, $0xF  }
0x5a: {  	v28 =	vld [tilespmem:s24+$0x110];
	v24 =	vbroadcast v14, $0x2;
	v8 =	vbroadcast v14, $0xE  }
0x5b: {  	v32 =	vmul.f32 v6, v9;
	v9 =	vld [tilespmem:s24+$0xFFFFFF20];
	v31 =	vmul.f32 v26, v22  }
0x5c: {  	s26 =	simm.s32 $0x630;
	s25 =	simm.s32 $0x40;
	v30 =	vmul.f32 v17, v24;
	v17 =	vld [tilespmem:s24+$0xFFFFFF40];
	v26 =	vbroadcast v14, $0xD  }
.LBB2_5:
0x5d: {  	p0 =	sne.s32 s25, $0x600  }
0x5e: {  	[tilespmem:s24+$0xFFFFFE80] =	vst v32;
	v27 =	vmul.f32 v27, v24;
	v32 =	vld [tilespmem:s24+$0xFFFFFF50];
	v25 =	vmul.f32 v25, v22;
	s26 =	sadd.s32 $0x300, s26;
	s28 =	smov.u32 s25;
	s25 =	sadd.s32 $0x40, s25  }
0x5f: {  	v33 =	vbroadcast v14, $0xB;
	v34 =	vld [tilespmem:s24+$0xF0];
	v29 =	vmul.f32 v29, v26;
	[tilespmem:s24+$0x150] =	vst v31  }
0x60: {  	v31 =	vld [tilespmem:s24+$0xFFFFFEC0];
	[tilespmem:s24+$0xFFFFFEE0] =	vst v30;
	v30 =	vbroadcast v14, $0x6;
	v28 =	vmul.f32 v28, v26  }
0x61: {  	v21 =	vmul.f32 v21, v8;
	v23 =	vmul.f32 v23, v8;
	v35 =	vld [tilespmem:s24+$0x80];
	[tilespmem:s24+$0x100] =	vst v29  }
0x62: {  	v36 =	vbroadcast v14, $0xA;
	v19 =	vmul.f32 v19, v33;
	v29 =	vld [tilespmem:s24+$0xFFFFFED0];
	[tilespmem:s24+$0x170] =	vst v25  }
0x63: {  	v11 =	vmul.f32 v11, v22;
	v25 =	vbroadcast v14, $0x1;
	[tilespmem:s24+$0xFFFFFF00] =	vst v27;
	v27 =	vld [tilespmem:s24+$0xC0]  }
0x64: {  	v20 =	vmul.f32 v20, v24;
	[tilespmem:s24+$0x90] =	vst v19;
	v19 =	vmul.f32 v34, v26;
	v22 =	vld [tilespmem:s24+$0x130]  }
0x65: {  	v26 =	vbroadcast v14, $0x5;
	v24 =	vmul.f32 v31, v25;
	v31 =	vld [tilespmem:s24+$0xD0];
	[tilespmem:s24+$0x120] =	vst v21  }
0x66: {  	v15 =	vmul.f32 v15, v6;
	v21 =	vld [tilespmem:s24+$0x30];
	v34 =	vmul.f32 v35, v36;
	[tilespmem:s24+$0x110] =	vst v28  }
0x67: {  	v28 =	vmul.f32 v29, v25;
	v29 =	vbroadcast v14, $0x3;
	v35 =	vld [tilespmem:s24+$0xE0];
	[tilespmem:s24+$0x140] =	vst v23  }
0x68: {  	v18 =	vmul.f32 v18, v36;
	v23 =	vbroadcast v14, $0xC;
	[tilespmem:s24+$0xFFFFFEF0] =	vst v20;
	v20 =	vld [tilespmem:s24+$0xFFFFFF70]  }
0x69: {  	v37 =	vbroadcast v14, $0x8;
	v16 =	vmul.f32 v16, v30;
	[tilespmem:s24+$0xFFFFFE90] =	vst v15;
	v15 =	vld [tilespmem:s24+$0xFFFFFF60]  }
0x6a: {  	v39 =	vbroadcast v14, $0x7;
	v38 =	vld [tilespmem:s24+$0xFFFFFEB0];
	[tilespmem:s24+$0x70] =	vst v18;
	v18 =	vmul.f32 v27, v23  }
0x6b: {  	v27 =	vbroadcast v14, $0x9;
	v31 =	vmul.f32 v31, v23;
	[tilespmem:s24+$0xFFFFFFB0] =	vst v16;
	v16 =	vld [tilespmem:s24+$0xFFFFFFD0]  }
0x6c: {  	v14 =	vbroadcast v14, $0x4;
	v40 =	vld [tilespmem:s24+$0xFFFFFF80];
	v23 =	vmul.f32 v35, v23;
	[tilespmem:s24+$0xF0] =	vst v19  }
0x6d: {  	v12 =	vmul.f32 v12, v33;
	v19 =	vmul.f32 v21, v27;
	v21 =	vld [tilespmem:s24+$0xA0];
	[tilespmem:s24+$0x160] =	vst v11  }
0x6e: {  	v17 =	vmul.f32 v17, v14;
	v11 =	vmul.f32 v32, v14;
	v32 =	vld [tilespmem:s24+$0x50];
	[tilespmem:s24+$0xC0] =	vst v18  }
0x6f: {  	v14 =	vmul.f32 v15, v14;
	v18 =	vmul.f32 v38, v25;
	[tilespmem:s24+$0x30] =	vst v19;
	v15 =	vld [tilespmem:s24+$0x40]  }
0x70: {  	v20 =	vmul.f32 v20, v26;
	v25 =	vmul.f32 v16, v39;
	v16 =	vld [tilespmem:s24+$0x20];
	[tilespmem:s24+$0x80] =	vst v34  }
0x71: {  	v13 =	vmul.f32 v13, v26;
	v19 =	vld [tilespmem:s24+$0xFFFFFF10];
	v34 =	vmul.f32 v40, v26;
	[tilespmem:s24+$0xB0] =	vst v12  }
0x72: {  	v5 =	vmul.f32 v5, v37;
	[tilespmem:s24+$0xFFFFFF50] =	vst v11;
	v12 =	vld [tilespmem:s24+$0xFFFFFFE0];
	v21 =	vmul.f32 v21, v33  }
0x73: {  	v10 =	vmul.f32 v10, v37;
	v7 =	vmul.f32 v7, v30;
	v11 =	vld [tilespmem:s26+$0x160];
	[tilespmem:s24+$0xFFFFFEC0] =	vst v24  }
0x74: {  	v26 =	vmul.f32 v32, v27;
	v24 =	vld [tilespmem:s24+$0xFFFFFF30];
	[tilespmem:s24+$0xFFFFFF40] =	vst v17;
	v17 =	vmul.f32 v15, v27  }
0x75: {  	v8 =	vmul.f32 v22, v8;
	[tilespmem:s24+$0xFFFFFED0] =	vst v28;
	v27 =	vmul.f32 v16, v37  }
0x76: {  	v9 =	vmul.f32 v9, v29;
	v16 =	vmul.f32 v19, v29;
	[tilespmem:s24+$0x0] =	vst v5  }
0x77: {  	v5 =	vmul.f32 v1, v39;
	v22 =	vmul.f32 v12, v39;
	[tilespmem:s24+$0xD0] =	vst v31  }
0x78: {  	v4 =	vmul.f32 v4, v36;
	v1 =	vmul.f32 v3, v30;
	[tilespmem:s24+$0xFFFFFF90] =	vst v13  }
0x79: {  	v2 =	vmul.f32 v2, v6;
	v3 =	vmul.f32 v24, v29;
	[tilespmem:s24+$0xFFFFFFC0] =	vst v7  }
0x7a: {  	[tilespmem:s24+$0x10] =	vst v10  }
0x7b: {  	[tilespmem:s24+$0xFFFFFFA0] =	vst v1  }
0x7c: {  	[tilespmem:s24+$0xFFFFFEA0] =	vst v2  }
0x7d: {  	v1 =	vld [tilespmem:s26+$0xFFFFFFF0];
	[tilespmem:s24+$0xFFFFFF30] =	vst v3  }
0x7e: {  	v2 =	vld [tilespmem:s26+$0xFFFFFEA0];
	[tilespmem:s24+$0xFFFFFF20] =	vst v9  }
0x7f: {  	v3 =	vld [tilespmem:s26+$0xFFFFFFA0];
	[tilespmem:s24+$0x60] =	vst v4  }
0x80: {  	v15 =	vld [tilespmem:s26+$0xFFFFFE90];
	[tilespmem:s24+$0xFFFFFFF0] =	vst v5  }
0x81: {  	v19 =	vld [tilespmem:s26+$0x90];
	[tilespmem:s24+$0x130] =	vst v8  }
0x82: {  	v30 =	vld [tilespmem:s26+$0xFFFFFEE0];
	[tilespmem:s24+$0xA0] =	vst v21  }
0x83: {  	v31 =	vld [tilespmem:s26+$0x150];
	[tilespmem:s24+$0xFFFFFF70] =	vst v20  }
0x84: {  	v5 =	vld [tilespmem:s26+$0x0];
	[tilespmem:s24+$0xE0] =	vst v23  }
0x85: {  	v12 =	vld [tilespmem:s26+$0xB0];
	[tilespmem:s24+$0xFFFFFF10] =	vst v16  }
0x86: {  	v16 =	vld [tilespmem:s26+$0xFFFFFFB0];
	[tilespmem:s24+$0xFFFFFFD0] =	vst v25  }
0x87: {  	v20 =	vld [tilespmem:s26+$0xFFFFFEF0];
	[tilespmem:s24+$0xFFFFFFE0] =	vst v22  }
0x88: {  	v21 =	vld [tilespmem:s26+$0x120];
	[tilespmem:s24+$0x20] =	vst v27  }
0x89: {  	v25 =	vld [tilespmem:s26+$0x170];
	[tilespmem:s24+$0xFFFFFF60] =	vst v14  }
0x8a: {  	v27 =	vld [tilespmem:s26+$0xFFFFFF00];
	[tilespmem:s24+$0x50] =	vst v26  }
0x8b: {  	v7 =	vld [tilespmem:s26+$0xFFFFFFC0];
	[tilespmem:s24+$0xFFFFFEB0] =	vst v18  }
0x8c: {  	v18 =	vld [tilespmem:s26+$0x70];
	[tilespmem:s24+$0xFFFFFF80] =	vst v34  }
0x8d: {  	s28 =	sshra.s32 s28, $0x2;
	v23 =	vld [tilespmem:s26+$0x140];
	[tilespmem:s24+$0x40] =	vst v17;
	s24 =	smov.u32 s26  }
0x8e: {  	v14 =	vld [tilespmem:s28+$0x320]  }
0x8f: {  	v4 =	vld [tilespmem:s26+$0x60]  }
0x90: {  	v9 =	vld [tilespmem:s26+$0xFFFFFE80]  }
0x91: {  	v10 =	vld [tilespmem:s26+$0x10]  }
.Ltmp1:
0x92: {  	v13 =	vld [tilespmem:s26+$0xFFFFFF90];
	(pc) =	sbr.rel @p0 .LBB2_5-.Ltmp1, $4  }
0x93: {  	v6 =	vbroadcast v14, $0x0;
	v29 =	vld [tilespmem:s26+$0x100];
	v22 =	vbroadcast v14, $0xF  }
0x94: {  	v24 =	vbroadcast v14, $0x2;
	v8 =	vbroadcast v14, $0xE;
	v28 =	vld [tilespmem:s26+$0x110]  }
0x95: {  	v32 =	vmul.f32 v6, v9;
	v9 =	vld [tilespmem:s26+$0xFFFFFF20];
	v31 =	vmul.f32 v31, v22  }
0x96: {  	v26 =	vbroadcast v14, $0xD;
	v30 =	vmul.f32 v30, v24;
	v17 =	vld [tilespmem:s26+$0xFFFFFF40]  }
0x97: {  	[tilespmem:s24+$0xFFFFFE80] =	vst v32  }
0x98: {  	[tilespmem:s24+$0x150] =	vst v31;
	v25 =	vmul.f32 v25, v22  }
0x99: {  	v27 =	vmul.f32 v27, v24;
	[tilespmem:s24+$0xFFFFFEE0] =	vst v30  }
0x9a: {  	v21 =	vmul.f32 v21, v8;
	[tilespmem:s24+$0x170] =	vst v25  }
0x9b: {  	v23 =	vmul.f32 v23, v8;
	[tilespmem:s24+$0xFFFFFF00] =	vst v27  }
0x9c: {  	v20 =	vmul.f32 v20, v24;
	[tilespmem:s24+$0x120] =	vst v21  }
0x9d: {  	v15 =	vmul.f32 v15, v6;
	[tilespmem:s24+$0x140] =	vst v23  }
0x9e: {  	v11 =	vmul.f32 v11, v22;
	[tilespmem:s24+$0xFFFFFEF0] =	vst v20  }
0x9f: {  	v32 =	vbroadcast v14, $0xB;
	v2 =	vmul.f32 v2, v6;
	[tilespmem:s24+$0xFFFFFE90] =	vst v15  }
0xa0: {  	v29 =	vmul.f32 v29, v26;
	[tilespmem:s24+$0x160] =	vst v11  }
0xa1: {  	v19 =	vmul.f32 v19, v32;
	[tilespmem:s24+$0xFFFFFEA0] =	vst v2  }
0xa2: {  	v50 =	vbroadcast v14, $0x8;
	v57 =	vmul.f32 v28, v26;
	[tilespmem:s24+$0x100] =	vst v29  }
0xa3: {  	v21 =	vbroadcast v14, $0xA;
	v12 =	vmul.f32 v12, v32;
	[tilespmem:s24+$0x90] =	vst v19  }
0xa4: {  	v27 =	vbroadcast v14, $0x6;
	v5 =	vmul.f32 v5, v50;
	[tilespmem:s24+$0x110] =	vst v57  }
0xa5: {  	v44 =	vbroadcast v14, $0x4;
	v18 =	vmul.f32 v18, v21;
	[tilespmem:s24+$0xB0] =	vst v12  }
0xa6: {  	v33 =	vld [tilespmem:s24+$0xF0];
	v61 =	vmul.f32 v16, v27;
	[tilespmem:s24+$0x0] =	vst v5  }
0xa7: {  	v56 =	vld [tilespmem:s24+$0xC0];
	v17 =	vmul.f32 v17, v44;
	[tilespmem:s24+$0x70] =	vst v18  }
0xa8: {  	v59 =	vld [tilespmem:s24+$0x30];
	v57 =	vmul.f32 v10, v50;
	[tilespmem:s24+$0xFFFFFFB0] =	vst v61  }
0xa9: {  	v54 =	vld [tilespmem:s24+$0x80];
	v3 =	vmul.f32 v3, v27;
	[tilespmem:s24+$0xFFFFFF40] =	vst v17  }
0xaa: {  	v58 =	vld [tilespmem:s24+$0xFFFFFF50];
	v28 =	vbroadcast v14, $0xC;
	v2 =	vmul.f32 v4, v21;
	[tilespmem:s24+$0x10] =	vst v57  }
0xab: {  	v53 =	vld [tilespmem:s24+$0xFFFFFEC0];
	v15 =	vbroadcast v14, $0x9;
	v62 =	vmul.f32 v33, v26;
	[tilespmem:s24+$0xFFFFFFA0] =	vst v3  }
0xac: {  	v55 =	vld [tilespmem:s24+$0xFFFFFED0];
	v25 =	vmul.f32 v56, v28;
	[tilespmem:s24+$0x60] =	vst v2  }
0xad: {  	v60 =	vld [tilespmem:s24+$0xD0];
	v41 =	vmul.f32 v59, v15;
	[tilespmem:s24+$0xF0] =	vst v62  }
0xae: {  	v46 =	vbroadcast v14, $0x1;
	v43 =	vmul.f32 v54, v21;
	[tilespmem:s24+$0xC0] =	vst v25  }
0xaf: {  	v42 =	vld [tilespmem:s24+$0xA0];
	v24 =	vmul.f32 v58, v44;
	[tilespmem:s24+$0x30] =	vst v41  }
0xb0: {  	v48 =	vmul.f32 v53, v46;
	[tilespmem:s24+$0x80] =	vst v43  }
0xb1: {  	v52 =	vld [tilespmem:s24+$0xFFFFFF30];
	v51 =	vmul.f32 v55, v46;
	[tilespmem:s24+$0xFFFFFF50] =	vst v24  }
0xb2: {  	v54 =	vmul.f32 v60, v28;
	[tilespmem:s24+$0xFFFFFEC0] =	vst v48  }
0xb3: {  	v53 =	vbroadcast v14, $0x5;
	v56 =	vmul.f32 v7, v27;
	[tilespmem:s24+$0xFFFFFED0] =	vst v51  }
0xb4: {  	v35 =	vld [tilespmem:s24+$0xFFFFFF10];
	v58 =	vbroadcast v14, $0x3;
	v2 =	vmul.f32 v42, v32;
	[tilespmem:s24+$0xD0] =	vst v54  }
0xb5: {  	v19 =	vld [tilespmem:s24+$0x130];
	v13 =	vmul.f32 v13, v53;
	[tilespmem:s24+$0xFFFFFFC0] =	vst v56  }
0xb6: {  	v63 =	vld [tilespmem:s24+$0xFFFFFF70];
	v3 =	vbroadcast v14, $0x7;
	v60 =	vmul.f32 v52, v58;
	[tilespmem:s24+$0xA0] =	vst v2  }
0xb7: {  	v26 =	vld [tilespmem:s24+$0xE0];
	v61 =	vmul.f32 v9, v58;
	[tilespmem:s24+$0xFFFFFF90] =	vst v13  }
0xb8: {  	v36 =	vld [tilespmem:s24+$0x20];
	v1 =	vmul.f32 v1, v3;
	[tilespmem:s24+$0xFFFFFF30] =	vst v60  }
0xb9: {  	v47 =	vld [tilespmem:s24+$0xFFFFFFD0];
	v2 =	vmul.f32 v35, v58;
	[tilespmem:s24+$0xFFFFFF20] =	vst v61  }
0xba: {  	v55 =	vld [tilespmem:s24+$0xFFFFFFE0];
	v62 =	vmul.f32 v19, v8;
	[tilespmem:s24+$0xFFFFFFF0] =	vst v1  }
0xbb: {  	v34 =	vld [tilespmem:s24+$0xFFFFFEB0];
	v1 =	vmul.f32 v63, v53;
	[tilespmem:s24+$0xFFFFFF10] =	vst v2  }
0xbc: {  	v40 =	vld [tilespmem:s24+$0xFFFFFF60];
	v63 =	vmul.f32 v26, v28;
	[tilespmem:s24+$0x130] =	vst v62  }
0xbd: {  	v45 =	vld [tilespmem:s24+$0x50];
	v2 =	vmul.f32 v36, v50;
	[tilespmem:s24+$0xFFFFFF70] =	vst v1  }
0xbe: {  	v49 =	vld [tilespmem:s24+$0xFFFFFF80];
	v1 =	vmul.f32 v47, v3;
	[tilespmem:s24+$0xE0] =	vst v63  }
0xbf: {  	v59 =	vld [tilespmem:s24+$0x40];
	v3 =	vmul.f32 v55, v3;
	[tilespmem:s24+$0x20] =	vst v2  }
0xc0: {  	v2 =	vmul.f32 v34, v46;
	[tilespmem:s24+$0xFFFFFFD0] =	vst v1  }
0xc1: {  	v1 =	vmul.f32 v40, v44;
	[tilespmem:s24+$0xFFFFFFE0] =	vst v3  }
0xc2: {  	v3 =	vmul.f32 v45, v15;
	[tilespmem:s24+$0xFFFFFEB0] =	vst v2  }
0xc3: {  	[tilespmem:s24+$0xFFFFFF60] =	vst v1;
	v1 =	vmul.f32 v49, v53  }
0xc4: {  	s23 =	sadd.s32 $0x1, s23;
	[tilespmem:s24+$0x50] =	vst v3;
	v3 =	vmul.f32 v59, v15  }
0xc5: {  	p0 =	sne.s32 s23, $0x32;
	[tilespmem:s24+$0xFFFFFF80] =	vst v1  }
.Ltmp2:
0xc6: {  	[tilespmem:s24+$0x40] =	vst v3;
	(pc) =	sbr.rel @p0 .LBB2_4-.Ltmp2, $4  }
0xc7: {  	[spmem:s3] =	stream.indirect.scatter.add.f32 [tilespmem:s17], [sflag:$0x2], $0x30, s19, s19, $0xb8;
	[tilespmem:$0xC7B0] =	vst v63  }
0xc8: {  	_ =	swait.ge [sflag:s18], $0x4B00  }
0xc9: {  	[sflag:s18] =	ssyncset.done $0x0  }
0xca: {  	[sflag:s18] =	ssyncadd.s32 $0xFFFFB500  }
0xcb: {  	s4 =	sadd.s32 $0x1, s4  }
0xcc: {  	s22 =	sshll.u32 s2, $0x6;
	[bflag:$0x0] =	sbarrier.arrive $0xFFFF;
	p0 =	sne.s32 s4, s16  }
.Ltmp3:
0xcd: {  	s23 =	sshrl.u32 s6, $0x3;
	s22 =	sor.u32 $0x1C02, s22;
	(pc) =	sbr.rel @p0 .LBB2_1-.Ltmp3, $4  }
0xce: {  	[hbm:s15], [sflag:s22] =	dma.local [spmem:s23], $0xF00  }
0xcf: {  	_ =	swait.ge [sflag:s18], $0xF00  }
0xd0: {  	[sflag:s18] =	ssyncset.done $0x0  }
0xd1: {  	[sflag:s18] =	ssyncadd.s32 $0xFFFFF100  }
0xd2: {  	_ =	sfence.sel $0x180000  }
0xd3: {  	[bflag:$0x0] =	sbarrier.arrive $0xFFFF  }
0xd4: {  	p0 =	sne.s32 s2, $0x0;
	_ =	strace $0x9000004D  }
0xd5: {  	s0 =	sadd.s32 @!p0 $0x100000, s0;
	[bflag:$0x2] =	sbarrier.arrive $0xFFFF  }
0xd6: {  	[sflag:s0] =	ssyncadd.tile.s32 @!p0 $0x1;
	_ =	shalt  }
.Lfunc_end2:
_tile_overlayer_lowered:
.L_overlay_start_2:
0xd7: {  	(tag) =	ssettag $0x2  }
0xd8: {  	s0 =	rddreg [dreg:$0x0];
	s2 =	stileid.u32  }
0xd9: {  	s1 =	rddreg [dreg:$0x1];
	p0 =	sne.s32 s2, $0x0  }
0xda: {  	s3 =	rddreg [dreg:$0x2];
	[bflag:$0x3] =	sbarrier.arrive $0xFFFF;
	s2 =	simm.s32 @!p0 $0x1C02  }
0xdb: {  	[timem:s3], [sflag:s2] =	dma.local @!p0 [hbm:s0], s1  }
0xdc: {  	s0 =	simm.s32 @!p0 $0x2  }
0xdd: {  	_ =	swait.ge @!p0 [sflag:s0], s1  }
0xde: {  	s1 =	ssub.s32 @!p0 $0x0, s1;
	[sflag:s0] =	ssyncset.done @!p0 $0x0  }
0xdf: {  	[sflag:s0] =	ssyncadd.s32 @!p0 s1  }
0xe0: {  	[bflag:$0x3] =	sbarrier.arrive $0xFFFF  }
0xe1: {  	_ =	shalt  }

// kernel: kernel.8.cloned.1.call-start
scs
__scs_entry_jumppad:
0x0: {  	(pc) =	sbr.rel $0x88, $3  }
0x1: {  	(tag) =	ssettag $0x0;
	lr =	simm.s32 $0x1  }
0x2: {  	[smem:$0x3F94] =	sst lr;
	_ =	strace $0xD0000000  }
0x3: {  	_ = 	snop  }
0x4: {  	_ = 	snop  }
0x5: {  	_ = 	snop  }
0x6: {  	_ = 	snop  }
0x7: {  	_ = 	snop  }
__scs_overlays_trampoline_lowered:
0x8: {  	[smem:$0x3FA3] =	sst s0  }
0x9: {  	[smem:$0x3FA4] =	sst s1  }
0xa: {  	[smem:$0x3FA5] =	sst s2  }
0xb: {  	[smem:$0x3FA6] =	sst s3  }
0xc: {  	[smem:$0x3FA7] =	sst s4  }
0xd: {  	[smem:$0x3FA8] =	sst s5  }
0xe: {  	[smem:$0x3FA9] =	sst s6  }
0xf: {  	[smem:$0x3FAA] =	sst s7  }
0x10: {  	[smem:$0x3FAB] =	sst s8  }
0x11: {  	[smem:$0x3FAC] =	sst s9;
	s0 =	simm.s32 @!p0 $0x0  }
0x12: {  	s1 =	sld [smem:$0x3F92];
	s0 =	simm.s32 @p0 $0x1  }
0x13: {  	[smem:$0x3FAD] =	sst s0;
	s0 =	simm.s32 @!p1 $0x0  }
0x14: {  	s2 =	sld [smem:$0x3F91];
	s0 =	simm.s32 @p1 $0x1  }
0x15: {  	[smem:$0x3FAE] =	sst s0;
	s0 =	simm.s32 @!p2 $0x0  }
0x16: {  	s3 =	sld [smem:$0x3FDB];
	s0 =	simm.s32 @p2 $0x1  }
0x17: {  	s4 =	simm.s32 $0x1BF5;
	[smem:$0x3FB0] =	sst s0  }
0x18: {  	s0 =	sld [smem:$0x3F93];
	_ =	swait.ge [sflag:s4], $0x0  }
0x19: {  	s7 =	sld [smem:$0x3F94]  }
0x1a: {  	s8 =	sadd.s32 $0xFFFFE003, lr  }
0x1b: {  	s9 =	sadd.s32 $0xFFFFFEF7, lr;
	s5 =	simm.s32 $0xFFFFFFFF;
	p2 =	slt.u32 s8, $0xFFFFF086  }
0x1c: {  	p1 =	slt.u32 s9, $0xF7A;
	s5 =	simm.s32 @!p2 $0x0  }
0x1d: {  	s5 =	simm.s32 @p1 $0x1;
	p0 =	seq.s32 s7, s2  }
0x1e: {  	s7 =	smul.u32 @!p0 $0xF7A, s2;
	p2 =	seq.s32 @!p0 s5, $0x0  }
0x1f: {  	s9 =	smul.u32 $0xF7A, s1;
	s8 =	simm.s32 @!p0 $0x1BF5;
	p2 =	por !p2, p0  }
0x20: {  	[sflag:s8] =	ssyncset.s32 @!p0 $0xFFFFF086;
	s6 =	sadd.s32 @!p0 s3, s7;
	s7 =	simm.s32 @!p0 $0x108  }
0x21: {  	s3 =	sadd.s32 s3, s9;
	s6 =	sadd.s32 @!p0 $0x88, s6;
	s7 =	simm.s32 @p2 $0x1082  }
0x22: {  	[simem:s7], [sflag:s8] =	dma.local @!p0 [hbm:s6], $0xF7A  }
0x23: {  	s9 =	sor.u32 $0xD0000000, s2;
	s6 =	simm.s32 $0x108;
	_ =	swait.ge @!p0 [sflag:s8], $0x0  }
0x24: {  	s3 =	sadd.s32 $0x88, s3;
	s6 =	simm.s32 @!p1 $0x1082;
	[sflag:s4] =	ssyncset.s32 $0xFFFFF086  }
0x25: {  	[simem:s6], [sflag:s4] =	dma.local [hbm:s3], $0xF7A  }
0x26: {  	[smem:$0x3F94] =	sst s1;
	(tag) =	ssettag s2;
	_ =	strace s9  }
0x27: {  	s1 =	sld [smem:$0x3FA4]  }
0x28: {  	s2 =	sld [smem:$0x3FA5]  }
0x29: {  	s4 =	sld [smem:$0x3FA7]  }
0x2a: {  	p0 =	seq.s32 s5, $0x0;
	s5 =	sld [smem:$0x3FA8]  }
0x2b: {  	s6 =	sld [smem:$0x3FA9]  }
0x2c: {  	s7 =	sld [smem:$0x3FAA]  }
0x2d: {  	s3 =	simm.s32 $0x108;
	s8 =	sld [smem:$0x3FAB]  }
0x2e: {  	s3 =	simm.s32 @!p0 $0x1082;
	s9 =	sld [smem:$0x3FAC]  }
0x2f: {  	lr =	sadd.s32 s0, s3;
	s0 =	sld [smem:$0x3FA3]  }
0x30: {  	s3 =	sld [smem:$0x3FA6]  }
0x31: {  	[smem:$0x3FAF] =	sst s10  }
0x32: {  	s10 =	sld [smem:$0x3FAD];
	_ =	sdelay $0x3  }
0x33: {  	p0 =	seq.s32 s10, $0x1;
	s10 =	sld [smem:$0x3FAF];
	_ =	sdelay $0x3  }
0x34: {  	[smem:$0x3FAF] =	sst s10  }
0x35: {  	s10 =	sld [smem:$0x3FAE];
	_ =	sdelay $0x3  }
0x36: {  	p1 =	seq.s32 s10, $0x1;
	s10 =	sld [smem:$0x3FAF];
	_ =	sdelay $0x3  }
0x37: {  	[smem:$0x3FAF] =	sst s10  }
0x38: {  	s10 =	sld [smem:$0x3FB0]  }
0x39: {  	_ = 	snop;
	(pc) =	sbr.ind lr, $3  }
0x3a: {  	_ = 	snop  }
0x3b: {  	_ = 	snop  }
0x3c: {  	p2 =	seq.s32 s10, $0x1;
	s10 =	sld [smem:$0x3FAF]  }
0x3d: {  	_ =	shalt  }
0x3e: {  	_ =	shalt  }
0x3f: {  	_ =	shalt  }
0x40: {  	_ =	shalt  }
0x41: {  	_ =	shalt  }
0x42: {  	_ =	shalt  }
0x43: {  	_ =	shalt  }
0x44: {  	_ =	shalt  }
0x45: {  	_ =	shalt  }
0x46: {  	_ =	shalt  }
0x47: {  	_ =	shalt  }
0x48: {  	_ =	shalt  }
0x49: {  	_ =	shalt  }
0x4a: {  	_ =	shalt  }
0x4b: {  	_ =	shalt  }
0x4c: {  	_ =	shalt  }
0x4d: {  	_ =	shalt  }
0x4e: {  	_ =	shalt  }
0x4f: {  	_ =	shalt  }
0x50: {  	_ =	shalt  }
0x51: {  	_ =	shalt  }
0x52: {  	_ =	shalt  }
0x53: {  	_ =	shalt  }
0x54: {  	_ =	shalt  }
0x55: {  	_ =	shalt  }
0x56: {  	_ =	shalt  }
0x57: {  	_ =	shalt  }
0x58: {  	_ =	shalt  }
0x59: {  	_ =	shalt  }
0x5a: {  	_ =	shalt  }
0x5b: {  	_ =	shalt  }
0x5c: {  	_ =	shalt  }
0x5d: {  	_ =	shalt  }
0x5e: {  	_ =	shalt  }
0x5f: {  	_ =	shalt  }
0x60: {  	_ =	shalt  }
0x61: {  	_ =	shalt  }
0x62: {  	_ =	shalt  }
0x63: {  	_ =	shalt  }
0x64: {  	_ =	shalt  }
0x65: {  	_ =	shalt  }
0x66: {  	_ =	shalt  }
0x67: {  	_ =	shalt  }
0x68: {  	_ =	shalt  }
0x69: {  	_ =	shalt  }
0x6a: {  	_ =	shalt  }
0x6b: {  	_ =	shalt  }
0x6c: {  	_ =	shalt  }
0x6d: {  	_ =	shalt  }
0x6e: {  	_ =	shalt  }
0x6f: {  	_ =	shalt  }
0x70: {  	_ =	shalt  }
0x71: {  	_ =	shalt  }
0x72: {  	_ =	shalt  }
0x73: {  	_ =	shalt  }
0x74: {  	_ =	shalt  }
0x75: {  	_ =	shalt  }
0x76: {  	_ =	shalt  }
0x77: {  	_ =	shalt  }
0x78: {  	_ =	shalt  }
0x79: {  	_ =	shalt  }
0x7a: {  	_ =	shalt  }
0x7b: {  	_ =	shalt  }
0x7c: {  	_ =	shalt  }
0x7d: {  	_ =	shalt  }
0x7e: {  	_ =	shalt  }
0x7f: {  	_ =	shalt  }
0x80: {  	_ =	shalt  }
0x81: {  	_ =	shalt  }
0x82: {  	_ =	shalt  }
0x83: {  	_ =	shalt  }
0x84: {  	_ =	shalt  }
0x85: {  	_ =	shalt  }
0x86: {  	_ =	shalt  }
0x87: {  	_ =	shalt  }
.Lfunc_end0:
.L_simem_size_0:
called_computation_lowered:
.L_overlay_start_0:
0x88: {  	s2 =	sld [smem:$0x3FD9]  }
0x89: {  	s3 =	sld [smem:$0x3FFE];
	_ =	sdelay $0x1  }
0x8a: {  	s1 =	srdreg.scid  }
0x8b: {  	s0 =	sand.u32 $0x1, s1  }
0x8c: {  	s17 =	sshll.u32 s0, $0xA;
	s2 =	sadd.s32 s3, s2  }
0x8d: {  	s2 =	sadd.s32 s2, s17  }
0x8e: {  	[smem:$0x3FBB] =	sst s2  }
0x8f: {  	_ = 	snop  }
0x90: {  	s2 =	sld [smem:$0x3FC7];
	(tm) =	ssettm $0x1  }
0x91: {  	s18 =	sld [smem:$0x3FFB];
	_ =	sdelay $0x3  }
0x92: {  	_ =	strace s18  }
0x93: {  	s3 =	sld [smem:$0x3FFC];
	_ =	sdelay $0x3  }
0x94: {  	_ =	strace s3  }
0x95: {  	s3 =	sld [smem:$0x3FFD];
	_ =	sdelay $0x3  }
0x96: {  	_ =	strace s3  }
0x97: {  	_ =	strace $0x8FFFFFFF  }
0x98: {  	s19 =	sld [smem:$0x3FDB];
	_ =	sdelay $0x1  }
0x99: {  	s4 =	simm.s32 $_scs_section_size  }
0x9a: {  	s5 =	simm.s32 $_size__tile_overlayer_lowered;
	s6 =	simm.s32 $_tile_overlayer_lowered  }
0x9b: {  	s22 =	simm.s32 $0x1BFF;
	s21 =	sshll.u32 s6, $0x1;
	s3 =	sadd.s32 s4, s19  }
0x9c: {  	s7 =	simm.s32 $0x0;
	s20 =	sshll.u32 s5, $0x1;
	s5 =	sadd.s32 s21, s3  }
0x9d: {  	[timem:s7], [sflag:s22] =	dma.local [hbm:s5], s20  }
0x9e: {  	_ =	swait.ge [sflag:s22], s20  }
0x9f: {  	s4 =	ssub.s32 $0x0, s20;
	[sflag:s22] =	ssyncset.done $0x0  }
0xa0: {  	[sflag:s22] =	ssyncadd.s32 s4;
	_ =	sdelay $0x1  }
0xa1: {  	s23 =	simm.s32 $0x1B8B  }
0xa2: {  	_ =	swait.ge [sflag:s23], $0x1  }
0xa3: {  	[sflag:s23] =	ssyncset.done $0x0  }
0xa4: {  	s25 =	simm.s32 $0x1B8E;
	s24 =	sld [smem:$0x3FFE];
	[sflag:s23] =	ssyncadd.s32 $0xFFFFFFFF  }
0xa5: {  	s26 =	simm.s32 $execute0_lowered;
	[smem:$0x3FD2] =	sst s25  }
0xa6: {  	s5 =	sshll.u32 s26, $0x1;
	_ =	strace $0x80000046;
	[dreg:$0x1] =	wrdreg $0xFFFFFFFF  }
0xa7: {  	s28 =	simm.s32 $_size_execute0_lowered;
	s3 =	sadd.s32 s3, s5;
	[dreg:$0x0] =	wrdreg $0x0  }
0xa8: {  	s5 =	sshll.u32 s28, $0x1;
	[dreg:$0x2] =	wrdreg s3  }
0xa9: {  	[dreg:$0x3] =	wrdreg s5  }
0xaa: {  	[dreg:$0x4] =	wrdreg $0xC0  }
0xab: {  	_ =	task [dreg:s7], $0x5FFFF  }
0xac: {  	[dreg:$0x1] =	wrdreg $0xFFFFFFFF  }
0xad: {  	[dreg:$0x0] =	wrdreg $0x60  }
0xae: {  	[dreg:$0x2] =	wrdreg s24  }
0xaf: {  	[dreg:$0x3] =	wrdreg s2  }
0xb0: {  	[dreg:$0x4] =	wrdreg $0xE800  }
0xb1: {  	[dreg:$0x5] =	wrdreg $0x11000  }
0xb2: {  	[dreg:$0x6] =	wrdreg $0x9  }
0xb3: {  	_ =	task.clear_ibuf [dreg:s7], $0x7FFFF;
	_ =	strace $0x90000046  }
0xb4: {  	s29 =	simm.s32 $0x9;
	_ =	strace $0x80000048  }
0xb5: {  	_ =	swait.ge [sflag:s29], $0x1  }
0xb6: {  	[sflag:s29] =	ssyncadd.s32 $0xFFFFFFFF  }
0xb7: {  	_ =	strace $0x90000048  }
0xb8: {  	_ =	sfence  }
0xb9: {  	s30 =	sld [smem:$0x0];
	_ =	sdelay $0x2  }
0xba: {  	s31 =	sshll.u32 s1, $0xD;
	s1 =	sshrl.u32 s1, $0x2  }
0xbb: {  	s3 =	sand.u32 $0x4000, s31;
	s1 =	sadd.s32 s1, s30  }
0xbc: {  	s0 =	sor.u32 s3, s0;
	s1 =	sshll.u32 s1, $0x11  }
0xbd: {  	s0 =	sor.u32 s1, s0  }
0xbe: {  	s0 =	sadd.s32 $0x8F2B, s0  }
0xbf: {  	[sflag:s0] =	ssyncadd.remote.s32 $0x1  }
0xc0: {  	_ =	sfence.sel $0xFFFF  }
0xc1: {  	[dreg:$0x0] =	wrdreg $0xFFFFFFFF;
	(pc) =	sbr.abs _section_cstart, $3  }
0xc2: {  	[dreg:$0x1] =	wrdreg $0xFFFFFFFF  }
0xc3: {  	_ =	task.clear_ibuf [dreg:s7], $0x2FFFF;
	_ =	strace $0x9FFFFFFF  }
0xc4: {  	(tm) =	ssettm $0x7FFFFFFF  }
0xc5: {  	_ =	shalt  }
tec
execute0_lowered:
.L_overlay_start_1:
0x0: {  	(tag) =	ssettag $0x1  }
0x1: {  	s5 =	rddreg [dreg:$0x0]  }
0x2: {  	s10 =	rddreg [dreg:$0x1];
	s1 =	srdreg.scid  }
0x3: {  	s0 =	stileid.u32;
	s2 =	rddreg [dreg:$0x2]  }
0x4: {  	s3 =	rddreg [dreg:$0x3];
	s4 =	simm.s32 $0x0;
	s14 =	simm.s32 $0x1  }
0x5: {  	s15 =	simm.s32 $0x400;
	s16 =	simm.s32 $0x800;
	s7 =	smul.u32 $0x4E20, s0  }
0x6: {  	s17 =	simm.s32 $0x3E8;
	s20 =	simm.s32 $0x20;
	s28 =	smul.u32 $0x500, s0  }
0x7: {  	s21 =	simm.s32 $0x10;
	s6 =	sand.u32 $0x1, s1;
	s30 =	smul.u32 $0x280, s0  }
0x8: {  	s22 =	simm.s32 $0x0;
	s1 =	rddreg [dreg:$0x4];
	s8 =	smul.u32 $0x2710, s6  }
0x9: {  	[smem:$0x7FF] =	sst s4;
	s18 =	sshll.u32 s0, $0x6;
	s9 =	smul.u32 $0x5000, s6  }
0xa: {  	_ =	strace $0x80000047;
	s6 =	ssub.s32 $0x2, s6;
	s18 =	sor.u32 $0x1C01, s18  }
0xb: {  	s31 =	sshrl.u32 s6, $0x1;
	s7 =	sadd.s32 s8, s7;
	s29 =	sadd.s32 s28, s9  }
0xc: {  	s9 =	ssub.s32 s6, s31;
	s6 =	sadd.s32 s30, s3;
	s11 =	sshrl.u32 s7, $0x3  }
0xd: {  	s7 =	sshrl.u32 s29, $0x3;
	s9 =	smax.u32 s9, $0x1;
	s12 =	sadd.s32 s11, s5  }
0xe: {  	s13 =	sadd.s32 s7, s5;
	s5 =	sadd.s32 s30, s2;
	s10 =	sadd.s32 s11, s10  }
0xf: {  	s7 =	sadd.s32 $0x17000, s13;
	s8 =	sadd.s32 $0x17010, s13;
	s11 =	sadd.s32 $0x3400, s12  }
0x10: {  	v0 =	vimm.f32 $0.0e+00;
	s12 =	sadd.s32 $0xD200, s12;
	s13 =	simm.s32 $0xC00;
	s19 =	sshrl.u32 s5, $0x3  }
.LBB2_1:
0x11: {  	[tilespmem:$0xC00] =	vst v0  }
0x12: {  	[tilespmem:$0xC10] =	vst v0  }
0x13: {  	[tilespmem:$0xC20] =	vst v0  }
0x14: {  	[tilespmem:$0xC30] =	vst v0  }
0x15: {  	[tilespmem:$0xC40] =	vst v0  }
0x16: {  	[tilespmem:$0xC50] =	vst v0  }
0x17: {  	[tilespmem:$0xC60] =	vst v0  }
0x18: {  	[tilespmem:$0xC70] =	vst v0  }
0x19: {  	[tilespmem:$0xC80] =	vst v0  }
0x1a: {  	[tilespmem:$0xC90] =	vst v0  }
0x1b: {  	[tilespmem:$0xCA0] =	vst v0  }
0x1c: {  	[tilespmem:$0xCB0] =	vst v0  }
0x1d: {  	[tilespmem:$0xCC0] =	vst v0  }
0x1e: {  	[tilespmem:$0xCD0] =	vst v0  }
0x1f: {  	[tilespmem:$0xCE0] =	vst v0  }
0x20: {  	[tilespmem:$0xCF0] =	vst v0  }
0x21: {  	[tilespmem:$0xD00] =	vst v0  }
0x22: {  	[tilespmem:$0xD10] =	vst v0  }
0x23: {  	[tilespmem:$0xD20] =	vst v0  }
0x24: {  	[tilespmem:$0xD30] =	vst v0  }
0x25: {  	[tilespmem:$0xD40] =	vst v0  }
0x26: {  	[tilespmem:$0xD50] =	vst v0  }
0x27: {  	[tilespmem:$0xD60] =	vst v0  }
0x28: {  	[tilespmem:$0xD70] =	vst v0  }
0x29: {  	[tilespmem:$0xD80] =	vst v0  }
0x2a: {  	[tilespmem:$0xD90] =	vst v0  }
0x2b: {  	[tilespmem:$0xDA0] =	vst v0  }
0x2c: {  	[tilespmem:$0xDB0] =	vst v0  }
0x2d: {  	[tilespmem:$0xDC0] =	vst v0  }
0x2e: {  	[tilespmem:$0xDD0] =	vst v0  }
0x2f: {  	[tilespmem:$0xDE0] =	vst v0  }
0x30: {  	[tilespmem:$0xDF0] =	vst v0  }
0x31: {  	[tilespmem:$0xE00] =	vst v0  }
0x32: {  	[tilespmem:$0xE10] =	vst v0  }
0x33: {  	[tilespmem:$0xE20] =	vst v0  }
0x34: {  	[tilespmem:$0xE30] =	vst v0  }
0x35: {  	[tilespmem:$0xE40] =	vst v0  }
0x36: {  	[tilespmem:$0xE50] =	vst v0  }
0x37: {  	[tilespmem:$0xE60] =	vst v0  }
0x38: {  	[tilespmem:$0xE70] =	vst v0  }
0x39: {  	[spmem:s5] =	stream.linear.scatter [tilespmem:s13], [sflag:$0x1], $0x280, $0x38;
	[tilespmem:$0x1380] =	vst v63  }
0x3a: {  	_ =	swait.ge [sflag:s14], $0x280  }
0x3b: {  	[sflag:s14] =	ssyncset.done $0x0  }
0x3c: {  	[sflag:s14] =	ssyncadd.s32 $0xFFFFFD80  }
0x3d: {  	[spmem:s6] =	stream.linear.scatter [tilespmem:s13], [sflag:$0x1], $0x280, $0x38;
	[tilespmem:$0x1380] =	vst v63  }
0x3e: {  	_ =	swait.ge [sflag:s14], $0x280  }
0x3f: {  	[sflag:s14] =	ssyncset.done $0x0  }
0x40: {  	[sflag:s14] =	ssyncadd.s32 $0xFFFFFD80  }
0x41: {  	s23 =	sadd.s32 $0x0, s12;
	[bflag:$0x0] =	sbarrier.arrive $0xFFFF  }
0x42: {  	[tilespmem:s4], [sflag:$0x1] =	stream.linear.gather [hbm4b:s23+s4], $0x3E8, $0x38;
	[tilespmem:$0x1380] =	vst v63  }
0x43: {  	_ =	swait.ge [sflag:s14], $0x3E8  }
0x44: {  	[sflag:s14] =	ssyncset.done $0x0  }
0x45: {  	s30 =	sadd.s32 $0x0, s11;
	[sflag:s14] =	ssyncadd.s32 $0xFFFFFC18  }
0x46: {  	[tilespmem:s15], [sflag:$0x1] =	stream.linear.gather [hbm4b:s30+s4], $0x3E8, $0x38;
	[tilespmem:$0x1380] =	vst v63  }
0x47: {  	_ =	swait.ge [sflag:s14], $0x3E8  }
0x48: {  	[sflag:s14] =	ssyncset.done $0x0  }
0x49: {  	s31 =	sadd.s32 $0x0, s10;
	[sflag:s14] =	ssyncadd.s32 $0xFFFFFC18  }
0x4a: {  	[tilespmem:s16], [sflag:$0x1] =	stream.linear.gather [hbm4b:s31+s4], $0x3E8, $0x38;
	[tilespmem:$0x1380] =	vst v63  }
0x4b: {  	_ =	swait.ge [sflag:s14], $0x3E8  }
0x4c: {  	[sflag:s14] =	ssyncset.done $0x0  }
0x4d: {  	[sflag:s14] =	ssyncadd.s32 $0xFFFFFC18  }
0x4e: {  	[spmem:s2] =	stream.indirect.scatter.add.f32 [tilespmem:s16], [sflag:$0x1], $0x1, s4, s17, $0xb8;
	[tilespmem:$0x1380] =	vst v63  }
0x4f: {  	_ =	swait.ge [sflag:s14], $0x3E8  }
0x50: {  	[sflag:s14] =	ssyncset.done $0x0  }
0x51: {  	[sflag:s14] =	ssyncadd.s32 $0xFFFFFC18  }
0x52: {  	[spmem:s3] =	stream.indirect.scatter.add.f32 [tilespmem:s16], [sflag:$0x1], $0x1, s15, s17, $0xb8;
	[tilespmem:$0x1380] =	vst v63  }
0x53: {  	_ =	swait.ge [sflag:s14], $0x3E8  }
0x54: {  	s24 =	simm.s32 $0xFA;
	s23 =	simm.s32 $0x7D;
	[sflag:s14] =	ssyncset.done $0x0  }
.LBB2_2:
0x55: {  	s25 =	sadd.s32 s23, s12  }
0x56: {  	[sflag:s14] =	ssyncadd.s32 $0xFFFFFC18;
	s26 =	smov.u32 s24;
	s28 =	sadd.s32 $0x7D, s24  }
0x57: {  	[tilespmem:s4], [sflag:$0x1] =	stream.linear.gather [hbm4b:s25+s4], $0x3E8, $0x38;
	[tilespmem:$0x1380] =	vst v63  }
0x58: {  	p0 =	sne.s32 s24, $0x465;
	_ =	swait.ge [sflag:s14], $0x3E8  }
0x59: {  	[sflag:s14] =	ssyncset.done $0x0  }
0x5a: {  	s24 =	sadd.s32 s23, s11;
	[sflag:s14] =	ssyncadd.s32 $0xFFFFFC18  }
0x5b: {  	[tilespmem:s15], [sflag:$0x1] =	stream.linear.gather [hbm4b:s24+s4], $0x3E8, $0x38;
	[tilespmem:$0x1380] =	vst v63  }
0x5c: {  	_ =	swait.ge [sflag:s14], $0x3E8  }
0x5d: {  	[sflag:s14] =	ssyncset.done $0x0  }
0x5e: {  	s24 =	sadd.s32 s23, s10;
	s23 =	smov.u32 s26;
	[sflag:s14] =	ssyncadd.s32 $0xFFFFFC18  }
0x5f: {  	[tilespmem:s16], [sflag:$0x1] =	stream.linear.gather [hbm4b:s24+s4], $0x3E8, $0x38;
	[tilespmem:$0x1380] =	vst v63  }
0x60: {  	_ =	swait.ge [sflag:s14], $0x3E8  }
0x61: {  	[sflag:s14] =	ssyncset.done $0x0  }
0x62: {  	[sflag:s14] =	ssyncadd.s32 $0xFFFFFC18  }
0x63: {  	[spmem:s2] =	stream.indirect.scatter.add.f32 [tilespmem:s16], [sflag:$0x1], $0x1, s4, s17, $0xb8;
	[tilespmem:$0x1380] =	vst v63  }
0x64: {  	_ =	swait.ge [sflag:s14], $0x3E8  }
.Ltmp0:
0x65: {  	[sflag:s14] =	ssyncset.done $0x0;
	(pc) =	sbr.rel @p0 .LBB2_2-.Ltmp0, $4  }
0x66: {  	[sflag:s14] =	ssyncadd.s32 $0xFFFFFC18  }
0x67: {  	[spmem:s3] =	stream.indirect.scatter.add.f32 [tilespmem:s16], [sflag:$0x1], $0x1, s15, s17, $0xb8;
	[tilespmem:$0x1380] =	vst v63  }
0x68: {  	_ =	swait.ge [sflag:s14], $0x3E8  }
0x69: {  	s24 =	smov.u32 s28;
	[sflag:s14] =	ssyncset.done $0x0  }
0x6a: {  	s24 =	sadd.s32 s23, s12;
	[sflag:s14] =	ssyncadd.s32 $0xFFFFFC18  }
0x6b: {  	[tilespmem:s4], [sflag:$0x1] =	stream.linear.gather [hbm4b:s24+s4], $0x3E8, $0x38;
	[tilespmem:$0x1380] =	vst v63  }
0x6c: {  	_ =	swait.ge [sflag:s14], $0x3E8  }
0x6d: {  	[sflag:s14] =	ssyncset.done $0x0  }
0x6e: {  	s29 =	sadd.s32 s23, s11;
	[sflag:s14] =	ssyncadd.s32 $0xFFFFFC18  }
0x6f: {  	[tilespmem:s15], [sflag:$0x1] =	stream.linear.gather [hbm4b:s29+s4], $0x3E8, $0x38;
	[tilespmem:$0x1380] =	vst v63  }
0x70: {  	_ =	swait.ge [sflag:s14], $0x3E8  }
0x71: {  	[sflag:s14] =	ssyncset.done $0x0  }
0x72: {  	s30 =	sadd.s32 s23, s10;
	[sflag:s14] =	ssyncadd.s32 $0xFFFFFC18  }
0x73: {  	[tilespmem:s16], [sflag:$0x1] =	stream.linear.gather [hbm4b:s30+s4], $0x3E8, $0x38;
	[tilespmem:$0x1380] =	vst v63  }
0x74: {  	_ =	swait.ge [sflag:s14], $0x3E8  }
0x75: {  	[sflag:s14] =	ssyncset.done $0x0  }
0x76: {  	[sflag:s14] =	ssyncadd.s32 $0xFFFFFC18  }
0x77: {  	[spmem:s2] =	stream.indirect.scatter.add.f32 [tilespmem:s16], [sflag:$0x1], $0x1, s4, s17, $0xb8;
	[tilespmem:$0x1380] =	vst v63  }
0x78: {  	_ =	swait.ge [sflag:s14], $0x3E8  }
0x79: {  	[sflag:s14] =	ssyncset.done $0x0  }
0x7a: {  	[sflag:s14] =	ssyncadd.s32 $0xFFFFFC18  }
0x7b: {  	[spmem:s3] =	stream.indirect.scatter.add.f32 [tilespmem:s16], [sflag:$0x1], $0x1, s15, s17, $0xb8;
	[tilespmem:$0x1380] =	vst v63  }
0x7c: {  	_ =	swait.ge [sflag:s14], $0x3E8  }
0x7d: {  	[sflag:s14] =	ssyncset.done $0x0  }
0x7e: {  	[sflag:s14] =	ssyncadd.s32 $0xFFFFFC18  }
0x7f: {  	[bflag:$0x0] =	sbarrier.arrive $0xFFFF  }
0x80: {  	[hbm:s7@s20], [sflag:s18] =	dma.strided [spmem:s19@s21], $0x50, s14, $0x10   }
0x81: {  	s22 =	sadd.s32 $0x1, s22;
	_ =	swait.ge [sflag:s14], $0x50  }
0x82: {  	p0 =	sne.s32 s22, s9;
	[sflag:s14] =	ssyncset.done $0x0  }
.Ltmp1:
0x83: {  	s31 =	sshrl.u32 s6, $0x3;
	[sflag:s14] =	ssyncadd.s32 $0xFFFFFFB0;
	(pc) =	sbr.rel @p0 .LBB2_1-.Ltmp1, $4  }
0x84: {  	[hbm:s8@s20], [sflag:s18] =	dma.strided [spmem:s31@s21], $0x50, s14, $0x10   }
0x85: {  	_ =	swait.ge [sflag:s14], $0x50  }
0x86: {  	[sflag:s14] =	ssyncset.done $0x0  }
0x87: {  	[sflag:s14] =	ssyncadd.s32 $0xFFFFFFB0  }
0x88: {  	_ =	sfence.sel $0x180000  }
0x89: {  	[bflag:$0x0] =	sbarrier.arrive $0xFFFF  }
0x8a: {  	p0 =	sne.s32 s0, $0x0;
	_ =	strace $0x90000047  }
0x8b: {  	s0 =	sadd.s32 @!p0 $0x100000, s1;
	[bflag:$0x2] =	sbarrier.arrive $0xFFFF  }
0x8c: {  	[sflag:s0] =	ssyncadd.tile.s32 @!p0 $0x1;
	_ =	shalt  }
.Lfunc_end2:
_tile_overlayer_lowered:
.L_overlay_start_2:
0x8d: {  	(tag) =	ssettag $0x2  }
0x8e: {  	s0 =	rddreg [dreg:$0x0];
	s2 =	stileid.u32  }
0x8f: {  	s1 =	rddreg [dreg:$0x1];
	p0 =	sne.s32 s2, $0x0  }
0x90: {  	s3 =	rddreg [dreg:$0x2];
	[bflag:$0x3] =	sbarrier.arrive $0xFFFF;
	s2 =	simm.s32 @!p0 $0x1C01  }
0x91: {  	[timem:s3], [sflag:s2] =	dma.local @!p0 [hbm:s0], s1  }
0x92: {  	s0 =	simm.s32 @!p0 $0x1  }
0x93: {  	_ =	swait.ge @!p0 [sflag:s0], s1  }
0x94: {  	s1 =	ssub.s32 @!p0 $0x0, s1;
	[sflag:s0] =	ssyncset.done @!p0 $0x0  }
0x95: {  	[sflag:s0] =	ssyncadd.s32 @!p0 s1  }
0x96: {  	[bflag:$0x3] =	sbarrier.arrive $0xFFFF  }
0x97: {  	_ =	shalt  }

</sc_bundles>
